<compile_context>
chip_gen: v7x
topology: tpu7x:2x2x1
jax: 0.10.2.dev20260603
libtpu: 0.0.44.dev20260713+nightly
codegen_flags: <defaults>
</compile_context>

<pallas_src>
import jax
import jax.numpy as jnp
from jax import lax
from jax.experimental import pallas as pl
from jax.experimental.pallas import tpu as pltpu
from jax.experimental.pallas import tpu_sc as plsc

N = 10000
E = 160000
F = 128
NT = 16
EPT_B = E // NT
EPT_D = E // 32
ACC_ROWS = 10112
CNT_LEN = 81920
LISTCAP = EPT_D + 16


def _mm_bias_body(x_ref, w_ref, b_ref, o_ref):
    o_ref[...] = (
        jnp.dot(x_ref[...], w_ref[...], preferred_element_type=jnp.float32)
        + b_ref[...]
    )


def _fused_c_body(y0_ref, agg_ref, ws_ref, wn_ref, bc_ref, w01_ref, b01_ref, o_ref):
    c1 = (
        jnp.dot(y0_ref[...], ws_ref[...], preferred_element_type=jnp.float32)
        + jnp.dot(agg_ref[...], wn_ref[...], preferred_element_type=jnp.float32)
        + bc_ref[...]
    )
    o_ref[...] = (
        jnp.dot(c1, w01_ref[...], preferred_element_type=jnp.float32) + b01_ref[...]
    )


def _final_body(grows_ref, a1_ref, cn_ref, cs_ref, al_ref, eq_ref,
                w10_ref, b10_ref, ws0_ref, wn0_ref, bc0_ref, w01_ref, b01_ref,
                w11_ref, b11_ref, ws1_ref, wn1_ref, bc1_ref, o_ref):
    dot = lambda a, b: jnp.dot(a, b, preferred_element_type=jnp.float32)
    g = grows_ref[...]
    xs, y0s, aggs, y1s, y1n = g[0:8], g[16:24], g[32:40], g[48:56], g[64:72]
    a1 = a1_ref[...]
    cn, cs, al, eq = cn_ref[...], cs_ref[...], al_ref[...], eq_ref[...]
    d = dot(xs, w10_ref[...]) + b10_ref[...] - y0s
    ws = dot(d, ws0_ref[...])
    wn = dot(d, wn0_ref[...])
    c1s = dot(y0s, ws0_ref[...]) + dot(aggs, wn0_ref[...]) + bc0_ref[...]
    h1s = c1s + ws + cs * wn
    rho = dot(h1s, w11_ref[...]) + b11_ref[...] - y1s
    q = dot(wn, w01_ref[...])
    rn = eq * rho + (1.0 - eq) * (cn * q)
    alpha = al - cn * cs
    sn = alpha * q + cn * rho
    o_ref[...] = dot(y1n + rn, ws1_ref[...]) + dot(a1 + sn, wn1_ref[...]) + bc1_ref[...]


def _sc1_body(y0_h, src_h, dst_h, usel_h,
              agg_h, cnt_h,
              acc_sh, cnt_sh,
              src_v, dst_v, idx_v, sidx_v, rows_v,
              idx16_v, sidx16_v, rows16_v, cval_v, cval16_v, selb_v):
    c = lax.axis_index("c")
    s = lax.axis_index("s")
    z16f = jnp.zeros((16,), jnp.float32)
    z16i = jnp.zeros((16,), jnp.int32)

    @pl.when(c == 0)
    def _agg():
        def _zb(r, _):
            for j in range(8):
                rows_v[r, pl.ds(j * 16, 16)] = z16f
            return 0
        lax.fori_loop(0, 128, _zb, 0)

        def _zcp(q_, _):
            pltpu.sync_copy(rows_v.at[pl.ds(0, 64)],
                            acc_sh.at[pl.ds(s * 632 + q_ * 64, 64)])
            return 0
        lax.fori_loop(0, 9, _zcp, 0)
        pltpu.sync_copy(rows_v.at[pl.ds(0, 56)],
                        acc_sh.at[pl.ds(s * 632 + 576, 56)])
        pltpu.sync_copy(src_h.at[pl.ds(s * EPT_B, EPT_B)], src_v)
        pltpu.sync_copy(dst_h.at[pl.ds(s * EPT_B, EPT_B)], dst_v)
        plsc.subcore_barrier()

        def _batch(g, _):
            for j in range(8):
                b0 = g * 128 + j * 16
                sidx_v[pl.ds(j * 16, 16)] = src_v[pl.ds(b0, 16)]
                idx_v[pl.ds(j * 16, 16)] = dst_v[pl.ds(b0, 16)]
            pltpu.sync_copy(y0_h.at[sidx_v], rows_v)
            pltpu.sync_copy(rows_v, acc_sh.at[idx_v], add=True)
            return 0
        lax.fori_loop(0, EPT_B // 128, _batch, 0)
        sidx16_v[...] = src_v[pl.ds(EPT_B - 16, 16)]
        idx16_v[...] = dst_v[pl.ds(EPT_B - 16, 16)]
        pltpu.sync_copy(y0_h.at[sidx16_v], rows16_v)
        pltpu.sync_copy(rows16_v, acc_sh.at[idx16_v], add=True)

        plsc.subcore_barrier()
        pltpu.sync_copy(acc_sh.at[pl.ds(s * 624, 624)], agg_h.at[pl.ds(s * 624, 624)])

        @pl.when(s == NT - 1)
        def _tail():
            pltpu.sync_copy(acc_sh.at[pl.ds(9984, 16)], agg_h.at[pl.ds(9984, 16)])

    @pl.when(c == 1)
    def _cnt():
        pltpu.sync_copy(usel_h, selb_v)

        def _zsrc(i, _):
            src_v[pl.ds(i * 16, 16)] = z16i
            return 0
        lax.fori_loop(0, 64, _zsrc, 0)

        def _zcp(q_, _):
            pltpu.sync_copy(src_v.at[pl.ds(0, 1024)],
                            cnt_sh.at[pl.ds(s * 5120 + q_ * 1024, 1024)])
            return 0
        lax.fori_loop(0, 5, _zcp, 0)
        pltpu.sync_copy(src_h.at[pl.ds(s * EPT_B, EPT_B)], src_v)
        pltpu.sync_copy(dst_h.at[pl.ds(s * EPT_B, EPT_B)], dst_v)
        plsc.subcore_barrier()

        one16 = jnp.ones((16,), jnp.int32)

        def _classify(base):
            s16 = src_v[pl.ds(base, 16)]
            d16 = dst_v[pl.ds(base, 16)]
            mk = jnp.zeros((16,), jnp.int32)
            anym = jnp.zeros((16,), jnp.int32)
            for k in range(8):
                m = jnp.where(s16 == selb_v[k, :], one16, z16i)
                mk = mk + m * k
                anym = anym + m
            return mk * N + d16, anym

        def _batch(g, _):
            for j in range(8):
                cidx, cval = _classify(g * 128 + j * 16)
                idx_v[pl.ds(j * 16, 16)] = cidx
                cval_v[pl.ds(j * 16, 16)] = cval
            pltpu.sync_copy(cval_v, cnt_sh.at[idx_v], add=True)
            return 0
        lax.fori_loop(0, EPT_B // 128, _batch, 0)
        cidx, cval = _classify(EPT_B - 16)
        idx16_v[...] = cidx
        cval16_v[...] = cval
        pltpu.sync_copy(cval16_v, cnt_sh.at[idx16_v], add=True)

        plsc.subcore_barrier()
        pltpu.sync_copy(cnt_sh.at[pl.ds(s * 5120, 5120)],
                        cnt_h.at[pl.ds(s * 5120, 5120)])


def _sc2a_body(y1_h, src_h, dst_h,
               agg1_h,
               acc_sh,
               src_v, dst_v, idx_v, sidx_v, rows_v,
               idx16_v, sidx16_v, rows16_v):
    c = lax.axis_index("c")
    s = lax.axis_index("s")
    z16f = jnp.zeros((16,), jnp.float32)

    @pl.when(c == 0)
    def _agg1():
        def _zb(r, _):
            for j in range(8):
                rows_v[r, pl.ds(j * 16, 16)] = z16f
            return 0
        lax.fori_loop(0, 64, _zb, 0)

        def _zcp(q_, _):
            pltpu.sync_copy(rows_v.at[pl.ds(0, 64)],
                            acc_sh.at[pl.ds(s * 632 + q_ * 64, 64)])
            return 0
        lax.fori_loop(0, 9, _zcp, 0)
        pltpu.sync_copy(rows_v.at[pl.ds(0, 56)],
                        acc_sh.at[pl.ds(s * 632 + 576, 56)])
        pltpu.sync_copy(src_h.at[pl.ds(s * EPT_B, EPT_B)],
                        src_v.at[pl.ds(0, EPT_B)])
        pltpu.sync_copy(dst_h.at[pl.ds(s * EPT_B, EPT_B)],
                        dst_v.at[pl.ds(0, EPT_B)])
        plsc.subcore_barrier()

        def _batch(g, _):
            for j in range(4):
                b0 = g * 64 + j * 16
                sidx_v[pl.ds(j * 16, 16)] = src_v[pl.ds(b0, 16)]
                idx_v[pl.ds(j * 16, 16)] = dst_v[pl.ds(b0, 16)]
            pltpu.sync_copy(y1_h.at[sidx_v], rows_v)
            pltpu.sync_copy(rows_v, acc_sh.at[idx_v], add=True)
            return 0
        lax.fori_loop(0, EPT_B // 64, _batch, 0)
        sidx16_v[...] = src_v[pl.ds(EPT_B - 16, 16)]
        idx16_v[...] = dst_v[pl.ds(EPT_B - 16, 16)]
        pltpu.sync_copy(y1_h.at[sidx16_v], rows16_v)
        pltpu.sync_copy(rows16_v, acc_sh.at[idx16_v], add=True)

        plsc.subcore_barrier()
        pltpu.sync_copy(acc_sh.at[pl.ds(s * 624, 624)],
                        agg1_h.at[pl.ds(s * 624, 624)])

        @pl.when(s == NT - 1)
        def _tail():
            pltpu.sync_copy(acc_sh.at[pl.ds(9984, 16)], agg1_h.at[pl.ds(9984, 16)])


def _make_sc2a():
    mesh = plsc.VectorSubcoreMesh(core_axis_name="c", subcore_axis_name="s")
    return pl.kernel(
        _sc2a_body,
        out_type=(jax.ShapeDtypeStruct((N, F), jnp.float32),),
        mesh=mesh,
        scratch_types=(
            pltpu.VMEM_SHARED((ACC_ROWS, F), jnp.float32),
            pltpu.VMEM((EPT_B,), jnp.int32),
            pltpu.VMEM((EPT_B,), jnp.int32),
            pltpu.VMEM((64,), jnp.int32),
            pltpu.VMEM((64,), jnp.int32),
            pltpu.VMEM((64, F), jnp.float32),
            pltpu.VMEM((16,), jnp.int32),
            pltpu.VMEM((16,), jnp.int32),
            pltpu.VMEM((16, F), jnp.float32),
        ),
        name="sc_agg1",
    )


def _sc2b_body(y1_h, cnt_h, src_h, dst_h, x_h, y0_h, agg_h, aux_h,
               alp_h, grows_h, gscal_h,
               al_sh,
               cnt_v, src_v, dst_v, aacc_v, aux_v, idtile_v, zi16_v,
               g_v, gs_v, idx16_v):
    c = lax.axis_index("c")
    s = lax.axis_index("s")
    wid = c * NT + s
    iota = lax.iota(jnp.int32, 16)
    z16i = jnp.zeros((16,), jnp.int32)

    pltpu.sync_copy(aux_h, aux_v)
    for k in range(16):
        aacc_v[k, :] = z16i
        zi16_v[k, :] = z16i
    idtile_v[...] = iota

    @pl.when(s == 0)
    def _zero_shared():
        pltpu.sync_copy(zi16_v, al_sh)

    pltpu.sync_copy(cnt_h.at[pl.ds(0, 80128)], cnt_v)
    pltpu.sync_copy(src_h.at[pl.ds(wid * EPT_D, EPT_D)],
                    src_v.at[pl.ds(0, EPT_D)])
    pltpu.sync_copy(dst_h.at[pl.ds(wid * EPT_D, EPT_D)],
                    dst_v.at[pl.ds(0, EPT_D)])
    plsc.subcore_barrier()

    nfull = [aux_v[k, :] for k in range(8)]
    srep = [aux_v[8 + k, :] for k in range(8)]

    def _chunk(g, _):
        base = g * 16
        s16 = src_v[pl.ds(base, 16)]
        d16 = dst_v[pl.ds(base, 16)]
        valid = (base + iota) < EPT_D
        for k in range(8):
            m = (d16 == nfull[k]) & valid
            aidx = jnp.where(valid, s16 + srep[k], z16i)
            cv = plsc.load_gather(cnt_v, [aidx])
            aacc_v[k, :] = aacc_v[k, :] + jnp.where(m, cv, z16i)
        return 0
    lax.fori_loop(0, (EPT_D + 15) // 16, _chunk, 0)

    pltpu.sync_copy(aacc_v, al_sh.at[idtile_v], add=True)
    plsc.subcore_barrier()

    @pl.when(s == 0)
    def _writeout():
        pltpu.sync_copy(al_sh.at[pl.ds(0, 8)], alp_h.at[c])

    @pl.when((c == 1) & (s == 1))
    def _gathers():
        gs_v[...] = aux_v[24, :]
        pltpu.sync_copy(x_h.at[gs_v], g_v)
        pltpu.sync_copy(g_v, grows_h.at[pl.ds(0, 16)])
        pltpu.sync_copy(y0_h.at[gs_v], g_v)
        pltpu.sync_copy(g_v, grows_h.at[pl.ds(16, 16)])
        pltpu.sync_copy(agg_h.at[gs_v], g_v)
        pltpu.sync_copy(g_v, grows_h.at[pl.ds(32, 16)])
        pltpu.sync_copy(y1_h.at[gs_v], g_v)
        pltpu.sync_copy(g_v, grows_h.at[pl.ds(48, 16)])
        gs_v[...] = aux_v[25, :]
        pltpu.sync_copy(y1_h.at[gs_v], g_v)
        pltpu.sync_copy(g_v, grows_h.at[pl.ds(64, 16)])
        gs_v[...] = aux_v[26, :]
        pltpu.sync_copy(cnt_h.at[gs_v], idx16_v)
        pltpu.sync_copy(idx16_v, gscal_h.at[pl.ds(0, 16)])
        gs_v[...] = aux_v[27, :]
        pltpu.sync_copy(cnt_h.at[gs_v], idx16_v)
        pltpu.sync_copy(idx16_v, gscal_h.at[pl.ds(16, 16)])


def _make_sc2b():
    mesh = plsc.VectorSubcoreMesh(core_axis_name="c", subcore_axis_name="s")
    return pl.kernel(
        _sc2b_body,
        out_type=(
            jax.ShapeDtypeStruct((2, 8, 16), jnp.int32),
            jax.ShapeDtypeStruct((80, F), jnp.float32),
            jax.ShapeDtypeStruct((32,), jnp.int32),
        ),
        mesh=mesh,
        compiler_params=pltpu.CompilerParams(needs_layout_passes=False),
        scratch_types=(
            pltpu.VMEM_SHARED((16, 16), jnp.int32),
            pltpu.VMEM((80128,), jnp.int32),
            pltpu.VMEM((EPT_D + 16,), jnp.int32),
            pltpu.VMEM((EPT_D + 16,), jnp.int32),
            pltpu.VMEM((16, 16), jnp.int32),
            pltpu.VMEM((32, 16), jnp.int32),
            pltpu.VMEM((16,), jnp.int32),
            pltpu.VMEM((16, 16), jnp.int32),
            pltpu.VMEM((16, F), jnp.float32),
            pltpu.VMEM((16,), jnp.int32),
            pltpu.VMEM((16,), jnp.int32),
        ),
        name="sc_beta_gather",
    )


def _make_sc1():
    mesh = plsc.VectorSubcoreMesh(core_axis_name="c", subcore_axis_name="s")
    return pl.kernel(
        _sc1_body,
        out_type=(
            jax.ShapeDtypeStruct((N, F), jnp.float32),
            jax.ShapeDtypeStruct((CNT_LEN,), jnp.int32),
        ),
        mesh=mesh,
        scratch_types=(
            pltpu.VMEM_SHARED((ACC_ROWS, F), jnp.float32),
            pltpu.VMEM_SHARED((CNT_LEN,), jnp.int32),
            pltpu.VMEM((EPT_B,), jnp.int32),
            pltpu.VMEM((EPT_B,), jnp.int32),
            pltpu.VMEM((128,), jnp.int32),
            pltpu.VMEM((128,), jnp.int32),
            pltpu.VMEM((128, F), jnp.float32),
            pltpu.VMEM((16,), jnp.int32),
            pltpu.VMEM((16,), jnp.int32),
            pltpu.VMEM((16, F), jnp.float32),
            pltpu.VMEM((128,), jnp.int32),
            pltpu.VMEM((16,), jnp.int32),
            pltpu.VMEM((8, 16), jnp.int32),
        ),
        name="sc_agg_cnt",
    )


def kernel(x, params, edge_index, pos):
    f32 = jnp.float32
    src = edge_index[0].astype(jnp.int32)
    dst = edge_index[1].astype(jnp.int32)
    pos = pos.astype(jnp.int32)
    s_ids = pos[:, ::-1].reshape(-1)
    n_ids = pos.reshape(-1)

    w00, b00 = params["f0_0"]
    w10, b10 = params["f1_0"]
    ws0, wn0, bc0 = params["conv_0"]
    w01, b01 = params["f0_1"]
    w11, b11 = params["f1_1"]
    ws1, wn1, bc1 = params["conv_1"]

    rep = jnp.argmax(s_ids[:, None] == s_ids[None, :], axis=1).astype(jnp.int32)
    is_rep = rep == jnp.arange(8, dtype=jnp.int32)
    uniq_sel = jnp.where(is_rep, s_ids, -1)
    usel_b = jnp.broadcast_to(uniq_sel[:, None], (8, 16)).astype(jnp.int32)

    pad8 = lambda a: jnp.concatenate([a, jnp.zeros((8,), jnp.int32)])
    aux = jnp.zeros((32, 16), jnp.int32)
    aux = aux.at[0:8].set(jnp.broadcast_to(n_ids[:, None], (8, 16)))
    aux = aux.at[8:16].set(jnp.broadcast_to((rep * N)[:, None], (8, 16)))
    aux = aux.at[24].set(pad8(s_ids))
    aux = aux.at[25].set(pad8(n_ids))
    aux = aux.at[26].set(pad8(rep * N + n_ids))
    aux = aux.at[27].set(pad8(rep * N + s_ids))

    row_spec = pl.BlockSpec((2000, F), lambda i: (i, 0))
    w_spec = pl.BlockSpec((F, F), lambda i: (0, 0))
    b_spec = pl.BlockSpec((1, F), lambda i: (0, 0))

    y0 = pl.pallas_call(
        _mm_bias_body,
        grid=(N // 2000,),
        in_specs=[row_spec, w_spec, b_spec],
        out_specs=row_spec,
        out_shape=jax.ShapeDtypeStruct((N, F), f32),
    )(x, w00, b00.reshape(1, F))

    agg0, cnt = _make_sc1()(y0, src, dst, usel_b)

    y1 = pl.pallas_call(
        _fused_c_body,
        grid=(N // 2000,),
        in_specs=[row_spec, row_spec, w_spec, w_spec, b_spec, w_spec, b_spec],
        out_specs=row_spec,
        out_shape=jax.ShapeDtypeStruct((N, F), f32),
    )(y0, agg0, ws0, wn0, bc0.reshape(1, F), w01, b01.reshape(1, F))

    agg1, = _make_sc2a()(y1, src, dst)
    alp, grows, gscal = _make_sc2b()(y1, cnt, src, dst, x, y0, agg0, aux)
    a1 = agg1[n_ids]

    bcast = lambda v: jnp.broadcast_to(v.astype(f32)[:, None], (8, F))
    cn8 = bcast(gscal[0:8])
    cs8 = bcast(gscal[16:24])
    al8 = bcast(alp.sum(axis=(0, 2)))
    eq8 = bcast((s_ids == n_ids).astype(jnp.int32))

    full = lambda s_: pl.BlockSpec(s_, lambda: tuple(0 for _ in s_))
    out8 = pl.pallas_call(
        _final_body,
        in_specs=[full((80, F))] + [full((8, F))] * 5
        + [full((F, F)), full((1, F)), full((F, F)), full((F, F)), full((1, F)),
           full((F, F)), full((1, F)), full((F, F)), full((1, F)),
           full((F, F)), full((F, F)), full((1, F))],
        out_specs=full((8, F)),
        out_shape=jax.ShapeDtypeStruct((8, F), f32),
    )(grows, a1, cn8, cs8, al8, eq8,
      w10, b10.reshape(1, F), ws0, wn0, bc0.reshape(1, F), w01, b01.reshape(1, F),
      w11, b11.reshape(1, F), ws1, wn1, bc1.reshape(1, F))

    return out8.reshape(pos.shape[0], 2, F)

# --- scband reference (transcript-rebuilt; emitter-appended) ---
"""Pipeline reference for scband-plabeling-net-41351945126301 (READ-ONLY COPY).

The authoritative reference and input builder live on the scoring server;
editing this copy changes nothing except your own understanding.
"""

import jax, jax.numpy as jnp
import numpy as np

N_NODES = 10000
N_EDGES = 160000
D = 128
L = 2
M_POS = 4


def _linear(key, din, dout):
    k1, k2 = jax.random.split(key)
    W = jax.random.normal(k1, (din, dout), dtype=jnp.float32) / np.sqrt(din)
    b = jax.random.normal(k2, (dout,), dtype=jnp.float32) * 0.01
    return (W, b)


def _make_params(key):
    params = {}
    for i in range(L):
        k = jax.random.fold_in(key, i)
        k0, k1, k2, k3 = jax.random.split(k, 4)
        params[f"f0_{i}"] = _linear(k0, D, D)
        params[f"f1_{i}"] = _linear(k1, D, D)
        Ws, bc = _linear(k2, D, D)
        Wn, _ = _linear(k3, D, D)
        params[f"conv_{i}"] = (Ws, Wn, bc)
    return params


def setup_inputs(seed: int = 0):
    key = jax.random.key(seed)
    kx, ke, kp, kw = jax.random.split(key, 4)
    x = jax.random.normal(kx, (N_NODES, D), dtype=jnp.float32)
    edge_index = jax.random.randint(ke, (2, N_EDGES), 0, N_NODES)
    pos = jax.random.randint(kp, (M_POS, 2), 0, N_NODES)
    params = _make_params(kw)
    return {"x": x, "params": params, "edge_index": edge_index, "pos": pos}


def _convert_pos(pos, num_node):
    # torch.unique(pos, return_inverse=True): sel_id are sorted unique node ids,
    # inverse maps each pos entry to its index in sel_id.
    sel_id, inv = jnp.unique(pos, return_inverse=True, size=pos.size)
    inv = inv.reshape(pos.shape)
    # ret = pos + inverse_ind[:, [1, 0]] * num_node
    ret = pos + inv[:, ::-1] * num_node
    return sel_id, ret


def _forward(x, params, edge_index, pos):
    N = x.shape[0]
    sel_id, pos_flat = _convert_pos(pos, N)
    B = sel_id.shape[0]
    idx0 = jnp.arange(B)
    src = edge_index[0]
    dst = edge_index[1]
    h = x  # (N, F) at i==0, (B, N, F) afterwards
    for i in range(L):
        W0, b0 = params[f"f0_{i}"]
        W1, b1 = params[f"f1_{i}"]
        Ws, Wn, bc = params[f"conv_{i}"]
        if i == 0:
            x0 = jnp.tile((h @ W0 + b0)[None, :, :], (B, 1, 1))  # (B, N, F)
            x1 = h[sel_id] @ W1 + b1  # (B, F)
            x0 = x0.at[idx0, sel_id].set(x1)
        else:
            x0 = h @ W0 + b0  # (B, N, F)
            xs = h[idx0, sel_id]  # (B, F)
            x0 = x0.at[idx0, sel_id].set(xs @ W1 + b1)
        # conv: sum-aggregate neighbor messages over sparse adj, batched over B
        agg = jax.lax.map(
            lambda xb: jax.ops.segment_sum(xb[src], dst, num_segments=N), x0
        )  # (B, N, F)
        h = x0 @ Ws + agg @ Wn + bc
    out = h.reshape(B * N, -1)[pos_flat]  # (M, 2, F)
    return out


def reference(x, params, edge_index, pos):
    return _forward(x, params, edge_index, pos)

if __name__ == "__main__":
    import jax
    _d = setup_inputs()
    print(jax.jit(kernel)(*tuple(_d.values())))

</pallas_src>

<mosaic_0001>
#map = affine_map<(d0, d1) -> (0, 0)>
#map1 = affine_map<(d0, d1) -> (0)>
module attributes {stable_mosaic.version = 14 : i64} {
  func.func @sc_agg1(%arg0: i32, %arg1: i32, %arg2: memref<10000x128xf32, #tpu.memory_space<hbm>>, %arg3: memref<160000xi32, #tpu.memory_space<hbm>>, %arg4: memref<160000xi32, #tpu.memory_space<hbm>>, %arg5: memref<10000x128xf32, #tpu.memory_space<hbm>>, %arg6: memref<10112x128xf32, #tpu.memory_space<vmem_shared>>, %arg7: memref<10000xi32, #tpu.memory_space<vmem>>, %arg8: memref<10000xi32, #tpu.memory_space<vmem>>, %arg9: memref<64xi32, #tpu.memory_space<vmem>>, %arg10: memref<64xi32, #tpu.memory_space<vmem>>, %arg11: memref<64x128xf32, #tpu.memory_space<vmem>>, %arg12: memref<16xi32, #tpu.memory_space<vmem>>, %arg13: memref<16xi32, #tpu.memory_space<vmem>>, %arg14: memref<16x128xf32, #tpu.memory_space<vmem>>) attributes {dimension_semantics = [#tpu.dimension_semantics<core_parallel>, #tpu.dimension_semantics<subcore_parallel>], iteration_bounds = array<i64: 2, 16>, scalar_prefetch = 0 : i64, scratch_operands = 9 : i64, tpu.core_type = #tpu.core_type<sc_vector_subcore>, window_params = [{transform_indices = #map}, {transform_indices = #map1}, {transform_indices = #map1}, {transform_indices = #map}]} {
    %broadcast_in_dim3A = arith.constant 0.000000e+00 : f32
    %broadcast_in_dim3A_0 = vector.broadcast %broadcast_in_dim3A : f32 to vector<16xf32>
    %eq3A = arith.constant 0 : i32
    %eq3A_1 = arith.cmpi eq, %arg0, %eq3A : i32
    %convert_element_type3A = arith.extui %eq3A_1 : i1 to i32
    %cond3A = arith.constant 0 : i32
    %cond3A_2 = arith.cmpi ne, %convert_element_type3A, %cond3A : i32
    scf.if %cond3A_2 {
      %scan3A = arith.constant 0 : i32
      %scan3A_3 = arith.constant 0 : i32
      %scan3A_4 = arith.constant 64 : i32
      %scan3A_5 = arith.addi %scan3A_3, %scan3A_4 : i32
      %scan3A_6 = arith.constant 1 : i32
      %scan3A_7 = scf.for %scan3A_51 = %scan3A_3 to %scan3A_5 step %scan3A_6 iter_args(%scan3A_52 = %scan3A) -> (i32)  : i32 {
        %swap3A_53 = arith.index_cast %scan3A_51 : i32 to index
        %swap3A_54 = arith.constant 0 : index
        %swap3A_55 = tpu.vector_load %arg11[%swap3A_53, %swap3A_54] {strides = array<i32>} : memref<64x128xf32, #tpu.memory_space<vmem>>, vector<1x16xf32>,
        %swap3A_56 = vector.shape_cast %swap3A_55 : vector<1x16xf32> to vector<16xf32>
        %swap3A_57 = vector.shape_cast %broadcast_in_dim3A_0 : vector<16xf32> to vector<1x16xf32>
        tpu.vector_store %arg11[%swap3A_53, %swap3A_54], %swap3A_57 {strides = array<i32>} : memref<64x128xf32, #tpu.memory_space<vmem>>, vector<1x16xf32>,
        %swap3A_58 = arith.index_cast %scan3A_51 : i32 to index
        %swap3A_59 = arith.constant 16 : index
        %swap3A_60 = tpu.vector_load %arg11[%swap3A_58, %swap3A_59] {strides = array<i32>} : memref<64x128xf32, #tpu.memory_space<vmem>>, vector<1x16xf32>,
        %swap3A_61 = vector.shape_cast %swap3A_60 : vector<1x16xf32> to vector<16xf32>
        %swap3A_62 = vector.shape_cast %broadcast_in_dim3A_0 : vector<16xf32> to vector<1x16xf32>
        tpu.vector_store %arg11[%swap3A_58, %swap3A_59], %swap3A_62 {strides = array<i32>} : memref<64x128xf32, #tpu.memory_space<vmem>>, vector<1x16xf32>,
        %swap3A_63 = arith.index_cast %scan3A_51 : i32 to index
        %swap3A_64 = arith.constant 32 : index
        %swap3A_65 = tpu.vector_load %arg11[%swap3A_63, %swap3A_64] {strides = array<i32>} : memref<64x128xf32, #tpu.memory_space<vmem>>, vector<1x16xf32>,
        %swap3A_66 = vector.shape_cast %swap3A_65 : vector<1x16xf32> to vector<16xf32>
        %swap3A_67 = vector.shape_cast %broadcast_in_dim3A_0 : vector<16xf32> to vector<1x16xf32>
        tpu.vector_store %arg11[%swap3A_63, %swap3A_64], %swap3A_67 {strides = array<i32>} : memref<64x128xf32, #tpu.memory_space<vmem>>, vector<1x16xf32>,
        %swap3A_68 = arith.index_cast %scan3A_51 : i32 to index
        %swap3A_69 = arith.constant 48 : index
        %swap3A_70 = tpu.vector_load %arg11[%swap3A_68, %swap3A_69] {strides = array<i32>} : memref<64x128xf32, #tpu.memory_space<vmem>>, vector<1x16xf32>,
        %swap3A_71 = vector.shape_cast %swap3A_70 : vector<1x16xf32> to vector<16xf32>
        %swap3A_72 = vector.shape_cast %broadcast_in_dim3A_0 : vector<16xf32> to vector<1x16xf32>
        tpu.vector_store %arg11[%swap3A_68, %swap3A_69], %swap3A_72 {strides = array<i32>} : memref<64x128xf32, #tpu.memory_space<vmem>>, vector<1x16xf32>,
        %swap3A_73 = arith.index_cast %scan3A_51 : i32 to index
        %swap3A_74 = arith.constant 64 : index
        %swap3A_75 = tpu.vector_load %arg11[%swap3A_73, %swap3A_74] {strides = array<i32>} : memref<64x128xf32, #tpu.memory_space<vmem>>, vector<1x16xf32>,
        %swap3A_76 = vector.shape_cast %swap3A_75 : vector<1x16xf32> to vector<16xf32>
        %swap3A_77 = vector.shape_cast %broadcast_in_dim3A_0 : vector<16xf32> to vector<1x16xf32>
        tpu.vector_store %arg11[%swap3A_73, %swap3A_74], %swap3A_77 {strides = array<i32>} : memref<64x128xf32, #tpu.memory_space<vmem>>, vector<1x16xf32>,
        %swap3A_78 = arith.index_cast %scan3A_51 : i32 to index
        %swap3A_79 = arith.constant 80 : index
        %swap3A_80 = tpu.vector_load %arg11[%swap3A_78, %swap3A_79] {strides = array<i32>} : memref<64x128xf32, #tpu.memory_space<vmem>>, vector<1x16xf32>,
        %swap3A_81 = vector.shape_cast %swap3A_80 : vector<1x16xf32> to vector<16xf32>
        %swap3A_82 = vector.shape_cast %broadcast_in_dim3A_0 : vector<16xf32> to vector<1x16xf32>
        tpu.vector_store %arg11[%swap3A_78, %swap3A_79], %swap3A_82 {strides = array<i32>} : memref<64x128xf32, #tpu.memory_space<vmem>>, vector<1x16xf32>,
        %swap3A_83 = arith.index_cast %scan3A_51 : i32 to index
        %swap3A_84 = arith.constant 96 : index
        %swap3A_85 = tpu.vector_load %arg11[%swap3A_83, %swap3A_84] {strides = array<i32>} : memref<64x128xf32, #tpu.memory_space<vmem>>, vector<1x16xf32>,
        %swap3A_86 = vector.shape_cast %swap3A_85 : vector<1x16xf32> to vector<16xf32>
        %swap3A_87 = vector.shape_cast %broadcast_in_dim3A_0 : vector<16xf32> to vector<1x16xf32>
        tpu.vector_store %arg11[%swap3A_83, %swap3A_84], %swap3A_87 {strides = array<i32>} : memref<64x128xf32, #tpu.memory_space<vmem>>, vector<1x16xf32>,
        %swap3A_88 = arith.index_cast %scan3A_51 : i32 to index
        %swap3A_89 = arith.constant 112 : index
        %swap3A_90 = tpu.vector_load %arg11[%swap3A_88, %swap3A_89] {strides = array<i32>} : memref<64x128xf32, #tpu.memory_space<vmem>>, vector<1x16xf32>,
        %swap3A_91 = vector.shape_cast %swap3A_90 : vector<1x16xf32> to vector<16xf32>
        %swap3A_92 = vector.shape_cast %broadcast_in_dim3A_0 : vector<16xf32> to vector<1x16xf32>
        tpu.vector_store %arg11[%swap3A_88, %swap3A_89], %swap3A_92 {strides = array<i32>} : memref<64x128xf32, #tpu.memory_space<vmem>>, vector<1x16xf32>,
        %scan3A_93 = arith.constant 0 : i32
        scf.yield %scan3A_93 : i32
      }
      %scan3A_8 = arith.constant 64 : i32
      %scan3A_9 = arith.constant 0 : i32
      %scan3A_10 = arith.constant 0 : i32
      %scan3A_11 = arith.constant 9 : i32
      %scan3A_12 = arith.addi %scan3A_10, %scan3A_11 : i32
      %scan3A_13 = arith.constant 1 : i32
      %scan3A_14 = scf.for %scan3A_51 = %scan3A_10 to %scan3A_12 step %scan3A_13 iter_args(%scan3A_52 = %scan3A_9) -> (i32)  : i32 {
        %mul3A_53 = arith.constant 632 : i32
        %mul3A_54 = arith.muli %arg1, %mul3A_53 : i32
        %mul3A_55 = arith.constant 64 : i32
        %mul3A_56 = arith.muli %scan3A_51, %mul3A_55 : i32
        %add3A_57 = arith.addi %mul3A_54, %mul3A_56 : i32
        "tpu.region"() ({
          %run_scoped3A = tpu.sem_alloc : memref<!tpu.dma_semaphore, #tpu.memory_space<semaphore_mem>>
          %dma_start3A = arith.constant 0 : i32
          %dma_start3A_59 = arith.constant 0 : i32
          %dma_start3A_60 = tpu.memref_slice %arg11[%dma_start3A, %dma_start3A_59] : memref<64x128xf32, #tpu.memory_space<vmem>> -> memref<64x128xf32, #tpu.memory_space<vmem>>
          %dma_start3A_61 = arith.constant 0 : i32
          %dma_start3A_62 = tpu.memref_slice %arg6[%add3A_57, %dma_start3A_61] : memref<10112x128xf32, #tpu.memory_space<vmem_shared>> -> memref<64x128xf32, #tpu.memory_space<vmem_shared>>
          %dma_start3A_63 = arith.constant 0 : i32
          %dma_start3A_64 = tpu.memref_slice %arg6[%add3A_57, %dma_start3A_63] : memref<10112x128xf32, #tpu.memory_space<vmem_shared>> -> memref<64x128xf32, #tpu.memory_space<vmem_shared>>
          %dma_start3A_65 = arith.constant 0 : i32
          %dma_start3A_66 = arith.constant 0 : i32
          %dma_start3A_67 = tpu.memref_slice %arg11[%dma_start3A_65, %dma_start3A_66] : memref<64x128xf32, #tpu.memory_space<vmem>> -> memref<64x128xf32, #tpu.memory_space<vmem>>
          tpu.enqueue_dma source(%dma_start3A_67 : memref<64x128xf32, #tpu.memory_space<vmem>>) target(%dma_start3A_64 : memref<64x128xf32, #tpu.memory_space<vmem_shared>>) target_semaphore(%run_scoped3A : memref<!tpu.dma_semaphore, #tpu.memory_space<semaphore_mem>>)
          %dma_wait3A = arith.constant 0 : i32
          %dma_wait3A_68 = arith.constant 0 : i32
          %dma_wait3A_69 = tpu.memref_slice %arg11[%dma_wait3A, %dma_wait3A_68] : memref<64x128xf32, #tpu.memory_space<vmem>> -> memref<64x128xf32, #tpu.memory_space<vmem>>
          %dma_wait3A_70 = arith.constant 0 : i32
          %dma_wait3A_71 = tpu.memref_slice %arg6[%add3A_57, %dma_wait3A_70] : memref<10112x128xf32, #tpu.memory_space<vmem_shared>> -> memref<64x128xf32, #tpu.memory_space<vmem_shared>>
          %dma_wait3A_72 = arith.constant 0 : i32
          %dma_wait3A_73 = tpu.memref_slice %arg6[%add3A_57, %dma_wait3A_72] : memref<10112x128xf32, #tpu.memory_space<vmem_shared>> -> memref<64x128xf32, #tpu.memory_space<vmem_shared>>
          %dma_wait3A_74 = arith.constant 0 : i32
          %dma_wait3A_75 = arith.constant 0 : i32
          %dma_wait3A_76 = tpu.memref_slice %arg11[%dma_wait3A_74, %dma_wait3A_75] : memref<64x128xf32, #tpu.memory_space<vmem>> -> memref<64x128xf32, #tpu.memory_space<vmem>>
          tpu.wait_dma2 semaphore(%run_scoped3A : memref<!tpu.dma_semaphore, #tpu.memory_space<semaphore_mem>>) src(%dma_wait3A_76 : memref<64x128xf32, #tpu.memory_space<vmem>>) dst(%dma_wait3A_73 : memref<64x128xf32, #tpu.memory_space<vmem_shared>>)
          tpu.yield
        }) : () -> ()
        %scan3A_58 = arith.constant 0 : i32
        scf.yield %scan3A_58 : i32
      }
      %scan3A_15 = arith.constant 9 : i32
      %mul3A = arith.constant 632 : i32
      %mul3A_16 = arith.muli %arg1, %mul3A : i32
      %add3A = arith.constant 576 : i32
      %add3A_17 = arith.addi %mul3A_16, %add3A : i32
      "tpu.region"() ({
        %run_scoped3A = tpu.sem_alloc : memref<!tpu.dma_semaphore, #tpu.memory_space<semaphore_mem>>
        %dma_start3A = arith.constant 0 : i32
        %dma_start3A_51 = arith.constant 0 : i32
        %dma_start3A_52 = tpu.memref_slice %arg11[%dma_start3A, %dma_start3A_51] : memref<64x128xf32, #tpu.memory_space<vmem>> -> memref<56x128xf32, #tpu.memory_space<vmem>>
        %dma_start3A_53 = arith.constant 0 : i32
        %dma_start3A_54 = tpu.memref_slice %arg6[%add3A_17, %dma_start3A_53] : memref<10112x128xf32, #tpu.memory_space<vmem_shared>> -> memref<56x128xf32, #tpu.memory_space<vmem_shared>>
        %dma_start3A_55 = arith.constant 0 : i32
        %dma_start3A_56 = tpu.memref_slice %arg6[%add3A_17, %dma_start3A_55] : memref<10112x128xf32, #tpu.memory_space<vmem_shared>> -> memref<56x128xf32, #tpu.memory_space<vmem_shared>>
        %dma_start3A_57 = arith.constant 0 : i32
        %dma_start3A_58 = arith.constant 0 : i32
        %dma_start3A_59 = tpu.memref_slice %arg11[%dma_start3A_57, %dma_start3A_58] : memref<64x128xf32, #tpu.memory_space<vmem>> -> memref<56x128xf32, #tpu.memory_space<vmem>>
        tpu.enqueue_dma source(%dma_start3A_59 : memref<56x128xf32, #tpu.memory_space<vmem>>) target(%dma_start3A_56 : memref<56x128xf32, #tpu.memory_space<vmem_shared>>) target_semaphore(%run_scoped3A : memref<!tpu.dma_semaphore, #tpu.memory_space<semaphore_mem>>)
        %dma_wait3A = arith.constant 0 : i32
        %dma_wait3A_60 = arith.constant 0 : i32
        %dma_wait3A_61 = tpu.memref_slice %arg11[%dma_wait3A, %dma_wait3A_60] : memref<64x128xf32, #tpu.memory_space<vmem>> -> memref<56x128xf32, #tpu.memory_space<vmem>>
        %dma_wait3A_62 = arith.constant 0 : i32
        %dma_wait3A_63 = tpu.memref_slice %arg6[%add3A_17, %dma_wait3A_62] : memref<10112x128xf32, #tpu.memory_space<vmem_shared>> -> memref<56x128xf32, #tpu.memory_space<vmem_shared>>
        %dma_wait3A_64 = arith.constant 0 : i32
        %dma_wait3A_65 = tpu.memref_slice %arg6[%add3A_17, %dma_wait3A_64] : memref<10112x128xf32, #tpu.memory_space<vmem_shared>> -> memref<56x128xf32, #tpu.memory_space<vmem_shared>>
        %dma_wait3A_66 = arith.constant 0 : i32
        %dma_wait3A_67 = arith.constant 0 : i32
        %dma_wait3A_68 = tpu.memref_slice %arg11[%dma_wait3A_66, %dma_wait3A_67] : memref<64x128xf32, #tpu.memory_space<vmem>> -> memref<56x128xf32, #tpu.memory_space<vmem>>
        tpu.wait_dma2 semaphore(%run_scoped3A : memref<!tpu.dma_semaphore, #tpu.memory_space<semaphore_mem>>) src(%dma_wait3A_68 : memref<56x128xf32, #tpu.memory_space<vmem>>) dst(%dma_wait3A_65 : memref<56x128xf32, #tpu.memory_space<vmem_shared>>)
        tpu.yield
      }) : () -> ()
      %mul3A_18 = arith.constant 10000 : i32
      %mul3A_19 = arith.muli %arg1, %mul3A_18 : i32
      "tpu.region"() ({
        %run_scoped3A = tpu.sem_alloc : memref<!tpu.dma_semaphore, #tpu.memory_space<semaphore_mem>>
        %dma_start3A = arith.constant 0 : i32
        %dma_start3A_51 = tpu.memref_slice %arg7[%dma_start3A] : memref<10000xi32, #tpu.memory_space<vmem>> -> memref<10000xi32, #tpu.memory_space<vmem>>
        %dma_start3A_52 = tpu.memref_slice %arg3[%mul3A_19] : memref<160000xi32, #tpu.memory_space<hbm>> -> memref<10000xi32, #tpu.memory_space<hbm>>
        %dma_start3A_53 = arith.constant 0 : i32
        %dma_start3A_54 = tpu.memref_slice %arg7[%dma_start3A_53] : memref<10000xi32, #tpu.memory_space<vmem>> -> memref<10000xi32, #tpu.memory_space<vmem>>
        %dma_start3A_55 = tpu.memref_slice %arg3[%mul3A_19] : memref<160000xi32, #tpu.memory_space<hbm>> -> memref<10000xi32, #tpu.memory_space<hbm>>
        tpu.enqueue_dma source(%dma_start3A_55 : memref<10000xi32, #tpu.memory_space<hbm>>) target(%dma_start3A_54 : memref<10000xi32, #tpu.memory_space<vmem>>) target_semaphore(%run_scoped3A : memref<!tpu.dma_semaphore, #tpu.memory_space<semaphore_mem>>)
        %dma_wait3A = arith.constant 0 : i32
        %dma_wait3A_56 = tpu.memref_slice %arg7[%dma_wait3A] : memref<10000xi32, #tpu.memory_space<vmem>> -> memref<10000xi32, #tpu.memory_space<vmem>>
        %dma_wait3A_57 = tpu.memref_slice %arg3[%mul3A_19] : memref<160000xi32, #tpu.memory_space<hbm>> -> memref<10000xi32, #tpu.memory_space<hbm>>
        %dma_wait3A_58 = arith.constant 0 : i32
        %dma_wait3A_59 = tpu.memref_slice %arg7[%dma_wait3A_58] : memref<10000xi32, #tpu.memory_space<vmem>> -> memref<10000xi32, #tpu.memory_space<vmem>>
        %dma_wait3A_60 = tpu.memref_slice %arg3[%mul3A_19] : memref<160000xi32, #tpu.memory_space<hbm>> -> memref<10000xi32, #tpu.memory_space<hbm>>
        tpu.wait_dma2 semaphore(%run_scoped3A : memref<!tpu.dma_semaphore, #tpu.memory_space<semaphore_mem>>) src(%dma_wait3A_60 : memref<10000xi32, #tpu.memory_space<hbm>>) dst(%dma_wait3A_59 : memref<10000xi32, #tpu.memory_space<vmem>>)
        tpu.yield
      }) : () -> ()
      %mul3A_20 = arith.constant 10000 : i32
      %mul3A_21 = arith.muli %arg1, %mul3A_20 : i32
      "tpu.region"() ({
        %run_scoped3A = tpu.sem_alloc : memref<!tpu.dma_semaphore, #tpu.memory_space<semaphore_mem>>
        %dma_start3A = arith.constant 0 : i32
        %dma_start3A_51 = tpu.memref_slice %arg8[%dma_start3A] : memref<10000xi32, #tpu.memory_space<vmem>> -> memref<10000xi32, #tpu.memory_space<vmem>>
        %dma_start3A_52 = tpu.memref_slice %arg4[%mul3A_21] : memref<160000xi32, #tpu.memory_space<hbm>> -> memref<10000xi32, #tpu.memory_space<hbm>>
        %dma_start3A_53 = arith.constant 0 : i32
        %dma_start3A_54 = tpu.memref_slice %arg8[%dma_start3A_53] : memref<10000xi32, #tpu.memory_space<vmem>> -> memref<10000xi32, #tpu.memory_space<vmem>>
        %dma_start3A_55 = tpu.memref_slice %arg4[%mul3A_21] : memref<160000xi32, #tpu.memory_space<hbm>> -> memref<10000xi32, #tpu.memory_space<hbm>>
        tpu.enqueue_dma source(%dma_start3A_55 : memref<10000xi32, #tpu.memory_space<hbm>>) target(%dma_start3A_54 : memref<10000xi32, #tpu.memory_space<vmem>>) target_semaphore(%run_scoped3A : memref<!tpu.dma_semaphore, #tpu.memory_space<semaphore_mem>>)
        %dma_wait3A = arith.constant 0 : i32
        %dma_wait3A_56 = tpu.memref_slice %arg8[%dma_wait3A] : memref<10000xi32, #tpu.memory_space<vmem>> -> memref<10000xi32, #tpu.memory_space<vmem>>
        %dma_wait3A_57 = tpu.memref_slice %arg4[%mul3A_21] : memref<160000xi32, #tpu.memory_space<hbm>> -> memref<10000xi32, #tpu.memory_space<hbm>>
        %dma_wait3A_58 = arith.constant 0 : i32
        %dma_wait3A_59 = tpu.memref_slice %arg8[%dma_wait3A_58] : memref<10000xi32, #tpu.memory_space<vmem>> -> memref<10000xi32, #tpu.memory_space<vmem>>
        %dma_wait3A_60 = tpu.memref_slice %arg4[%mul3A_21] : memref<160000xi32, #tpu.memory_space<hbm>> -> memref<10000xi32, #tpu.memory_space<hbm>>
        tpu.wait_dma2 semaphore(%run_scoped3A : memref<!tpu.dma_semaphore, #tpu.memory_space<semaphore_mem>>) src(%dma_wait3A_60 : memref<10000xi32, #tpu.memory_space<hbm>>) dst(%dma_wait3A_59 : memref<10000xi32, #tpu.memory_space<vmem>>)
        tpu.yield
      }) : () -> ()
      %barrier3A = arith.constant 0 : index
      tpu.barrier barrier_id(%barrier3A)
      %scan3A_22 = arith.constant 0 : i32
      %scan3A_23 = arith.constant 0 : i32
      %scan3A_24 = arith.constant 156 : i32
      %scan3A_25 = arith.addi %scan3A_23, %scan3A_24 : i32
      %scan3A_26 = arith.constant 1 : i32
      %scan3A_27 = scf.for %scan3A_51 = %scan3A_23 to %scan3A_25 step %scan3A_26 iter_args(%scan3A_52 = %scan3A_22) -> (i32)  : i32 {
        %mul3A_53 = arith.constant 64 : i32
        %mul3A_54 = arith.muli %scan3A_51, %mul3A_53 : i32
        %add3A_55 = arith.constant 0 : i32
        %add3A_56 = arith.addi %mul3A_54, %add3A_55 : i32
        %get3A_57 = arith.index_cast %add3A_56 : i32 to index
        %get3A_58 = tpu.vector_load %arg7[%get3A_57] {strides = array<i32>} : memref<10000xi32, #tpu.memory_space<vmem>>, vector<16xi32>,
        %get3A_59 = vector.shape_cast %get3A_58 : vector<16xi32> to vector<16xi32>
        %swap3A_60 = arith.constant 0 : index
        %swap3A_61 = tpu.vector_load %arg10[%swap3A_60] {strides = array<i32>} : memref<64xi32, #tpu.memory_space<vmem>>, vector<16xi32>,
        %swap3A_62 = vector.shape_cast %swap3A_61 : vector<16xi32> to vector<16xi32>
        %swap3A_63 = vector.shape_cast %get3A_59 : vector<16xi32> to vector<16xi32>
        tpu.vector_store %arg10[%swap3A_60], %swap3A_63 {strides = array<i32>} : memref<64xi32, #tpu.memory_space<vmem>>, vector<16xi32>,
        %get3A_64 = arith.index_cast %add3A_56 : i32 to index
        %get3A_65 = tpu.vector_load %arg8[%get3A_64] {strides = array<i32>} : memref<10000xi32, #tpu.memory_space<vmem>>, vector<16xi32>,
        %get3A_66 = vector.shape_cast %get3A_65 : vector<16xi32> to vector<16xi32>
        %swap3A_67 = arith.constant 0 : index
        %swap3A_68 = tpu.vector_load %arg9[%swap3A_67] {strides = array<i32>} : memref<64xi32, #tpu.memory_space<vmem>>, vector<16xi32>,
        %swap3A_69 = vector.shape_cast %swap3A_68 : vector<16xi32> to vector<16xi32>
        %swap3A_70 = vector.shape_cast %get3A_66 : vector<16xi32> to vector<16xi32>
        tpu.vector_store %arg9[%swap3A_67], %swap3A_70 {strides = array<i32>} : memref<64xi32, #tpu.memory_space<vmem>>, vector<16xi32>,
        %mul3A_71 = arith.constant 64 : i32
        %mul3A_72 = arith.muli %scan3A_51, %mul3A_71 : i32
        %add3A_73 = arith.constant 16 : i32
        %add3A_74 = arith.addi %mul3A_72, %add3A_73 : i32
        %get3A_75 = arith.index_cast %add3A_74 : i32 to index
        %get3A_76 = tpu.vector_load %arg7[%get3A_75] {strides = array<i32>} : memref<10000xi32, #tpu.memory_space<vmem>>, vector<16xi32>,
        %get3A_77 = vector.shape_cast %get3A_76 : vector<16xi32> to vector<16xi32>
        %swap3A_78 = arith.constant 16 : index
        %swap3A_79 = tpu.vector_load %arg10[%swap3A_78] {strides = array<i32>} : memref<64xi32, #tpu.memory_space<vmem>>, vector<16xi32>,
        %swap3A_80 = vector.shape_cast %swap3A_79 : vector<16xi32> to vector<16xi32>
        %swap3A_81 = vector.shape_cast %get3A_77 : vector<16xi32> to vector<16xi32>
        tpu.vector_store %arg10[%swap3A_78], %swap3A_81 {strides = array<i32>} : memref<64xi32, #tpu.memory_space<vmem>>, vector<16xi32>,
        %get3A_82 = arith.index_cast %add3A_74 : i32 to index
        %get3A_83 = tpu.vector_load %arg8[%get3A_82] {strides = array<i32>} : memref<10000xi32, #tpu.memory_space<vmem>>, vector<16xi32>,
        %get3A_84 = vector.shape_cast %get3A_83 : vector<16xi32> to vector<16xi32>
        %swap3A_85 = arith.constant 16 : index
        %swap3A_86 = tpu.vector_load %arg9[%swap3A_85] {strides = array<i32>} : memref<64xi32, #tpu.memory_space<vmem>>, vector<16xi32>,
        %swap3A_87 = vector.shape_cast %swap3A_86 : vector<16xi32> to vector<16xi32>
        %swap3A_88 = vector.shape_cast %get3A_84 : vector<16xi32> to vector<16xi32>
        tpu.vector_store %arg9[%swap3A_85], %swap3A_88 {strides = array<i32>} : memref<64xi32, #tpu.memory_space<vmem>>, vector<16xi32>,
        %mul3A_89 = arith.constant 64 : i32
        %mul3A_90 = arith.muli %scan3A_51, %mul3A_89 : i32
        %add3A_91 = arith.constant 32 : i32
        %add3A_92 = arith.addi %mul3A_90, %add3A_91 : i32
        %get3A_93 = arith.index_cast %add3A_92 : i32 to index
        %get3A_94 = tpu.vector_load %arg7[%get3A_93] {strides = array<i32>} : memref<10000xi32, #tpu.memory_space<vmem>>, vector<16xi32>,
        %get3A_95 = vector.shape_cast %get3A_94 : vector<16xi32> to vector<16xi32>
        %swap3A_96 = arith.constant 32 : index
        %swap3A_97 = tpu.vector_load %arg10[%swap3A_96] {strides = array<i32>} : memref<64xi32, #tpu.memory_space<vmem>>, vector<16xi32>,
        %swap3A_98 = vector.shape_cast %swap3A_97 : vector<16xi32> to vector<16xi32>
        %swap3A_99 = vector.shape_cast %get3A_95 : vector<16xi32> to vector<16xi32>
        tpu.vector_store %arg10[%swap3A_96], %swap3A_99 {strides = array<i32>} : memref<64xi32, #tpu.memory_space<vmem>>, vector<16xi32>,
        %get3A_100 = arith.index_cast %add3A_92 : i32 to index
        %get3A_101 = tpu.vector_load %arg8[%get3A_100] {strides = array<i32>} : memref<10000xi32, #tpu.memory_space<vmem>>, vector<16xi32>,
        %get3A_102 = vector.shape_cast %get3A_101 : vector<16xi32> to vector<16xi32>
        %swap3A_103 = arith.constant 32 : index
        %swap3A_104 = tpu.vector_load %arg9[%swap3A_103] {strides = array<i32>} : memref<64xi32, #tpu.memory_space<vmem>>, vector<16xi32>,
        %swap3A_105 = vector.shape_cast %swap3A_104 : vector<16xi32> to vector<16xi32>
        %swap3A_106 = vector.shape_cast %get3A_102 : vector<16xi32> to vector<16xi32>
        tpu.vector_store %arg9[%swap3A_103], %swap3A_106 {strides = array<i32>} : memref<64xi32, #tpu.memory_space<vmem>>, vector<16xi32>,
        %mul3A_107 = arith.constant 64 : i32
        %mul3A_108 = arith.muli %scan3A_51, %mul3A_107 : i32
        %add3A_109 = arith.constant 48 : i32
        %add3A_110 = arith.addi %mul3A_108, %add3A_109 : i32
        %get3A_111 = arith.index_cast %add3A_110 : i32 to index
        %get3A_112 = tpu.vector_load %arg7[%get3A_111] {strides = array<i32>} : memref<10000xi32, #tpu.memory_space<vmem>>, vector<16xi32>,
        %get3A_113 = vector.shape_cast %get3A_112 : vector<16xi32> to vector<16xi32>
        %swap3A_114 = arith.constant 48 : index
        %swap3A_115 = tpu.vector_load %arg10[%swap3A_114] {strides = array<i32>} : memref<64xi32, #tpu.memory_space<vmem>>, vector<16xi32>,
        %swap3A_116 = vector.shape_cast %swap3A_115 : vector<16xi32> to vector<16xi32>
        %swap3A_117 = vector.shape_cast %get3A_113 : vector<16xi32> to vector<16xi32>
        tpu.vector_store %arg10[%swap3A_114], %swap3A_117 {strides = array<i32>} : memref<64xi32, #tpu.memory_space<vmem>>, vector<16xi32>,
        %get3A_118 = arith.index_cast %add3A_110 : i32 to index
        %get3A_119 = tpu.vector_load %arg8[%get3A_118] {strides = array<i32>} : memref<10000xi32, #tpu.memory_space<vmem>>, vector<16xi32>,
        %get3A_120 = vector.shape_cast %get3A_119 : vector<16xi32> to vector<16xi32>
        %swap3A_121 = arith.constant 48 : index
        %swap3A_122 = tpu.vector_load %arg9[%swap3A_121] {strides = array<i32>} : memref<64xi32, #tpu.memory_space<vmem>>, vector<16xi32>,
        %swap3A_123 = vector.shape_cast %swap3A_122 : vector<16xi32> to vector<16xi32>
        %swap3A_124 = vector.shape_cast %get3A_120 : vector<16xi32> to vector<16xi32>
        tpu.vector_store %arg9[%swap3A_121], %swap3A_124 {strides = array<i32>} : memref<64xi32, #tpu.memory_space<vmem>>, vector<16xi32>,
        "tpu.region"() ({
          %run_scoped3A = tpu.sem_alloc : memref<!tpu.dma_semaphore, #tpu.memory_space<semaphore_mem>>
          %dma_start3A = arith.constant 0 : i32
          %dma_start3A_126 = arith.constant 0 : i32
          %dma_start3A_127 = tpu.memref_slice %arg2[%dma_start3A, %dma_start3A_126] : memref<10000x128xf32, #tpu.memory_space<hbm>> -> memref<10000x128xf32, #tpu.memory_space<hbm>>
          tpu.enqueue_indirect_dma source(%dma_start3A_127 : memref<10000x128xf32, #tpu.memory_space<hbm>>) target(%arg11 : memref<64x128xf32, #tpu.memory_space<vmem>>) offsets(%arg10 : memref<64xi32, #tpu.memory_space<vmem>>) semaphore(%run_scoped3A : memref<!tpu.dma_semaphore, #tpu.memory_space<semaphore_mem>>)
          %dma_wait3A = arith.constant 0 : i32
          %dma_wait3A_128 = arith.constant 0 : i32
          %dma_wait3A_129 = tpu.memref_slice %arg2[%dma_wait3A, %dma_wait3A_128] : memref<10000x128xf32, #tpu.memory_space<hbm>> -> memref<10000x128xf32, #tpu.memory_space<hbm>>
          tpu.wait_indirect_dma semaphore(%run_scoped3A : memref<!tpu.dma_semaphore, #tpu.memory_space<semaphore_mem>>) src(%dma_wait3A_129 : memref<10000x128xf32, #tpu.memory_space<hbm>>) dst(%arg11 : memref<64x128xf32, #tpu.memory_space<vmem>>)
          tpu.yield
        }) : () -> ()
        "tpu.region"() ({
          %run_scoped3A = tpu.sem_alloc : memref<!tpu.dma_semaphore, #tpu.memory_space<semaphore_mem>>
          %dma_start3A = arith.constant 0 : i32
          %dma_start3A_126 = arith.constant 0 : i32
          %dma_start3A_127 = tpu.memref_slice %arg6[%dma_start3A, %dma_start3A_126] : memref<10112x128xf32, #tpu.memory_space<vmem_shared>> -> memref<10112x128xf32, #tpu.memory_space<vmem_shared>>
          tpu.enqueue_indirect_dma source(%arg11 : memref<64x128xf32, #tpu.memory_space<vmem>>) target(%dma_start3A_127 : memref<10112x128xf32, #tpu.memory_space<vmem_shared>>) offsets(%arg9 : memref<64xi32, #tpu.memory_space<vmem>>) semaphore(%run_scoped3A : memref<!tpu.dma_semaphore, #tpu.memory_space<semaphore_mem>>) {add = true}
          %dma_wait3A = arith.constant 0 : i32
          %dma_wait3A_128 = arith.constant 0 : i32
          %dma_wait3A_129 = tpu.memref_slice %arg6[%dma_wait3A, %dma_wait3A_128] : memref<10112x128xf32, #tpu.memory_space<vmem_shared>> -> memref<10112x128xf32, #tpu.memory_space<vmem_shared>>
          tpu.wait_indirect_dma semaphore(%run_scoped3A : memref<!tpu.dma_semaphore, #tpu.memory_space<semaphore_mem>>) src(%arg11 : memref<64x128xf32, #tpu.memory_space<vmem>>) dst(%dma_wait3A_129 : memref<10112x128xf32, #tpu.memory_space<vmem_shared>>)
          tpu.yield
        }) : () -> ()
        %scan3A_125 = arith.constant 0 : i32
        scf.yield %scan3A_125 : i32
      }
      %scan3A_28 = arith.constant 156 : i32
      %get3A = arith.constant 9984 : index
      %get3A_29 = tpu.vector_load %arg7[%get3A] {strides = array<i32>} : memref<10000xi32, #tpu.memory_space<vmem>>, vector<16xi32>,
      %get3A_30 = vector.shape_cast %get3A_29 : vector<16xi32> to vector<16xi32>
      %swap3A = arith.constant 0 : index
      %swap3A_31 = tpu.vector_load %arg13[%swap3A] {strides = array<i32>} : memref<16xi32, #tpu.memory_space<vmem>>, vector<16xi32>,
      %swap3A_32 = vector.shape_cast %swap3A_31 : vector<16xi32> to vector<16xi32>
      %swap3A_33 = vector.shape_cast %get3A_30 : vector<16xi32> to vector<16xi32>
      tpu.vector_store %arg13[%swap3A], %swap3A_33 {strides = array<i32>} : memref<16xi32, #tpu.memory_space<vmem>>, vector<16xi32>,
      %get3A_34 = arith.constant 9984 : index
      %get3A_35 = tpu.vector_load %arg8[%get3A_34] {strides = array<i32>} : memref<10000xi32, #tpu.memory_space<vmem>>, vector<16xi32>,
      %get3A_36 = vector.shape_cast %get3A_35 : vector<16xi32> to vector<16xi32>
      %swap3A_37 = arith.constant 0 : index
      %swap3A_38 = tpu.vector_load %arg12[%swap3A_37] {strides = array<i32>} : memref<16xi32, #tpu.memory_space<vmem>>, vector<16xi32>,
      %swap3A_39 = vector.shape_cast %swap3A_38 : vector<16xi32> to vector<16xi32>
      %swap3A_40 = vector.shape_cast %get3A_36 : vector<16xi32> to vector<16xi32>
      tpu.vector_store %arg12[%swap3A_37], %swap3A_40 {strides = array<i32>} : memref<16xi32, #tpu.memory_space<vmem>>, vector<16xi32>,
      "tpu.region"() ({
        %run_scoped3A = tpu.sem_alloc : memref<!tpu.dma_semaphore, #tpu.memory_space<semaphore_mem>>
        %dma_start3A = arith.constant 0 : i32
        %dma_start3A_51 = arith.constant 0 : i32
        %dma_start3A_52 = tpu.memref_slice %arg2[%dma_start3A, %dma_start3A_51] : memref<10000x128xf32, #tpu.memory_space<hbm>> -> memref<10000x128xf32, #tpu.memory_space<hbm>>
        tpu.enqueue_indirect_dma source(%dma_start3A_52 : memref<10000x128xf32, #tpu.memory_space<hbm>>) target(%arg14 : memref<16x128xf32, #tpu.memory_space<vmem>>) offsets(%arg13 : memref<16xi32, #tpu.memory_space<vmem>>) semaphore(%run_scoped3A : memref<!tpu.dma_semaphore, #tpu.memory_space<semaphore_mem>>)
        %dma_wait3A = arith.constant 0 : i32
        %dma_wait3A_53 = arith.constant 0 : i32
        %dma_wait3A_54 = tpu.memref_slice %arg2[%dma_wait3A, %dma_wait3A_53] : memref<10000x128xf32, #tpu.memory_space<hbm>> -> memref<10000x128xf32, #tpu.memory_space<hbm>>
        tpu.wait_indirect_dma semaphore(%run_scoped3A : memref<!tpu.dma_semaphore, #tpu.memory_space<semaphore_mem>>) src(%dma_wait3A_54 : memref<10000x128xf32, #tpu.memory_space<hbm>>) dst(%arg14 : memref<16x128xf32, #tpu.memory_space<vmem>>)
        tpu.yield
      }) : () -> ()
      "tpu.region"() ({
        %run_scoped3A = tpu.sem_alloc : memref<!tpu.dma_semaphore, #tpu.memory_space<semaphore_mem>>
        %dma_start3A = arith.constant 0 : i32
        %dma_start3A_51 = arith.constant 0 : i32
        %dma_start3A_52 = tpu.memref_slice %arg6[%dma_start3A, %dma_start3A_51] : memref<10112x128xf32, #tpu.memory_space<vmem_shared>> -> memref<10112x128xf32, #tpu.memory_space<vmem_shared>>
        tpu.enqueue_indirect_dma source(%arg14 : memref<16x128xf32, #tpu.memory_space<vmem>>) target(%dma_start3A_52 : memref<10112x128xf32, #tpu.memory_space<vmem_shared>>) offsets(%arg12 : memref<16xi32, #tpu.memory_space<vmem>>) semaphore(%run_scoped3A : memref<!tpu.dma_semaphore, #tpu.memory_space<semaphore_mem>>) {add = true}
        %dma_wait3A = arith.constant 0 : i32
        %dma_wait3A_53 = arith.constant 0 : i32
        %dma_wait3A_54 = tpu.memref_slice %arg6[%dma_wait3A, %dma_wait3A_53] : memref<10112x128xf32, #tpu.memory_space<vmem_shared>> -> memref<10112x128xf32, #tpu.memory_space<vmem_shared>>
        tpu.wait_indirect_dma semaphore(%run_scoped3A : memref<!tpu.dma_semaphore, #tpu.memory_space<semaphore_mem>>) src(%arg14 : memref<16x128xf32, #tpu.memory_space<vmem>>) dst(%dma_wait3A_54 : memref<10112x128xf32, #tpu.memory_space<vmem_shared>>)
        tpu.yield
      }) : () -> ()
      %barrier3A_41 = arith.constant 0 : index
      tpu.barrier barrier_id(%barrier3A_41)
      %mul3A_42 = arith.constant 624 : i32
      %mul3A_43 = arith.muli %arg1, %mul3A_42 : i32
      %mul3A_44 = arith.constant 624 : i32
      %mul3A_45 = arith.muli %arg1, %mul3A_44 : i32
      "tpu.region"() ({
        %run_scoped3A = tpu.sem_alloc : memref<!tpu.dma_semaphore, #tpu.memory_space<semaphore_mem>>
        %dma_start3A = arith.constant 0 : i32
        %dma_start3A_51 = tpu.memref_slice %arg5[%mul3A_45, %dma_start3A] : memref<10000x128xf32, #tpu.memory_space<hbm>> -> memref<624x128xf32, #tpu.memory_space<hbm>>
        %dma_start3A_52 = arith.constant 0 : i32
        %dma_start3A_53 = tpu.memref_slice %arg6[%mul3A_43, %dma_start3A_52] : memref<10112x128xf32, #tpu.memory_space<vmem_shared>> -> memref<624x128xf32, #tpu.memory_space<vmem_shared>>
        tpu.enqueue_dma source(%dma_start3A_53 : memref<624x128xf32, #tpu.memory_space<vmem_shared>>) target(%dma_start3A_51 : memref<624x128xf32, #tpu.memory_space<hbm>>) target_semaphore(%run_scoped3A : memref<!tpu.dma_semaphore, #tpu.memory_space<semaphore_mem>>)
        %dma_wait3A = arith.constant 0 : i32
        %dma_wait3A_54 = tpu.memref_slice %arg5[%mul3A_45, %dma_wait3A] : memref<10000x128xf32, #tpu.memory_space<hbm>> -> memref<624x128xf32, #tpu.memory_space<hbm>>
        %dma_wait3A_55 = arith.constant 0 : i32
        %dma_wait3A_56 = tpu.memref_slice %arg6[%mul3A_43, %dma_wait3A_55] : memref<10112x128xf32, #tpu.memory_space<vmem_shared>> -> memref<624x128xf32, #tpu.memory_space<vmem_shared>>
        tpu.wait_dma2 semaphore(%run_scoped3A : memref<!tpu.dma_semaphore, #tpu.memory_space<semaphore_mem>>) src(%dma_wait3A_56 : memref<624x128xf32, #tpu.memory_space<vmem_shared>>) dst(%dma_wait3A_54 : memref<624x128xf32, #tpu.memory_space<hbm>>)
        tpu.yield
      }) : () -> ()
      %eq3A_46 = arith.constant 15 : i32
      %eq3A_47 = arith.cmpi eq, %arg1, %eq3A_46 : i32
      %convert_element_type3A_48 = arith.extui %eq3A_47 : i1 to i32
      %cond3A_49 = arith.constant 0 : i32
      %cond3A_50 = arith.cmpi ne, %convert_element_type3A_48, %cond3A_49 : i32
      scf.if %cond3A_50 {
        "tpu.region"() ({
          %run_scoped3A = tpu.sem_alloc : memref<!tpu.dma_semaphore, #tpu.memory_space<semaphore_mem>>
          %dma_start3A = arith.constant 9984 : i32
          %dma_start3A_51 = arith.constant 0 : i32
          %dma_start3A_52 = tpu.memref_slice %arg5[%dma_start3A, %dma_start3A_51] : memref<10000x128xf32, #tpu.memory_space<hbm>> -> memref<16x128xf32, #tpu.memory_space<hbm>>
          %dma_start3A_53 = arith.constant 9984 : i32
          %dma_start3A_54 = arith.constant 0 : i32
          %dma_start3A_55 = tpu.memref_slice %arg6[%dma_start3A_53, %dma_start3A_54] : memref<10112x128xf32, #tpu.memory_space<vmem_shared>> -> memref<16x128xf32, #tpu.memory_space<vmem_shared>>
          tpu.enqueue_dma source(%dma_start3A_55 : memref<16x128xf32, #tpu.memory_space<vmem_shared>>) target(%dma_start3A_52 : memref<16x128xf32, #tpu.memory_space<hbm>>) target_semaphore(%run_scoped3A : memref<!tpu.dma_semaphore, #tpu.memory_space<semaphore_mem>>)
          %dma_wait3A = arith.constant 9984 : i32
          %dma_wait3A_56 = arith.constant 0 : i32
          %dma_wait3A_57 = tpu.memref_slice %arg5[%dma_wait3A, %dma_wait3A_56] : memref<10000x128xf32, #tpu.memory_space<hbm>> -> memref<16x128xf32, #tpu.memory_space<hbm>>
          %dma_wait3A_58 = arith.constant 9984 : i32
          %dma_wait3A_59 = arith.constant 0 : i32
          %dma_wait3A_60 = tpu.memref_slice %arg6[%dma_wait3A_58, %dma_wait3A_59] : memref<10112x128xf32, #tpu.memory_space<vmem_shared>> -> memref<16x128xf32, #tpu.memory_space<vmem_shared>>
          tpu.wait_dma2 semaphore(%run_scoped3A : memref<!tpu.dma_semaphore, #tpu.memory_space<semaphore_mem>>) src(%dma_wait3A_60 : memref<16x128xf32, #tpu.memory_space<vmem_shared>>) dst(%dma_wait3A_57 : memref<16x128xf32, #tpu.memory_space<hbm>>)
          tpu.yield
        }) : () -> ()
      } else {
      }
    } else {
    }
    return
  }
}

#map = affine_map<(d0, d1) -> (0, 0)>
#map1 = affine_map<(d0, d1) -> (0)>
#map2 = affine_map<(d0, d1) -> (0, 0, 0)>
module attributes {stable_mosaic.version = 14 : i64} {
  func.func @sc_beta_gather(%arg0: i32, %arg1: i32, %arg2: memref<10000x128xf32, #tpu.memory_space<hbm>>, %arg3: memref<81920xi32, #tpu.memory_space<hbm>>, %arg4: memref<160000xi32, #tpu.memory_space<hbm>>, %arg5: memref<160000xi32, #tpu.memory_space<hbm>>, %arg6: memref<10000x128xf32, #tpu.memory_space<hbm>>, %arg7: memref<10000x128xf32, #tpu.memory_space<hbm>>, %arg8: memref<10000x128xf32, #tpu.memory_space<hbm>>, %arg9: memref<32x16xi32, #tpu.memory_space<hbm>>, %arg10: memref<2x8x16xi32, #tpu.memory_space<hbm>>, %arg11: memref<80x128xf32, #tpu.memory_space<hbm>>, %arg12: memref<32xi32, #tpu.memory_space<hbm>>, %arg13: memref<16x16xi32, #tpu.memory_space<vmem_shared>>, %arg14: memref<80128xi32, #tpu.memory_space<vmem>>, %arg15: memref<5016xi32, #tpu.memory_space<vmem>>, %arg16: memref<5016xi32, #tpu.memory_space<vmem>>, %arg17: memref<16x16xi32, #tpu.memory_space<vmem>>, %arg18: memref<32x16xi32, #tpu.memory_space<vmem>>, %arg19: memref<16xi32, #tpu.memory_space<vmem>>, %arg20: memref<16x16xi32, #tpu.memory_space<vmem>>, %arg21: memref<16x128xf32, #tpu.memory_space<vmem>>, %arg22: memref<16xi32, #tpu.memory_space<vmem>>, %arg23: memref<16xi32, #tpu.memory_space<vmem>>) attributes {dimension_semantics = [#tpu.dimension_semantics<core_parallel>, #tpu.dimension_semantics<subcore_parallel>], iteration_bounds = array<i64: 2, 16>, scalar_prefetch = 0 : i64, scratch_operands = 11 : i64, tpu.core_type = #tpu.core_type<sc_vector_subcore>, window_params = [{transform_indices = #map}, {transform_indices = #map1}, {transform_indices = #map1}, {transform_indices = #map1}, {transform_indices = #map}, {transform_indices = #map}, {transform_indices = #map}, {transform_indices = #map}, {transform_indices = #map2}, {transform_indices = #map}, {transform_indices = #map1}]} {
    %mul3A = arith.constant 16 : i32
    %mul3A_0 = arith.muli %arg0, %mul3A : i32
    %add3A = arith.addi %mul3A_0, %arg1 : i32
    %iota3A = tpu.iota {dimensions = array<i32: 0>} : vector<16xi32>
    %broadcast_in_dim3A = arith.constant 0 : i32
    %broadcast_in_dim3A_1 = vector.broadcast %broadcast_in_dim3A : i32 to vector<16xi32>
    "tpu.region"() ({
      %run_scoped3A = tpu.sem_alloc : memref<!tpu.dma_semaphore, #tpu.memory_space<semaphore_mem>>
      tpu.enqueue_dma source(%arg9 : memref<32x16xi32, #tpu.memory_space<hbm>>) target(%arg18 : memref<32x16xi32, #tpu.memory_space<vmem>>) target_semaphore(%run_scoped3A : memref<!tpu.dma_semaphore, #tpu.memory_space<semaphore_mem>>)
      tpu.wait_dma2 semaphore(%run_scoped3A : memref<!tpu.dma_semaphore, #tpu.memory_space<semaphore_mem>>) src(%arg9 : memref<32x16xi32, #tpu.memory_space<hbm>>) dst(%arg18 : memref<32x16xi32, #tpu.memory_space<vmem>>)
      tpu.yield
    }) : () -> ()
    %swap3A = arith.constant 0 : i32
    %swap3A_2 = arith.index_cast %swap3A : i32 to index
    %swap3A_3 = arith.constant 0 : index
    %swap3A_4 = tpu.vector_load %arg17[%swap3A_2, %swap3A_3] {strides = array<i32>} : memref<16x16xi32, #tpu.memory_space<vmem>>, vector<16xi32>,
    tpu.vector_store %arg17[%swap3A_2, %swap3A_3], %broadcast_in_dim3A_1 {strides = array<i32>} : memref<16x16xi32, #tpu.memory_space<vmem>>, vector<16xi32>,
    %swap3A_5 = arith.constant 0 : i32
    %swap3A_6 = arith.index_cast %swap3A_5 : i32 to index
    %swap3A_7 = arith.constant 0 : index
    %swap3A_8 = tpu.vector_load %arg20[%swap3A_6, %swap3A_7] {strides = array<i32>} : memref<16x16xi32, #tpu.memory_space<vmem>>, vector<16xi32>,
    tpu.vector_store %arg20[%swap3A_6, %swap3A_7], %broadcast_in_dim3A_1 {strides = array<i32>} : memref<16x16xi32, #tpu.memory_space<vmem>>, vector<16xi32>,
    %swap3A_9 = arith.constant 1 : i32
    %swap3A_10 = arith.index_cast %swap3A_9 : i32 to index
    %swap3A_11 = arith.constant 0 : index
    %swap3A_12 = tpu.vector_load %arg17[%swap3A_10, %swap3A_11] {strides = array<i32>} : memref<16x16xi32, #tpu.memory_space<vmem>>, vector<16xi32>,
    tpu.vector_store %arg17[%swap3A_10, %swap3A_11], %broadcast_in_dim3A_1 {strides = array<i32>} : memref<16x16xi32, #tpu.memory_space<vmem>>, vector<16xi32>,
    %swap3A_13 = arith.constant 1 : i32
    %swap3A_14 = arith.index_cast %swap3A_13 : i32 to index
    %swap3A_15 = arith.constant 0 : index
    %swap3A_16 = tpu.vector_load %arg20[%swap3A_14, %swap3A_15] {strides = array<i32>} : memref<16x16xi32, #tpu.memory_space<vmem>>, vector<16xi32>,
    tpu.vector_store %arg20[%swap3A_14, %swap3A_15], %broadcast_in_dim3A_1 {strides = array<i32>} : memref<16x16xi32, #tpu.memory_space<vmem>>, vector<16xi32>,
    %swap3A_17 = arith.constant 2 : i32
    %swap3A_18 = arith.index_cast %swap3A_17 : i32 to index
    %swap3A_19 = arith.constant 0 : index
    %swap3A_20 = tpu.vector_load %arg17[%swap3A_18, %swap3A_19] {strides = array<i32>} : memref<16x16xi32, #tpu.memory_space<vmem>>, vector<16xi32>,
    tpu.vector_store %arg17[%swap3A_18, %swap3A_19], %broadcast_in_dim3A_1 {strides = array<i32>} : memref<16x16xi32, #tpu.memory_space<vmem>>, vector<16xi32>,
    %swap3A_21 = arith.constant 2 : i32
    %swap3A_22 = arith.index_cast %swap3A_21 : i32 to index
    %swap3A_23 = arith.constant 0 : index
    %swap3A_24 = tpu.vector_load %arg20[%swap3A_22, %swap3A_23] {strides = array<i32>} : memref<16x16xi32, #tpu.memory_space<vmem>>, vector<16xi32>,
    tpu.vector_store %arg20[%swap3A_22, %swap3A_23], %broadcast_in_dim3A_1 {strides = array<i32>} : memref<16x16xi32, #tpu.memory_space<vmem>>, vector<16xi32>,
    %swap3A_25 = arith.constant 3 : i32
    %swap3A_26 = arith.index_cast %swap3A_25 : i32 to index
    %swap3A_27 = arith.constant 0 : index
    %swap3A_28 = tpu.vector_load %arg17[%swap3A_26, %swap3A_27] {strides = array<i32>} : memref<16x16xi32, #tpu.memory_space<vmem>>, vector<16xi32>,
    tpu.vector_store %arg17[%swap3A_26, %swap3A_27], %broadcast_in_dim3A_1 {strides = array<i32>} : memref<16x16xi32, #tpu.memory_space<vmem>>, vector<16xi32>,
    %swap3A_29 = arith.constant 3 : i32
    %swap3A_30 = arith.index_cast %swap3A_29 : i32 to index
    %swap3A_31 = arith.constant 0 : index
    %swap3A_32 = tpu.vector_load %arg20[%swap3A_30, %swap3A_31] {strides = array<i32>} : memref<16x16xi32, #tpu.memory_space<vmem>>, vector<16xi32>,
    tpu.vector_store %arg20[%swap3A_30, %swap3A_31], %broadcast_in_dim3A_1 {strides = array<i32>} : memref<16x16xi32, #tpu.memory_space<vmem>>, vector<16xi32>,
    %swap3A_33 = arith.constant 4 : i32
    %swap3A_34 = arith.index_cast %swap3A_33 : i32 to index
    %swap3A_35 = arith.constant 0 : index
    %swap3A_36 = tpu.vector_load %arg17[%swap3A_34, %swap3A_35] {strides = array<i32>} : memref<16x16xi32, #tpu.memory_space<vmem>>, vector<16xi32>,
    tpu.vector_store %arg17[%swap3A_34, %swap3A_35], %broadcast_in_dim3A_1 {strides = array<i32>} : memref<16x16xi32, #tpu.memory_space<vmem>>, vector<16xi32>,
    %swap3A_37 = arith.constant 4 : i32
    %swap3A_38 = arith.index_cast %swap3A_37 : i32 to index
    %swap3A_39 = arith.constant 0 : index
    %swap3A_40 = tpu.vector_load %arg20[%swap3A_38, %swap3A_39] {strides = array<i32>} : memref<16x16xi32, #tpu.memory_space<vmem>>, vector<16xi32>,
    tpu.vector_store %arg20[%swap3A_38, %swap3A_39], %broadcast_in_dim3A_1 {strides = array<i32>} : memref<16x16xi32, #tpu.memory_space<vmem>>, vector<16xi32>,
    %swap3A_41 = arith.constant 5 : i32
    %swap3A_42 = arith.index_cast %swap3A_41 : i32 to index
    %swap3A_43 = arith.constant 0 : index
    %swap3A_44 = tpu.vector_load %arg17[%swap3A_42, %swap3A_43] {strides = array<i32>} : memref<16x16xi32, #tpu.memory_space<vmem>>, vector<16xi32>,
    tpu.vector_store %arg17[%swap3A_42, %swap3A_43], %broadcast_in_dim3A_1 {strides = array<i32>} : memref<16x16xi32, #tpu.memory_space<vmem>>, vector<16xi32>,
    %swap3A_45 = arith.constant 5 : i32
    %swap3A_46 = arith.index_cast %swap3A_45 : i32 to index
    %swap3A_47 = arith.constant 0 : index
    %swap3A_48 = tpu.vector_load %arg20[%swap3A_46, %swap3A_47] {strides = array<i32>} : memref<16x16xi32, #tpu.memory_space<vmem>>, vector<16xi32>,
    tpu.vector_store %arg20[%swap3A_46, %swap3A_47], %broadcast_in_dim3A_1 {strides = array<i32>} : memref<16x16xi32, #tpu.memory_space<vmem>>, vector<16xi32>,
    %swap3A_49 = arith.constant 6 : i32
    %swap3A_50 = arith.index_cast %swap3A_49 : i32 to index
    %swap3A_51 = arith.constant 0 : index
    %swap3A_52 = tpu.vector_load %arg17[%swap3A_50, %swap3A_51] {strides = array<i32>} : memref<16x16xi32, #tpu.memory_space<vmem>>, vector<16xi32>,
    tpu.vector_store %arg17[%swap3A_50, %swap3A_51], %broadcast_in_dim3A_1 {strides = array<i32>} : memref<16x16xi32, #tpu.memory_space<vmem>>, vector<16xi32>,
    %swap3A_53 = arith.constant 6 : i32
    %swap3A_54 = arith.index_cast %swap3A_53 : i32 to index
    %swap3A_55 = arith.constant 0 : index
    %swap3A_56 = tpu.vector_load %arg20[%swap3A_54, %swap3A_55] {strides = array<i32>} : memref<16x16xi32, #tpu.memory_space<vmem>>, vector<16xi32>,
    tpu.vector_store %arg20[%swap3A_54, %swap3A_55], %broadcast_in_dim3A_1 {strides = array<i32>} : memref<16x16xi32, #tpu.memory_space<vmem>>, vector<16xi32>,
    %swap3A_57 = arith.constant 7 : i32
    %swap3A_58 = arith.index_cast %swap3A_57 : i32 to index
    %swap3A_59 = arith.constant 0 : index
    %swap3A_60 = tpu.vector_load %arg17[%swap3A_58, %swap3A_59] {strides = array<i32>} : memref<16x16xi32, #tpu.memory_space<vmem>>, vector<16xi32>,
    tpu.vector_store %arg17[%swap3A_58, %swap3A_59], %broadcast_in_dim3A_1 {strides = array<i32>} : memref<16x16xi32, #tpu.memory_space<vmem>>, vector<16xi32>,
    %swap3A_61 = arith.constant 7 : i32
    %swap3A_62 = arith.index_cast %swap3A_61 : i32 to index
    %swap3A_63 = arith.constant 0 : index
    %swap3A_64 = tpu.vector_load %arg20[%swap3A_62, %swap3A_63] {strides = array<i32>} : memref<16x16xi32, #tpu.memory_space<vmem>>, vector<16xi32>,
    tpu.vector_store %arg20[%swap3A_62, %swap3A_63], %broadcast_in_dim3A_1 {strides = array<i32>} : memref<16x16xi32, #tpu.memory_space<vmem>>, vector<16xi32>,
    %swap3A_65 = arith.constant 8 : i32
    %swap3A_66 = arith.index_cast %swap3A_65 : i32 to index
    %swap3A_67 = arith.constant 0 : index
    %swap3A_68 = tpu.vector_load %arg17[%swap3A_66, %swap3A_67] {strides = array<i32>} : memref<16x16xi32, #tpu.memory_space<vmem>>, vector<16xi32>,
    tpu.vector_store %arg17[%swap3A_66, %swap3A_67], %broadcast_in_dim3A_1 {strides = array<i32>} : memref<16x16xi32, #tpu.memory_space<vmem>>, vector<16xi32>,
    %swap3A_69 = arith.constant 8 : i32
    %swap3A_70 = arith.index_cast %swap3A_69 : i32 to index
    %swap3A_71 = arith.constant 0 : index
    %swap3A_72 = tpu.vector_load %arg20[%swap3A_70, %swap3A_71] {strides = array<i32>} : memref<16x16xi32, #tpu.memory_space<vmem>>, vector<16xi32>,
    tpu.vector_store %arg20[%swap3A_70, %swap3A_71], %broadcast_in_dim3A_1 {strides = array<i32>} : memref<16x16xi32, #tpu.memory_space<vmem>>, vector<16xi32>,
    %swap3A_73 = arith.constant 9 : i32
    %swap3A_74 = arith.index_cast %swap3A_73 : i32 to index
    %swap3A_75 = arith.constant 0 : index
    %swap3A_76 = tpu.vector_load %arg17[%swap3A_74, %swap3A_75] {strides = array<i32>} : memref<16x16xi32, #tpu.memory_space<vmem>>, vector<16xi32>,
    tpu.vector_store %arg17[%swap3A_74, %swap3A_75], %broadcast_in_dim3A_1 {strides = array<i32>} : memref<16x16xi32, #tpu.memory_space<vmem>>, vector<16xi32>,
    %swap3A_77 = arith.constant 9 : i32
    %swap3A_78 = arith.index_cast %swap3A_77 : i32 to index
    %swap3A_79 = arith.constant 0 : index
    %swap3A_80 = tpu.vector_load %arg20[%swap3A_78, %swap3A_79] {strides = array<i32>} : memref<16x16xi32, #tpu.memory_space<vmem>>, vector<16xi32>,
    tpu.vector_store %arg20[%swap3A_78, %swap3A_79], %broadcast_in_dim3A_1 {strides = array<i32>} : memref<16x16xi32, #tpu.memory_space<vmem>>, vector<16xi32>,
    %swap3A_81 = arith.constant 10 : i32
    %swap3A_82 = arith.index_cast %swap3A_81 : i32 to index
    %swap3A_83 = arith.constant 0 : index
    %swap3A_84 = tpu.vector_load %arg17[%swap3A_82, %swap3A_83] {strides = array<i32>} : memref<16x16xi32, #tpu.memory_space<vmem>>, vector<16xi32>,
    tpu.vector_store %arg17[%swap3A_82, %swap3A_83], %broadcast_in_dim3A_1 {strides = array<i32>} : memref<16x16xi32, #tpu.memory_space<vmem>>, vector<16xi32>,
    %swap3A_85 = arith.constant 10 : i32
    %swap3A_86 = arith.index_cast %swap3A_85 : i32 to index
    %swap3A_87 = arith.constant 0 : index
    %swap3A_88 = tpu.vector_load %arg20[%swap3A_86, %swap3A_87] {strides = array<i32>} : memref<16x16xi32, #tpu.memory_space<vmem>>, vector<16xi32>,
    tpu.vector_store %arg20[%swap3A_86, %swap3A_87], %broadcast_in_dim3A_1 {strides = array<i32>} : memref<16x16xi32, #tpu.memory_space<vmem>>, vector<16xi32>,
    %swap3A_89 = arith.constant 11 : i32
    %swap3A_90 = arith.index_cast %swap3A_89 : i32 to index
    %swap3A_91 = arith.constant 0 : index
    %swap3A_92 = tpu.vector_load %arg17[%swap3A_90, %swap3A_91] {strides = array<i32>} : memref<16x16xi32, #tpu.memory_space<vmem>>, vector<16xi32>,
    tpu.vector_store %arg17[%swap3A_90, %swap3A_91], %broadcast_in_dim3A_1 {strides = array<i32>} : memref<16x16xi32, #tpu.memory_space<vmem>>, vector<16xi32>,
    %swap3A_93 = arith.constant 11 : i32
    %swap3A_94 = arith.index_cast %swap3A_93 : i32 to index
    %swap3A_95 = arith.constant 0 : index
    %swap3A_96 = tpu.vector_load %arg20[%swap3A_94, %swap3A_95] {strides = array<i32>} : memref<16x16xi32, #tpu.memory_space<vmem>>, vector<16xi32>,
    tpu.vector_store %arg20[%swap3A_94, %swap3A_95], %broadcast_in_dim3A_1 {strides = array<i32>} : memref<16x16xi32, #tpu.memory_space<vmem>>, vector<16xi32>,
    %swap3A_97 = arith.constant 12 : i32
    %swap3A_98 = arith.index_cast %swap3A_97 : i32 to index
    %swap3A_99 = arith.constant 0 : index
    %swap3A_100 = tpu.vector_load %arg17[%swap3A_98, %swap3A_99] {strides = array<i32>} : memref<16x16xi32, #tpu.memory_space<vmem>>, vector<16xi32>,
    tpu.vector_store %arg17[%swap3A_98, %swap3A_99], %broadcast_in_dim3A_1 {strides = array<i32>} : memref<16x16xi32, #tpu.memory_space<vmem>>, vector<16xi32>,
    %swap3A_101 = arith.constant 12 : i32
    %swap3A_102 = arith.index_cast %swap3A_101 : i32 to index
    %swap3A_103 = arith.constant 0 : index
    %swap3A_104 = tpu.vector_load %arg20[%swap3A_102, %swap3A_103] {strides = array<i32>} : memref<16x16xi32, #tpu.memory_space<vmem>>, vector<16xi32>,
    tpu.vector_store %arg20[%swap3A_102, %swap3A_103], %broadcast_in_dim3A_1 {strides = array<i32>} : memref<16x16xi32, #tpu.memory_space<vmem>>, vector<16xi32>,
    %swap3A_105 = arith.constant 13 : i32
    %swap3A_106 = arith.index_cast %swap3A_105 : i32 to index
    %swap3A_107 = arith.constant 0 : index
    %swap3A_108 = tpu.vector_load %arg17[%swap3A_106, %swap3A_107] {strides = array<i32>} : memref<16x16xi32, #tpu.memory_space<vmem>>, vector<16xi32>,
    tpu.vector_store %arg17[%swap3A_106, %swap3A_107], %broadcast_in_dim3A_1 {strides = array<i32>} : memref<16x16xi32, #tpu.memory_space<vmem>>, vector<16xi32>,
    %swap3A_109 = arith.constant 13 : i32
    %swap3A_110 = arith.index_cast %swap3A_109 : i32 to index
    %swap3A_111 = arith.constant 0 : index
    %swap3A_112 = tpu.vector_load %arg20[%swap3A_110, %swap3A_111] {strides = array<i32>} : memref<16x16xi32, #tpu.memory_space<vmem>>, vector<16xi32>,
    tpu.vector_store %arg20[%swap3A_110, %swap3A_111], %broadcast_in_dim3A_1 {strides = array<i32>} : memref<16x16xi32, #tpu.memory_space<vmem>>, vector<16xi32>,
    %swap3A_113 = arith.constant 14 : i32
    %swap3A_114 = arith.index_cast %swap3A_113 : i32 to index
    %swap3A_115 = arith.constant 0 : index
    %swap3A_116 = tpu.vector_load %arg17[%swap3A_114, %swap3A_115] {strides = array<i32>} : memref<16x16xi32, #tpu.memory_space<vmem>>, vector<16xi32>,
    tpu.vector_store %arg17[%swap3A_114, %swap3A_115], %broadcast_in_dim3A_1 {strides = array<i32>} : memref<16x16xi32, #tpu.memory_space<vmem>>, vector<16xi32>,
    %swap3A_117 = arith.constant 14 : i32
    %swap3A_118 = arith.index_cast %swap3A_117 : i32 to index
    %swap3A_119 = arith.constant 0 : index
    %swap3A_120 = tpu.vector_load %arg20[%swap3A_118, %swap3A_119] {strides = array<i32>} : memref<16x16xi32, #tpu.memory_space<vmem>>, vector<16xi32>,
    tpu.vector_store %arg20[%swap3A_118, %swap3A_119], %broadcast_in_dim3A_1 {strides = array<i32>} : memref<16x16xi32, #tpu.memory_space<vmem>>, vector<16xi32>,
    %swap3A_121 = arith.constant 15 : i32
    %swap3A_122 = arith.index_cast %swap3A_121 : i32 to index
    %swap3A_123 = arith.constant 0 : index
    %swap3A_124 = tpu.vector_load %arg17[%swap3A_122, %swap3A_123] {strides = array<i32>} : memref<16x16xi32, #tpu.memory_space<vmem>>, vector<16xi32>,
    tpu.vector_store %arg17[%swap3A_122, %swap3A_123], %broadcast_in_dim3A_1 {strides = array<i32>} : memref<16x16xi32, #tpu.memory_space<vmem>>, vector<16xi32>,
    %swap3A_125 = arith.constant 15 : i32
    %swap3A_126 = arith.index_cast %swap3A_125 : i32 to index
    %swap3A_127 = arith.constant 0 : index
    %swap3A_128 = tpu.vector_load %arg20[%swap3A_126, %swap3A_127] {strides = array<i32>} : memref<16x16xi32, #tpu.memory_space<vmem>>, vector<16xi32>,
    tpu.vector_store %arg20[%swap3A_126, %swap3A_127], %broadcast_in_dim3A_1 {strides = array<i32>} : memref<16x16xi32, #tpu.memory_space<vmem>>, vector<16xi32>,
    %swap3A_129 = arith.constant 0 : index
    %swap3A_130 = tpu.vector_load %arg19[%swap3A_129] {strides = array<i32>} : memref<16xi32, #tpu.memory_space<vmem>>, vector<16xi32>,
    %swap3A_131 = vector.shape_cast %swap3A_130 : vector<16xi32> to vector<16xi32>
    %swap3A_132 = vector.shape_cast %iota3A : vector<16xi32> to vector<16xi32>
    tpu.vector_store %arg19[%swap3A_129], %swap3A_132 {strides = array<i32>} : memref<16xi32, #tpu.memory_space<vmem>>, vector<16xi32>,
    %eq3A = arith.constant 0 : i32
    %eq3A_133 = arith.cmpi eq, %arg1, %eq3A : i32
    %convert_element_type3A = arith.extui %eq3A_133 : i1 to i32
    %cond3A = arith.constant 0 : i32
    %cond3A_134 = arith.cmpi ne, %convert_element_type3A, %cond3A : i32
    scf.if %cond3A_134 {
      "tpu.region"() ({
        %run_scoped3A = tpu.sem_alloc : memref<!tpu.dma_semaphore, #tpu.memory_space<semaphore_mem>>
        tpu.enqueue_dma source(%arg20 : memref<16x16xi32, #tpu.memory_space<vmem>>) target(%arg13 : memref<16x16xi32, #tpu.memory_space<vmem_shared>>) target_semaphore(%run_scoped3A : memref<!tpu.dma_semaphore, #tpu.memory_space<semaphore_mem>>)
        tpu.wait_dma2 semaphore(%run_scoped3A : memref<!tpu.dma_semaphore, #tpu.memory_space<semaphore_mem>>) src(%arg20 : memref<16x16xi32, #tpu.memory_space<vmem>>) dst(%arg13 : memref<16x16xi32, #tpu.memory_space<vmem_shared>>)
        tpu.yield
      }) : () -> ()
    } else {
    }
    "tpu.region"() ({
      %run_scoped3A = tpu.sem_alloc : memref<!tpu.dma_semaphore, #tpu.memory_space<semaphore_mem>>
      %dma_start3A = arith.constant 0 : i32
      %dma_start3A_221 = tpu.memref_slice %arg3[%dma_start3A] : memref<81920xi32, #tpu.memory_space<hbm>> -> memref<80128xi32, #tpu.memory_space<hbm>>
      %dma_start3A_222 = arith.constant 0 : i32
      %dma_start3A_223 = tpu.memref_slice %arg3[%dma_start3A_222] : memref<81920xi32, #tpu.memory_space<hbm>> -> memref<80128xi32, #tpu.memory_space<hbm>>
      tpu.enqueue_dma source(%dma_start3A_223 : memref<80128xi32, #tpu.memory_space<hbm>>) target(%arg14 : memref<80128xi32, #tpu.memory_space<vmem>>) target_semaphore(%run_scoped3A : memref<!tpu.dma_semaphore, #tpu.memory_space<semaphore_mem>>)
      %dma_wait3A = arith.constant 0 : i32
      %dma_wait3A_224 = tpu.memref_slice %arg3[%dma_wait3A] : memref<81920xi32, #tpu.memory_space<hbm>> -> memref<80128xi32, #tpu.memory_space<hbm>>
      %dma_wait3A_225 = arith.constant 0 : i32
      %dma_wait3A_226 = tpu.memref_slice %arg3[%dma_wait3A_225] : memref<81920xi32, #tpu.memory_space<hbm>> -> memref<80128xi32, #tpu.memory_space<hbm>>
      tpu.wait_dma2 semaphore(%run_scoped3A : memref<!tpu.dma_semaphore, #tpu.memory_space<semaphore_mem>>) src(%dma_wait3A_226 : memref<80128xi32, #tpu.memory_space<hbm>>) dst(%arg14 : memref<80128xi32, #tpu.memory_space<vmem>>)
      tpu.yield
    }) : () -> ()
    %mul3A_135 = arith.constant 5000 : i32
    %mul3A_136 = arith.muli %add3A, %mul3A_135 : i32
    "tpu.region"() ({
      %run_scoped3A = tpu.sem_alloc : memref<!tpu.dma_semaphore, #tpu.memory_space<semaphore_mem>>
      %dma_start3A = arith.constant 0 : i32
      %dma_start3A_221 = tpu.memref_slice %arg15[%dma_start3A] : memref<5016xi32, #tpu.memory_space<vmem>> -> memref<5000xi32, #tpu.memory_space<vmem>>
      %dma_start3A_222 = tpu.memref_slice %arg4[%mul3A_136] : memref<160000xi32, #tpu.memory_space<hbm>> -> memref<5000xi32, #tpu.memory_space<hbm>>
      %dma_start3A_223 = arith.constant 0 : i32
      %dma_start3A_224 = tpu.memref_slice %arg15[%dma_start3A_223] : memref<5016xi32, #tpu.memory_space<vmem>> -> memref<5000xi32, #tpu.memory_space<vmem>>
      %dma_start3A_225 = tpu.memref_slice %arg4[%mul3A_136] : memref<160000xi32, #tpu.memory_space<hbm>> -> memref<5000xi32, #tpu.memory_space<hbm>>
      tpu.enqueue_dma source(%dma_start3A_225 : memref<5000xi32, #tpu.memory_space<hbm>>) target(%dma_start3A_224 : memref<5000xi32, #tpu.memory_space<vmem>>) target_semaphore(%run_scoped3A : memref<!tpu.dma_semaphore, #tpu.memory_space<semaphore_mem>>)
      %dma_wait3A = arith.constant 0 : i32
      %dma_wait3A_226 = tpu.memref_slice %arg15[%dma_wait3A] : memref<5016xi32, #tpu.memory_space<vmem>> -> memref<5000xi32, #tpu.memory_space<vmem>>
      %dma_wait3A_227 = tpu.memref_slice %arg4[%mul3A_136] : memref<160000xi32, #tpu.memory_space<hbm>> -> memref<5000xi32, #tpu.memory_space<hbm>>
      %dma_wait3A_228 = arith.constant 0 : i32
      %dma_wait3A_229 = tpu.memref_slice %arg15[%dma_wait3A_228] : memref<5016xi32, #tpu.memory_space<vmem>> -> memref<5000xi32, #tpu.memory_space<vmem>>
      %dma_wait3A_230 = tpu.memref_slice %arg4[%mul3A_136] : memref<160000xi32, #tpu.memory_space<hbm>> -> memref<5000xi32, #tpu.memory_space<hbm>>
      tpu.wait_dma2 semaphore(%run_scoped3A : memref<!tpu.dma_semaphore, #tpu.memory_space<semaphore_mem>>) src(%dma_wait3A_230 : memref<5000xi32, #tpu.memory_space<hbm>>) dst(%dma_wait3A_229 : memref<5000xi32, #tpu.memory_space<vmem>>)
      tpu.yield
    }) : () -> ()
    %mul3A_137 = arith.constant 5000 : i32
    %mul3A_138 = arith.muli %add3A, %mul3A_137 : i32
    "tpu.region"() ({
      %run_scoped3A = tpu.sem_alloc : memref<!tpu.dma_semaphore, #tpu.memory_space<semaphore_mem>>
      %dma_start3A = arith.constant 0 : i32
      %dma_start3A_221 = tpu.memref_slice %arg16[%dma_start3A] : memref<5016xi32, #tpu.memory_space<vmem>> -> memref<5000xi32, #tpu.memory_space<vmem>>
      %dma_start3A_222 = tpu.memref_slice %arg5[%mul3A_138] : memref<160000xi32, #tpu.memory_space<hbm>> -> memref<5000xi32, #tpu.memory_space<hbm>>
      %dma_start3A_223 = arith.constant 0 : i32
      %dma_start3A_224 = tpu.memref_slice %arg16[%dma_start3A_223] : memref<5016xi32, #tpu.memory_space<vmem>> -> memref<5000xi32, #tpu.memory_space<vmem>>
      %dma_start3A_225 = tpu.memref_slice %arg5[%mul3A_138] : memref<160000xi32, #tpu.memory_space<hbm>> -> memref<5000xi32, #tpu.memory_space<hbm>>
      tpu.enqueue_dma source(%dma_start3A_225 : memref<5000xi32, #tpu.memory_space<hbm>>) target(%dma_start3A_224 : memref<5000xi32, #tpu.memory_space<vmem>>) target_semaphore(%run_scoped3A : memref<!tpu.dma_semaphore, #tpu.memory_space<semaphore_mem>>)
      %dma_wait3A = arith.constant 0 : i32
      %dma_wait3A_226 = tpu.memref_slice %arg16[%dma_wait3A] : memref<5016xi32, #tpu.memory_space<vmem>> -> memref<5000xi32, #tpu.memory_space<vmem>>
      %dma_wait3A_227 = tpu.memref_slice %arg5[%mul3A_138] : memref<160000xi32, #tpu.memory_space<hbm>> -> memref<5000xi32, #tpu.memory_space<hbm>>
      %dma_wait3A_228 = arith.constant 0 : i32
      %dma_wait3A_229 = tpu.memref_slice %arg16[%dma_wait3A_228] : memref<5016xi32, #tpu.memory_space<vmem>> -> memref<5000xi32, #tpu.memory_space<vmem>>
      %dma_wait3A_230 = tpu.memref_slice %arg5[%mul3A_138] : memref<160000xi32, #tpu.memory_space<hbm>> -> memref<5000xi32, #tpu.memory_space<hbm>>
      tpu.wait_dma2 semaphore(%run_scoped3A : memref<!tpu.dma_semaphore, #tpu.memory_space<semaphore_mem>>) src(%dma_wait3A_230 : memref<5000xi32, #tpu.memory_space<hbm>>) dst(%dma_wait3A_229 : memref<5000xi32, #tpu.memory_space<vmem>>)
      tpu.yield
    }) : () -> ()
    %barrier3A = arith.constant 0 : index
    tpu.barrier barrier_id(%barrier3A)
    %get3A = arith.constant 0 : i32
    %get3A_139 = arith.index_cast %get3A : i32 to index
    %get3A_140 = arith.constant 0 : index
    %get3A_141 = tpu.vector_load %arg18[%get3A_139, %get3A_140] {strides = array<i32>} : memref<32x16xi32, #tpu.memory_space<vmem>>, vector<16xi32>,
    %get3A_142 = arith.constant 1 : i32
    %get3A_143 = arith.index_cast %get3A_142 : i32 to index
    %get3A_144 = arith.constant 0 : index
    %get3A_145 = tpu.vector_load %arg18[%get3A_143, %get3A_144] {strides = array<i32>} : memref<32x16xi32, #tpu.memory_space<vmem>>, vector<16xi32>,
    %get3A_146 = arith.constant 2 : i32
    %get3A_147 = arith.index_cast %get3A_146 : i32 to index
    %get3A_148 = arith.constant 0 : index
    %get3A_149 = tpu.vector_load %arg18[%get3A_147, %get3A_148] {strides = array<i32>} : memref<32x16xi32, #tpu.memory_space<vmem>>, vector<16xi32>,
    %get3A_150 = arith.constant 3 : i32
    %get3A_151 = arith.index_cast %get3A_150 : i32 to index
    %get3A_152 = arith.constant 0 : index
    %get3A_153 = tpu.vector_load %arg18[%get3A_151, %get3A_152] {strides = array<i32>} : memref<32x16xi32, #tpu.memory_space<vmem>>, vector<16xi32>,
    %get3A_154 = arith.constant 4 : i32
    %get3A_155 = arith.index_cast %get3A_154 : i32 to index
    %get3A_156 = arith.constant 0 : index
    %get3A_157 = tpu.vector_load %arg18[%get3A_155, %get3A_156] {strides = array<i32>} : memref<32x16xi32, #tpu.memory_space<vmem>>, vector<16xi32>,
    %get3A_158 = arith.constant 5 : i32
    %get3A_159 = arith.index_cast %get3A_158 : i32 to index
    %get3A_160 = arith.constant 0 : index
    %get3A_161 = tpu.vector_load %arg18[%get3A_159, %get3A_160] {strides = array<i32>} : memref<32x16xi32, #tpu.memory_space<vmem>>, vector<16xi32>,
    %get3A_162 = arith.constant 6 : i32
    %get3A_163 = arith.index_cast %get3A_162 : i32 to index
    %get3A_164 = arith.constant 0 : index
    %get3A_165 = tpu.vector_load %arg18[%get3A_163, %get3A_164] {strides = array<i32>} : memref<32x16xi32, #tpu.memory_space<vmem>>, vector<16xi32>,
    %get3A_166 = arith.constant 7 : i32
    %get3A_167 = arith.index_cast %get3A_166 : i32 to index
    %get3A_168 = arith.constant 0 : index
    %get3A_169 = tpu.vector_load %arg18[%get3A_167, %get3A_168] {strides = array<i32>} : memref<32x16xi32, #tpu.memory_space<vmem>>, vector<16xi32>,
    %get3A_170 = arith.constant 8 : i32
    %get3A_171 = arith.index_cast %get3A_170 : i32 to index
    %get3A_172 = arith.constant 0 : index
    %get3A_173 = tpu.vector_load %arg18[%get3A_171, %get3A_172] {strides = array<i32>} : memref<32x16xi32, #tpu.memory_space<vmem>>, vector<16xi32>,
    %get3A_174 = arith.constant 9 : i32
    %get3A_175 = arith.index_cast %get3A_174 : i32 to index
    %get3A_176 = arith.constant 0 : index
    %get3A_177 = tpu.vector_load %arg18[%get3A_175, %get3A_176] {strides = array<i32>} : memref<32x16xi32, #tpu.memory_space<vmem>>, vector<16xi32>,
    %get3A_178 = arith.constant 10 : i32
    %get3A_179 = arith.index_cast %get3A_178 : i32 to index
    %get3A_180 = arith.constant 0 : index
    %get3A_181 = tpu.vector_load %arg18[%get3A_179, %get3A_180] {strides = array<i32>} : memref<32x16xi32, #tpu.memory_space<vmem>>, vector<16xi32>,
    %get3A_182 = arith.constant 11 : i32
    %get3A_183 = arith.index_cast %get3A_182 : i32 to index
    %get3A_184 = arith.constant 0 : index
    %get3A_185 = tpu.vector_load %arg18[%get3A_183, %get3A_184] {strides = array<i32>} : memref<32x16xi32, #tpu.memory_space<vmem>>, vector<16xi32>,
    %get3A_186 = arith.constant 12 : i32
    %get3A_187 = arith.index_cast %get3A_186 : i32 to index
    %get3A_188 = arith.constant 0 : index
    %get3A_189 = tpu.vector_load %arg18[%get3A_187, %get3A_188] {strides = array<i32>} : memref<32x16xi32, #tpu.memory_space<vmem>>, vector<16xi32>,
    %get3A_190 = arith.constant 13 : i32
    %get3A_191 = arith.index_cast %get3A_190 : i32 to index
    %get3A_192 = arith.constant 0 : index
    %get3A_193 = tpu.vector_load %arg18[%get3A_191, %get3A_192] {strides = array<i32>} : memref<32x16xi32, #tpu.memory_space<vmem>>, vector<16xi32>,
    %get3A_194 = arith.constant 14 : i32
    %get3A_195 = arith.index_cast %get3A_194 : i32 to index
    %get3A_196 = arith.constant 0 : index
    %get3A_197 = tpu.vector_load %arg18[%get3A_195, %get3A_196] {strides = array<i32>} : memref<32x16xi32, #tpu.memory_space<vmem>>, vector<16xi32>,
    %get3A_198 = arith.constant 15 : i32
    %get3A_199 = arith.index_cast %get3A_198 : i32 to index
    %get3A_200 = arith.constant 0 : index
    %get3A_201 = tpu.vector_load %arg18[%get3A_199, %get3A_200] {strides = array<i32>} : memref<32x16xi32, #tpu.memory_space<vmem>>, vector<16xi32>,
    %scan3A = arith.constant 0 : i32
    %scan3A_202 = arith.constant 0 : i32
    %scan3A_203 = arith.constant 313 : i32
    %scan3A_204 = arith.addi %scan3A_202, %scan3A_203 : i32
    %scan3A_205 = arith.constant 1 : i32
    %scan3A_206 = scf.for %scan3A_221 = %scan3A_202 to %scan3A_204 step %scan3A_205 iter_args(%scan3A_222 = %scan3A) -> (i32)  : i32 {
      %mul3A_223 = arith.constant 16 : i32
      %mul3A_224 = arith.muli %scan3A_221, %mul3A_223 : i32
      %get3A_225 = arith.index_cast %mul3A_224 : i32 to index
      %get3A_226 = tpu.vector_load %arg15[%get3A_225] {strides = array<i32>} : memref<5016xi32, #tpu.memory_space<vmem>>, vector<16xi32>,
      %get3A_227 = arith.index_cast %mul3A_224 : i32 to index
      %get3A_228 = tpu.vector_load %arg16[%get3A_227] {strides = array<i32>} : memref<5016xi32, #tpu.memory_space<vmem>>, vector<16xi32>,
      %add3A_229 = vector.broadcast %mul3A_224 : i32 to vector<16xi32>
      %add3A_230 = arith.addi %add3A_229, %iota3A : vector<16xi32>
      %lt3A = arith.constant 5000 : i32
      %lt3A_231 = vector.broadcast %lt3A : i32 to vector<16xi32>
      %lt3A_232 = arith.cmpi slt, %add3A_230, %lt3A_231 : vector<16xi32>
      %eq3A_233 = arith.cmpi eq, %get3A_228, %get3A_141 : vector<16xi32>
      %and3A_234 = arith.andi %eq3A_233, %lt3A_232 : vector<16xi1>
      %add3A_235 = arith.addi %get3A_226, %get3A_173 : vector<16xi32>
      %select_n3A = arith.select %lt3A_232, %add3A_235, %broadcast_in_dim3A_1 : vector<16xi1>, vector<16xi32>
      %gather3A = tpu.vector_load_idx %arg14[%select_n3A] : memref<80128xi32, #tpu.memory_space<vmem>>[vector<16xi32>], vector<16xi32>,
      %get3A_236 = arith.constant 0 : i32
      %get3A_237 = arith.index_cast %get3A_236 : i32 to index
      %get3A_238 = arith.constant 0 : index
      %get3A_239 = tpu.vector_load %arg17[%get3A_237, %get3A_238] {strides = array<i32>} : memref<16x16xi32, #tpu.memory_space<vmem>>, vector<16xi32>,
      %select_n3A_240 = arith.select %and3A_234, %gather3A, %broadcast_in_dim3A_1 : vector<16xi1>, vector<16xi32>
      %add3A_241 = arith.addi %get3A_239, %select_n3A_240 : vector<16xi32>
      %swap3A_242 = arith.constant 0 : i32
      %swap3A_243 = arith.index_cast %swap3A_242 : i32 to index
      %swap3A_244 = arith.constant 0 : index
      %swap3A_245 = tpu.vector_load %arg17[%swap3A_243, %swap3A_244] {strides = array<i32>} : memref<16x16xi32, #tpu.memory_space<vmem>>, vector<16xi32>,
      tpu.vector_store %arg17[%swap3A_243, %swap3A_244], %add3A_241 {strides = array<i32>} : memref<16x16xi32, #tpu.memory_space<vmem>>, vector<16xi32>,
      %eq3A_246 = arith.cmpi eq, %get3A_228, %get3A_145 : vector<16xi32>
      %and3A_247 = arith.andi %eq3A_246, %lt3A_232 : vector<16xi1>
      %add3A_248 = arith.addi %get3A_226, %get3A_177 : vector<16xi32>
      %select_n3A_249 = arith.select %lt3A_232, %add3A_248, %broadcast_in_dim3A_1 : vector<16xi1>, vector<16xi32>
      %gather3A_250 = tpu.vector_load_idx %arg14[%select_n3A_249] : memref<80128xi32, #tpu.memory_space<vmem>>[vector<16xi32>], vector<16xi32>,
      %get3A_251 = arith.constant 1 : i32
      %get3A_252 = arith.index_cast %get3A_251 : i32 to index
      %get3A_253 = arith.constant 0 : index
      %get3A_254 = tpu.vector_load %arg17[%get3A_252, %get3A_253] {strides = array<i32>} : memref<16x16xi32, #tpu.memory_space<vmem>>, vector<16xi32>,
      %select_n3A_255 = arith.select %and3A_247, %gather3A_250, %broadcast_in_dim3A_1 : vector<16xi1>, vector<16xi32>
      %add3A_256 = arith.addi %get3A_254, %select_n3A_255 : vector<16xi32>
      %swap3A_257 = arith.constant 1 : i32
      %swap3A_258 = arith.index_cast %swap3A_257 : i32 to index
      %swap3A_259 = arith.constant 0 : index
      %swap3A_260 = tpu.vector_load %arg17[%swap3A_258, %swap3A_259] {strides = array<i32>} : memref<16x16xi32, #tpu.memory_space<vmem>>, vector<16xi32>,
      tpu.vector_store %arg17[%swap3A_258, %swap3A_259], %add3A_256 {strides = array<i32>} : memref<16x16xi32, #tpu.memory_space<vmem>>, vector<16xi32>,
      %eq3A_261 = arith.cmpi eq, %get3A_228, %get3A_149 : vector<16xi32>
      %and3A_262 = arith.andi %eq3A_261, %lt3A_232 : vector<16xi1>
      %add3A_263 = arith.addi %get3A_226, %get3A_181 : vector<16xi32>
      %select_n3A_264 = arith.select %lt3A_232, %add3A_263, %broadcast_in_dim3A_1 : vector<16xi1>, vector<16xi32>
      %gather3A_265 = tpu.vector_load_idx %arg14[%select_n3A_264] : memref<80128xi32, #tpu.memory_space<vmem>>[vector<16xi32>], vector<16xi32>,
      %get3A_266 = arith.constant 2 : i32
      %get3A_267 = arith.index_cast %get3A_266 : i32 to index
      %get3A_268 = arith.constant 0 : index
      %get3A_269 = tpu.vector_load %arg17[%get3A_267, %get3A_268] {strides = array<i32>} : memref<16x16xi32, #tpu.memory_space<vmem>>, vector<16xi32>,
      %select_n3A_270 = arith.select %and3A_262, %gather3A_265, %broadcast_in_dim3A_1 : vector<16xi1>, vector<16xi32>
      %add3A_271 = arith.addi %get3A_269, %select_n3A_270 : vector<16xi32>
      %swap3A_272 = arith.constant 2 : i32
      %swap3A_273 = arith.index_cast %swap3A_272 : i32 to index
      %swap3A_274 = arith.constant 0 : index
      %swap3A_275 = tpu.vector_load %arg17[%swap3A_273, %swap3A_274] {strides = array<i32>} : memref<16x16xi32, #tpu.memory_space<vmem>>, vector<16xi32>,
      tpu.vector_store %arg17[%swap3A_273, %swap3A_274], %add3A_271 {strides = array<i32>} : memref<16x16xi32, #tpu.memory_space<vmem>>, vector<16xi32>,
      %eq3A_276 = arith.cmpi eq, %get3A_228, %get3A_153 : vector<16xi32>
      %and3A_277 = arith.andi %eq3A_276, %lt3A_232 : vector<16xi1>
      %add3A_278 = arith.addi %get3A_226, %get3A_185 : vector<16xi32>
      %select_n3A_279 = arith.select %lt3A_232, %add3A_278, %broadcast_in_dim3A_1 : vector<16xi1>, vector<16xi32>
      %gather3A_280 = tpu.vector_load_idx %arg14[%select_n3A_279] : memref<80128xi32, #tpu.memory_space<vmem>>[vector<16xi32>], vector<16xi32>,
      %get3A_281 = arith.constant 3 : i32
      %get3A_282 = arith.index_cast %get3A_281 : i32 to index
      %get3A_283 = arith.constant 0 : index
      %get3A_284 = tpu.vector_load %arg17[%get3A_282, %get3A_283] {strides = array<i32>} : memref<16x16xi32, #tpu.memory_space<vmem>>, vector<16xi32>,
      %select_n3A_285 = arith.select %and3A_277, %gather3A_280, %broadcast_in_dim3A_1 : vector<16xi1>, vector<16xi32>
      %add3A_286 = arith.addi %get3A_284, %select_n3A_285 : vector<16xi32>
      %swap3A_287 = arith.constant 3 : i32
      %swap3A_288 = arith.index_cast %swap3A_287 : i32 to index
      %swap3A_289 = arith.constant 0 : index
      %swap3A_290 = tpu.vector_load %arg17[%swap3A_288, %swap3A_289] {strides = array<i32>} : memref<16x16xi32, #tpu.memory_space<vmem>>, vector<16xi32>,
      tpu.vector_store %arg17[%swap3A_288, %swap3A_289], %add3A_286 {strides = array<i32>} : memref<16x16xi32, #tpu.memory_space<vmem>>, vector<16xi32>,
      %eq3A_291 = arith.cmpi eq, %get3A_228, %get3A_157 : vector<16xi32>
      %and3A_292 = arith.andi %eq3A_291, %lt3A_232 : vector<16xi1>
      %add3A_293 = arith.addi %get3A_226, %get3A_189 : vector<16xi32>
      %select_n3A_294 = arith.select %lt3A_232, %add3A_293, %broadcast_in_dim3A_1 : vector<16xi1>, vector<16xi32>
      %gather3A_295 = tpu.vector_load_idx %arg14[%select_n3A_294] : memref<80128xi32, #tpu.memory_space<vmem>>[vector<16xi32>], vector<16xi32>,
      %get3A_296 = arith.constant 4 : i32
      %get3A_297 = arith.index_cast %get3A_296 : i32 to index
      %get3A_298 = arith.constant 0 : index
      %get3A_299 = tpu.vector_load %arg17[%get3A_297, %get3A_298] {strides = array<i32>} : memref<16x16xi32, #tpu.memory_space<vmem>>, vector<16xi32>,
      %select_n3A_300 = arith.select %and3A_292, %gather3A_295, %broadcast_in_dim3A_1 : vector<16xi1>, vector<16xi32>
      %add3A_301 = arith.addi %get3A_299, %select_n3A_300 : vector<16xi32>
      %swap3A_302 = arith.constant 4 : i32
      %swap3A_303 = arith.index_cast %swap3A_302 : i32 to index
      %swap3A_304 = arith.constant 0 : index
      %swap3A_305 = tpu.vector_load %arg17[%swap3A_303, %swap3A_304] {strides = array<i32>} : memref<16x16xi32, #tpu.memory_space<vmem>>, vector<16xi32>,
      tpu.vector_store %arg17[%swap3A_303, %swap3A_304], %add3A_301 {strides = array<i32>} : memref<16x16xi32, #tpu.memory_space<vmem>>, vector<16xi32>,
      %eq3A_306 = arith.cmpi eq, %get3A_228, %get3A_161 : vector<16xi32>
      %and3A_307 = arith.andi %eq3A_306, %lt3A_232 : vector<16xi1>
      %add3A_308 = arith.addi %get3A_226, %get3A_193 : vector<16xi32>
      %select_n3A_309 = arith.select %lt3A_232, %add3A_308, %broadcast_in_dim3A_1 : vector<16xi1>, vector<16xi32>
      %gather3A_310 = tpu.vector_load_idx %arg14[%select_n3A_309] : memref<80128xi32, #tpu.memory_space<vmem>>[vector<16xi32>], vector<16xi32>,
      %get3A_311 = arith.constant 5 : i32
      %get3A_312 = arith.index_cast %get3A_311 : i32 to index
      %get3A_313 = arith.constant 0 : index
      %get3A_314 = tpu.vector_load %arg17[%get3A_312, %get3A_313] {strides = array<i32>} : memref<16x16xi32, #tpu.memory_space<vmem>>, vector<16xi32>,
      %select_n3A_315 = arith.select %and3A_307, %gather3A_310, %broadcast_in_dim3A_1 : vector<16xi1>, vector<16xi32>
      %add3A_316 = arith.addi %get3A_314, %select_n3A_315 : vector<16xi32>
      %swap3A_317 = arith.constant 5 : i32
      %swap3A_318 = arith.index_cast %swap3A_317 : i32 to index
      %swap3A_319 = arith.constant 0 : index
      %swap3A_320 = tpu.vector_load %arg17[%swap3A_318, %swap3A_319] {strides = array<i32>} : memref<16x16xi32, #tpu.memory_space<vmem>>, vector<16xi32>,
      tpu.vector_store %arg17[%swap3A_318, %swap3A_319], %add3A_316 {strides = array<i32>} : memref<16x16xi32, #tpu.memory_space<vmem>>, vector<16xi32>,
      %eq3A_321 = arith.cmpi eq, %get3A_228, %get3A_165 : vector<16xi32>
      %and3A_322 = arith.andi %eq3A_321, %lt3A_232 : vector<16xi1>
      %add3A_323 = arith.addi %get3A_226, %get3A_197 : vector<16xi32>
      %select_n3A_324 = arith.select %lt3A_232, %add3A_323, %broadcast_in_dim3A_1 : vector<16xi1>, vector<16xi32>
      %gather3A_325 = tpu.vector_load_idx %arg14[%select_n3A_324] : memref<80128xi32, #tpu.memory_space<vmem>>[vector<16xi32>], vector<16xi32>,
      %get3A_326 = arith.constant 6 : i32
      %get3A_327 = arith.index_cast %get3A_326 : i32 to index
      %get3A_328 = arith.constant 0 : index
      %get3A_329 = tpu.vector_load %arg17[%get3A_327, %get3A_328] {strides = array<i32>} : memref<16x16xi32, #tpu.memory_space<vmem>>, vector<16xi32>,
      %select_n3A_330 = arith.select %and3A_322, %gather3A_325, %broadcast_in_dim3A_1 : vector<16xi1>, vector<16xi32>
      %add3A_331 = arith.addi %get3A_329, %select_n3A_330 : vector<16xi32>
      %swap3A_332 = arith.constant 6 : i32
      %swap3A_333 = arith.index_cast %swap3A_332 : i32 to index
      %swap3A_334 = arith.constant 0 : index
      %swap3A_335 = tpu.vector_load %arg17[%swap3A_333, %swap3A_334] {strides = array<i32>} : memref<16x16xi32, #tpu.memory_space<vmem>>, vector<16xi32>,
      tpu.vector_store %arg17[%swap3A_333, %swap3A_334], %add3A_331 {strides = array<i32>} : memref<16x16xi32, #tpu.memory_space<vmem>>, vector<16xi32>,
      %eq3A_336 = arith.cmpi eq, %get3A_228, %get3A_169 : vector<16xi32>
      %and3A_337 = arith.andi %eq3A_336, %lt3A_232 : vector<16xi1>
      %add3A_338 = arith.addi %get3A_226, %get3A_201 : vector<16xi32>
      %select_n3A_339 = arith.select %lt3A_232, %add3A_338, %broadcast_in_dim3A_1 : vector<16xi1>, vector<16xi32>
      %gather3A_340 = tpu.vector_load_idx %arg14[%select_n3A_339] : memref<80128xi32, #tpu.memory_space<vmem>>[vector<16xi32>], vector<16xi32>,
      %get3A_341 = arith.constant 7 : i32
      %get3A_342 = arith.index_cast %get3A_341 : i32 to index
      %get3A_343 = arith.constant 0 : index
      %get3A_344 = tpu.vector_load %arg17[%get3A_342, %get3A_343] {strides = array<i32>} : memref<16x16xi32, #tpu.memory_space<vmem>>, vector<16xi32>,
      %select_n3A_345 = arith.select %and3A_337, %gather3A_340, %broadcast_in_dim3A_1 : vector<16xi1>, vector<16xi32>
      %add3A_346 = arith.addi %get3A_344, %select_n3A_345 : vector<16xi32>
      %swap3A_347 = arith.constant 7 : i32
      %swap3A_348 = arith.index_cast %swap3A_347 : i32 to index
      %swap3A_349 = arith.constant 0 : index
      %swap3A_350 = tpu.vector_load %arg17[%swap3A_348, %swap3A_349] {strides = array<i32>} : memref<16x16xi32, #tpu.memory_space<vmem>>, vector<16xi32>,
      tpu.vector_store %arg17[%swap3A_348, %swap3A_349], %add3A_346 {strides = array<i32>} : memref<16x16xi32, #tpu.memory_space<vmem>>, vector<16xi32>,
      %scan3A_351 = arith.constant 0 : i32
      scf.yield %scan3A_351 : i32
    }
    %scan3A_207 = arith.constant 313 : i32
    "tpu.region"() ({
      %run_scoped3A = tpu.sem_alloc : memref<!tpu.dma_semaphore, #tpu.memory_space<semaphore_mem>>
      %dma_start3A = arith.constant 0 : i32
      %dma_start3A_221 = arith.constant 0 : i32
      %dma_start3A_222 = tpu.memref_slice %arg13[%dma_start3A, %dma_start3A_221] : memref<16x16xi32, #tpu.memory_space<vmem_shared>> -> memref<16x16xi32, #tpu.memory_space<vmem_shared>>
      tpu.enqueue_indirect_dma source(%arg17 : memref<16x16xi32, #tpu.memory_space<vmem>>) target(%dma_start3A_222 : memref<16x16xi32, #tpu.memory_space<vmem_shared>>) offsets(%arg19 : memref<16xi32, #tpu.memory_space<vmem>>) semaphore(%run_scoped3A : memref<!tpu.dma_semaphore, #tpu.memory_space<semaphore_mem>>) {add = true}
      %dma_wait3A = arith.constant 0 : i32
      %dma_wait3A_223 = arith.constant 0 : i32
      %dma_wait3A_224 = tpu.memref_slice %arg13[%dma_wait3A, %dma_wait3A_223] : memref<16x16xi32, #tpu.memory_space<vmem_shared>> -> memref<16x16xi32, #tpu.memory_space<vmem_shared>>
      tpu.wait_indirect_dma semaphore(%run_scoped3A : memref<!tpu.dma_semaphore, #tpu.memory_space<semaphore_mem>>) src(%arg17 : memref<16x16xi32, #tpu.memory_space<vmem>>) dst(%dma_wait3A_224 : memref<16x16xi32, #tpu.memory_space<vmem_shared>>)
      tpu.yield
    }) : () -> ()
    %barrier3A_208 = arith.constant 0 : index
    tpu.barrier barrier_id(%barrier3A_208)
    %eq3A_209 = arith.constant 0 : i32
    %eq3A_210 = arith.cmpi eq, %arg1, %eq3A_209 : i32
    %convert_element_type3A_211 = arith.extui %eq3A_210 : i1 to i32
    %cond3A_212 = arith.constant 0 : i32
    %cond3A_213 = arith.cmpi ne, %convert_element_type3A_211, %cond3A_212 : i32
    scf.if %cond3A_213 {
      "tpu.region"() ({
        %run_scoped3A = tpu.sem_alloc : memref<!tpu.dma_semaphore, #tpu.memory_space<semaphore_mem>>
        %dma_start3A = arith.constant 0 : i32
        %dma_start3A_221 = arith.constant 0 : i32
        %dma_start3A_222 = tpu.memref_slice %arg10[%arg0, %dma_start3A, %dma_start3A_221] : memref<2x8x16xi32, #tpu.memory_space<hbm>> -> memref<1x8x16xi32, #tpu.memory_space<hbm>>
        %dma_start3A_223 = tpu.memref_squeeze %dma_start3A_222 : memref<1x8x16xi32, #tpu.memory_space<hbm>> -> memref<8x16xi32, #tpu.memory_space<hbm>>
        %dma_start3A_224 = arith.constant 0 : i32
        %dma_start3A_225 = arith.constant 0 : i32
        %dma_start3A_226 = tpu.memref_slice %arg13[%dma_start3A_224, %dma_start3A_225] : memref<16x16xi32, #tpu.memory_space<vmem_shared>> -> memref<8x16xi32, #tpu.memory_space<vmem_shared>>
        tpu.enqueue_dma source(%dma_start3A_226 : memref<8x16xi32, #tpu.memory_space<vmem_shared>>) target(%dma_start3A_223 : memref<8x16xi32, #tpu.memory_space<hbm>>) target_semaphore(%run_scoped3A : memref<!tpu.dma_semaphore, #tpu.memory_space<semaphore_mem>>)
        %dma_wait3A = arith.constant 0 : i32
        %dma_wait3A_227 = arith.constant 0 : i32
        %dma_wait3A_228 = tpu.memref_slice %arg10[%arg0, %dma_wait3A, %dma_wait3A_227] : memref<2x8x16xi32, #tpu.memory_space<hbm>> -> memref<1x8x16xi32, #tpu.memory_space<hbm>>
        %dma_wait3A_229 = tpu.memref_squeeze %dma_wait3A_228 : memref<1x8x16xi32, #tpu.memory_space<hbm>> -> memref<8x16xi32, #tpu.memory_space<hbm>>
        %dma_wait3A_230 = arith.constant 0 : i32
        %dma_wait3A_231 = arith.constant 0 : i32
        %dma_wait3A_232 = tpu.memref_slice %arg13[%dma_wait3A_230, %dma_wait3A_231] : memref<16x16xi32, #tpu.memory_space<vmem_shared>> -> memref<8x16xi32, #tpu.memory_space<vmem_shared>>
        tpu.wait_dma2 semaphore(%run_scoped3A : memref<!tpu.dma_semaphore, #tpu.memory_space<semaphore_mem>>) src(%dma_wait3A_232 : memref<8x16xi32, #tpu.memory_space<vmem_shared>>) dst(%dma_wait3A_229 : memref<8x16xi32, #tpu.memory_space<hbm>>)
        tpu.yield
      }) : () -> ()
    } else {
    }
    %eq3A_214 = arith.constant 1 : i32
    %eq3A_215 = arith.cmpi eq, %arg0, %eq3A_214 : i32
    %eq3A_216 = arith.constant 1 : i32
    %eq3A_217 = arith.cmpi eq, %arg1, %eq3A_216 : i32
    %and3A = arith.andi %eq3A_215, %eq3A_217 : i1
    %convert_element_type3A_218 = arith.extui %and3A : i1 to i32
    %cond3A_219 = arith.constant 0 : i32
    %cond3A_220 = arith.cmpi ne, %convert_element_type3A_218, %cond3A_219 : i32
    scf.if %cond3A_220 {
      %get3A_221 = arith.constant 24 : i32
      %get3A_222 = arith.index_cast %get3A_221 : i32 to index
      %get3A_223 = arith.constant 0 : index
      %get3A_224 = tpu.vector_load %arg18[%get3A_222, %get3A_223] {strides = array<i32>} : memref<32x16xi32, #tpu.memory_space<vmem>>, vector<16xi32>,
      %swap3A_225 = arith.constant 0 : index
      %swap3A_226 = tpu.vector_load %arg22[%swap3A_225] {strides = array<i32>} : memref<16xi32, #tpu.memory_space<vmem>>, vector<16xi32>,
      %swap3A_227 = vector.shape_cast %swap3A_226 : vector<16xi32> to vector<16xi32>
      %swap3A_228 = vector.shape_cast %get3A_224 : vector<16xi32> to vector<16xi32>
      tpu.vector_store %arg22[%swap3A_225], %swap3A_228 {strides = array<i32>} : memref<16xi32, #tpu.memory_space<vmem>>, vector<16xi32>,
      "tpu.region"() ({
        %run_scoped3A = tpu.sem_alloc : memref<!tpu.dma_semaphore, #tpu.memory_space<semaphore_mem>>
        %dma_start3A = arith.constant 0 : i32
        %dma_start3A_253 = arith.constant 0 : i32
        %dma_start3A_254 = tpu.memref_slice %arg6[%dma_start3A, %dma_start3A_253] : memref<10000x128xf32, #tpu.memory_space<hbm>> -> memref<10000x128xf32, #tpu.memory_space<hbm>>
        tpu.enqueue_indirect_dma source(%dma_start3A_254 : memref<10000x128xf32, #tpu.memory_space<hbm>>) target(%arg21 : memref<16x128xf32, #tpu.memory_space<vmem>>) offsets(%arg22 : memref<16xi32, #tpu.memory_space<vmem>>) semaphore(%run_scoped3A : memref<!tpu.dma_semaphore, #tpu.memory_space<semaphore_mem>>)
        %dma_wait3A = arith.constant 0 : i32
        %dma_wait3A_255 = arith.constant 0 : i32
        %dma_wait3A_256 = tpu.memref_slice %arg6[%dma_wait3A, %dma_wait3A_255] : memref<10000x128xf32, #tpu.memory_space<hbm>> -> memref<10000x128xf32, #tpu.memory_space<hbm>>
        tpu.wait_indirect_dma semaphore(%run_scoped3A : memref<!tpu.dma_semaphore, #tpu.memory_space<semaphore_mem>>) src(%dma_wait3A_256 : memref<10000x128xf32, #tpu.memory_space<hbm>>) dst(%arg21 : memref<16x128xf32, #tpu.memory_space<vmem>>)
        tpu.yield
      }) : () -> ()
      "tpu.region"() ({
        %run_scoped3A = tpu.sem_alloc : memref<!tpu.dma_semaphore, #tpu.memory_space<semaphore_mem>>
        %dma_start3A = arith.constant 0 : i32
        %dma_start3A_253 = arith.constant 0 : i32
        %dma_start3A_254 = tpu.memref_slice %arg11[%dma_start3A, %dma_start3A_253] : memref<80x128xf32, #tpu.memory_space<hbm>> -> memref<16x128xf32, #tpu.memory_space<hbm>>
        %dma_start3A_255 = arith.constant 0 : i32
        %dma_start3A_256 = arith.constant 0 : i32
        %dma_start3A_257 = tpu.memref_slice %arg11[%dma_start3A_255, %dma_start3A_256] : memref<80x128xf32, #tpu.memory_space<hbm>> -> memref<16x128xf32, #tpu.memory_space<hbm>>
        tpu.enqueue_dma source(%arg21 : memref<16x128xf32, #tpu.memory_space<vmem>>) target(%dma_start3A_257 : memref<16x128xf32, #tpu.memory_space<hbm>>) target_semaphore(%run_scoped3A : memref<!tpu.dma_semaphore, #tpu.memory_space<semaphore_mem>>)
        %dma_wait3A = arith.constant 0 : i32
        %dma_wait3A_258 = arith.constant 0 : i32
        %dma_wait3A_259 = tpu.memref_slice %arg11[%dma_wait3A, %dma_wait3A_258] : memref<80x128xf32, #tpu.memory_space<hbm>> -> memref<16x128xf32, #tpu.memory_space<hbm>>
        %dma_wait3A_260 = arith.constant 0 : i32
        %dma_wait3A_261 = arith.constant 0 : i32
        %dma_wait3A_262 = tpu.memref_slice %arg11[%dma_wait3A_260, %dma_wait3A_261] : memref<80x128xf32, #tpu.memory_space<hbm>> -> memref<16x128xf32, #tpu.memory_space<hbm>>
        tpu.wait_dma2 semaphore(%run_scoped3A : memref<!tpu.dma_semaphore, #tpu.memory_space<semaphore_mem>>) src(%arg21 : memref<16x128xf32, #tpu.memory_space<vmem>>) dst(%dma_wait3A_262 : memref<16x128xf32, #tpu.memory_space<hbm>>)
        tpu.yield
      }) : () -> ()
      "tpu.region"() ({
        %run_scoped3A = tpu.sem_alloc : memref<!tpu.dma_semaphore, #tpu.memory_space<semaphore_mem>>
        %dma_start3A = arith.constant 0 : i32
        %dma_start3A_253 = arith.constant 0 : i32
        %dma_start3A_254 = tpu.memref_slice %arg7[%dma_start3A, %dma_start3A_253] : memref<10000x128xf32, #tpu.memory_space<hbm>> -> memref<10000x128xf32, #tpu.memory_space<hbm>>
        tpu.enqueue_indirect_dma source(%dma_start3A_254 : memref<10000x128xf32, #tpu.memory_space<hbm>>) target(%arg21 : memref<16x128xf32, #tpu.memory_space<vmem>>) offsets(%arg22 : memref<16xi32, #tpu.memory_space<vmem>>) semaphore(%run_scoped3A : memref<!tpu.dma_semaphore, #tpu.memory_space<semaphore_mem>>)
        %dma_wait3A = arith.constant 0 : i32
        %dma_wait3A_255 = arith.constant 0 : i32
        %dma_wait3A_256 = tpu.memref_slice %arg7[%dma_wait3A, %dma_wait3A_255] : memref<10000x128xf32, #tpu.memory_space<hbm>> -> memref<10000x128xf32, #tpu.memory_space<hbm>>
        tpu.wait_indirect_dma semaphore(%run_scoped3A : memref<!tpu.dma_semaphore, #tpu.memory_space<semaphore_mem>>) src(%dma_wait3A_256 : memref<10000x128xf32, #tpu.memory_space<hbm>>) dst(%arg21 : memref<16x128xf32, #tpu.memory_space<vmem>>)
        tpu.yield
      }) : () -> ()
      "tpu.region"() ({
        %run_scoped3A = tpu.sem_alloc : memref<!tpu.dma_semaphore, #tpu.memory_space<semaphore_mem>>
        %dma_start3A = arith.constant 16 : i32
        %dma_start3A_253 = arith.constant 0 : i32
        %dma_start3A_254 = tpu.memref_slice %arg11[%dma_start3A, %dma_start3A_253] : memref<80x128xf32, #tpu.memory_space<hbm>> -> memref<16x128xf32, #tpu.memory_space<hbm>>
        %dma_start3A_255 = arith.constant 16 : i32
        %dma_start3A_256 = arith.constant 0 : i32
        %dma_start3A_257 = tpu.memref_slice %arg11[%dma_start3A_255, %dma_start3A_256] : memref<80x128xf32, #tpu.memory_space<hbm>> -> memref<16x128xf32, #tpu.memory_space<hbm>>
        tpu.enqueue_dma source(%arg21 : memref<16x128xf32, #tpu.memory_space<vmem>>) target(%dma_start3A_257 : memref<16x128xf32, #tpu.memory_space<hbm>>) target_semaphore(%run_scoped3A : memref<!tpu.dma_semaphore, #tpu.memory_space<semaphore_mem>>)
        %dma_wait3A = arith.constant 16 : i32
        %dma_wait3A_258 = arith.constant 0 : i32
        %dma_wait3A_259 = tpu.memref_slice %arg11[%dma_wait3A, %dma_wait3A_258] : memref<80x128xf32, #tpu.memory_space<hbm>> -> memref<16x128xf32, #tpu.memory_space<hbm>>
        %dma_wait3A_260 = arith.constant 16 : i32
        %dma_wait3A_261 = arith.constant 0 : i32
        %dma_wait3A_262 = tpu.memref_slice %arg11[%dma_wait3A_260, %dma_wait3A_261] : memref<80x128xf32, #tpu.memory_space<hbm>> -> memref<16x128xf32, #tpu.memory_space<hbm>>
        tpu.wait_dma2 semaphore(%run_scoped3A : memref<!tpu.dma_semaphore, #tpu.memory_space<semaphore_mem>>) src(%arg21 : memref<16x128xf32, #tpu.memory_space<vmem>>) dst(%dma_wait3A_262 : memref<16x128xf32, #tpu.memory_space<hbm>>)
        tpu.yield
      }) : () -> ()
      "tpu.region"() ({
        %run_scoped3A = tpu.sem_alloc : memref<!tpu.dma_semaphore, #tpu.memory_space<semaphore_mem>>
        %dma_start3A = arith.constant 0 : i32
        %dma_start3A_253 = arith.constant 0 : i32
        %dma_start3A_254 = tpu.memref_slice %arg8[%dma_start3A, %dma_start3A_253] : memref<10000x128xf32, #tpu.memory_space<hbm>> -> memref<10000x128xf32, #tpu.memory_space<hbm>>
        tpu.enqueue_indirect_dma source(%dma_start3A_254 : memref<10000x128xf32, #tpu.memory_space<hbm>>) target(%arg21 : memref<16x128xf32, #tpu.memory_space<vmem>>) offsets(%arg22 : memref<16xi32, #tpu.memory_space<vmem>>) semaphore(%run_scoped3A : memref<!tpu.dma_semaphore, #tpu.memory_space<semaphore_mem>>)
        %dma_wait3A = arith.constant 0 : i32
        %dma_wait3A_255 = arith.constant 0 : i32
        %dma_wait3A_256 = tpu.memref_slice %arg8[%dma_wait3A, %dma_wait3A_255] : memref<10000x128xf32, #tpu.memory_space<hbm>> -> memref<10000x128xf32, #tpu.memory_space<hbm>>
        tpu.wait_indirect_dma semaphore(%run_scoped3A : memref<!tpu.dma_semaphore, #tpu.memory_space<semaphore_mem>>) src(%dma_wait3A_256 : memref<10000x128xf32, #tpu.memory_space<hbm>>) dst(%arg21 : memref<16x128xf32, #tpu.memory_space<vmem>>)
        tpu.yield
      }) : () -> ()
      "tpu.region"() ({
        %run_scoped3A = tpu.sem_alloc : memref<!tpu.dma_semaphore, #tpu.memory_space<semaphore_mem>>
        %dma_start3A = arith.constant 32 : i32
        %dma_start3A_253 = arith.constant 0 : i32
        %dma_start3A_254 = tpu.memref_slice %arg11[%dma_start3A, %dma_start3A_253] : memref<80x128xf32, #tpu.memory_space<hbm>> -> memref<16x128xf32, #tpu.memory_space<hbm>>
        %dma_start3A_255 = arith.constant 32 : i32
        %dma_start3A_256 = arith.constant 0 : i32
        %dma_start3A_257 = tpu.memref_slice %arg11[%dma_start3A_255, %dma_start3A_256] : memref<80x128xf32, #tpu.memory_space<hbm>> -> memref<16x128xf32, #tpu.memory_space<hbm>>
        tpu.enqueue_dma source(%arg21 : memref<16x128xf32, #tpu.memory_space<vmem>>) target(%dma_start3A_257 : memref<16x128xf32, #tpu.memory_space<hbm>>) target_semaphore(%run_scoped3A : memref<!tpu.dma_semaphore, #tpu.memory_space<semaphore_mem>>)
        %dma_wait3A = arith.constant 32 : i32
        %dma_wait3A_258 = arith.constant 0 : i32
        %dma_wait3A_259 = tpu.memref_slice %arg11[%dma_wait3A, %dma_wait3A_258] : memref<80x128xf32, #tpu.memory_space<hbm>> -> memref<16x128xf32, #tpu.memory_space<hbm>>
        %dma_wait3A_260 = arith.constant 32 : i32
        %dma_wait3A_261 = arith.constant 0 : i32
        %dma_wait3A_262 = tpu.memref_slice %arg11[%dma_wait3A_260, %dma_wait3A_261] : memref<80x128xf32, #tpu.memory_space<hbm>> -> memref<16x128xf32, #tpu.memory_space<hbm>>
        tpu.wait_dma2 semaphore(%run_scoped3A : memref<!tpu.dma_semaphore, #tpu.memory_space<semaphore_mem>>) src(%arg21 : memref<16x128xf32, #tpu.memory_space<vmem>>) dst(%dma_wait3A_262 : memref<16x128xf32, #tpu.memory_space<hbm>>)
        tpu.yield
      }) : () -> ()
      "tpu.region"() ({
        %run_scoped3A = tpu.sem_alloc : memref<!tpu.dma_semaphore, #tpu.memory_space<semaphore_mem>>
        %dma_start3A = arith.constant 0 : i32
        %dma_start3A_253 = arith.constant 0 : i32
        %dma_start3A_254 = tpu.memref_slice %arg2[%dma_start3A, %dma_start3A_253] : memref<10000x128xf32, #tpu.memory_space<hbm>> -> memref<10000x128xf32, #tpu.memory_space<hbm>>
        tpu.enqueue_indirect_dma source(%dma_start3A_254 : memref<10000x128xf32, #tpu.memory_space<hbm>>) target(%arg21 : memref<16x128xf32, #tpu.memory_space<vmem>>) offsets(%arg22 : memref<16xi32, #tpu.memory_space<vmem>>) semaphore(%run_scoped3A : memref<!tpu.dma_semaphore, #tpu.memory_space<semaphore_mem>>)
        %dma_wait3A = arith.constant 0 : i32
        %dma_wait3A_255 = arith.constant 0 : i32
        %dma_wait3A_256 = tpu.memref_slice %arg2[%dma_wait3A, %dma_wait3A_255] : memref<10000x128xf32, #tpu.memory_space<hbm>> -> memref<10000x128xf32, #tpu.memory_space<hbm>>
        tpu.wait_indirect_dma semaphore(%run_scoped3A : memref<!tpu.dma_semaphore, #tpu.memory_space<semaphore_mem>>) src(%dma_wait3A_256 : memref<10000x128xf32, #tpu.memory_space<hbm>>) dst(%arg21 : memref<16x128xf32, #tpu.memory_space<vmem>>)
        tpu.yield
      }) : () -> ()
      "tpu.region"() ({
        %run_scoped3A = tpu.sem_alloc : memref<!tpu.dma_semaphore, #tpu.memory_space<semaphore_mem>>
        %dma_start3A = arith.constant 48 : i32
        %dma_start3A_253 = arith.constant 0 : i32
        %dma_start3A_254 = tpu.memref_slice %arg11[%dma_start3A, %dma_start3A_253] : memref<80x128xf32, #tpu.memory_space<hbm>> -> memref<16x128xf32, #tpu.memory_space<hbm>>
        %dma_start3A_255 = arith.constant 48 : i32
        %dma_start3A_256 = arith.constant 0 : i32
        %dma_start3A_257 = tpu.memref_slice %arg11[%dma_start3A_255, %dma_start3A_256] : memref<80x128xf32, #tpu.memory_space<hbm>> -> memref<16x128xf32, #tpu.memory_space<hbm>>
        tpu.enqueue_dma source(%arg21 : memref<16x128xf32, #tpu.memory_space<vmem>>) target(%dma_start3A_257 : memref<16x128xf32, #tpu.memory_space<hbm>>) target_semaphore(%run_scoped3A : memref<!tpu.dma_semaphore, #tpu.memory_space<semaphore_mem>>)
        %dma_wait3A = arith.constant 48 : i32
        %dma_wait3A_258 = arith.constant 0 : i32
        %dma_wait3A_259 = tpu.memref_slice %arg11[%dma_wait3A, %dma_wait3A_258] : memref<80x128xf32, #tpu.memory_space<hbm>> -> memref<16x128xf32, #tpu.memory_space<hbm>>
        %dma_wait3A_260 = arith.constant 48 : i32
        %dma_wait3A_261 = arith.constant 0 : i32
        %dma_wait3A_262 = tpu.memref_slice %arg11[%dma_wait3A_260, %dma_wait3A_261] : memref<80x128xf32, #tpu.memory_space<hbm>> -> memref<16x128xf32, #tpu.memory_space<hbm>>
        tpu.wait_dma2 semaphore(%run_scoped3A : memref<!tpu.dma_semaphore, #tpu.memory_space<semaphore_mem>>) src(%arg21 : memref<16x128xf32, #tpu.memory_space<vmem>>) dst(%dma_wait3A_262 : memref<16x128xf32, #tpu.memory_space<hbm>>)
        tpu.yield
      }) : () -> ()
      %get3A_229 = arith.constant 25 : i32
      %get3A_230 = arith.index_cast %get3A_229 : i32 to index
      %get3A_231 = arith.constant 0 : index
      %get3A_232 = tpu.vector_load %arg18[%get3A_230, %get3A_231] {strides = array<i32>} : memref<32x16xi32, #tpu.memory_space<vmem>>, vector<16xi32>,
      %swap3A_233 = arith.constant 0 : index
      %swap3A_234 = tpu.vector_load %arg22[%swap3A_233] {strides = array<i32>} : memref<16xi32, #tpu.memory_space<vmem>>, vector<16xi32>,
      %swap3A_235 = vector.shape_cast %swap3A_234 : vector<16xi32> to vector<16xi32>
      %swap3A_236 = vector.shape_cast %get3A_232 : vector<16xi32> to vector<16xi32>
      tpu.vector_store %arg22[%swap3A_233], %swap3A_236 {strides = array<i32>} : memref<16xi32, #tpu.memory_space<vmem>>, vector<16xi32>,
      "tpu.region"() ({
        %run_scoped3A = tpu.sem_alloc : memref<!tpu.dma_semaphore, #tpu.memory_space<semaphore_mem>>
        %dma_start3A = arith.constant 0 : i32
        %dma_start3A_253 = arith.constant 0 : i32
        %dma_start3A_254 = tpu.memref_slice %arg2[%dma_start3A, %dma_start3A_253] : memref<10000x128xf32, #tpu.memory_space<hbm>> -> memref<10000x128xf32, #tpu.memory_space<hbm>>
        tpu.enqueue_indirect_dma source(%dma_start3A_254 : memref<10000x128xf32, #tpu.memory_space<hbm>>) target(%arg21 : memref<16x128xf32, #tpu.memory_space<vmem>>) offsets(%arg22 : memref<16xi32, #tpu.memory_space<vmem>>) semaphore(%run_scoped3A : memref<!tpu.dma_semaphore, #tpu.memory_space<semaphore_mem>>)
        %dma_wait3A = arith.constant 0 : i32
        %dma_wait3A_255 = arith.constant 0 : i32
        %dma_wait3A_256 = tpu.memref_slice %arg2[%dma_wait3A, %dma_wait3A_255] : memref<10000x128xf32, #tpu.memory_space<hbm>> -> memref<10000x128xf32, #tpu.memory_space<hbm>>
        tpu.wait_indirect_dma semaphore(%run_scoped3A : memref<!tpu.dma_semaphore, #tpu.memory_space<semaphore_mem>>) src(%dma_wait3A_256 : memref<10000x128xf32, #tpu.memory_space<hbm>>) dst(%arg21 : memref<16x128xf32, #tpu.memory_space<vmem>>)
        tpu.yield
      }) : () -> ()
      "tpu.region"() ({
        %run_scoped3A = tpu.sem_alloc : memref<!tpu.dma_semaphore, #tpu.memory_space<semaphore_mem>>
        %dma_start3A = arith.constant 64 : i32
        %dma_start3A_253 = arith.constant 0 : i32
        %dma_start3A_254 = tpu.memref_slice %arg11[%dma_start3A, %dma_start3A_253] : memref<80x128xf32, #tpu.memory_space<hbm>> -> memref<16x128xf32, #tpu.memory_space<hbm>>
        %dma_start3A_255 = arith.constant 64 : i32
        %dma_start3A_256 = arith.constant 0 : i32
        %dma_start3A_257 = tpu.memref_slice %arg11[%dma_start3A_255, %dma_start3A_256] : memref<80x128xf32, #tpu.memory_space<hbm>> -> memref<16x128xf32, #tpu.memory_space<hbm>>
        tpu.enqueue_dma source(%arg21 : memref<16x128xf32, #tpu.memory_space<vmem>>) target(%dma_start3A_257 : memref<16x128xf32, #tpu.memory_space<hbm>>) target_semaphore(%run_scoped3A : memref<!tpu.dma_semaphore, #tpu.memory_space<semaphore_mem>>)
        %dma_wait3A = arith.constant 64 : i32
        %dma_wait3A_258 = arith.constant 0 : i32
        %dma_wait3A_259 = tpu.memref_slice %arg11[%dma_wait3A, %dma_wait3A_258] : memref<80x128xf32, #tpu.memory_space<hbm>> -> memref<16x128xf32, #tpu.memory_space<hbm>>
        %dma_wait3A_260 = arith.constant 64 : i32
        %dma_wait3A_261 = arith.constant 0 : i32
        %dma_wait3A_262 = tpu.memref_slice %arg11[%dma_wait3A_260, %dma_wait3A_261] : memref<80x128xf32, #tpu.memory_space<hbm>> -> memref<16x128xf32, #tpu.memory_space<hbm>>
        tpu.wait_dma2 semaphore(%run_scoped3A : memref<!tpu.dma_semaphore, #tpu.memory_space<semaphore_mem>>) src(%arg21 : memref<16x128xf32, #tpu.memory_space<vmem>>) dst(%dma_wait3A_262 : memref<16x128xf32, #tpu.memory_space<hbm>>)
        tpu.yield
      }) : () -> ()
      %get3A_237 = arith.constant 26 : i32
      %get3A_238 = arith.index_cast %get3A_237 : i32 to index
      %get3A_239 = arith.constant 0 : index
      %get3A_240 = tpu.vector_load %arg18[%get3A_238, %get3A_239] {strides = array<i32>} : memref<32x16xi32, #tpu.memory_space<vmem>>, vector<16xi32>,
      %swap3A_241 = arith.constant 0 : index
      %swap3A_242 = tpu.vector_load %arg22[%swap3A_241] {strides = array<i32>} : memref<16xi32, #tpu.memory_space<vmem>>, vector<16xi32>,
      %swap3A_243 = vector.shape_cast %swap3A_242 : vector<16xi32> to vector<16xi32>
      %swap3A_244 = vector.shape_cast %get3A_240 : vector<16xi32> to vector<16xi32>
      tpu.vector_store %arg22[%swap3A_241], %swap3A_244 {strides = array<i32>} : memref<16xi32, #tpu.memory_space<vmem>>, vector<16xi32>,
      "tpu.region"() ({
        %run_scoped3A = tpu.sem_alloc : memref<!tpu.dma_semaphore, #tpu.memory_space<semaphore_mem>>
        %dma_start3A = arith.constant 0 : i32
        %dma_start3A_253 = tpu.memref_slice %arg3[%dma_start3A] : memref<81920xi32, #tpu.memory_space<hbm>> -> memref<81920xi32, #tpu.memory_space<hbm>>
        tpu.enqueue_indirect_dma source(%dma_start3A_253 : memref<81920xi32, #tpu.memory_space<hbm>>) target(%arg23 : memref<16xi32, #tpu.memory_space<vmem>>) offsets(%arg22 : memref<16xi32, #tpu.memory_space<vmem>>) semaphore(%run_scoped3A : memref<!tpu.dma_semaphore, #tpu.memory_space<semaphore_mem>>)
        %dma_wait3A = arith.constant 0 : i32
        %dma_wait3A_254 = tpu.memref_slice %arg3[%dma_wait3A] : memref<81920xi32, #tpu.memory_space<hbm>> -> memref<81920xi32, #tpu.memory_space<hbm>>
        tpu.wait_indirect_dma semaphore(%run_scoped3A : memref<!tpu.dma_semaphore, #tpu.memory_space<semaphore_mem>>) src(%dma_wait3A_254 : memref<81920xi32, #tpu.memory_space<hbm>>) dst(%arg23 : memref<16xi32, #tpu.memory_space<vmem>>)
        tpu.yield
      }) : () -> ()
      "tpu.region"() ({
        %run_scoped3A = tpu.sem_alloc : memref<!tpu.dma_semaphore, #tpu.memory_space<semaphore_mem>>
        %dma_start3A = arith.constant 0 : i32
        %dma_start3A_253 = tpu.memref_slice %arg12[%dma_start3A] : memref<32xi32, #tpu.memory_space<hbm>> -> memref<16xi32, #tpu.memory_space<hbm>>
        %dma_start3A_254 = arith.constant 0 : i32
        %dma_start3A_255 = tpu.memref_slice %arg12[%dma_start3A_254] : memref<32xi32, #tpu.memory_space<hbm>> -> memref<16xi32, #tpu.memory_space<hbm>>
        tpu.enqueue_dma source(%arg23 : memref<16xi32, #tpu.memory_space<vmem>>) target(%dma_start3A_255 : memref<16xi32, #tpu.memory_space<hbm>>) target_semaphore(%run_scoped3A : memref<!tpu.dma_semaphore, #tpu.memory_space<semaphore_mem>>)
        %dma_wait3A = arith.constant 0 : i32
        %dma_wait3A_256 = tpu.memref_slice %arg12[%dma_wait3A] : memref<32xi32, #tpu.memory_space<hbm>> -> memref<16xi32, #tpu.memory_space<hbm>>
        %dma_wait3A_257 = arith.constant 0 : i32
        %dma_wait3A_258 = tpu.memref_slice %arg12[%dma_wait3A_257] : memref<32xi32, #tpu.memory_space<hbm>> -> memref<16xi32, #tpu.memory_space<hbm>>
        tpu.wait_dma2 semaphore(%run_scoped3A : memref<!tpu.dma_semaphore, #tpu.memory_space<semaphore_mem>>) src(%arg23 : memref<16xi32, #tpu.memory_space<vmem>>) dst(%dma_wait3A_258 : memref<16xi32, #tpu.memory_space<hbm>>)
        tpu.yield
      }) : () -> ()
      %get3A_245 = arith.constant 27 : i32
      %get3A_246 = arith.index_cast %get3A_245 : i32 to index
      %get3A_247 = arith.constant 0 : index
      %get3A_248 = tpu.vector_load %arg18[%get3A_246, %get3A_247] {strides = array<i32>} : memref<32x16xi32, #tpu.memory_space<vmem>>, vector<16xi32>,
      %swap3A_249 = arith.constant 0 : index
      %swap3A_250 = tpu.vector_load %arg22[%swap3A_249] {strides = array<i32>} : memref<16xi32, #tpu.memory_space<vmem>>, vector<16xi32>,
      %swap3A_251 = vector.shape_cast %swap3A_250 : vector<16xi32> to vector<16xi32>
      %swap3A_252 = vector.shape_cast %get3A_248 : vector<16xi32> to vector<16xi32>
      tpu.vector_store %arg22[%swap3A_249], %swap3A_252 {strides = array<i32>} : memref<16xi32, #tpu.memory_space<vmem>>, vector<16xi32>,
      "tpu.region"() ({
        %run_scoped3A = tpu.sem_alloc : memref<!tpu.dma_semaphore, #tpu.memory_space<semaphore_mem>>
        %dma_start3A = arith.constant 0 : i32
        %dma_start3A_253 = tpu.memref_slice %arg3[%dma_start3A] : memref<81920xi32, #tpu.memory_space<hbm>> -> memref<81920xi32, #tpu.memory_space<hbm>>
        tpu.enqueue_indirect_dma source(%dma_start3A_253 : memref<81920xi32, #tpu.memory_space<hbm>>) target(%arg23 : memref<16xi32, #tpu.memory_space<vmem>>) offsets(%arg22 : memref<16xi32, #tpu.memory_space<vmem>>) semaphore(%run_scoped3A : memref<!tpu.dma_semaphore, #tpu.memory_space<semaphore_mem>>)
        %dma_wait3A = arith.constant 0 : i32
        %dma_wait3A_254 = tpu.memref_slice %arg3[%dma_wait3A] : memref<81920xi32, #tpu.memory_space<hbm>> -> memref<81920xi32, #tpu.memory_space<hbm>>
        tpu.wait_indirect_dma semaphore(%run_scoped3A : memref<!tpu.dma_semaphore, #tpu.memory_space<semaphore_mem>>) src(%dma_wait3A_254 : memref<81920xi32, #tpu.memory_space<hbm>>) dst(%arg23 : memref<16xi32, #tpu.memory_space<vmem>>)
        tpu.yield
      }) : () -> ()
      "tpu.region"() ({
        %run_scoped3A = tpu.sem_alloc : memref<!tpu.dma_semaphore, #tpu.memory_space<semaphore_mem>>
        %dma_start3A = arith.constant 16 : i32
        %dma_start3A_253 = tpu.memref_slice %arg12[%dma_start3A] : memref<32xi32, #tpu.memory_space<hbm>> -> memref<16xi32, #tpu.memory_space<hbm>>
        %dma_start3A_254 = arith.constant 16 : i32
        %dma_start3A_255 = tpu.memref_slice %arg12[%dma_start3A_254] : memref<32xi32, #tpu.memory_space<hbm>> -> memref<16xi32, #tpu.memory_space<hbm>>
        tpu.enqueue_dma source(%arg23 : memref<16xi32, #tpu.memory_space<vmem>>) target(%dma_start3A_255 : memref<16xi32, #tpu.memory_space<hbm>>) target_semaphore(%run_scoped3A : memref<!tpu.dma_semaphore, #tpu.memory_space<semaphore_mem>>)
        %dma_wait3A = arith.constant 16 : i32
        %dma_wait3A_256 = tpu.memref_slice %arg12[%dma_wait3A] : memref<32xi32, #tpu.memory_space<hbm>> -> memref<16xi32, #tpu.memory_space<hbm>>
        %dma_wait3A_257 = arith.constant 16 : i32
        %dma_wait3A_258 = tpu.memref_slice %arg12[%dma_wait3A_257] : memref<32xi32, #tpu.memory_space<hbm>> -> memref<16xi32, #tpu.memory_space<hbm>>
        tpu.wait_dma2 semaphore(%run_scoped3A : memref<!tpu.dma_semaphore, #tpu.memory_space<semaphore_mem>>) src(%arg23 : memref<16xi32, #tpu.memory_space<vmem>>) dst(%dma_wait3A_258 : memref<16xi32, #tpu.memory_space<hbm>>)
        tpu.yield
      }) : () -> ()
    } else {
    }
    return
  }
}

#map = affine_map<(d0, d1) -> (0, 0)>
#map1 = affine_map<(d0, d1) -> (0)>
module attributes {stable_mosaic.version = 14 : i64} {
  func.func @sc_agg_cnt(%arg0: i32, %arg1: i32, %arg2: memref<10000x128xf32, #tpu.memory_space<hbm>>, %arg3: memref<160000xi32, #tpu.memory_space<hbm>>, %arg4: memref<160000xi32, #tpu.memory_space<hbm>>, %arg5: memref<8x16xi32, #tpu.memory_space<hbm>>, %arg6: memref<10000x128xf32, #tpu.memory_space<hbm>>, %arg7: memref<81920xi32, #tpu.memory_space<hbm>>, %arg8: memref<10112x128xf32, #tpu.memory_space<vmem_shared>>, %arg9: memref<81920xi32, #tpu.memory_space<vmem_shared>>, %arg10: memref<10000xi32, #tpu.memory_space<vmem>>, %arg11: memref<10000xi32, #tpu.memory_space<vmem>>, %arg12: memref<128xi32, #tpu.memory_space<vmem>>, %arg13: memref<128xi32, #tpu.memory_space<vmem>>, %arg14: memref<128x128xf32, #tpu.memory_space<vmem>>, %arg15: memref<16xi32, #tpu.memory_space<vmem>>, %arg16: memref<16xi32, #tpu.memory_space<vmem>>, %arg17: memref<16x128xf32, #tpu.memory_space<vmem>>, %arg18: memref<128xi32, #tpu.memory_space<vmem>>, %arg19: memref<16xi32, #tpu.memory_space<vmem>>, %arg20: memref<8x16xi32, #tpu.memory_space<vmem>>) attributes {dimension_semantics = [#tpu.dimension_semantics<core_parallel>, #tpu.dimension_semantics<subcore_parallel>], iteration_bounds = array<i64: 2, 16>, scalar_prefetch = 0 : i64, scratch_operands = 13 : i64, tpu.core_type = #tpu.core_type<sc_vector_subcore>, window_params = [{transform_indices = #map}, {transform_indices = #map1}, {transform_indices = #map1}, {transform_indices = #map}, {transform_indices = #map}, {transform_indices = #map1}]} {
    %broadcast_in_dim3A = arith.constant 0.000000e+00 : f32
    %broadcast_in_dim3A_0 = vector.broadcast %broadcast_in_dim3A : f32 to vector<16xf32>
    %broadcast_in_dim3A_1 = arith.constant 0 : i32
    %broadcast_in_dim3A_2 = vector.broadcast %broadcast_in_dim3A_1 : i32 to vector<16xi32>
    %eq3A = arith.constant 0 : i32
    %eq3A_3 = arith.cmpi eq, %arg0, %eq3A : i32
    %convert_element_type3A = arith.extui %eq3A_3 : i1 to i32
    %cond3A = arith.constant 0 : i32
    %cond3A_4 = arith.cmpi ne, %convert_element_type3A, %cond3A : i32
    scf.if %cond3A_4 {
      %scan3A = arith.constant 0 : i32
      %scan3A_10 = arith.constant 0 : i32
      %scan3A_11 = arith.constant 128 : i32
      %scan3A_12 = arith.addi %scan3A_10, %scan3A_11 : i32
      %scan3A_13 = arith.constant 1 : i32
      %scan3A_14 = scf.for %scan3A_58 = %scan3A_10 to %scan3A_12 step %scan3A_13 iter_args(%scan3A_59 = %scan3A) -> (i32)  : i32 {
        %swap3A_60 = arith.index_cast %scan3A_58 : i32 to index
        %swap3A_61 = arith.constant 0 : index
        %swap3A_62 = tpu.vector_load %arg14[%swap3A_60, %swap3A_61] {strides = array<i32>} : memref<128x128xf32, #tpu.memory_space<vmem>>, vector<1x16xf32>,
        %swap3A_63 = vector.shape_cast %swap3A_62 : vector<1x16xf32> to vector<16xf32>
        %swap3A_64 = vector.shape_cast %broadcast_in_dim3A_0 : vector<16xf32> to vector<1x16xf32>
        tpu.vector_store %arg14[%swap3A_60, %swap3A_61], %swap3A_64 {strides = array<i32>} : memref<128x128xf32, #tpu.memory_space<vmem>>, vector<1x16xf32>,
        %swap3A_65 = arith.index_cast %scan3A_58 : i32 to index
        %swap3A_66 = arith.constant 16 : index
        %swap3A_67 = tpu.vector_load %arg14[%swap3A_65, %swap3A_66] {strides = array<i32>} : memref<128x128xf32, #tpu.memory_space<vmem>>, vector<1x16xf32>,
        %swap3A_68 = vector.shape_cast %swap3A_67 : vector<1x16xf32> to vector<16xf32>
        %swap3A_69 = vector.shape_cast %broadcast_in_dim3A_0 : vector<16xf32> to vector<1x16xf32>
        tpu.vector_store %arg14[%swap3A_65, %swap3A_66], %swap3A_69 {strides = array<i32>} : memref<128x128xf32, #tpu.memory_space<vmem>>, vector<1x16xf32>,
        %swap3A_70 = arith.index_cast %scan3A_58 : i32 to index
        %swap3A_71 = arith.constant 32 : index
        %swap3A_72 = tpu.vector_load %arg14[%swap3A_70, %swap3A_71] {strides = array<i32>} : memref<128x128xf32, #tpu.memory_space<vmem>>, vector<1x16xf32>,
        %swap3A_73 = vector.shape_cast %swap3A_72 : vector<1x16xf32> to vector<16xf32>
        %swap3A_74 = vector.shape_cast %broadcast_in_dim3A_0 : vector<16xf32> to vector<1x16xf32>
        tpu.vector_store %arg14[%swap3A_70, %swap3A_71], %swap3A_74 {strides = array<i32>} : memref<128x128xf32, #tpu.memory_space<vmem>>, vector<1x16xf32>,
        %swap3A_75 = arith.index_cast %scan3A_58 : i32 to index
        %swap3A_76 = arith.constant 48 : index
        %swap3A_77 = tpu.vector_load %arg14[%swap3A_75, %swap3A_76] {strides = array<i32>} : memref<128x128xf32, #tpu.memory_space<vmem>>, vector<1x16xf32>,
        %swap3A_78 = vector.shape_cast %swap3A_77 : vector<1x16xf32> to vector<16xf32>
        %swap3A_79 = vector.shape_cast %broadcast_in_dim3A_0 : vector<16xf32> to vector<1x16xf32>
        tpu.vector_store %arg14[%swap3A_75, %swap3A_76], %swap3A_79 {strides = array<i32>} : memref<128x128xf32, #tpu.memory_space<vmem>>, vector<1x16xf32>,
        %swap3A_80 = arith.index_cast %scan3A_58 : i32 to index
        %swap3A_81 = arith.constant 64 : index
        %swap3A_82 = tpu.vector_load %arg14[%swap3A_80, %swap3A_81] {strides = array<i32>} : memref<128x128xf32, #tpu.memory_space<vmem>>, vector<1x16xf32>,
        %swap3A_83 = vector.shape_cast %swap3A_82 : vector<1x16xf32> to vector<16xf32>
        %swap3A_84 = vector.shape_cast %broadcast_in_dim3A_0 : vector<16xf32> to vector<1x16xf32>
        tpu.vector_store %arg14[%swap3A_80, %swap3A_81], %swap3A_84 {strides = array<i32>} : memref<128x128xf32, #tpu.memory_space<vmem>>, vector<1x16xf32>,
        %swap3A_85 = arith.index_cast %scan3A_58 : i32 to index
        %swap3A_86 = arith.constant 80 : index
        %swap3A_87 = tpu.vector_load %arg14[%swap3A_85, %swap3A_86] {strides = array<i32>} : memref<128x128xf32, #tpu.memory_space<vmem>>, vector<1x16xf32>,
        %swap3A_88 = vector.shape_cast %swap3A_87 : vector<1x16xf32> to vector<16xf32>
        %swap3A_89 = vector.shape_cast %broadcast_in_dim3A_0 : vector<16xf32> to vector<1x16xf32>
        tpu.vector_store %arg14[%swap3A_85, %swap3A_86], %swap3A_89 {strides = array<i32>} : memref<128x128xf32, #tpu.memory_space<vmem>>, vector<1x16xf32>,
        %swap3A_90 = arith.index_cast %scan3A_58 : i32 to index
        %swap3A_91 = arith.constant 96 : index
        %swap3A_92 = tpu.vector_load %arg14[%swap3A_90, %swap3A_91] {strides = array<i32>} : memref<128x128xf32, #tpu.memory_space<vmem>>, vector<1x16xf32>,
        %swap3A_93 = vector.shape_cast %swap3A_92 : vector<1x16xf32> to vector<16xf32>
        %swap3A_94 = vector.shape_cast %broadcast_in_dim3A_0 : vector<16xf32> to vector<1x16xf32>
        tpu.vector_store %arg14[%swap3A_90, %swap3A_91], %swap3A_94 {strides = array<i32>} : memref<128x128xf32, #tpu.memory_space<vmem>>, vector<1x16xf32>,
        %swap3A_95 = arith.index_cast %scan3A_58 : i32 to index
        %swap3A_96 = arith.constant 112 : index
        %swap3A_97 = tpu.vector_load %arg14[%swap3A_95, %swap3A_96] {strides = array<i32>} : memref<128x128xf32, #tpu.memory_space<vmem>>, vector<1x16xf32>,
        %swap3A_98 = vector.shape_cast %swap3A_97 : vector<1x16xf32> to vector<16xf32>
        %swap3A_99 = vector.shape_cast %broadcast_in_dim3A_0 : vector<16xf32> to vector<1x16xf32>
        tpu.vector_store %arg14[%swap3A_95, %swap3A_96], %swap3A_99 {strides = array<i32>} : memref<128x128xf32, #tpu.memory_space<vmem>>, vector<1x16xf32>,
        %scan3A_100 = arith.constant 0 : i32
        scf.yield %scan3A_100 : i32
      }
      %scan3A_15 = arith.constant 128 : i32
      %scan3A_16 = arith.constant 0 : i32
      %scan3A_17 = arith.constant 0 : i32
      %scan3A_18 = arith.constant 9 : i32
      %scan3A_19 = arith.addi %scan3A_17, %scan3A_18 : i32
      %scan3A_20 = arith.constant 1 : i32
      %scan3A_21 = scf.for %scan3A_58 = %scan3A_17 to %scan3A_19 step %scan3A_20 iter_args(%scan3A_59 = %scan3A_16) -> (i32)  : i32 {
        %mul3A_60 = arith.constant 632 : i32
        %mul3A_61 = arith.muli %arg1, %mul3A_60 : i32
        %mul3A_62 = arith.constant 64 : i32
        %mul3A_63 = arith.muli %scan3A_58, %mul3A_62 : i32
        %add3A_64 = arith.addi %mul3A_61, %mul3A_63 : i32
        "tpu.region"() ({
          %run_scoped3A = tpu.sem_alloc : memref<!tpu.dma_semaphore, #tpu.memory_space<semaphore_mem>>
          %dma_start3A = arith.constant 0 : i32
          %dma_start3A_66 = arith.constant 0 : i32
          %dma_start3A_67 = tpu.memref_slice %arg14[%dma_start3A, %dma_start3A_66] : memref<128x128xf32, #tpu.memory_space<vmem>> -> memref<64x128xf32, #tpu.memory_space<vmem>>
          %dma_start3A_68 = arith.constant 0 : i32
          %dma_start3A_69 = tpu.memref_slice %arg8[%add3A_64, %dma_start3A_68] : memref<10112x128xf32, #tpu.memory_space<vmem_shared>> -> memref<64x128xf32, #tpu.memory_space<vmem_shared>>
          %dma_start3A_70 = arith.constant 0 : i32
          %dma_start3A_71 = tpu.memref_slice %arg8[%add3A_64, %dma_start3A_70] : memref<10112x128xf32, #tpu.memory_space<vmem_shared>> -> memref<64x128xf32, #tpu.memory_space<vmem_shared>>
          %dma_start3A_72 = arith.constant 0 : i32
          %dma_start3A_73 = arith.constant 0 : i32
          %dma_start3A_74 = tpu.memref_slice %arg14[%dma_start3A_72, %dma_start3A_73] : memref<128x128xf32, #tpu.memory_space<vmem>> -> memref<64x128xf32, #tpu.memory_space<vmem>>
          tpu.enqueue_dma source(%dma_start3A_74 : memref<64x128xf32, #tpu.memory_space<vmem>>) target(%dma_start3A_71 : memref<64x128xf32, #tpu.memory_space<vmem_shared>>) target_semaphore(%run_scoped3A : memref<!tpu.dma_semaphore, #tpu.memory_space<semaphore_mem>>)
          %dma_wait3A = arith.constant 0 : i32
          %dma_wait3A_75 = arith.constant 0 : i32
          %dma_wait3A_76 = tpu.memref_slice %arg14[%dma_wait3A, %dma_wait3A_75] : memref<128x128xf32, #tpu.memory_space<vmem>> -> memref<64x128xf32, #tpu.memory_space<vmem>>
          %dma_wait3A_77 = arith.constant 0 : i32
          %dma_wait3A_78 = tpu.memref_slice %arg8[%add3A_64, %dma_wait3A_77] : memref<10112x128xf32, #tpu.memory_space<vmem_shared>> -> memref<64x128xf32, #tpu.memory_space<vmem_shared>>
          %dma_wait3A_79 = arith.constant 0 : i32
          %dma_wait3A_80 = tpu.memref_slice %arg8[%add3A_64, %dma_wait3A_79] : memref<10112x128xf32, #tpu.memory_space<vmem_shared>> -> memref<64x128xf32, #tpu.memory_space<vmem_shared>>
          %dma_wait3A_81 = arith.constant 0 : i32
          %dma_wait3A_82 = arith.constant 0 : i32
          %dma_wait3A_83 = tpu.memref_slice %arg14[%dma_wait3A_81, %dma_wait3A_82] : memref<128x128xf32, #tpu.memory_space<vmem>> -> memref<64x128xf32, #tpu.memory_space<vmem>>
          tpu.wait_dma2 semaphore(%run_scoped3A : memref<!tpu.dma_semaphore, #tpu.memory_space<semaphore_mem>>) src(%dma_wait3A_83 : memref<64x128xf32, #tpu.memory_space<vmem>>) dst(%dma_wait3A_80 : memref<64x128xf32, #tpu.memory_space<vmem_shared>>)
          tpu.yield
        }) : () -> ()
        %scan3A_65 = arith.constant 0 : i32
        scf.yield %scan3A_65 : i32
      }
      %scan3A_22 = arith.constant 9 : i32
      %mul3A = arith.constant 632 : i32
      %mul3A_23 = arith.muli %arg1, %mul3A : i32
      %add3A = arith.constant 576 : i32
      %add3A_24 = arith.addi %mul3A_23, %add3A : i32
      "tpu.region"() ({
        %run_scoped3A = tpu.sem_alloc : memref<!tpu.dma_semaphore, #tpu.memory_space<semaphore_mem>>
        %dma_start3A = arith.constant 0 : i32
        %dma_start3A_58 = arith.constant 0 : i32
        %dma_start3A_59 = tpu.memref_slice %arg14[%dma_start3A, %dma_start3A_58] : memref<128x128xf32, #tpu.memory_space<vmem>> -> memref<56x128xf32, #tpu.memory_space<vmem>>
        %dma_start3A_60 = arith.constant 0 : i32
        %dma_start3A_61 = tpu.memref_slice %arg8[%add3A_24, %dma_start3A_60] : memref<10112x128xf32, #tpu.memory_space<vmem_shared>> -> memref<56x128xf32, #tpu.memory_space<vmem_shared>>
        %dma_start3A_62 = arith.constant 0 : i32
        %dma_start3A_63 = tpu.memref_slice %arg8[%add3A_24, %dma_start3A_62] : memref<10112x128xf32, #tpu.memory_space<vmem_shared>> -> memref<56x128xf32, #tpu.memory_space<vmem_shared>>
        %dma_start3A_64 = arith.constant 0 : i32
        %dma_start3A_65 = arith.constant 0 : i32
        %dma_start3A_66 = tpu.memref_slice %arg14[%dma_start3A_64, %dma_start3A_65] : memref<128x128xf32, #tpu.memory_space<vmem>> -> memref<56x128xf32, #tpu.memory_space<vmem>>
        tpu.enqueue_dma source(%dma_start3A_66 : memref<56x128xf32, #tpu.memory_space<vmem>>) target(%dma_start3A_63 : memref<56x128xf32, #tpu.memory_space<vmem_shared>>) target_semaphore(%run_scoped3A : memref<!tpu.dma_semaphore, #tpu.memory_space<semaphore_mem>>)
        %dma_wait3A = arith.constant 0 : i32
        %dma_wait3A_67 = arith.constant 0 : i32
        %dma_wait3A_68 = tpu.memref_slice %arg14[%dma_wait3A, %dma_wait3A_67] : memref<128x128xf32, #tpu.memory_space<vmem>> -> memref<56x128xf32, #tpu.memory_space<vmem>>
        %dma_wait3A_69 = arith.constant 0 : i32
        %dma_wait3A_70 = tpu.memref_slice %arg8[%add3A_24, %dma_wait3A_69] : memref<10112x128xf32, #tpu.memory_space<vmem_shared>> -> memref<56x128xf32, #tpu.memory_space<vmem_shared>>
        %dma_wait3A_71 = arith.constant 0 : i32
        %dma_wait3A_72 = tpu.memref_slice %arg8[%add3A_24, %dma_wait3A_71] : memref<10112x128xf32, #tpu.memory_space<vmem_shared>> -> memref<56x128xf32, #tpu.memory_space<vmem_shared>>
        %dma_wait3A_73 = arith.constant 0 : i32
        %dma_wait3A_74 = arith.constant 0 : i32
        %dma_wait3A_75 = tpu.memref_slice %arg14[%dma_wait3A_73, %dma_wait3A_74] : memref<128x128xf32, #tpu.memory_space<vmem>> -> memref<56x128xf32, #tpu.memory_space<vmem>>
        tpu.wait_dma2 semaphore(%run_scoped3A : memref<!tpu.dma_semaphore, #tpu.memory_space<semaphore_mem>>) src(%dma_wait3A_75 : memref<56x128xf32, #tpu.memory_space<vmem>>) dst(%dma_wait3A_72 : memref<56x128xf32, #tpu.memory_space<vmem_shared>>)
        tpu.yield
      }) : () -> ()
      %mul3A_25 = arith.constant 10000 : i32
      %mul3A_26 = arith.muli %arg1, %mul3A_25 : i32
      "tpu.region"() ({
        %run_scoped3A = tpu.sem_alloc : memref<!tpu.dma_semaphore, #tpu.memory_space<semaphore_mem>>
        %dma_start3A = tpu.memref_slice %arg3[%mul3A_26] : memref<160000xi32, #tpu.memory_space<hbm>> -> memref<10000xi32, #tpu.memory_space<hbm>>
        %dma_start3A_58 = tpu.memref_slice %arg3[%mul3A_26] : memref<160000xi32, #tpu.memory_space<hbm>> -> memref<10000xi32, #tpu.memory_space<hbm>>
        tpu.enqueue_dma source(%dma_start3A_58 : memref<10000xi32, #tpu.memory_space<hbm>>) target(%arg10 : memref<10000xi32, #tpu.memory_space<vmem>>) target_semaphore(%run_scoped3A : memref<!tpu.dma_semaphore, #tpu.memory_space<semaphore_mem>>)
        %dma_wait3A = tpu.memref_slice %arg3[%mul3A_26] : memref<160000xi32, #tpu.memory_space<hbm>> -> memref<10000xi32, #tpu.memory_space<hbm>>
        %dma_wait3A_59 = tpu.memref_slice %arg3[%mul3A_26] : memref<160000xi32, #tpu.memory_space<hbm>> -> memref<10000xi32, #tpu.memory_space<hbm>>
        tpu.wait_dma2 semaphore(%run_scoped3A : memref<!tpu.dma_semaphore, #tpu.memory_space<semaphore_mem>>) src(%dma_wait3A_59 : memref<10000xi32, #tpu.memory_space<hbm>>) dst(%arg10 : memref<10000xi32, #tpu.memory_space<vmem>>)
        tpu.yield
      }) : () -> ()
      %mul3A_27 = arith.constant 10000 : i32
      %mul3A_28 = arith.muli %arg1, %mul3A_27 : i32
      "tpu.region"() ({
        %run_scoped3A = tpu.sem_alloc : memref<!tpu.dma_semaphore, #tpu.memory_space<semaphore_mem>>
        %dma_start3A = tpu.memref_slice %arg4[%mul3A_28] : memref<160000xi32, #tpu.memory_space<hbm>> -> memref<10000xi32, #tpu.memory_space<hbm>>
        %dma_start3A_58 = tpu.memref_slice %arg4[%mul3A_28] : memref<160000xi32, #tpu.memory_space<hbm>> -> memref<10000xi32, #tpu.memory_space<hbm>>
        tpu.enqueue_dma source(%dma_start3A_58 : memref<10000xi32, #tpu.memory_space<hbm>>) target(%arg11 : memref<10000xi32, #tpu.memory_space<vmem>>) target_semaphore(%run_scoped3A : memref<!tpu.dma_semaphore, #tpu.memory_space<semaphore_mem>>)
        %dma_wait3A = tpu.memref_slice %arg4[%mul3A_28] : memref<160000xi32, #tpu.memory_space<hbm>> -> memref<10000xi32, #tpu.memory_space<hbm>>
        %dma_wait3A_59 = tpu.memref_slice %arg4[%mul3A_28] : memref<160000xi32, #tpu.memory_space<hbm>> -> memref<10000xi32, #tpu.memory_space<hbm>>
        tpu.wait_dma2 semaphore(%run_scoped3A : memref<!tpu.dma_semaphore, #tpu.memory_space<semaphore_mem>>) src(%dma_wait3A_59 : memref<10000xi32, #tpu.memory_space<hbm>>) dst(%arg11 : memref<10000xi32, #tpu.memory_space<vmem>>)
        tpu.yield
      }) : () -> ()
      %barrier3A = arith.constant 0 : index
      tpu.barrier barrier_id(%barrier3A)
      %scan3A_29 = arith.constant 0 : i32
      %scan3A_30 = arith.constant 0 : i32
      %scan3A_31 = arith.constant 78 : i32
      %scan3A_32 = arith.addi %scan3A_30, %scan3A_31 : i32
      %scan3A_33 = arith.constant 1 : i32
      %scan3A_34 = scf.for %scan3A_58 = %scan3A_30 to %scan3A_32 step %scan3A_33 iter_args(%scan3A_59 = %scan3A_29) -> (i32)  : i32 {
        %mul3A_60 = arith.constant 128 : i32
        %mul3A_61 = arith.muli %scan3A_58, %mul3A_60 : i32
        %add3A_62 = arith.constant 0 : i32
        %add3A_63 = arith.addi %mul3A_61, %add3A_62 : i32
        %get3A_64 = arith.index_cast %add3A_63 : i32 to index
        %get3A_65 = tpu.vector_load %arg10[%get3A_64] {strides = array<i32>} : memref<10000xi32, #tpu.memory_space<vmem>>, vector<16xi32>,
        %get3A_66 = vector.shape_cast %get3A_65 : vector<16xi32> to vector<16xi32>
        %swap3A_67 = arith.constant 0 : index
        %swap3A_68 = tpu.vector_load %arg13[%swap3A_67] {strides = array<i32>} : memref<128xi32, #tpu.memory_space<vmem>>, vector<16xi32>,
        %swap3A_69 = vector.shape_cast %swap3A_68 : vector<16xi32> to vector<16xi32>
        %swap3A_70 = vector.shape_cast %get3A_66 : vector<16xi32> to vector<16xi32>
        tpu.vector_store %arg13[%swap3A_67], %swap3A_70 {strides = array<i32>} : memref<128xi32, #tpu.memory_space<vmem>>, vector<16xi32>,
        %get3A_71 = arith.index_cast %add3A_63 : i32 to index
        %get3A_72 = tpu.vector_load %arg11[%get3A_71] {strides = array<i32>} : memref<10000xi32, #tpu.memory_space<vmem>>, vector<16xi32>,
        %get3A_73 = vector.shape_cast %get3A_72 : vector<16xi32> to vector<16xi32>
        %swap3A_74 = arith.constant 0 : index
        %swap3A_75 = tpu.vector_load %arg12[%swap3A_74] {strides = array<i32>} : memref<128xi32, #tpu.memory_space<vmem>>, vector<16xi32>,
        %swap3A_76 = vector.shape_cast %swap3A_75 : vector<16xi32> to vector<16xi32>
        %swap3A_77 = vector.shape_cast %get3A_73 : vector<16xi32> to vector<16xi32>
        tpu.vector_store %arg12[%swap3A_74], %swap3A_77 {strides = array<i32>} : memref<128xi32, #tpu.memory_space<vmem>>, vector<16xi32>,
        %mul3A_78 = arith.constant 128 : i32
        %mul3A_79 = arith.muli %scan3A_58, %mul3A_78 : i32
        %add3A_80 = arith.constant 16 : i32
        %add3A_81 = arith.addi %mul3A_79, %add3A_80 : i32
        %get3A_82 = arith.index_cast %add3A_81 : i32 to index
        %get3A_83 = tpu.vector_load %arg10[%get3A_82] {strides = array<i32>} : memref<10000xi32, #tpu.memory_space<vmem>>, vector<16xi32>,
        %get3A_84 = vector.shape_cast %get3A_83 : vector<16xi32> to vector<16xi32>
        %swap3A_85 = arith.constant 16 : index
        %swap3A_86 = tpu.vector_load %arg13[%swap3A_85] {strides = array<i32>} : memref<128xi32, #tpu.memory_space<vmem>>, vector<16xi32>,
        %swap3A_87 = vector.shape_cast %swap3A_86 : vector<16xi32> to vector<16xi32>
        %swap3A_88 = vector.shape_cast %get3A_84 : vector<16xi32> to vector<16xi32>
        tpu.vector_store %arg13[%swap3A_85], %swap3A_88 {strides = array<i32>} : memref<128xi32, #tpu.memory_space<vmem>>, vector<16xi32>,
        %get3A_89 = arith.index_cast %add3A_81 : i32 to index
        %get3A_90 = tpu.vector_load %arg11[%get3A_89] {strides = array<i32>} : memref<10000xi32, #tpu.memory_space<vmem>>, vector<16xi32>,
        %get3A_91 = vector.shape_cast %get3A_90 : vector<16xi32> to vector<16xi32>
        %swap3A_92 = arith.constant 16 : index
        %swap3A_93 = tpu.vector_load %arg12[%swap3A_92] {strides = array<i32>} : memref<128xi32, #tpu.memory_space<vmem>>, vector<16xi32>,
        %swap3A_94 = vector.shape_cast %swap3A_93 : vector<16xi32> to vector<16xi32>
        %swap3A_95 = vector.shape_cast %get3A_91 : vector<16xi32> to vector<16xi32>
        tpu.vector_store %arg12[%swap3A_92], %swap3A_95 {strides = array<i32>} : memref<128xi32, #tpu.memory_space<vmem>>, vector<16xi32>,
        %mul3A_96 = arith.constant 128 : i32
        %mul3A_97 = arith.muli %scan3A_58, %mul3A_96 : i32
        %add3A_98 = arith.constant 32 : i32
        %add3A_99 = arith.addi %mul3A_97, %add3A_98 : i32
        %get3A_100 = arith.index_cast %add3A_99 : i32 to index
        %get3A_101 = tpu.vector_load %arg10[%get3A_100] {strides = array<i32>} : memref<10000xi32, #tpu.memory_space<vmem>>, vector<16xi32>,
        %get3A_102 = vector.shape_cast %get3A_101 : vector<16xi32> to vector<16xi32>
        %swap3A_103 = arith.constant 32 : index
        %swap3A_104 = tpu.vector_load %arg13[%swap3A_103] {strides = array<i32>} : memref<128xi32, #tpu.memory_space<vmem>>, vector<16xi32>,
        %swap3A_105 = vector.shape_cast %swap3A_104 : vector<16xi32> to vector<16xi32>
        %swap3A_106 = vector.shape_cast %get3A_102 : vector<16xi32> to vector<16xi32>
        tpu.vector_store %arg13[%swap3A_103], %swap3A_106 {strides = array<i32>} : memref<128xi32, #tpu.memory_space<vmem>>, vector<16xi32>,
        %get3A_107 = arith.index_cast %add3A_99 : i32 to index
        %get3A_108 = tpu.vector_load %arg11[%get3A_107] {strides = array<i32>} : memref<10000xi32, #tpu.memory_space<vmem>>, vector<16xi32>,
        %get3A_109 = vector.shape_cast %get3A_108 : vector<16xi32> to vector<16xi32>
        %swap3A_110 = arith.constant 32 : index
        %swap3A_111 = tpu.vector_load %arg12[%swap3A_110] {strides = array<i32>} : memref<128xi32, #tpu.memory_space<vmem>>, vector<16xi32>,
        %swap3A_112 = vector.shape_cast %swap3A_111 : vector<16xi32> to vector<16xi32>
        %swap3A_113 = vector.shape_cast %get3A_109 : vector<16xi32> to vector<16xi32>
        tpu.vector_store %arg12[%swap3A_110], %swap3A_113 {strides = array<i32>} : memref<128xi32, #tpu.memory_space<vmem>>, vector<16xi32>,
        %mul3A_114 = arith.constant 128 : i32
        %mul3A_115 = arith.muli %scan3A_58, %mul3A_114 : i32
        %add3A_116 = arith.constant 48 : i32
        %add3A_117 = arith.addi %mul3A_115, %add3A_116 : i32
        %get3A_118 = arith.index_cast %add3A_117 : i32 to index
        %get3A_119 = tpu.vector_load %arg10[%get3A_118] {strides = array<i32>} : memref<10000xi32, #tpu.memory_space<vmem>>, vector<16xi32>,
        %get3A_120 = vector.shape_cast %get3A_119 : vector<16xi32> to vector<16xi32>
        %swap3A_121 = arith.constant 48 : index
        %swap3A_122 = tpu.vector_load %arg13[%swap3A_121] {strides = array<i32>} : memref<128xi32, #tpu.memory_space<vmem>>, vector<16xi32>,
        %swap3A_123 = vector.shape_cast %swap3A_122 : vector<16xi32> to vector<16xi32>
        %swap3A_124 = vector.shape_cast %get3A_120 : vector<16xi32> to vector<16xi32>
        tpu.vector_store %arg13[%swap3A_121], %swap3A_124 {strides = array<i32>} : memref<128xi32, #tpu.memory_space<vmem>>, vector<16xi32>,
        %get3A_125 = arith.index_cast %add3A_117 : i32 to index
        %get3A_126 = tpu.vector_load %arg11[%get3A_125] {strides = array<i32>} : memref<10000xi32, #tpu.memory_space<vmem>>, vector<16xi32>,
        %get3A_127 = vector.shape_cast %get3A_126 : vector<16xi32> to vector<16xi32>
        %swap3A_128 = arith.constant 48 : index
        %swap3A_129 = tpu.vector_load %arg12[%swap3A_128] {strides = array<i32>} : memref<128xi32, #tpu.memory_space<vmem>>, vector<16xi32>,
        %swap3A_130 = vector.shape_cast %swap3A_129 : vector<16xi32> to vector<16xi32>
        %swap3A_131 = vector.shape_cast %get3A_127 : vector<16xi32> to vector<16xi32>
        tpu.vector_store %arg12[%swap3A_128], %swap3A_131 {strides = array<i32>} : memref<128xi32, #tpu.memory_space<vmem>>, vector<16xi32>,
        %mul3A_132 = arith.constant 128 : i32
        %mul3A_133 = arith.muli %scan3A_58, %mul3A_132 : i32
        %add3A_134 = arith.constant 64 : i32
        %add3A_135 = arith.addi %mul3A_133, %add3A_134 : i32
        %get3A_136 = arith.index_cast %add3A_135 : i32 to index
        %get3A_137 = tpu.vector_load %arg10[%get3A_136] {strides = array<i32>} : memref<10000xi32, #tpu.memory_space<vmem>>, vector<16xi32>,
        %get3A_138 = vector.shape_cast %get3A_137 : vector<16xi32> to vector<16xi32>
        %swap3A_139 = arith.constant 64 : index
        %swap3A_140 = tpu.vector_load %arg13[%swap3A_139] {strides = array<i32>} : memref<128xi32, #tpu.memory_space<vmem>>, vector<16xi32>,
        %swap3A_141 = vector.shape_cast %swap3A_140 : vector<16xi32> to vector<16xi32>
        %swap3A_142 = vector.shape_cast %get3A_138 : vector<16xi32> to vector<16xi32>
        tpu.vector_store %arg13[%swap3A_139], %swap3A_142 {strides = array<i32>} : memref<128xi32, #tpu.memory_space<vmem>>, vector<16xi32>,
        %get3A_143 = arith.index_cast %add3A_135 : i32 to index
        %get3A_144 = tpu.vector_load %arg11[%get3A_143] {strides = array<i32>} : memref<10000xi32, #tpu.memory_space<vmem>>, vector<16xi32>,
        %get3A_145 = vector.shape_cast %get3A_144 : vector<16xi32> to vector<16xi32>
        %swap3A_146 = arith.constant 64 : index
        %swap3A_147 = tpu.vector_load %arg12[%swap3A_146] {strides = array<i32>} : memref<128xi32, #tpu.memory_space<vmem>>, vector<16xi32>,
        %swap3A_148 = vector.shape_cast %swap3A_147 : vector<16xi32> to vector<16xi32>
        %swap3A_149 = vector.shape_cast %get3A_145 : vector<16xi32> to vector<16xi32>
        tpu.vector_store %arg12[%swap3A_146], %swap3A_149 {strides = array<i32>} : memref<128xi32, #tpu.memory_space<vmem>>, vector<16xi32>,
        %mul3A_150 = arith.constant 128 : i32
        %mul3A_151 = arith.muli %scan3A_58, %mul3A_150 : i32
        %add3A_152 = arith.constant 80 : i32
        %add3A_153 = arith.addi %mul3A_151, %add3A_152 : i32
        %get3A_154 = arith.index_cast %add3A_153 : i32 to index
        %get3A_155 = tpu.vector_load %arg10[%get3A_154] {strides = array<i32>} : memref<10000xi32, #tpu.memory_space<vmem>>, vector<16xi32>,
        %get3A_156 = vector.shape_cast %get3A_155 : vector<16xi32> to vector<16xi32>
        %swap3A_157 = arith.constant 80 : index
        %swap3A_158 = tpu.vector_load %arg13[%swap3A_157] {strides = array<i32>} : memref<128xi32, #tpu.memory_space<vmem>>, vector<16xi32>,
        %swap3A_159 = vector.shape_cast %swap3A_158 : vector<16xi32> to vector<16xi32>
        %swap3A_160 = vector.shape_cast %get3A_156 : vector<16xi32> to vector<16xi32>
        tpu.vector_store %arg13[%swap3A_157], %swap3A_160 {strides = array<i32>} : memref<128xi32, #tpu.memory_space<vmem>>, vector<16xi32>,
        %get3A_161 = arith.index_cast %add3A_153 : i32 to index
        %get3A_162 = tpu.vector_load %arg11[%get3A_161] {strides = array<i32>} : memref<10000xi32, #tpu.memory_space<vmem>>, vector<16xi32>,
        %get3A_163 = vector.shape_cast %get3A_162 : vector<16xi32> to vector<16xi32>
        %swap3A_164 = arith.constant 80 : index
        %swap3A_165 = tpu.vector_load %arg12[%swap3A_164] {strides = array<i32>} : memref<128xi32, #tpu.memory_space<vmem>>, vector<16xi32>,
        %swap3A_166 = vector.shape_cast %swap3A_165 : vector<16xi32> to vector<16xi32>
        %swap3A_167 = vector.shape_cast %get3A_163 : vector<16xi32> to vector<16xi32>
        tpu.vector_store %arg12[%swap3A_164], %swap3A_167 {strides = array<i32>} : memref<128xi32, #tpu.memory_space<vmem>>, vector<16xi32>,
        %mul3A_168 = arith.constant 128 : i32
        %mul3A_169 = arith.muli %scan3A_58, %mul3A_168 : i32
        %add3A_170 = arith.constant 96 : i32
        %add3A_171 = arith.addi %mul3A_169, %add3A_170 : i32
        %get3A_172 = arith.index_cast %add3A_171 : i32 to index
        %get3A_173 = tpu.vector_load %arg10[%get3A_172] {strides = array<i32>} : memref<10000xi32, #tpu.memory_space<vmem>>, vector<16xi32>,
        %get3A_174 = vector.shape_cast %get3A_173 : vector<16xi32> to vector<16xi32>
        %swap3A_175 = arith.constant 96 : index
        %swap3A_176 = tpu.vector_load %arg13[%swap3A_175] {strides = array<i32>} : memref<128xi32, #tpu.memory_space<vmem>>, vector<16xi32>,
        %swap3A_177 = vector.shape_cast %swap3A_176 : vector<16xi32> to vector<16xi32>
        %swap3A_178 = vector.shape_cast %get3A_174 : vector<16xi32> to vector<16xi32>
        tpu.vector_store %arg13[%swap3A_175], %swap3A_178 {strides = array<i32>} : memref<128xi32, #tpu.memory_space<vmem>>, vector<16xi32>,
        %get3A_179 = arith.index_cast %add3A_171 : i32 to index
        %get3A_180 = tpu.vector_load %arg11[%get3A_179] {strides = array<i32>} : memref<10000xi32, #tpu.memory_space<vmem>>, vector<16xi32>,
        %get3A_181 = vector.shape_cast %get3A_180 : vector<16xi32> to vector<16xi32>
        %swap3A_182 = arith.constant 96 : index
        %swap3A_183 = tpu.vector_load %arg12[%swap3A_182] {strides = array<i32>} : memref<128xi32, #tpu.memory_space<vmem>>, vector<16xi32>,
        %swap3A_184 = vector.shape_cast %swap3A_183 : vector<16xi32> to vector<16xi32>
        %swap3A_185 = vector.shape_cast %get3A_181 : vector<16xi32> to vector<16xi32>
        tpu.vector_store %arg12[%swap3A_182], %swap3A_185 {strides = array<i32>} : memref<128xi32, #tpu.memory_space<vmem>>, vector<16xi32>,
        %mul3A_186 = arith.constant 128 : i32
        %mul3A_187 = arith.muli %scan3A_58, %mul3A_186 : i32
        %add3A_188 = arith.constant 112 : i32
        %add3A_189 = arith.addi %mul3A_187, %add3A_188 : i32
        %get3A_190 = arith.index_cast %add3A_189 : i32 to index
        %get3A_191 = tpu.vector_load %arg10[%get3A_190] {strides = array<i32>} : memref<10000xi32, #tpu.memory_space<vmem>>, vector<16xi32>,
        %get3A_192 = vector.shape_cast %get3A_191 : vector<16xi32> to vector<16xi32>
        %swap3A_193 = arith.constant 112 : index
        %swap3A_194 = tpu.vector_load %arg13[%swap3A_193] {strides = array<i32>} : memref<128xi32, #tpu.memory_space<vmem>>, vector<16xi32>,
        %swap3A_195 = vector.shape_cast %swap3A_194 : vector<16xi32> to vector<16xi32>
        %swap3A_196 = vector.shape_cast %get3A_192 : vector<16xi32> to vector<16xi32>
        tpu.vector_store %arg13[%swap3A_193], %swap3A_196 {strides = array<i32>} : memref<128xi32, #tpu.memory_space<vmem>>, vector<16xi32>,
        %get3A_197 = arith.index_cast %add3A_189 : i32 to index
        %get3A_198 = tpu.vector_load %arg11[%get3A_197] {strides = array<i32>} : memref<10000xi32, #tpu.memory_space<vmem>>, vector<16xi32>,
        %get3A_199 = vector.shape_cast %get3A_198 : vector<16xi32> to vector<16xi32>
        %swap3A_200 = arith.constant 112 : index
        %swap3A_201 = tpu.vector_load %arg12[%swap3A_200] {strides = array<i32>} : memref<128xi32, #tpu.memory_space<vmem>>, vector<16xi32>,
        %swap3A_202 = vector.shape_cast %swap3A_201 : vector<16xi32> to vector<16xi32>
        %swap3A_203 = vector.shape_cast %get3A_199 : vector<16xi32> to vector<16xi32>
        tpu.vector_store %arg12[%swap3A_200], %swap3A_203 {strides = array<i32>} : memref<128xi32, #tpu.memory_space<vmem>>, vector<16xi32>,
        "tpu.region"() ({
          %run_scoped3A = tpu.sem_alloc : memref<!tpu.dma_semaphore, #tpu.memory_space<semaphore_mem>>
          %dma_start3A = arith.constant 0 : i32
          %dma_start3A_205 = arith.constant 0 : i32
          %dma_start3A_206 = tpu.memref_slice %arg2[%dma_start3A, %dma_start3A_205] : memref<10000x128xf32, #tpu.memory_space<hbm>> -> memref<10000x128xf32, #tpu.memory_space<hbm>>
          tpu.enqueue_indirect_dma source(%dma_start3A_206 : memref<10000x128xf32, #tpu.memory_space<hbm>>) target(%arg14 : memref<128x128xf32, #tpu.memory_space<vmem>>) offsets(%arg13 : memref<128xi32, #tpu.memory_space<vmem>>) semaphore(%run_scoped3A : memref<!tpu.dma_semaphore, #tpu.memory_space<semaphore_mem>>)
          %dma_wait3A = arith.constant 0 : i32
          %dma_wait3A_207 = arith.constant 0 : i32
          %dma_wait3A_208 = tpu.memref_slice %arg2[%dma_wait3A, %dma_wait3A_207] : memref<10000x128xf32, #tpu.memory_space<hbm>> -> memref<10000x128xf32, #tpu.memory_space<hbm>>
          tpu.wait_indirect_dma semaphore(%run_scoped3A : memref<!tpu.dma_semaphore, #tpu.memory_space<semaphore_mem>>) src(%dma_wait3A_208 : memref<10000x128xf32, #tpu.memory_space<hbm>>) dst(%arg14 : memref<128x128xf32, #tpu.memory_space<vmem>>)
          tpu.yield
        }) : () -> ()
        "tpu.region"() ({
          %run_scoped3A = tpu.sem_alloc : memref<!tpu.dma_semaphore, #tpu.memory_space<semaphore_mem>>
          %dma_start3A = arith.constant 0 : i32
          %dma_start3A_205 = arith.constant 0 : i32
          %dma_start3A_206 = tpu.memref_slice %arg8[%dma_start3A, %dma_start3A_205] : memref<10112x128xf32, #tpu.memory_space<vmem_shared>> -> memref<10112x128xf32, #tpu.memory_space<vmem_shared>>
          tpu.enqueue_indirect_dma source(%arg14 : memref<128x128xf32, #tpu.memory_space<vmem>>) target(%dma_start3A_206 : memref<10112x128xf32, #tpu.memory_space<vmem_shared>>) offsets(%arg12 : memref<128xi32, #tpu.memory_space<vmem>>) semaphore(%run_scoped3A : memref<!tpu.dma_semaphore, #tpu.memory_space<semaphore_mem>>) {add = true}
          %dma_wait3A = arith.constant 0 : i32
          %dma_wait3A_207 = arith.constant 0 : i32
          %dma_wait3A_208 = tpu.memref_slice %arg8[%dma_wait3A, %dma_wait3A_207] : memref<10112x128xf32, #tpu.memory_space<vmem_shared>> -> memref<10112x128xf32, #tpu.memory_space<vmem_shared>>
          tpu.wait_indirect_dma semaphore(%run_scoped3A : memref<!tpu.dma_semaphore, #tpu.memory_space<semaphore_mem>>) src(%arg14 : memref<128x128xf32, #tpu.memory_space<vmem>>) dst(%dma_wait3A_208 : memref<10112x128xf32, #tpu.memory_space<vmem_shared>>)
          tpu.yield
        }) : () -> ()
        %scan3A_204 = arith.constant 0 : i32
        scf.yield %scan3A_204 : i32
      }
      %scan3A_35 = arith.constant 78 : i32
      %get3A = arith.constant 9984 : index
      %get3A_36 = tpu.vector_load %arg10[%get3A] {strides = array<i32>} : memref<10000xi32, #tpu.memory_space<vmem>>, vector<16xi32>,
      %get3A_37 = vector.shape_cast %get3A_36 : vector<16xi32> to vector<16xi32>
      %swap3A = arith.constant 0 : index
      %swap3A_38 = tpu.vector_load %arg16[%swap3A] {strides = array<i32>} : memref<16xi32, #tpu.memory_space<vmem>>, vector<16xi32>,
      %swap3A_39 = vector.shape_cast %swap3A_38 : vector<16xi32> to vector<16xi32>
      %swap3A_40 = vector.shape_cast %get3A_37 : vector<16xi32> to vector<16xi32>
      tpu.vector_store %arg16[%swap3A], %swap3A_40 {strides = array<i32>} : memref<16xi32, #tpu.memory_space<vmem>>, vector<16xi32>,
      %get3A_41 = arith.constant 9984 : index
      %get3A_42 = tpu.vector_load %arg11[%get3A_41] {strides = array<i32>} : memref<10000xi32, #tpu.memory_space<vmem>>, vector<16xi32>,
      %get3A_43 = vector.shape_cast %get3A_42 : vector<16xi32> to vector<16xi32>
      %swap3A_44 = arith.constant 0 : index
      %swap3A_45 = tpu.vector_load %arg15[%swap3A_44] {strides = array<i32>} : memref<16xi32, #tpu.memory_space<vmem>>, vector<16xi32>,
      %swap3A_46 = vector.shape_cast %swap3A_45 : vector<16xi32> to vector<16xi32>
      %swap3A_47 = vector.shape_cast %get3A_43 : vector<16xi32> to vector<16xi32>
      tpu.vector_store %arg15[%swap3A_44], %swap3A_47 {strides = array<i32>} : memref<16xi32, #tpu.memory_space<vmem>>, vector<16xi32>,
      "tpu.region"() ({
        %run_scoped3A = tpu.sem_alloc : memref<!tpu.dma_semaphore, #tpu.memory_space<semaphore_mem>>
        %dma_start3A = arith.constant 0 : i32
        %dma_start3A_58 = arith.constant 0 : i32
        %dma_start3A_59 = tpu.memref_slice %arg2[%dma_start3A, %dma_start3A_58] : memref<10000x128xf32, #tpu.memory_space<hbm>> -> memref<10000x128xf32, #tpu.memory_space<hbm>>
        tpu.enqueue_indirect_dma source(%dma_start3A_59 : memref<10000x128xf32, #tpu.memory_space<hbm>>) target(%arg17 : memref<16x128xf32, #tpu.memory_space<vmem>>) offsets(%arg16 : memref<16xi32, #tpu.memory_space<vmem>>) semaphore(%run_scoped3A : memref<!tpu.dma_semaphore, #tpu.memory_space<semaphore_mem>>)
        %dma_wait3A = arith.constant 0 : i32
        %dma_wait3A_60 = arith.constant 0 : i32
        %dma_wait3A_61 = tpu.memref_slice %arg2[%dma_wait3A, %dma_wait3A_60] : memref<10000x128xf32, #tpu.memory_space<hbm>> -> memref<10000x128xf32, #tpu.memory_space<hbm>>
        tpu.wait_indirect_dma semaphore(%run_scoped3A : memref<!tpu.dma_semaphore, #tpu.memory_space<semaphore_mem>>) src(%dma_wait3A_61 : memref<10000x128xf32, #tpu.memory_space<hbm>>) dst(%arg17 : memref<16x128xf32, #tpu.memory_space<vmem>>)
        tpu.yield
      }) : () -> ()
      "tpu.region"() ({
        %run_scoped3A = tpu.sem_alloc : memref<!tpu.dma_semaphore, #tpu.memory_space<semaphore_mem>>
        %dma_start3A = arith.constant 0 : i32
        %dma_start3A_58 = arith.constant 0 : i32
        %dma_start3A_59 = tpu.memref_slice %arg8[%dma_start3A, %dma_start3A_58] : memref<10112x128xf32, #tpu.memory_space<vmem_shared>> -> memref<10112x128xf32, #tpu.memory_space<vmem_shared>>
        tpu.enqueue_indirect_dma source(%arg17 : memref<16x128xf32, #tpu.memory_space<vmem>>) target(%dma_start3A_59 : memref<10112x128xf32, #tpu.memory_space<vmem_shared>>) offsets(%arg15 : memref<16xi32, #tpu.memory_space<vmem>>) semaphore(%run_scoped3A : memref<!tpu.dma_semaphore, #tpu.memory_space<semaphore_mem>>) {add = true}
        %dma_wait3A = arith.constant 0 : i32
        %dma_wait3A_60 = arith.constant 0 : i32
        %dma_wait3A_61 = tpu.memref_slice %arg8[%dma_wait3A, %dma_wait3A_60] : memref<10112x128xf32, #tpu.memory_space<vmem_shared>> -> memref<10112x128xf32, #tpu.memory_space<vmem_shared>>
        tpu.wait_indirect_dma semaphore(%run_scoped3A : memref<!tpu.dma_semaphore, #tpu.memory_space<semaphore_mem>>) src(%arg17 : memref<16x128xf32, #tpu.memory_space<vmem>>) dst(%dma_wait3A_61 : memref<10112x128xf32, #tpu.memory_space<vmem_shared>>)
        tpu.yield
      }) : () -> ()
      %barrier3A_48 = arith.constant 0 : index
      tpu.barrier barrier_id(%barrier3A_48)
      %mul3A_49 = arith.constant 624 : i32
      %mul3A_50 = arith.muli %arg1, %mul3A_49 : i32
      %mul3A_51 = arith.constant 624 : i32
      %mul3A_52 = arith.muli %arg1, %mul3A_51 : i32
      "tpu.region"() ({
        %run_scoped3A = tpu.sem_alloc : memref<!tpu.dma_semaphore, #tpu.memory_space<semaphore_mem>>
        %dma_start3A = arith.constant 0 : i32
        %dma_start3A_58 = tpu.memref_slice %arg6[%mul3A_52, %dma_start3A] : memref<10000x128xf32, #tpu.memory_space<hbm>> -> memref<624x128xf32, #tpu.memory_space<hbm>>
        %dma_start3A_59 = arith.constant 0 : i32
        %dma_start3A_60 = tpu.memref_slice %arg8[%mul3A_50, %dma_start3A_59] : memref<10112x128xf32, #tpu.memory_space<vmem_shared>> -> memref<624x128xf32, #tpu.memory_space<vmem_shared>>
        tpu.enqueue_dma source(%dma_start3A_60 : memref<624x128xf32, #tpu.memory_space<vmem_shared>>) target(%dma_start3A_58 : memref<624x128xf32, #tpu.memory_space<hbm>>) target_semaphore(%run_scoped3A : memref<!tpu.dma_semaphore, #tpu.memory_space<semaphore_mem>>)
        %dma_wait3A = arith.constant 0 : i32
        %dma_wait3A_61 = tpu.memref_slice %arg6[%mul3A_52, %dma_wait3A] : memref<10000x128xf32, #tpu.memory_space<hbm>> -> memref<624x128xf32, #tpu.memory_space<hbm>>
        %dma_wait3A_62 = arith.constant 0 : i32
        %dma_wait3A_63 = tpu.memref_slice %arg8[%mul3A_50, %dma_wait3A_62] : memref<10112x128xf32, #tpu.memory_space<vmem_shared>> -> memref<624x128xf32, #tpu.memory_space<vmem_shared>>
        tpu.wait_dma2 semaphore(%run_scoped3A : memref<!tpu.dma_semaphore, #tpu.memory_space<semaphore_mem>>) src(%dma_wait3A_63 : memref<624x128xf32, #tpu.memory_space<vmem_shared>>) dst(%dma_wait3A_61 : memref<624x128xf32, #tpu.memory_space<hbm>>)
        tpu.yield
      }) : () -> ()
      %eq3A_53 = arith.constant 15 : i32
      %eq3A_54 = arith.cmpi eq, %arg1, %eq3A_53 : i32
      %convert_element_type3A_55 = arith.extui %eq3A_54 : i1 to i32
      %cond3A_56 = arith.constant 0 : i32
      %cond3A_57 = arith.cmpi ne, %convert_element_type3A_55, %cond3A_56 : i32
      scf.if %cond3A_57 {
        "tpu.region"() ({
          %run_scoped3A = tpu.sem_alloc : memref<!tpu.dma_semaphore, #tpu.memory_space<semaphore_mem>>
          %dma_start3A = arith.constant 9984 : i32
          %dma_start3A_58 = arith.constant 0 : i32
          %dma_start3A_59 = tpu.memref_slice %arg6[%dma_start3A, %dma_start3A_58] : memref<10000x128xf32, #tpu.memory_space<hbm>> -> memref<16x128xf32, #tpu.memory_space<hbm>>
          %dma_start3A_60 = arith.constant 9984 : i32
          %dma_start3A_61 = arith.constant 0 : i32
          %dma_start3A_62 = tpu.memref_slice %arg8[%dma_start3A_60, %dma_start3A_61] : memref<10112x128xf32, #tpu.memory_space<vmem_shared>> -> memref<16x128xf32, #tpu.memory_space<vmem_shared>>
          tpu.enqueue_dma source(%dma_start3A_62 : memref<16x128xf32, #tpu.memory_space<vmem_shared>>) target(%dma_start3A_59 : memref<16x128xf32, #tpu.memory_space<hbm>>) target_semaphore(%run_scoped3A : memref<!tpu.dma_semaphore, #tpu.memory_space<semaphore_mem>>)
          %dma_wait3A = arith.constant 9984 : i32
          %dma_wait3A_63 = arith.constant 0 : i32
          %dma_wait3A_64 = tpu.memref_slice %arg6[%dma_wait3A, %dma_wait3A_63] : memref<10000x128xf32, #tpu.memory_space<hbm>> -> memref<16x128xf32, #tpu.memory_space<hbm>>
          %dma_wait3A_65 = arith.constant 9984 : i32
          %dma_wait3A_66 = arith.constant 0 : i32
          %dma_wait3A_67 = tpu.memref_slice %arg8[%dma_wait3A_65, %dma_wait3A_66] : memref<10112x128xf32, #tpu.memory_space<vmem_shared>> -> memref<16x128xf32, #tpu.memory_space<vmem_shared>>
          tpu.wait_dma2 semaphore(%run_scoped3A : memref<!tpu.dma_semaphore, #tpu.memory_space<semaphore_mem>>) src(%dma_wait3A_67 : memref<16x128xf32, #tpu.memory_space<vmem_shared>>) dst(%dma_wait3A_64 : memref<16x128xf32, #tpu.memory_space<hbm>>)
          tpu.yield
        }) : () -> ()
      } else {
      }
    } else {
    }
    %eq3A_5 = arith.constant 1 : i32
    %eq3A_6 = arith.cmpi eq, %arg0, %eq3A_5 : i32
    %convert_element_type3A_7 = arith.extui %eq3A_6 : i1 to i32
    %cond3A_8 = arith.constant 0 : i32
    %cond3A_9 = arith.cmpi ne, %convert_element_type3A_7, %cond3A_8 : i32
    scf.if %cond3A_9 {
      "tpu.region"() ({
        %run_scoped3A = tpu.sem_alloc : memref<!tpu.dma_semaphore, #tpu.memory_space<semaphore_mem>>
        tpu.enqueue_dma source(%arg5 : memref<8x16xi32, #tpu.memory_space<hbm>>) target(%arg20 : memref<8x16xi32, #tpu.memory_space<vmem>>) target_semaphore(%run_scoped3A : memref<!tpu.dma_semaphore, #tpu.memory_space<semaphore_mem>>)
        tpu.wait_dma2 semaphore(%run_scoped3A : memref<!tpu.dma_semaphore, #tpu.memory_space<semaphore_mem>>) src(%arg5 : memref<8x16xi32, #tpu.memory_space<hbm>>) dst(%arg20 : memref<8x16xi32, #tpu.memory_space<vmem>>)
        tpu.yield
      }) : () -> ()
      %scan3A = arith.constant 0 : i32
      %scan3A_10 = arith.constant 0 : i32
      %scan3A_11 = arith.constant 64 : i32
      %scan3A_12 = arith.addi %scan3A_10, %scan3A_11 : i32
      %scan3A_13 = arith.constant 1 : i32
      %scan3A_14 = scf.for %scan3A_154 = %scan3A_10 to %scan3A_12 step %scan3A_13 iter_args(%scan3A_155 = %scan3A) -> (i32)  : i32 {
        %mul3A_156 = arith.constant 16 : i32
        %mul3A_157 = arith.muli %scan3A_154, %mul3A_156 : i32
        %swap3A_158 = arith.index_cast %mul3A_157 : i32 to index
        %swap3A_159 = tpu.vector_load %arg10[%swap3A_158] {strides = array<i32>} : memref<10000xi32, #tpu.memory_space<vmem>>, vector<16xi32>,
        %swap3A_160 = vector.shape_cast %swap3A_159 : vector<16xi32> to vector<16xi32>
        %swap3A_161 = vector.shape_cast %broadcast_in_dim3A_2 : vector<16xi32> to vector<16xi32>
        tpu.vector_store %arg10[%swap3A_158], %swap3A_161 {strides = array<i32>} : memref<10000xi32, #tpu.memory_space<vmem>>, vector<16xi32>,
        %scan3A_162 = arith.constant 0 : i32
        scf.yield %scan3A_162 : i32
      }
      %scan3A_15 = arith.constant 64 : i32
      %scan3A_16 = arith.constant 0 : i32
      %scan3A_17 = arith.constant 0 : i32
      %scan3A_18 = arith.constant 5 : i32
      %scan3A_19 = arith.addi %scan3A_17, %scan3A_18 : i32
      %scan3A_20 = arith.constant 1 : i32
      %scan3A_21 = scf.for %scan3A_154 = %scan3A_17 to %scan3A_19 step %scan3A_20 iter_args(%scan3A_155 = %scan3A_16) -> (i32)  : i32 {
        %mul3A_156 = arith.constant 5120 : i32
        %mul3A_157 = arith.muli %arg1, %mul3A_156 : i32
        %mul3A_158 = arith.constant 1024 : i32
        %mul3A_159 = arith.muli %scan3A_154, %mul3A_158 : i32
        %add3A_160 = arith.addi %mul3A_157, %mul3A_159 : i32
        "tpu.region"() ({
          %run_scoped3A = tpu.sem_alloc : memref<!tpu.dma_semaphore, #tpu.memory_space<semaphore_mem>>
          %dma_start3A = arith.constant 0 : i32
          %dma_start3A_162 = tpu.memref_slice %arg10[%dma_start3A] : memref<10000xi32, #tpu.memory_space<vmem>> -> memref<1024xi32, #tpu.memory_space<vmem>>
          %dma_start3A_163 = tpu.memref_slice %arg9[%add3A_160] : memref<81920xi32, #tpu.memory_space<vmem_shared>> -> memref<1024xi32, #tpu.memory_space<vmem_shared>>
          %dma_start3A_164 = tpu.memref_slice %arg9[%add3A_160] : memref<81920xi32, #tpu.memory_space<vmem_shared>> -> memref<1024xi32, #tpu.memory_space<vmem_shared>>
          %dma_start3A_165 = arith.constant 0 : i32
          %dma_start3A_166 = tpu.memref_slice %arg10[%dma_start3A_165] : memref<10000xi32, #tpu.memory_space<vmem>> -> memref<1024xi32, #tpu.memory_space<vmem>>
          tpu.enqueue_dma source(%dma_start3A_166 : memref<1024xi32, #tpu.memory_space<vmem>>) target(%dma_start3A_164 : memref<1024xi32, #tpu.memory_space<vmem_shared>>) target_semaphore(%run_scoped3A : memref<!tpu.dma_semaphore, #tpu.memory_space<semaphore_mem>>)
          %dma_wait3A = arith.constant 0 : i32
          %dma_wait3A_167 = tpu.memref_slice %arg10[%dma_wait3A] : memref<10000xi32, #tpu.memory_space<vmem>> -> memref<1024xi32, #tpu.memory_space<vmem>>
          %dma_wait3A_168 = tpu.memref_slice %arg9[%add3A_160] : memref<81920xi32, #tpu.memory_space<vmem_shared>> -> memref<1024xi32, #tpu.memory_space<vmem_shared>>
          %dma_wait3A_169 = tpu.memref_slice %arg9[%add3A_160] : memref<81920xi32, #tpu.memory_space<vmem_shared>> -> memref<1024xi32, #tpu.memory_space<vmem_shared>>
          %dma_wait3A_170 = arith.constant 0 : i32
          %dma_wait3A_171 = tpu.memref_slice %arg10[%dma_wait3A_170] : memref<10000xi32, #tpu.memory_space<vmem>> -> memref<1024xi32, #tpu.memory_space<vmem>>
          tpu.wait_dma2 semaphore(%run_scoped3A : memref<!tpu.dma_semaphore, #tpu.memory_space<semaphore_mem>>) src(%dma_wait3A_171 : memref<1024xi32, #tpu.memory_space<vmem>>) dst(%dma_wait3A_169 : memref<1024xi32, #tpu.memory_space<vmem_shared>>)
          tpu.yield
        }) : () -> ()
        %scan3A_161 = arith.constant 0 : i32
        scf.yield %scan3A_161 : i32
      }
      %scan3A_22 = arith.constant 5 : i32
      %mul3A = arith.constant 10000 : i32
      %mul3A_23 = arith.muli %arg1, %mul3A : i32
      "tpu.region"() ({
        %run_scoped3A = tpu.sem_alloc : memref<!tpu.dma_semaphore, #tpu.memory_space<semaphore_mem>>
        %dma_start3A = tpu.memref_slice %arg3[%mul3A_23] : memref<160000xi32, #tpu.memory_space<hbm>> -> memref<10000xi32, #tpu.memory_space<hbm>>
        %dma_start3A_154 = tpu.memref_slice %arg3[%mul3A_23] : memref<160000xi32, #tpu.memory_space<hbm>> -> memref<10000xi32, #tpu.memory_space<hbm>>
        tpu.enqueue_dma source(%dma_start3A_154 : memref<10000xi32, #tpu.memory_space<hbm>>) target(%arg10 : memref<10000xi32, #tpu.memory_space<vmem>>) target_semaphore(%run_scoped3A : memref<!tpu.dma_semaphore, #tpu.memory_space<semaphore_mem>>)
        %dma_wait3A = tpu.memref_slice %arg3[%mul3A_23] : memref<160000xi32, #tpu.memory_space<hbm>> -> memref<10000xi32, #tpu.memory_space<hbm>>
        %dma_wait3A_155 = tpu.memref_slice %arg3[%mul3A_23] : memref<160000xi32, #tpu.memory_space<hbm>> -> memref<10000xi32, #tpu.memory_space<hbm>>
        tpu.wait_dma2 semaphore(%run_scoped3A : memref<!tpu.dma_semaphore, #tpu.memory_space<semaphore_mem>>) src(%dma_wait3A_155 : memref<10000xi32, #tpu.memory_space<hbm>>) dst(%arg10 : memref<10000xi32, #tpu.memory_space<vmem>>)
        tpu.yield
      }) : () -> ()
      %mul3A_24 = arith.constant 10000 : i32
      %mul3A_25 = arith.muli %arg1, %mul3A_24 : i32
      "tpu.region"() ({
        %run_scoped3A = tpu.sem_alloc : memref<!tpu.dma_semaphore, #tpu.memory_space<semaphore_mem>>
        %dma_start3A = tpu.memref_slice %arg4[%mul3A_25] : memref<160000xi32, #tpu.memory_space<hbm>> -> memref<10000xi32, #tpu.memory_space<hbm>>
        %dma_start3A_154 = tpu.memref_slice %arg4[%mul3A_25] : memref<160000xi32, #tpu.memory_space<hbm>> -> memref<10000xi32, #tpu.memory_space<hbm>>
        tpu.enqueue_dma source(%dma_start3A_154 : memref<10000xi32, #tpu.memory_space<hbm>>) target(%arg11 : memref<10000xi32, #tpu.memory_space<vmem>>) target_semaphore(%run_scoped3A : memref<!tpu.dma_semaphore, #tpu.memory_space<semaphore_mem>>)
        %dma_wait3A = tpu.memref_slice %arg4[%mul3A_25] : memref<160000xi32, #tpu.memory_space<hbm>> -> memref<10000xi32, #tpu.memory_space<hbm>>
        %dma_wait3A_155 = tpu.memref_slice %arg4[%mul3A_25] : memref<160000xi32, #tpu.memory_space<hbm>> -> memref<10000xi32, #tpu.memory_space<hbm>>
        tpu.wait_dma2 semaphore(%run_scoped3A : memref<!tpu.dma_semaphore, #tpu.memory_space<semaphore_mem>>) src(%dma_wait3A_155 : memref<10000xi32, #tpu.memory_space<hbm>>) dst(%arg11 : memref<10000xi32, #tpu.memory_space<vmem>>)
        tpu.yield
      }) : () -> ()
      %barrier3A = arith.constant 0 : index
      tpu.barrier barrier_id(%barrier3A)
      %broadcast_in_dim3A_26 = arith.constant 1 : i32
      %broadcast_in_dim3A_27 = vector.broadcast %broadcast_in_dim3A_26 : i32 to vector<16xi32>
      %scan3A_28 = arith.constant 0 : i32
      %scan3A_29 = arith.constant 0 : i32
      %scan3A_30 = arith.constant 78 : i32
      %scan3A_31 = arith.addi %scan3A_29, %scan3A_30 : i32
      %scan3A_32 = arith.constant 1 : i32
      %scan3A_33 = scf.for %scan3A_154 = %scan3A_29 to %scan3A_31 step %scan3A_32 iter_args(%scan3A_155 = %scan3A_28) -> (i32)  : i32 {
        %mul3A_156 = arith.constant 128 : i32
        %mul3A_157 = arith.muli %scan3A_154, %mul3A_156 : i32
        %add3A_158 = arith.constant 0 : i32
        %add3A_159 = arith.addi %mul3A_157, %add3A_158 : i32
        %get3A_160 = arith.index_cast %add3A_159 : i32 to index
        %get3A_161 = tpu.vector_load %arg10[%get3A_160] {strides = array<i32>} : memref<10000xi32, #tpu.memory_space<vmem>>, vector<16xi32>,
        %get3A_162 = vector.shape_cast %get3A_161 : vector<16xi32> to vector<16xi32>
        %get3A_163 = arith.index_cast %add3A_159 : i32 to index
        %get3A_164 = tpu.vector_load %arg11[%get3A_163] {strides = array<i32>} : memref<10000xi32, #tpu.memory_space<vmem>>, vector<16xi32>,
        %get3A_165 = vector.shape_cast %get3A_164 : vector<16xi32> to vector<16xi32>
        %broadcast_in_dim3A_166 = arith.constant 0 : i32
        %broadcast_in_dim3A_167 = vector.broadcast %broadcast_in_dim3A_166 : i32 to vector<16xi32>
        %broadcast_in_dim3A_168 = arith.constant 0 : i32
        %broadcast_in_dim3A_169 = vector.broadcast %broadcast_in_dim3A_168 : i32 to vector<16xi32>
        %get3A_170 = arith.constant 0 : i32
        %get3A_171 = arith.index_cast %get3A_170 : i32 to index
        %get3A_172 = arith.constant 0 : index
        %get3A_173 = tpu.vector_load %arg20[%get3A_171, %get3A_172] {strides = array<i32>} : memref<8x16xi32, #tpu.memory_space<vmem>>, vector<1x16xi32>,
        %get3A_174 = vector.shape_cast %get3A_173 : vector<1x16xi32> to vector<16xi32>
        %eq3A_175 = arith.cmpi eq, %get3A_162, %get3A_174 : vector<16xi32>
        %select_n3A_176 = arith.select %eq3A_175, %broadcast_in_dim3A_27, %broadcast_in_dim3A_2 : vector<16xi1>, vector<16xi32>
        %mul3A_177 = arith.constant 0 : i32
        %mul3A_178 = vector.broadcast %mul3A_177 : i32 to vector<16xi32>
        %mul3A_179 = arith.muli %select_n3A_176, %mul3A_178 : vector<16xi32>
        %add3A_180 = arith.addi %broadcast_in_dim3A_167, %mul3A_179 : vector<16xi32>
        %add3A_181 = arith.addi %broadcast_in_dim3A_169, %select_n3A_176 : vector<16xi32>
        %get3A_182 = arith.constant 1 : i32
        %get3A_183 = arith.index_cast %get3A_182 : i32 to index
        %get3A_184 = arith.constant 0 : index
        %get3A_185 = tpu.vector_load %arg20[%get3A_183, %get3A_184] {strides = array<i32>} : memref<8x16xi32, #tpu.memory_space<vmem>>, vector<1x16xi32>,
        %get3A_186 = vector.shape_cast %get3A_185 : vector<1x16xi32> to vector<16xi32>
        %eq3A_187 = arith.cmpi eq, %get3A_162, %get3A_186 : vector<16xi32>
        %select_n3A_188 = arith.select %eq3A_187, %broadcast_in_dim3A_27, %broadcast_in_dim3A_2 : vector<16xi1>, vector<16xi32>
        %mul3A_189 = arith.constant 1 : i32
        %mul3A_190 = vector.broadcast %mul3A_189 : i32 to vector<16xi32>
        %mul3A_191 = arith.muli %select_n3A_188, %mul3A_190 : vector<16xi32>
        %add3A_192 = arith.addi %add3A_180, %mul3A_191 : vector<16xi32>
        %add3A_193 = arith.addi %add3A_181, %select_n3A_188 : vector<16xi32>
        %get3A_194 = arith.constant 2 : i32
        %get3A_195 = arith.index_cast %get3A_194 : i32 to index
        %get3A_196 = arith.constant 0 : index
        %get3A_197 = tpu.vector_load %arg20[%get3A_195, %get3A_196] {strides = array<i32>} : memref<8x16xi32, #tpu.memory_space<vmem>>, vector<1x16xi32>,
        %get3A_198 = vector.shape_cast %get3A_197 : vector<1x16xi32> to vector<16xi32>
        %eq3A_199 = arith.cmpi eq, %get3A_162, %get3A_198 : vector<16xi32>
        %select_n3A_200 = arith.select %eq3A_199, %broadcast_in_dim3A_27, %broadcast_in_dim3A_2 : vector<16xi1>, vector<16xi32>
        %mul3A_201 = arith.constant 2 : i32
        %mul3A_202 = vector.broadcast %mul3A_201 : i32 to vector<16xi32>
        %mul3A_203 = arith.muli %select_n3A_200, %mul3A_202 : vector<16xi32>
        %add3A_204 = arith.addi %add3A_192, %mul3A_203 : vector<16xi32>
        %add3A_205 = arith.addi %add3A_193, %select_n3A_200 : vector<16xi32>
        %get3A_206 = arith.constant 3 : i32
        %get3A_207 = arith.index_cast %get3A_206 : i32 to index
        %get3A_208 = arith.constant 0 : index
        %get3A_209 = tpu.vector_load %arg20[%get3A_207, %get3A_208] {strides = array<i32>} : memref<8x16xi32, #tpu.memory_space<vmem>>, vector<1x16xi32>,
        %get3A_210 = vector.shape_cast %get3A_209 : vector<1x16xi32> to vector<16xi32>
        %eq3A_211 = arith.cmpi eq, %get3A_162, %get3A_210 : vector<16xi32>
        %select_n3A_212 = arith.select %eq3A_211, %broadcast_in_dim3A_27, %broadcast_in_dim3A_2 : vector<16xi1>, vector<16xi32>
        %mul3A_213 = arith.constant 3 : i32
        %mul3A_214 = vector.broadcast %mul3A_213 : i32 to vector<16xi32>
        %mul3A_215 = arith.muli %select_n3A_212, %mul3A_214 : vector<16xi32>
        %add3A_216 = arith.addi %add3A_204, %mul3A_215 : vector<16xi32>
        %add3A_217 = arith.addi %add3A_205, %select_n3A_212 : vector<16xi32>
        %get3A_218 = arith.constant 4 : i32
        %get3A_219 = arith.index_cast %get3A_218 : i32 to index
        %get3A_220 = arith.constant 0 : index
        %get3A_221 = tpu.vector_load %arg20[%get3A_219, %get3A_220] {strides = array<i32>} : memref<8x16xi32, #tpu.memory_space<vmem>>, vector<1x16xi32>,
        %get3A_222 = vector.shape_cast %get3A_221 : vector<1x16xi32> to vector<16xi32>
        %eq3A_223 = arith.cmpi eq, %get3A_162, %get3A_222 : vector<16xi32>
        %select_n3A_224 = arith.select %eq3A_223, %broadcast_in_dim3A_27, %broadcast_in_dim3A_2 : vector<16xi1>, vector<16xi32>
        %mul3A_225 = arith.constant 4 : i32
        %mul3A_226 = vector.broadcast %mul3A_225 : i32 to vector<16xi32>
        %mul3A_227 = arith.muli %select_n3A_224, %mul3A_226 : vector<16xi32>
        %add3A_228 = arith.addi %add3A_216, %mul3A_227 : vector<16xi32>
        %add3A_229 = arith.addi %add3A_217, %select_n3A_224 : vector<16xi32>
        %get3A_230 = arith.constant 5 : i32
        %get3A_231 = arith.index_cast %get3A_230 : i32 to index
        %get3A_232 = arith.constant 0 : index
        %get3A_233 = tpu.vector_load %arg20[%get3A_231, %get3A_232] {strides = array<i32>} : memref<8x16xi32, #tpu.memory_space<vmem>>, vector<1x16xi32>,
        %get3A_234 = vector.shape_cast %get3A_233 : vector<1x16xi32> to vector<16xi32>
        %eq3A_235 = arith.cmpi eq, %get3A_162, %get3A_234 : vector<16xi32>
        %select_n3A_236 = arith.select %eq3A_235, %broadcast_in_dim3A_27, %broadcast_in_dim3A_2 : vector<16xi1>, vector<16xi32>
        %mul3A_237 = arith.constant 5 : i32
        %mul3A_238 = vector.broadcast %mul3A_237 : i32 to vector<16xi32>
        %mul3A_239 = arith.muli %select_n3A_236, %mul3A_238 : vector<16xi32>
        %add3A_240 = arith.addi %add3A_228, %mul3A_239 : vector<16xi32>
        %add3A_241 = arith.addi %add3A_229, %select_n3A_236 : vector<16xi32>
        %get3A_242 = arith.constant 6 : i32
        %get3A_243 = arith.index_cast %get3A_242 : i32 to index
        %get3A_244 = arith.constant 0 : index
        %get3A_245 = tpu.vector_load %arg20[%get3A_243, %get3A_244] {strides = array<i32>} : memref<8x16xi32, #tpu.memory_space<vmem>>, vector<1x16xi32>,
        %get3A_246 = vector.shape_cast %get3A_245 : vector<1x16xi32> to vector<16xi32>
        %eq3A_247 = arith.cmpi eq, %get3A_162, %get3A_246 : vector<16xi32>
        %select_n3A_248 = arith.select %eq3A_247, %broadcast_in_dim3A_27, %broadcast_in_dim3A_2 : vector<16xi1>, vector<16xi32>
        %mul3A_249 = arith.constant 6 : i32
        %mul3A_250 = vector.broadcast %mul3A_249 : i32 to vector<16xi32>
        %mul3A_251 = arith.muli %select_n3A_248, %mul3A_250 : vector<16xi32>
        %add3A_252 = arith.addi %add3A_240, %mul3A_251 : vector<16xi32>
        %add3A_253 = arith.addi %add3A_241, %select_n3A_248 : vector<16xi32>
        %get3A_254 = arith.constant 7 : i32
        %get3A_255 = arith.index_cast %get3A_254 : i32 to index
        %get3A_256 = arith.constant 0 : index
        %get3A_257 = tpu.vector_load %arg20[%get3A_255, %get3A_256] {strides = array<i32>} : memref<8x16xi32, #tpu.memory_space<vmem>>, vector<1x16xi32>,
        %get3A_258 = vector.shape_cast %get3A_257 : vector<1x16xi32> to vector<16xi32>
        %eq3A_259 = arith.cmpi eq, %get3A_162, %get3A_258 : vector<16xi32>
        %select_n3A_260 = arith.select %eq3A_259, %broadcast_in_dim3A_27, %broadcast_in_dim3A_2 : vector<16xi1>, vector<16xi32>
        %mul3A_261 = arith.constant 7 : i32
        %mul3A_262 = vector.broadcast %mul3A_261 : i32 to vector<16xi32>
        %mul3A_263 = arith.muli %select_n3A_260, %mul3A_262 : vector<16xi32>
        %add3A_264 = arith.addi %add3A_252, %mul3A_263 : vector<16xi32>
        %add3A_265 = arith.addi %add3A_253, %select_n3A_260 : vector<16xi32>
        %mul3A_266 = arith.constant 10000 : i32
        %mul3A_267 = vector.broadcast %mul3A_266 : i32 to vector<16xi32>
        %mul3A_268 = arith.muli %add3A_264, %mul3A_267 : vector<16xi32>
        %add3A_269 = arith.addi %mul3A_268, %get3A_165 : vector<16xi32>
        %swap3A_270 = arith.constant 0 : index
        %swap3A_271 = tpu.vector_load %arg12[%swap3A_270] {strides = array<i32>} : memref<128xi32, #tpu.memory_space<vmem>>, vector<16xi32>,
        %swap3A_272 = vector.shape_cast %swap3A_271 : vector<16xi32> to vector<16xi32>
        %swap3A_273 = vector.shape_cast %add3A_269 : vector<16xi32> to vector<16xi32>
        tpu.vector_store %arg12[%swap3A_270], %swap3A_273 {strides = array<i32>} : memref<128xi32, #tpu.memory_space<vmem>>, vector<16xi32>,
        %swap3A_274 = arith.constant 0 : index
        %swap3A_275 = tpu.vector_load %arg18[%swap3A_274] {strides = array<i32>} : memref<128xi32, #tpu.memory_space<vmem>>, vector<16xi32>,
        %swap3A_276 = vector.shape_cast %swap3A_275 : vector<16xi32> to vector<16xi32>
        %swap3A_277 = vector.shape_cast %add3A_265 : vector<16xi32> to vector<16xi32>
        tpu.vector_store %arg18[%swap3A_274], %swap3A_277 {strides = array<i32>} : memref<128xi32, #tpu.memory_space<vmem>>, vector<16xi32>,
        %mul3A_278 = arith.constant 128 : i32
        %mul3A_279 = arith.muli %scan3A_154, %mul3A_278 : i32
        %add3A_280 = arith.constant 16 : i32
        %add3A_281 = arith.addi %mul3A_279, %add3A_280 : i32
        %get3A_282 = arith.index_cast %add3A_281 : i32 to index
        %get3A_283 = tpu.vector_load %arg10[%get3A_282] {strides = array<i32>} : memref<10000xi32, #tpu.memory_space<vmem>>, vector<16xi32>,
        %get3A_284 = vector.shape_cast %get3A_283 : vector<16xi32> to vector<16xi32>
        %get3A_285 = arith.index_cast %add3A_281 : i32 to index
        %get3A_286 = tpu.vector_load %arg11[%get3A_285] {strides = array<i32>} : memref<10000xi32, #tpu.memory_space<vmem>>, vector<16xi32>,
        %get3A_287 = vector.shape_cast %get3A_286 : vector<16xi32> to vector<16xi32>
        %broadcast_in_dim3A_288 = arith.constant 0 : i32
        %broadcast_in_dim3A_289 = vector.broadcast %broadcast_in_dim3A_288 : i32 to vector<16xi32>
        %broadcast_in_dim3A_290 = arith.constant 0 : i32
        %broadcast_in_dim3A_291 = vector.broadcast %broadcast_in_dim3A_290 : i32 to vector<16xi32>
        %get3A_292 = arith.constant 0 : i32
        %get3A_293 = arith.index_cast %get3A_292 : i32 to index
        %get3A_294 = arith.constant 0 : index
        %get3A_295 = tpu.vector_load %arg20[%get3A_293, %get3A_294] {strides = array<i32>} : memref<8x16xi32, #tpu.memory_space<vmem>>, vector<1x16xi32>,
        %get3A_296 = vector.shape_cast %get3A_295 : vector<1x16xi32> to vector<16xi32>
        %eq3A_297 = arith.cmpi eq, %get3A_284, %get3A_296 : vector<16xi32>
        %select_n3A_298 = arith.select %eq3A_297, %broadcast_in_dim3A_27, %broadcast_in_dim3A_2 : vector<16xi1>, vector<16xi32>
        %mul3A_299 = arith.constant 0 : i32
        %mul3A_300 = vector.broadcast %mul3A_299 : i32 to vector<16xi32>
        %mul3A_301 = arith.muli %select_n3A_298, %mul3A_300 : vector<16xi32>
        %add3A_302 = arith.addi %broadcast_in_dim3A_289, %mul3A_301 : vector<16xi32>
        %add3A_303 = arith.addi %broadcast_in_dim3A_291, %select_n3A_298 : vector<16xi32>
        %get3A_304 = arith.constant 1 : i32
        %get3A_305 = arith.index_cast %get3A_304 : i32 to index
        %get3A_306 = arith.constant 0 : index
        %get3A_307 = tpu.vector_load %arg20[%get3A_305, %get3A_306] {strides = array<i32>} : memref<8x16xi32, #tpu.memory_space<vmem>>, vector<1x16xi32>,
        %get3A_308 = vector.shape_cast %get3A_307 : vector<1x16xi32> to vector<16xi32>
        %eq3A_309 = arith.cmpi eq, %get3A_284, %get3A_308 : vector<16xi32>
        %select_n3A_310 = arith.select %eq3A_309, %broadcast_in_dim3A_27, %broadcast_in_dim3A_2 : vector<16xi1>, vector<16xi32>
        %mul3A_311 = arith.constant 1 : i32
        %mul3A_312 = vector.broadcast %mul3A_311 : i32 to vector<16xi32>
        %mul3A_313 = arith.muli %select_n3A_310, %mul3A_312 : vector<16xi32>
        %add3A_314 = arith.addi %add3A_302, %mul3A_313 : vector<16xi32>
        %add3A_315 = arith.addi %add3A_303, %select_n3A_310 : vector<16xi32>
        %get3A_316 = arith.constant 2 : i32
        %get3A_317 = arith.index_cast %get3A_316 : i32 to index
        %get3A_318 = arith.constant 0 : index
        %get3A_319 = tpu.vector_load %arg20[%get3A_317, %get3A_318] {strides = array<i32>} : memref<8x16xi32, #tpu.memory_space<vmem>>, vector<1x16xi32>,
        %get3A_320 = vector.shape_cast %get3A_319 : vector<1x16xi32> to vector<16xi32>
        %eq3A_321 = arith.cmpi eq, %get3A_284, %get3A_320 : vector<16xi32>
        %select_n3A_322 = arith.select %eq3A_321, %broadcast_in_dim3A_27, %broadcast_in_dim3A_2 : vector<16xi1>, vector<16xi32>
        %mul3A_323 = arith.constant 2 : i32
        %mul3A_324 = vector.broadcast %mul3A_323 : i32 to vector<16xi32>
        %mul3A_325 = arith.muli %select_n3A_322, %mul3A_324 : vector<16xi32>
        %add3A_326 = arith.addi %add3A_314, %mul3A_325 : vector<16xi32>
        %add3A_327 = arith.addi %add3A_315, %select_n3A_322 : vector<16xi32>
        %get3A_328 = arith.constant 3 : i32
        %get3A_329 = arith.index_cast %get3A_328 : i32 to index
        %get3A_330 = arith.constant 0 : index
        %get3A_331 = tpu.vector_load %arg20[%get3A_329, %get3A_330] {strides = array<i32>} : memref<8x16xi32, #tpu.memory_space<vmem>>, vector<1x16xi32>,
        %get3A_332 = vector.shape_cast %get3A_331 : vector<1x16xi32> to vector<16xi32>
        %eq3A_333 = arith.cmpi eq, %get3A_284, %get3A_332 : vector<16xi32>
        %select_n3A_334 = arith.select %eq3A_333, %broadcast_in_dim3A_27, %broadcast_in_dim3A_2 : vector<16xi1>, vector<16xi32>
        %mul3A_335 = arith.constant 3 : i32
        %mul3A_336 = vector.broadcast %mul3A_335 : i32 to vector<16xi32>
        %mul3A_337 = arith.muli %select_n3A_334, %mul3A_336 : vector<16xi32>
        %add3A_338 = arith.addi %add3A_326, %mul3A_337 : vector<16xi32>
        %add3A_339 = arith.addi %add3A_327, %select_n3A_334 : vector<16xi32>
        %get3A_340 = arith.constant 4 : i32
        %get3A_341 = arith.index_cast %get3A_340 : i32 to index
        %get3A_342 = arith.constant 0 : index
        %get3A_343 = tpu.vector_load %arg20[%get3A_341, %get3A_342] {strides = array<i32>} : memref<8x16xi32, #tpu.memory_space<vmem>>, vector<1x16xi32>,
        %get3A_344 = vector.shape_cast %get3A_343 : vector<1x16xi32> to vector<16xi32>
        %eq3A_345 = arith.cmpi eq, %get3A_284, %get3A_344 : vector<16xi32>
        %select_n3A_346 = arith.select %eq3A_345, %broadcast_in_dim3A_27, %broadcast_in_dim3A_2 : vector<16xi1>, vector<16xi32>
        %mul3A_347 = arith.constant 4 : i32
        %mul3A_348 = vector.broadcast %mul3A_347 : i32 to vector<16xi32>
        %mul3A_349 = arith.muli %select_n3A_346, %mul3A_348 : vector<16xi32>
        %add3A_350 = arith.addi %add3A_338, %mul3A_349 : vector<16xi32>
        %add3A_351 = arith.addi %add3A_339, %select_n3A_346 : vector<16xi32>
        %get3A_352 = arith.constant 5 : i32
        %get3A_353 = arith.index_cast %get3A_352 : i32 to index
        %get3A_354 = arith.constant 0 : index
        %get3A_355 = tpu.vector_load %arg20[%get3A_353, %get3A_354] {strides = array<i32>} : memref<8x16xi32, #tpu.memory_space<vmem>>, vector<1x16xi32>,
        %get3A_356 = vector.shape_cast %get3A_355 : vector<1x16xi32> to vector<16xi32>
        %eq3A_357 = arith.cmpi eq, %get3A_284, %get3A_356 : vector<16xi32>
        %select_n3A_358 = arith.select %eq3A_357, %broadcast_in_dim3A_27, %broadcast_in_dim3A_2 : vector<16xi1>, vector<16xi32>
        %mul3A_359 = arith.constant 5 : i32
        %mul3A_360 = vector.broadcast %mul3A_359 : i32 to vector<16xi32>
        %mul3A_361 = arith.muli %select_n3A_358, %mul3A_360 : vector<16xi32>
        %add3A_362 = arith.addi %add3A_350, %mul3A_361 : vector<16xi32>
        %add3A_363 = arith.addi %add3A_351, %select_n3A_358 : vector<16xi32>
        %get3A_364 = arith.constant 6 : i32
        %get3A_365 = arith.index_cast %get3A_364 : i32 to index
        %get3A_366 = arith.constant 0 : index
        %get3A_367 = tpu.vector_load %arg20[%get3A_365, %get3A_366] {strides = array<i32>} : memref<8x16xi32, #tpu.memory_space<vmem>>, vector<1x16xi32>,
        %get3A_368 = vector.shape_cast %get3A_367 : vector<1x16xi32> to vector<16xi32>
        %eq3A_369 = arith.cmpi eq, %get3A_284, %get3A_368 : vector<16xi32>
        %select_n3A_370 = arith.select %eq3A_369, %broadcast_in_dim3A_27, %broadcast_in_dim3A_2 : vector<16xi1>, vector<16xi32>
        %mul3A_371 = arith.constant 6 : i32
        %mul3A_372 = vector.broadcast %mul3A_371 : i32 to vector<16xi32>
        %mul3A_373 = arith.muli %select_n3A_370, %mul3A_372 : vector<16xi32>
        %add3A_374 = arith.addi %add3A_362, %mul3A_373 : vector<16xi32>
        %add3A_375 = arith.addi %add3A_363, %select_n3A_370 : vector<16xi32>
        %get3A_376 = arith.constant 7 : i32
        %get3A_377 = arith.index_cast %get3A_376 : i32 to index
        %get3A_378 = arith.constant 0 : index
        %get3A_379 = tpu.vector_load %arg20[%get3A_377, %get3A_378] {strides = array<i32>} : memref<8x16xi32, #tpu.memory_space<vmem>>, vector<1x16xi32>,
        %get3A_380 = vector.shape_cast %get3A_379 : vector<1x16xi32> to vector<16xi32>
        %eq3A_381 = arith.cmpi eq, %get3A_284, %get3A_380 : vector<16xi32>
        %select_n3A_382 = arith.select %eq3A_381, %broadcast_in_dim3A_27, %broadcast_in_dim3A_2 : vector<16xi1>, vector<16xi32>
        %mul3A_383 = arith.constant 7 : i32
        %mul3A_384 = vector.broadcast %mul3A_383 : i32 to vector<16xi32>
        %mul3A_385 = arith.muli %select_n3A_382, %mul3A_384 : vector<16xi32>
        %add3A_386 = arith.addi %add3A_374, %mul3A_385 : vector<16xi32>
        %add3A_387 = arith.addi %add3A_375, %select_n3A_382 : vector<16xi32>
        %mul3A_388 = arith.constant 10000 : i32
        %mul3A_389 = vector.broadcast %mul3A_388 : i32 to vector<16xi32>
        %mul3A_390 = arith.muli %add3A_386, %mul3A_389 : vector<16xi32>
        %add3A_391 = arith.addi %mul3A_390, %get3A_287 : vector<16xi32>
        %swap3A_392 = arith.constant 16 : index
        %swap3A_393 = tpu.vector_load %arg12[%swap3A_392] {strides = array<i32>} : memref<128xi32, #tpu.memory_space<vmem>>, vector<16xi32>,
        %swap3A_394 = vector.shape_cast %swap3A_393 : vector<16xi32> to vector<16xi32>
        %swap3A_395 = vector.shape_cast %add3A_391 : vector<16xi32> to vector<16xi32>
        tpu.vector_store %arg12[%swap3A_392], %swap3A_395 {strides = array<i32>} : memref<128xi32, #tpu.memory_space<vmem>>, vector<16xi32>,
        %swap3A_396 = arith.constant 16 : index
        %swap3A_397 = tpu.vector_load %arg18[%swap3A_396] {strides = array<i32>} : memref<128xi32, #tpu.memory_space<vmem>>, vector<16xi32>,
        %swap3A_398 = vector.shape_cast %swap3A_397 : vector<16xi32> to vector<16xi32>
        %swap3A_399 = vector.shape_cast %add3A_387 : vector<16xi32> to vector<16xi32>
        tpu.vector_store %arg18[%swap3A_396], %swap3A_399 {strides = array<i32>} : memref<128xi32, #tpu.memory_space<vmem>>, vector<16xi32>,
        %mul3A_400 = arith.constant 128 : i32
        %mul3A_401 = arith.muli %scan3A_154, %mul3A_400 : i32
        %add3A_402 = arith.constant 32 : i32
        %add3A_403 = arith.addi %mul3A_401, %add3A_402 : i32
        %get3A_404 = arith.index_cast %add3A_403 : i32 to index
        %get3A_405 = tpu.vector_load %arg10[%get3A_404] {strides = array<i32>} : memref<10000xi32, #tpu.memory_space<vmem>>, vector<16xi32>,
        %get3A_406 = vector.shape_cast %get3A_405 : vector<16xi32> to vector<16xi32>
        %get3A_407 = arith.index_cast %add3A_403 : i32 to index
        %get3A_408 = tpu.vector_load %arg11[%get3A_407] {strides = array<i32>} : memref<10000xi32, #tpu.memory_space<vmem>>, vector<16xi32>,
        %get3A_409 = vector.shape_cast %get3A_408 : vector<16xi32> to vector<16xi32>
        %broadcast_in_dim3A_410 = arith.constant 0 : i32
        %broadcast_in_dim3A_411 = vector.broadcast %broadcast_in_dim3A_410 : i32 to vector<16xi32>
        %broadcast_in_dim3A_412 = arith.constant 0 : i32
        %broadcast_in_dim3A_413 = vector.broadcast %broadcast_in_dim3A_412 : i32 to vector<16xi32>
        %get3A_414 = arith.constant 0 : i32
        %get3A_415 = arith.index_cast %get3A_414 : i32 to index
        %get3A_416 = arith.constant 0 : index
        %get3A_417 = tpu.vector_load %arg20[%get3A_415, %get3A_416] {strides = array<i32>} : memref<8x16xi32, #tpu.memory_space<vmem>>, vector<1x16xi32>,
        %get3A_418 = vector.shape_cast %get3A_417 : vector<1x16xi32> to vector<16xi32>
        %eq3A_419 = arith.cmpi eq, %get3A_406, %get3A_418 : vector<16xi32>
        %select_n3A_420 = arith.select %eq3A_419, %broadcast_in_dim3A_27, %broadcast_in_dim3A_2 : vector<16xi1>, vector<16xi32>
        %mul3A_421 = arith.constant 0 : i32
        %mul3A_422 = vector.broadcast %mul3A_421 : i32 to vector<16xi32>
        %mul3A_423 = arith.muli %select_n3A_420, %mul3A_422 : vector<16xi32>
        %add3A_424 = arith.addi %broadcast_in_dim3A_411, %mul3A_423 : vector<16xi32>
        %add3A_425 = arith.addi %broadcast_in_dim3A_413, %select_n3A_420 : vector<16xi32>
        %get3A_426 = arith.constant 1 : i32
        %get3A_427 = arith.index_cast %get3A_426 : i32 to index
        %get3A_428 = arith.constant 0 : index
        %get3A_429 = tpu.vector_load %arg20[%get3A_427, %get3A_428] {strides = array<i32>} : memref<8x16xi32, #tpu.memory_space<vmem>>, vector<1x16xi32>,
        %get3A_430 = vector.shape_cast %get3A_429 : vector<1x16xi32> to vector<16xi32>
        %eq3A_431 = arith.cmpi eq, %get3A_406, %get3A_430 : vector<16xi32>
        %select_n3A_432 = arith.select %eq3A_431, %broadcast_in_dim3A_27, %broadcast_in_dim3A_2 : vector<16xi1>, vector<16xi32>
        %mul3A_433 = arith.constant 1 : i32
        %mul3A_434 = vector.broadcast %mul3A_433 : i32 to vector<16xi32>
        %mul3A_435 = arith.muli %select_n3A_432, %mul3A_434 : vector<16xi32>
        %add3A_436 = arith.addi %add3A_424, %mul3A_435 : vector<16xi32>
        %add3A_437 = arith.addi %add3A_425, %select_n3A_432 : vector<16xi32>
        %get3A_438 = arith.constant 2 : i32
        %get3A_439 = arith.index_cast %get3A_438 : i32 to index
        %get3A_440 = arith.constant 0 : index
        %get3A_441 = tpu.vector_load %arg20[%get3A_439, %get3A_440] {strides = array<i32>} : memref<8x16xi32, #tpu.memory_space<vmem>>, vector<1x16xi32>,
        %get3A_442 = vector.shape_cast %get3A_441 : vector<1x16xi32> to vector<16xi32>
        %eq3A_443 = arith.cmpi eq, %get3A_406, %get3A_442 : vector<16xi32>
        %select_n3A_444 = arith.select %eq3A_443, %broadcast_in_dim3A_27, %broadcast_in_dim3A_2 : vector<16xi1>, vector<16xi32>
        %mul3A_445 = arith.constant 2 : i32
        %mul3A_446 = vector.broadcast %mul3A_445 : i32 to vector<16xi32>
        %mul3A_447 = arith.muli %select_n3A_444, %mul3A_446 : vector<16xi32>
        %add3A_448 = arith.addi %add3A_436, %mul3A_447 : vector<16xi32>
        %add3A_449 = arith.addi %add3A_437, %select_n3A_444 : vector<16xi32>
        %get3A_450 = arith.constant 3 : i32
        %get3A_451 = arith.index_cast %get3A_450 : i32 to index
        %get3A_452 = arith.constant 0 : index
        %get3A_453 = tpu.vector_load %arg20[%get3A_451, %get3A_452] {strides = array<i32>} : memref<8x16xi32, #tpu.memory_space<vmem>>, vector<1x16xi32>,
        %get3A_454 = vector.shape_cast %get3A_453 : vector<1x16xi32> to vector<16xi32>
        %eq3A_455 = arith.cmpi eq, %get3A_406, %get3A_454 : vector<16xi32>
        %select_n3A_456 = arith.select %eq3A_455, %broadcast_in_dim3A_27, %broadcast_in_dim3A_2 : vector<16xi1>, vector<16xi32>
        %mul3A_457 = arith.constant 3 : i32
        %mul3A_458 = vector.broadcast %mul3A_457 : i32 to vector<16xi32>
        %mul3A_459 = arith.muli %select_n3A_456, %mul3A_458 : vector<16xi32>
        %add3A_460 = arith.addi %add3A_448, %mul3A_459 : vector<16xi32>
        %add3A_461 = arith.addi %add3A_449, %select_n3A_456 : vector<16xi32>
        %get3A_462 = arith.constant 4 : i32
        %get3A_463 = arith.index_cast %get3A_462 : i32 to index
        %get3A_464 = arith.constant 0 : index
        %get3A_465 = tpu.vector_load %arg20[%get3A_463, %get3A_464] {strides = array<i32>} : memref<8x16xi32, #tpu.memory_space<vmem>>, vector<1x16xi32>,
        %get3A_466 = vector.shape_cast %get3A_465 : vector<1x16xi32> to vector<16xi32>
        %eq3A_467 = arith.cmpi eq, %get3A_406, %get3A_466 : vector<16xi32>
        %select_n3A_468 = arith.select %eq3A_467, %broadcast_in_dim3A_27, %broadcast_in_dim3A_2 : vector<16xi1>, vector<16xi32>
        %mul3A_469 = arith.constant 4 : i32
        %mul3A_470 = vector.broadcast %mul3A_469 : i32 to vector<16xi32>
        %mul3A_471 = arith.muli %select_n3A_468, %mul3A_470 : vector<16xi32>
        %add3A_472 = arith.addi %add3A_460, %mul3A_471 : vector<16xi32>
        %add3A_473 = arith.addi %add3A_461, %select_n3A_468 : vector<16xi32>
        %get3A_474 = arith.constant 5 : i32
        %get3A_475 = arith.index_cast %get3A_474 : i32 to index
        %get3A_476 = arith.constant 0 : index
        %get3A_477 = tpu.vector_load %arg20[%get3A_475, %get3A_476] {strides = array<i32>} : memref<8x16xi32, #tpu.memory_space<vmem>>, vector<1x16xi32>,
        %get3A_478 = vector.shape_cast %get3A_477 : vector<1x16xi32> to vector<16xi32>
        %eq3A_479 = arith.cmpi eq, %get3A_406, %get3A_478 : vector<16xi32>
        %select_n3A_480 = arith.select %eq3A_479, %broadcast_in_dim3A_27, %broadcast_in_dim3A_2 : vector<16xi1>, vector<16xi32>
        %mul3A_481 = arith.constant 5 : i32
        %mul3A_482 = vector.broadcast %mul3A_481 : i32 to vector<16xi32>
        %mul3A_483 = arith.muli %select_n3A_480, %mul3A_482 : vector<16xi32>
        %add3A_484 = arith.addi %add3A_472, %mul3A_483 : vector<16xi32>
        %add3A_485 = arith.addi %add3A_473, %select_n3A_480 : vector<16xi32>
        %get3A_486 = arith.constant 6 : i32
        %get3A_487 = arith.index_cast %get3A_486 : i32 to index
        %get3A_488 = arith.constant 0 : index
        %get3A_489 = tpu.vector_load %arg20[%get3A_487, %get3A_488] {strides = array<i32>} : memref<8x16xi32, #tpu.memory_space<vmem>>, vector<1x16xi32>,
        %get3A_490 = vector.shape_cast %get3A_489 : vector<1x16xi32> to vector<16xi32>
        %eq3A_491 = arith.cmpi eq, %get3A_406, %get3A_490 : vector<16xi32>
        %select_n3A_492 = arith.select %eq3A_491, %broadcast_in_dim3A_27, %broadcast_in_dim3A_2 : vector<16xi1>, vector<16xi32>
        %mul3A_493 = arith.constant 6 : i32
        %mul3A_494 = vector.broadcast %mul3A_493 : i32 to vector<16xi32>
        %mul3A_495 = arith.muli %select_n3A_492, %mul3A_494 : vector<16xi32>
        %add3A_496 = arith.addi %add3A_484, %mul3A_495 : vector<16xi32>
        %add3A_497 = arith.addi %add3A_485, %select_n3A_492 : vector<16xi32>
        %get3A_498 = arith.constant 7 : i32
        %get3A_499 = arith.index_cast %get3A_498 : i32 to index
        %get3A_500 = arith.constant 0 : index
        %get3A_501 = tpu.vector_load %arg20[%get3A_499, %get3A_500] {strides = array<i32>} : memref<8x16xi32, #tpu.memory_space<vmem>>, vector<1x16xi32>,
        %get3A_502 = vector.shape_cast %get3A_501 : vector<1x16xi32> to vector<16xi32>
        %eq3A_503 = arith.cmpi eq, %get3A_406, %get3A_502 : vector<16xi32>
        %select_n3A_504 = arith.select %eq3A_503, %broadcast_in_dim3A_27, %broadcast_in_dim3A_2 : vector<16xi1>, vector<16xi32>
        %mul3A_505 = arith.constant 7 : i32
        %mul3A_506 = vector.broadcast %mul3A_505 : i32 to vector<16xi32>
        %mul3A_507 = arith.muli %select_n3A_504, %mul3A_506 : vector<16xi32>
        %add3A_508 = arith.addi %add3A_496, %mul3A_507 : vector<16xi32>
        %add3A_509 = arith.addi %add3A_497, %select_n3A_504 : vector<16xi32>
        %mul3A_510 = arith.constant 10000 : i32
        %mul3A_511 = vector.broadcast %mul3A_510 : i32 to vector<16xi32>
        %mul3A_512 = arith.muli %add3A_508, %mul3A_511 : vector<16xi32>
        %add3A_513 = arith.addi %mul3A_512, %get3A_409 : vector<16xi32>
        %swap3A_514 = arith.constant 32 : index
        %swap3A_515 = tpu.vector_load %arg12[%swap3A_514] {strides = array<i32>} : memref<128xi32, #tpu.memory_space<vmem>>, vector<16xi32>,
        %swap3A_516 = vector.shape_cast %swap3A_515 : vector<16xi32> to vector<16xi32>
        %swap3A_517 = vector.shape_cast %add3A_513 : vector<16xi32> to vector<16xi32>
        tpu.vector_store %arg12[%swap3A_514], %swap3A_517 {strides = array<i32>} : memref<128xi32, #tpu.memory_space<vmem>>, vector<16xi32>,
        %swap3A_518 = arith.constant 32 : index
        %swap3A_519 = tpu.vector_load %arg18[%swap3A_518] {strides = array<i32>} : memref<128xi32, #tpu.memory_space<vmem>>, vector<16xi32>,
        %swap3A_520 = vector.shape_cast %swap3A_519 : vector<16xi32> to vector<16xi32>
        %swap3A_521 = vector.shape_cast %add3A_509 : vector<16xi32> to vector<16xi32>
        tpu.vector_store %arg18[%swap3A_518], %swap3A_521 {strides = array<i32>} : memref<128xi32, #tpu.memory_space<vmem>>, vector<16xi32>,
        %mul3A_522 = arith.constant 128 : i32
        %mul3A_523 = arith.muli %scan3A_154, %mul3A_522 : i32
        %add3A_524 = arith.constant 48 : i32
        %add3A_525 = arith.addi %mul3A_523, %add3A_524 : i32
        %get3A_526 = arith.index_cast %add3A_525 : i32 to index
        %get3A_527 = tpu.vector_load %arg10[%get3A_526] {strides = array<i32>} : memref<10000xi32, #tpu.memory_space<vmem>>, vector<16xi32>,
        %get3A_528 = vector.shape_cast %get3A_527 : vector<16xi32> to vector<16xi32>
        %get3A_529 = arith.index_cast %add3A_525 : i32 to index
        %get3A_530 = tpu.vector_load %arg11[%get3A_529] {strides = array<i32>} : memref<10000xi32, #tpu.memory_space<vmem>>, vector<16xi32>,
        %get3A_531 = vector.shape_cast %get3A_530 : vector<16xi32> to vector<16xi32>
        %broadcast_in_dim3A_532 = arith.constant 0 : i32
        %broadcast_in_dim3A_533 = vector.broadcast %broadcast_in_dim3A_532 : i32 to vector<16xi32>
        %broadcast_in_dim3A_534 = arith.constant 0 : i32
        %broadcast_in_dim3A_535 = vector.broadcast %broadcast_in_dim3A_534 : i32 to vector<16xi32>
        %get3A_536 = arith.constant 0 : i32
        %get3A_537 = arith.index_cast %get3A_536 : i32 to index
        %get3A_538 = arith.constant 0 : index
        %get3A_539 = tpu.vector_load %arg20[%get3A_537, %get3A_538] {strides = array<i32>} : memref<8x16xi32, #tpu.memory_space<vmem>>, vector<1x16xi32>,
        %get3A_540 = vector.shape_cast %get3A_539 : vector<1x16xi32> to vector<16xi32>
        %eq3A_541 = arith.cmpi eq, %get3A_528, %get3A_540 : vector<16xi32>
        %select_n3A_542 = arith.select %eq3A_541, %broadcast_in_dim3A_27, %broadcast_in_dim3A_2 : vector<16xi1>, vector<16xi32>
        %mul3A_543 = arith.constant 0 : i32
        %mul3A_544 = vector.broadcast %mul3A_543 : i32 to vector<16xi32>
        %mul3A_545 = arith.muli %select_n3A_542, %mul3A_544 : vector<16xi32>
        %add3A_546 = arith.addi %broadcast_in_dim3A_533, %mul3A_545 : vector<16xi32>
        %add3A_547 = arith.addi %broadcast_in_dim3A_535, %select_n3A_542 : vector<16xi32>
        %get3A_548 = arith.constant 1 : i32
        %get3A_549 = arith.index_cast %get3A_548 : i32 to index
        %get3A_550 = arith.constant 0 : index
        %get3A_551 = tpu.vector_load %arg20[%get3A_549, %get3A_550] {strides = array<i32>} : memref<8x16xi32, #tpu.memory_space<vmem>>, vector<1x16xi32>,
        %get3A_552 = vector.shape_cast %get3A_551 : vector<1x16xi32> to vector<16xi32>
        %eq3A_553 = arith.cmpi eq, %get3A_528, %get3A_552 : vector<16xi32>
        %select_n3A_554 = arith.select %eq3A_553, %broadcast_in_dim3A_27, %broadcast_in_dim3A_2 : vector<16xi1>, vector<16xi32>
        %mul3A_555 = arith.constant 1 : i32
        %mul3A_556 = vector.broadcast %mul3A_555 : i32 to vector<16xi32>
        %mul3A_557 = arith.muli %select_n3A_554, %mul3A_556 : vector<16xi32>
        %add3A_558 = arith.addi %add3A_546, %mul3A_557 : vector<16xi32>
        %add3A_559 = arith.addi %add3A_547, %select_n3A_554 : vector<16xi32>
        %get3A_560 = arith.constant 2 : i32
        %get3A_561 = arith.index_cast %get3A_560 : i32 to index
        %get3A_562 = arith.constant 0 : index
        %get3A_563 = tpu.vector_load %arg20[%get3A_561, %get3A_562] {strides = array<i32>} : memref<8x16xi32, #tpu.memory_space<vmem>>, vector<1x16xi32>,
        %get3A_564 = vector.shape_cast %get3A_563 : vector<1x16xi32> to vector<16xi32>
        %eq3A_565 = arith.cmpi eq, %get3A_528, %get3A_564 : vector<16xi32>
        %select_n3A_566 = arith.select %eq3A_565, %broadcast_in_dim3A_27, %broadcast_in_dim3A_2 : vector<16xi1>, vector<16xi32>
        %mul3A_567 = arith.constant 2 : i32
        %mul3A_568 = vector.broadcast %mul3A_567 : i32 to vector<16xi32>
        %mul3A_569 = arith.muli %select_n3A_566, %mul3A_568 : vector<16xi32>
        %add3A_570 = arith.addi %add3A_558, %mul3A_569 : vector<16xi32>
        %add3A_571 = arith.addi %add3A_559, %select_n3A_566 : vector<16xi32>
        %get3A_572 = arith.constant 3 : i32
        %get3A_573 = arith.index_cast %get3A_572 : i32 to index
        %get3A_574 = arith.constant 0 : index
        %get3A_575 = tpu.vector_load %arg20[%get3A_573, %get3A_574] {strides = array<i32>} : memref<8x16xi32, #tpu.memory_space<vmem>>, vector<1x16xi32>,
        %get3A_576 = vector.shape_cast %get3A_575 : vector<1x16xi32> to vector<16xi32>
        %eq3A_577 = arith.cmpi eq, %get3A_528, %get3A_576 : vector<16xi32>
        %select_n3A_578 = arith.select %eq3A_577, %broadcast_in_dim3A_27, %broadcast_in_dim3A_2 : vector<16xi1>, vector<16xi32>
        %mul3A_579 = arith.constant 3 : i32
        %mul3A_580 = vector.broadcast %mul3A_579 : i32 to vector<16xi32>
        %mul3A_581 = arith.muli %select_n3A_578, %mul3A_580 : vector<16xi32>
        %add3A_582 = arith.addi %add3A_570, %mul3A_581 : vector<16xi32>
        %add3A_583 = arith.addi %add3A_571, %select_n3A_578 : vector<16xi32>
        %get3A_584 = arith.constant 4 : i32
        %get3A_585 = arith.index_cast %get3A_584 : i32 to index
        %get3A_586 = arith.constant 0 : index
        %get3A_587 = tpu.vector_load %arg20[%get3A_585, %get3A_586] {strides = array<i32>} : memref<8x16xi32, #tpu.memory_space<vmem>>, vector<1x16xi32>,
        %get3A_588 = vector.shape_cast %get3A_587 : vector<1x16xi32> to vector<16xi32>
        %eq3A_589 = arith.cmpi eq, %get3A_528, %get3A_588 : vector<16xi32>
        %select_n3A_590 = arith.select %eq3A_589, %broadcast_in_dim3A_27, %broadcast_in_dim3A_2 : vector<16xi1>, vector<16xi32>
        %mul3A_591 = arith.constant 4 : i32
        %mul3A_592 = vector.broadcast %mul3A_591 : i32 to vector<16xi32>
        %mul3A_593 = arith.muli %select_n3A_590, %mul3A_592 : vector<16xi32>
        %add3A_594 = arith.addi %add3A_582, %mul3A_593 : vector<16xi32>
        %add3A_595 = arith.addi %add3A_583, %select_n3A_590 : vector<16xi32>
        %get3A_596 = arith.constant 5 : i32
        %get3A_597 = arith.index_cast %get3A_596 : i32 to index
        %get3A_598 = arith.constant 0 : index
        %get3A_599 = tpu.vector_load %arg20[%get3A_597, %get3A_598] {strides = array<i32>} : memref<8x16xi32, #tpu.memory_space<vmem>>, vector<1x16xi32>,
        %get3A_600 = vector.shape_cast %get3A_599 : vector<1x16xi32> to vector<16xi32>
        %eq3A_601 = arith.cmpi eq, %get3A_528, %get3A_600 : vector<16xi32>
        %select_n3A_602 = arith.select %eq3A_601, %broadcast_in_dim3A_27, %broadcast_in_dim3A_2 : vector<16xi1>, vector<16xi32>
        %mul3A_603 = arith.constant 5 : i32
        %mul3A_604 = vector.broadcast %mul3A_603 : i32 to vector<16xi32>
        %mul3A_605 = arith.muli %select_n3A_602, %mul3A_604 : vector<16xi32>
        %add3A_606 = arith.addi %add3A_594, %mul3A_605 : vector<16xi32>
        %add3A_607 = arith.addi %add3A_595, %select_n3A_602 : vector<16xi32>
        %get3A_608 = arith.constant 6 : i32
        %get3A_609 = arith.index_cast %get3A_608 : i32 to index
        %get3A_610 = arith.constant 0 : index
        %get3A_611 = tpu.vector_load %arg20[%get3A_609, %get3A_610] {strides = array<i32>} : memref<8x16xi32, #tpu.memory_space<vmem>>, vector<1x16xi32>,
        %get3A_612 = vector.shape_cast %get3A_611 : vector<1x16xi32> to vector<16xi32>
        %eq3A_613 = arith.cmpi eq, %get3A_528, %get3A_612 : vector<16xi32>
        %select_n3A_614 = arith.select %eq3A_613, %broadcast_in_dim3A_27, %broadcast_in_dim3A_2 : vector<16xi1>, vector<16xi32>
        %mul3A_615 = arith.constant 6 : i32
        %mul3A_616 = vector.broadcast %mul3A_615 : i32 to vector<16xi32>
        %mul3A_617 = arith.muli %select_n3A_614, %mul3A_616 : vector<16xi32>
        %add3A_618 = arith.addi %add3A_606, %mul3A_617 : vector<16xi32>
        %add3A_619 = arith.addi %add3A_607, %select_n3A_614 : vector<16xi32>
        %get3A_620 = arith.constant 7 : i32
        %get3A_621 = arith.index_cast %get3A_620 : i32 to index
        %get3A_622 = arith.constant 0 : index
        %get3A_623 = tpu.vector_load %arg20[%get3A_621, %get3A_622] {strides = array<i32>} : memref<8x16xi32, #tpu.memory_space<vmem>>, vector<1x16xi32>,
        %get3A_624 = vector.shape_cast %get3A_623 : vector<1x16xi32> to vector<16xi32>
        %eq3A_625 = arith.cmpi eq, %get3A_528, %get3A_624 : vector<16xi32>
        %select_n3A_626 = arith.select %eq3A_625, %broadcast_in_dim3A_27, %broadcast_in_dim3A_2 : vector<16xi1>, vector<16xi32>
        %mul3A_627 = arith.constant 7 : i32
        %mul3A_628 = vector.broadcast %mul3A_627 : i32 to vector<16xi32>
        %mul3A_629 = arith.muli %select_n3A_626, %mul3A_628 : vector<16xi32>
        %add3A_630 = arith.addi %add3A_618, %mul3A_629 : vector<16xi32>
        %add3A_631 = arith.addi %add3A_619, %select_n3A_626 : vector<16xi32>
        %mul3A_632 = arith.constant 10000 : i32
        %mul3A_633 = vector.broadcast %mul3A_632 : i32 to vector<16xi32>
        %mul3A_634 = arith.muli %add3A_630, %mul3A_633 : vector<16xi32>
        %add3A_635 = arith.addi %mul3A_634, %get3A_531 : vector<16xi32>
        %swap3A_636 = arith.constant 48 : index
        %swap3A_637 = tpu.vector_load %arg12[%swap3A_636] {strides = array<i32>} : memref<128xi32, #tpu.memory_space<vmem>>, vector<16xi32>,
        %swap3A_638 = vector.shape_cast %swap3A_637 : vector<16xi32> to vector<16xi32>
        %swap3A_639 = vector.shape_cast %add3A_635 : vector<16xi32> to vector<16xi32>
        tpu.vector_store %arg12[%swap3A_636], %swap3A_639 {strides = array<i32>} : memref<128xi32, #tpu.memory_space<vmem>>, vector<16xi32>,
        %swap3A_640 = arith.constant 48 : index
        %swap3A_641 = tpu.vector_load %arg18[%swap3A_640] {strides = array<i32>} : memref<128xi32, #tpu.memory_space<vmem>>, vector<16xi32>,
        %swap3A_642 = vector.shape_cast %swap3A_641 : vector<16xi32> to vector<16xi32>
        %swap3A_643 = vector.shape_cast %add3A_631 : vector<16xi32> to vector<16xi32>
        tpu.vector_store %arg18[%swap3A_640], %swap3A_643 {strides = array<i32>} : memref<128xi32, #tpu.memory_space<vmem>>, vector<16xi32>,
        %mul3A_644 = arith.constant 128 : i32
        %mul3A_645 = arith.muli %scan3A_154, %mul3A_644 : i32
        %add3A_646 = arith.constant 64 : i32
        %add3A_647 = arith.addi %mul3A_645, %add3A_646 : i32
        %get3A_648 = arith.index_cast %add3A_647 : i32 to index
        %get3A_649 = tpu.vector_load %arg10[%get3A_648] {strides = array<i32>} : memref<10000xi32, #tpu.memory_space<vmem>>, vector<16xi32>,
        %get3A_650 = vector.shape_cast %get3A_649 : vector<16xi32> to vector<16xi32>
        %get3A_651 = arith.index_cast %add3A_647 : i32 to index
        %get3A_652 = tpu.vector_load %arg11[%get3A_651] {strides = array<i32>} : memref<10000xi32, #tpu.memory_space<vmem>>, vector<16xi32>,
        %get3A_653 = vector.shape_cast %get3A_652 : vector<16xi32> to vector<16xi32>
        %broadcast_in_dim3A_654 = arith.constant 0 : i32
        %broadcast_in_dim3A_655 = vector.broadcast %broadcast_in_dim3A_654 : i32 to vector<16xi32>
        %broadcast_in_dim3A_656 = arith.constant 0 : i32
        %broadcast_in_dim3A_657 = vector.broadcast %broadcast_in_dim3A_656 : i32 to vector<16xi32>
        %get3A_658 = arith.constant 0 : i32
        %get3A_659 = arith.index_cast %get3A_658 : i32 to index
        %get3A_660 = arith.constant 0 : index
        %get3A_661 = tpu.vector_load %arg20[%get3A_659, %get3A_660] {strides = array<i32>} : memref<8x16xi32, #tpu.memory_space<vmem>>, vector<1x16xi32>,
        %get3A_662 = vector.shape_cast %get3A_661 : vector<1x16xi32> to vector<16xi32>
        %eq3A_663 = arith.cmpi eq, %get3A_650, %get3A_662 : vector<16xi32>
        %select_n3A_664 = arith.select %eq3A_663, %broadcast_in_dim3A_27, %broadcast_in_dim3A_2 : vector<16xi1>, vector<16xi32>
        %mul3A_665 = arith.constant 0 : i32
        %mul3A_666 = vector.broadcast %mul3A_665 : i32 to vector<16xi32>
        %mul3A_667 = arith.muli %select_n3A_664, %mul3A_666 : vector<16xi32>
        %add3A_668 = arith.addi %broadcast_in_dim3A_655, %mul3A_667 : vector<16xi32>
        %add3A_669 = arith.addi %broadcast_in_dim3A_657, %select_n3A_664 : vector<16xi32>
        %get3A_670 = arith.constant 1 : i32
        %get3A_671 = arith.index_cast %get3A_670 : i32 to index
        %get3A_672 = arith.constant 0 : index
        %get3A_673 = tpu.vector_load %arg20[%get3A_671, %get3A_672] {strides = array<i32>} : memref<8x16xi32, #tpu.memory_space<vmem>>, vector<1x16xi32>,
        %get3A_674 = vector.shape_cast %get3A_673 : vector<1x16xi32> to vector<16xi32>
        %eq3A_675 = arith.cmpi eq, %get3A_650, %get3A_674 : vector<16xi32>
        %select_n3A_676 = arith.select %eq3A_675, %broadcast_in_dim3A_27, %broadcast_in_dim3A_2 : vector<16xi1>, vector<16xi32>
        %mul3A_677 = arith.constant 1 : i32
        %mul3A_678 = vector.broadcast %mul3A_677 : i32 to vector<16xi32>
        %mul3A_679 = arith.muli %select_n3A_676, %mul3A_678 : vector<16xi32>
        %add3A_680 = arith.addi %add3A_668, %mul3A_679 : vector<16xi32>
        %add3A_681 = arith.addi %add3A_669, %select_n3A_676 : vector<16xi32>
        %get3A_682 = arith.constant 2 : i32
        %get3A_683 = arith.index_cast %get3A_682 : i32 to index
        %get3A_684 = arith.constant 0 : index
        %get3A_685 = tpu.vector_load %arg20[%get3A_683, %get3A_684] {strides = array<i32>} : memref<8x16xi32, #tpu.memory_space<vmem>>, vector<1x16xi32>,
        %get3A_686 = vector.shape_cast %get3A_685 : vector<1x16xi32> to vector<16xi32>
        %eq3A_687 = arith.cmpi eq, %get3A_650, %get3A_686 : vector<16xi32>
        %select_n3A_688 = arith.select %eq3A_687, %broadcast_in_dim3A_27, %broadcast_in_dim3A_2 : vector<16xi1>, vector<16xi32>
        %mul3A_689 = arith.constant 2 : i32
        %mul3A_690 = vector.broadcast %mul3A_689 : i32 to vector<16xi32>
        %mul3A_691 = arith.muli %select_n3A_688, %mul3A_690 : vector<16xi32>
        %add3A_692 = arith.addi %add3A_680, %mul3A_691 : vector<16xi32>
        %add3A_693 = arith.addi %add3A_681, %select_n3A_688 : vector<16xi32>
        %get3A_694 = arith.constant 3 : i32
        %get3A_695 = arith.index_cast %get3A_694 : i32 to index
        %get3A_696 = arith.constant 0 : index
        %get3A_697 = tpu.vector_load %arg20[%get3A_695, %get3A_696] {strides = array<i32>} : memref<8x16xi32, #tpu.memory_space<vmem>>, vector<1x16xi32>,
        %get3A_698 = vector.shape_cast %get3A_697 : vector<1x16xi32> to vector<16xi32>
        %eq3A_699 = arith.cmpi eq, %get3A_650, %get3A_698 : vector<16xi32>
        %select_n3A_700 = arith.select %eq3A_699, %broadcast_in_dim3A_27, %broadcast_in_dim3A_2 : vector<16xi1>, vector<16xi32>
        %mul3A_701 = arith.constant 3 : i32
        %mul3A_702 = vector.broadcast %mul3A_701 : i32 to vector<16xi32>
        %mul3A_703 = arith.muli %select_n3A_700, %mul3A_702 : vector<16xi32>
        %add3A_704 = arith.addi %add3A_692, %mul3A_703 : vector<16xi32>
        %add3A_705 = arith.addi %add3A_693, %select_n3A_700 : vector<16xi32>
        %get3A_706 = arith.constant 4 : i32
        %get3A_707 = arith.index_cast %get3A_706 : i32 to index
        %get3A_708 = arith.constant 0 : index
        %get3A_709 = tpu.vector_load %arg20[%get3A_707, %get3A_708] {strides = array<i32>} : memref<8x16xi32, #tpu.memory_space<vmem>>, vector<1x16xi32>,
        %get3A_710 = vector.shape_cast %get3A_709 : vector<1x16xi32> to vector<16xi32>
        %eq3A_711 = arith.cmpi eq, %get3A_650, %get3A_710 : vector<16xi32>
        %select_n3A_712 = arith.select %eq3A_711, %broadcast_in_dim3A_27, %broadcast_in_dim3A_2 : vector<16xi1>, vector<16xi32>
        %mul3A_713 = arith.constant 4 : i32
        %mul3A_714 = vector.broadcast %mul3A_713 : i32 to vector<16xi32>
        %mul3A_715 = arith.muli %select_n3A_712, %mul3A_714 : vector<16xi32>
        %add3A_716 = arith.addi %add3A_704, %mul3A_715 : vector<16xi32>
        %add3A_717 = arith.addi %add3A_705, %select_n3A_712 : vector<16xi32>
        %get3A_718 = arith.constant 5 : i32
        %get3A_719 = arith.index_cast %get3A_718 : i32 to index
        %get3A_720 = arith.constant 0 : index
        %get3A_721 = tpu.vector_load %arg20[%get3A_719, %get3A_720] {strides = array<i32>} : memref<8x16xi32, #tpu.memory_space<vmem>>, vector<1x16xi32>,
        %get3A_722 = vector.shape_cast %get3A_721 : vector<1x16xi32> to vector<16xi32>
        %eq3A_723 = arith.cmpi eq, %get3A_650, %get3A_722 : vector<16xi32>
        %select_n3A_724 = arith.select %eq3A_723, %broadcast_in_dim3A_27, %broadcast_in_dim3A_2 : vector<16xi1>, vector<16xi32>
        %mul3A_725 = arith.constant 5 : i32
        %mul3A_726 = vector.broadcast %mul3A_725 : i32 to vector<16xi32>
        %mul3A_727 = arith.muli %select_n3A_724, %mul3A_726 : vector<16xi32>
        %add3A_728 = arith.addi %add3A_716, %mul3A_727 : vector<16xi32>
        %add3A_729 = arith.addi %add3A_717, %select_n3A_724 : vector<16xi32>
        %get3A_730 = arith.constant 6 : i32
        %get3A_731 = arith.index_cast %get3A_730 : i32 to index
        %get3A_732 = arith.constant 0 : index
        %get3A_733 = tpu.vector_load %arg20[%get3A_731, %get3A_732] {strides = array<i32>} : memref<8x16xi32, #tpu.memory_space<vmem>>, vector<1x16xi32>,
        %get3A_734 = vector.shape_cast %get3A_733 : vector<1x16xi32> to vector<16xi32>
        %eq3A_735 = arith.cmpi eq, %get3A_650, %get3A_734 : vector<16xi32>
        %select_n3A_736 = arith.select %eq3A_735, %broadcast_in_dim3A_27, %broadcast_in_dim3A_2 : vector<16xi1>, vector<16xi32>
        %mul3A_737 = arith.constant 6 : i32
        %mul3A_738 = vector.broadcast %mul3A_737 : i32 to vector<16xi32>
        %mul3A_739 = arith.muli %select_n3A_736, %mul3A_738 : vector<16xi32>
        %add3A_740 = arith.addi %add3A_728, %mul3A_739 : vector<16xi32>
        %add3A_741 = arith.addi %add3A_729, %select_n3A_736 : vector<16xi32>
        %get3A_742 = arith.constant 7 : i32
        %get3A_743 = arith.index_cast %get3A_742 : i32 to index
        %get3A_744 = arith.constant 0 : index
        %get3A_745 = tpu.vector_load %arg20[%get3A_743, %get3A_744] {strides = array<i32>} : memref<8x16xi32, #tpu.memory_space<vmem>>, vector<1x16xi32>,
        %get3A_746 = vector.shape_cast %get3A_745 : vector<1x16xi32> to vector<16xi32>
        %eq3A_747 = arith.cmpi eq, %get3A_650, %get3A_746 : vector<16xi32>
        %select_n3A_748 = arith.select %eq3A_747, %broadcast_in_dim3A_27, %broadcast_in_dim3A_2 : vector<16xi1>, vector<16xi32>
        %mul3A_749 = arith.constant 7 : i32
        %mul3A_750 = vector.broadcast %mul3A_749 : i32 to vector<16xi32>
        %mul3A_751 = arith.muli %select_n3A_748, %mul3A_750 : vector<16xi32>
        %add3A_752 = arith.addi %add3A_740, %mul3A_751 : vector<16xi32>
        %add3A_753 = arith.addi %add3A_741, %select_n3A_748 : vector<16xi32>
        %mul3A_754 = arith.constant 10000 : i32
        %mul3A_755 = vector.broadcast %mul3A_754 : i32 to vector<16xi32>
        %mul3A_756 = arith.muli %add3A_752, %mul3A_755 : vector<16xi32>
        %add3A_757 = arith.addi %mul3A_756, %get3A_653 : vector<16xi32>
        %swap3A_758 = arith.constant 64 : index
        %swap3A_759 = tpu.vector_load %arg12[%swap3A_758] {strides = array<i32>} : memref<128xi32, #tpu.memory_space<vmem>>, vector<16xi32>,
        %swap3A_760 = vector.shape_cast %swap3A_759 : vector<16xi32> to vector<16xi32>
        %swap3A_761 = vector.shape_cast %add3A_757 : vector<16xi32> to vector<16xi32>
        tpu.vector_store %arg12[%swap3A_758], %swap3A_761 {strides = array<i32>} : memref<128xi32, #tpu.memory_space<vmem>>, vector<16xi32>,
        %swap3A_762 = arith.constant 64 : index
        %swap3A_763 = tpu.vector_load %arg18[%swap3A_762] {strides = array<i32>} : memref<128xi32, #tpu.memory_space<vmem>>, vector<16xi32>,
        %swap3A_764 = vector.shape_cast %swap3A_763 : vector<16xi32> to vector<16xi32>
        %swap3A_765 = vector.shape_cast %add3A_753 : vector<16xi32> to vector<16xi32>
        tpu.vector_store %arg18[%swap3A_762], %swap3A_765 {strides = array<i32>} : memref<128xi32, #tpu.memory_space<vmem>>, vector<16xi32>,
        %mul3A_766 = arith.constant 128 : i32
        %mul3A_767 = arith.muli %scan3A_154, %mul3A_766 : i32
        %add3A_768 = arith.constant 80 : i32
        %add3A_769 = arith.addi %mul3A_767, %add3A_768 : i32
        %get3A_770 = arith.index_cast %add3A_769 : i32 to index
        %get3A_771 = tpu.vector_load %arg10[%get3A_770] {strides = array<i32>} : memref<10000xi32, #tpu.memory_space<vmem>>, vector<16xi32>,
        %get3A_772 = vector.shape_cast %get3A_771 : vector<16xi32> to vector<16xi32>
        %get3A_773 = arith.index_cast %add3A_769 : i32 to index
        %get3A_774 = tpu.vector_load %arg11[%get3A_773] {strides = array<i32>} : memref<10000xi32, #tpu.memory_space<vmem>>, vector<16xi32>,
        %get3A_775 = vector.shape_cast %get3A_774 : vector<16xi32> to vector<16xi32>
        %broadcast_in_dim3A_776 = arith.constant 0 : i32
        %broadcast_in_dim3A_777 = vector.broadcast %broadcast_in_dim3A_776 : i32 to vector<16xi32>
        %broadcast_in_dim3A_778 = arith.constant 0 : i32
        %broadcast_in_dim3A_779 = vector.broadcast %broadcast_in_dim3A_778 : i32 to vector<16xi32>
        %get3A_780 = arith.constant 0 : i32
        %get3A_781 = arith.index_cast %get3A_780 : i32 to index
        %get3A_782 = arith.constant 0 : index
        %get3A_783 = tpu.vector_load %arg20[%get3A_781, %get3A_782] {strides = array<i32>} : memref<8x16xi32, #tpu.memory_space<vmem>>, vector<1x16xi32>,
        %get3A_784 = vector.shape_cast %get3A_783 : vector<1x16xi32> to vector<16xi32>
        %eq3A_785 = arith.cmpi eq, %get3A_772, %get3A_784 : vector<16xi32>
        %select_n3A_786 = arith.select %eq3A_785, %broadcast_in_dim3A_27, %broadcast_in_dim3A_2 : vector<16xi1>, vector<16xi32>
        %mul3A_787 = arith.constant 0 : i32
        %mul3A_788 = vector.broadcast %mul3A_787 : i32 to vector<16xi32>
        %mul3A_789 = arith.muli %select_n3A_786, %mul3A_788 : vector<16xi32>
        %add3A_790 = arith.addi %broadcast_in_dim3A_777, %mul3A_789 : vector<16xi32>
        %add3A_791 = arith.addi %broadcast_in_dim3A_779, %select_n3A_786 : vector<16xi32>
        %get3A_792 = arith.constant 1 : i32
        %get3A_793 = arith.index_cast %get3A_792 : i32 to index
        %get3A_794 = arith.constant 0 : index
        %get3A_795 = tpu.vector_load %arg20[%get3A_793, %get3A_794] {strides = array<i32>} : memref<8x16xi32, #tpu.memory_space<vmem>>, vector<1x16xi32>,
        %get3A_796 = vector.shape_cast %get3A_795 : vector<1x16xi32> to vector<16xi32>
        %eq3A_797 = arith.cmpi eq, %get3A_772, %get3A_796 : vector<16xi32>
        %select_n3A_798 = arith.select %eq3A_797, %broadcast_in_dim3A_27, %broadcast_in_dim3A_2 : vector<16xi1>, vector<16xi32>
        %mul3A_799 = arith.constant 1 : i32
        %mul3A_800 = vector.broadcast %mul3A_799 : i32 to vector<16xi32>
        %mul3A_801 = arith.muli %select_n3A_798, %mul3A_800 : vector<16xi32>
        %add3A_802 = arith.addi %add3A_790, %mul3A_801 : vector<16xi32>
        %add3A_803 = arith.addi %add3A_791, %select_n3A_798 : vector<16xi32>
        %get3A_804 = arith.constant 2 : i32
        %get3A_805 = arith.index_cast %get3A_804 : i32 to index
        %get3A_806 = arith.constant 0 : index
        %get3A_807 = tpu.vector_load %arg20[%get3A_805, %get3A_806] {strides = array<i32>} : memref<8x16xi32, #tpu.memory_space<vmem>>, vector<1x16xi32>,
        %get3A_808 = vector.shape_cast %get3A_807 : vector<1x16xi32> to vector<16xi32>
        %eq3A_809 = arith.cmpi eq, %get3A_772, %get3A_808 : vector<16xi32>
        %select_n3A_810 = arith.select %eq3A_809, %broadcast_in_dim3A_27, %broadcast_in_dim3A_2 : vector<16xi1>, vector<16xi32>
        %mul3A_811 = arith.constant 2 : i32
        %mul3A_812 = vector.broadcast %mul3A_811 : i32 to vector<16xi32>
        %mul3A_813 = arith.muli %select_n3A_810, %mul3A_812 : vector<16xi32>
        %add3A_814 = arith.addi %add3A_802, %mul3A_813 : vector<16xi32>
        %add3A_815 = arith.addi %add3A_803, %select_n3A_810 : vector<16xi32>
        %get3A_816 = arith.constant 3 : i32
        %get3A_817 = arith.index_cast %get3A_816 : i32 to index
        %get3A_818 = arith.constant 0 : index
        %get3A_819 = tpu.vector_load %arg20[%get3A_817, %get3A_818] {strides = array<i32>} : memref<8x16xi32, #tpu.memory_space<vmem>>, vector<1x16xi32>,
        %get3A_820 = vector.shape_cast %get3A_819 : vector<1x16xi32> to vector<16xi32>
        %eq3A_821 = arith.cmpi eq, %get3A_772, %get3A_820 : vector<16xi32>
        %select_n3A_822 = arith.select %eq3A_821, %broadcast_in_dim3A_27, %broadcast_in_dim3A_2 : vector<16xi1>, vector<16xi32>
        %mul3A_823 = arith.constant 3 : i32
        %mul3A_824 = vector.broadcast %mul3A_823 : i32 to vector<16xi32>
        %mul3A_825 = arith.muli %select_n3A_822, %mul3A_824 : vector<16xi32>
        %add3A_826 = arith.addi %add3A_814, %mul3A_825 : vector<16xi32>
        %add3A_827 = arith.addi %add3A_815, %select_n3A_822 : vector<16xi32>
        %get3A_828 = arith.constant 4 : i32
        %get3A_829 = arith.index_cast %get3A_828 : i32 to index
        %get3A_830 = arith.constant 0 : index
        %get3A_831 = tpu.vector_load %arg20[%get3A_829, %get3A_830] {strides = array<i32>} : memref<8x16xi32, #tpu.memory_space<vmem>>, vector<1x16xi32>,
        %get3A_832 = vector.shape_cast %get3A_831 : vector<1x16xi32> to vector<16xi32>
        %eq3A_833 = arith.cmpi eq, %get3A_772, %get3A_832 : vector<16xi32>
        %select_n3A_834 = arith.select %eq3A_833, %broadcast_in_dim3A_27, %broadcast_in_dim3A_2 : vector<16xi1>, vector<16xi32>
        %mul3A_835 = arith.constant 4 : i32
        %mul3A_836 = vector.broadcast %mul3A_835 : i32 to vector<16xi32>
        %mul3A_837 = arith.muli %select_n3A_834, %mul3A_836 : vector<16xi32>
        %add3A_838 = arith.addi %add3A_826, %mul3A_837 : vector<16xi32>
        %add3A_839 = arith.addi %add3A_827, %select_n3A_834 : vector<16xi32>
        %get3A_840 = arith.constant 5 : i32
        %get3A_841 = arith.index_cast %get3A_840 : i32 to index
        %get3A_842 = arith.constant 0 : index
        %get3A_843 = tpu.vector_load %arg20[%get3A_841, %get3A_842] {strides = array<i32>} : memref<8x16xi32, #tpu.memory_space<vmem>>, vector<1x16xi32>,
        %get3A_844 = vector.shape_cast %get3A_843 : vector<1x16xi32> to vector<16xi32>
        %eq3A_845 = arith.cmpi eq, %get3A_772, %get3A_844 : vector<16xi32>
        %select_n3A_846 = arith.select %eq3A_845, %broadcast_in_dim3A_27, %broadcast_in_dim3A_2 : vector<16xi1>, vector<16xi32>
        %mul3A_847 = arith.constant 5 : i32
        %mul3A_848 = vector.broadcast %mul3A_847 : i32 to vector<16xi32>
        %mul3A_849 = arith.muli %select_n3A_846, %mul3A_848 : vector<16xi32>
        %add3A_850 = arith.addi %add3A_838, %mul3A_849 : vector<16xi32>
        %add3A_851 = arith.addi %add3A_839, %select_n3A_846 : vector<16xi32>
        %get3A_852 = arith.constant 6 : i32
        %get3A_853 = arith.index_cast %get3A_852 : i32 to index
        %get3A_854 = arith.constant 0 : index
        %get3A_855 = tpu.vector_load %arg20[%get3A_853, %get3A_854] {strides = array<i32>} : memref<8x16xi32, #tpu.memory_space<vmem>>, vector<1x16xi32>,
        %get3A_856 = vector.shape_cast %get3A_855 : vector<1x16xi32> to vector<16xi32>
        %eq3A_857 = arith.cmpi eq, %get3A_772, %get3A_856 : vector<16xi32>
        %select_n3A_858 = arith.select %eq3A_857, %broadcast_in_dim3A_27, %broadcast_in_dim3A_2 : vector<16xi1>, vector<16xi32>
        %mul3A_859 = arith.constant 6 : i32
        %mul3A_860 = vector.broadcast %mul3A_859 : i32 to vector<16xi32>
        %mul3A_861 = arith.muli %select_n3A_858, %mul3A_860 : vector<16xi32>
        %add3A_862 = arith.addi %add3A_850, %mul3A_861 : vector<16xi32>
        %add3A_863 = arith.addi %add3A_851, %select_n3A_858 : vector<16xi32>
        %get3A_864 = arith.constant 7 : i32
        %get3A_865 = arith.index_cast %get3A_864 : i32 to index
        %get3A_866 = arith.constant 0 : index
        %get3A_867 = tpu.vector_load %arg20[%get3A_865, %get3A_866] {strides = array<i32>} : memref<8x16xi32, #tpu.memory_space<vmem>>, vector<1x16xi32>,
        %get3A_868 = vector.shape_cast %get3A_867 : vector<1x16xi32> to vector<16xi32>
        %eq3A_869 = arith.cmpi eq, %get3A_772, %get3A_868 : vector<16xi32>
        %select_n3A_870 = arith.select %eq3A_869, %broadcast_in_dim3A_27, %broadcast_in_dim3A_2 : vector<16xi1>, vector<16xi32>
        %mul3A_871 = arith.constant 7 : i32
        %mul3A_872 = vector.broadcast %mul3A_871 : i32 to vector<16xi32>
        %mul3A_873 = arith.muli %select_n3A_870, %mul3A_872 : vector<16xi32>
        %add3A_874 = arith.addi %add3A_862, %mul3A_873 : vector<16xi32>
        %add3A_875 = arith.addi %add3A_863, %select_n3A_870 : vector<16xi32>
        %mul3A_876 = arith.constant 10000 : i32
        %mul3A_877 = vector.broadcast %mul3A_876 : i32 to vector<16xi32>
        %mul3A_878 = arith.muli %add3A_874, %mul3A_877 : vector<16xi32>
        %add3A_879 = arith.addi %mul3A_878, %get3A_775 : vector<16xi32>
        %swap3A_880 = arith.constant 80 : index
        %swap3A_881 = tpu.vector_load %arg12[%swap3A_880] {strides = array<i32>} : memref<128xi32, #tpu.memory_space<vmem>>, vector<16xi32>,
        %swap3A_882 = vector.shape_cast %swap3A_881 : vector<16xi32> to vector<16xi32>
        %swap3A_883 = vector.shape_cast %add3A_879 : vector<16xi32> to vector<16xi32>
        tpu.vector_store %arg12[%swap3A_880], %swap3A_883 {strides = array<i32>} : memref<128xi32, #tpu.memory_space<vmem>>, vector<16xi32>,
        %swap3A_884 = arith.constant 80 : index
        %swap3A_885 = tpu.vector_load %arg18[%swap3A_884] {strides = array<i32>} : memref<128xi32, #tpu.memory_space<vmem>>, vector<16xi32>,
        %swap3A_886 = vector.shape_cast %swap3A_885 : vector<16xi32> to vector<16xi32>
        %swap3A_887 = vector.shape_cast %add3A_875 : vector<16xi32> to vector<16xi32>
        tpu.vector_store %arg18[%swap3A_884], %swap3A_887 {strides = array<i32>} : memref<128xi32, #tpu.memory_space<vmem>>, vector<16xi32>,
        %mul3A_888 = arith.constant 128 : i32
        %mul3A_889 = arith.muli %scan3A_154, %mul3A_888 : i32
        %add3A_890 = arith.constant 96 : i32
        %add3A_891 = arith.addi %mul3A_889, %add3A_890 : i32
        %get3A_892 = arith.index_cast %add3A_891 : i32 to index
        %get3A_893 = tpu.vector_load %arg10[%get3A_892] {strides = array<i32>} : memref<10000xi32, #tpu.memory_space<vmem>>, vector<16xi32>,
        %get3A_894 = vector.shape_cast %get3A_893 : vector<16xi32> to vector<16xi32>
        %get3A_895 = arith.index_cast %add3A_891 : i32 to index
        %get3A_896 = tpu.vector_load %arg11[%get3A_895] {strides = array<i32>} : memref<10000xi32, #tpu.memory_space<vmem>>, vector<16xi32>,
        %get3A_897 = vector.shape_cast %get3A_896 : vector<16xi32> to vector<16xi32>
        %broadcast_in_dim3A_898 = arith.constant 0 : i32
        %broadcast_in_dim3A_899 = vector.broadcast %broadcast_in_dim3A_898 : i32 to vector<16xi32>
        %broadcast_in_dim3A_900 = arith.constant 0 : i32
        %broadcast_in_dim3A_901 = vector.broadcast %broadcast_in_dim3A_900 : i32 to vector<16xi32>
        %get3A_902 = arith.constant 0 : i32
        %get3A_903 = arith.index_cast %get3A_902 : i32 to index
        %get3A_904 = arith.constant 0 : index
        %get3A_905 = tpu.vector_load %arg20[%get3A_903, %get3A_904] {strides = array<i32>} : memref<8x16xi32, #tpu.memory_space<vmem>>, vector<1x16xi32>,
        %get3A_906 = vector.shape_cast %get3A_905 : vector<1x16xi32> to vector<16xi32>
        %eq3A_907 = arith.cmpi eq, %get3A_894, %get3A_906 : vector<16xi32>
        %select_n3A_908 = arith.select %eq3A_907, %broadcast_in_dim3A_27, %broadcast_in_dim3A_2 : vector<16xi1>, vector<16xi32>
        %mul3A_909 = arith.constant 0 : i32
        %mul3A_910 = vector.broadcast %mul3A_909 : i32 to vector<16xi32>
        %mul3A_911 = arith.muli %select_n3A_908, %mul3A_910 : vector<16xi32>
        %add3A_912 = arith.addi %broadcast_in_dim3A_899, %mul3A_911 : vector<16xi32>
        %add3A_913 = arith.addi %broadcast_in_dim3A_901, %select_n3A_908 : vector<16xi32>
        %get3A_914 = arith.constant 1 : i32
        %get3A_915 = arith.index_cast %get3A_914 : i32 to index
        %get3A_916 = arith.constant 0 : index
        %get3A_917 = tpu.vector_load %arg20[%get3A_915, %get3A_916] {strides = array<i32>} : memref<8x16xi32, #tpu.memory_space<vmem>>, vector<1x16xi32>,
        %get3A_918 = vector.shape_cast %get3A_917 : vector<1x16xi32> to vector<16xi32>
        %eq3A_919 = arith.cmpi eq, %get3A_894, %get3A_918 : vector<16xi32>
        %select_n3A_920 = arith.select %eq3A_919, %broadcast_in_dim3A_27, %broadcast_in_dim3A_2 : vector<16xi1>, vector<16xi32>
        %mul3A_921 = arith.constant 1 : i32
        %mul3A_922 = vector.broadcast %mul3A_921 : i32 to vector<16xi32>
        %mul3A_923 = arith.muli %select_n3A_920, %mul3A_922 : vector<16xi32>
        %add3A_924 = arith.addi %add3A_912, %mul3A_923 : vector<16xi32>
        %add3A_925 = arith.addi %add3A_913, %select_n3A_920 : vector<16xi32>
        %get3A_926 = arith.constant 2 : i32
        %get3A_927 = arith.index_cast %get3A_926 : i32 to index
        %get3A_928 = arith.constant 0 : index
        %get3A_929 = tpu.vector_load %arg20[%get3A_927, %get3A_928] {strides = array<i32>} : memref<8x16xi32, #tpu.memory_space<vmem>>, vector<1x16xi32>,
        %get3A_930 = vector.shape_cast %get3A_929 : vector<1x16xi32> to vector<16xi32>
        %eq3A_931 = arith.cmpi eq, %get3A_894, %get3A_930 : vector<16xi32>
        %select_n3A_932 = arith.select %eq3A_931, %broadcast_in_dim3A_27, %broadcast_in_dim3A_2 : vector<16xi1>, vector<16xi32>
        %mul3A_933 = arith.constant 2 : i32
        %mul3A_934 = vector.broadcast %mul3A_933 : i32 to vector<16xi32>
        %mul3A_935 = arith.muli %select_n3A_932, %mul3A_934 : vector<16xi32>
        %add3A_936 = arith.addi %add3A_924, %mul3A_935 : vector<16xi32>
        %add3A_937 = arith.addi %add3A_925, %select_n3A_932 : vector<16xi32>
        %get3A_938 = arith.constant 3 : i32
        %get3A_939 = arith.index_cast %get3A_938 : i32 to index
        %get3A_940 = arith.constant 0 : index
        %get3A_941 = tpu.vector_load %arg20[%get3A_939, %get3A_940] {strides = array<i32>} : memref<8x16xi32, #tpu.memory_space<vmem>>, vector<1x16xi32>,
        %get3A_942 = vector.shape_cast %get3A_941 : vector<1x16xi32> to vector<16xi32>
        %eq3A_943 = arith.cmpi eq, %get3A_894, %get3A_942 : vector<16xi32>
        %select_n3A_944 = arith.select %eq3A_943, %broadcast_in_dim3A_27, %broadcast_in_dim3A_2 : vector<16xi1>, vector<16xi32>
        %mul3A_945 = arith.constant 3 : i32
        %mul3A_946 = vector.broadcast %mul3A_945 : i32 to vector<16xi32>
        %mul3A_947 = arith.muli %select_n3A_944, %mul3A_946 : vector<16xi32>
        %add3A_948 = arith.addi %add3A_936, %mul3A_947 : vector<16xi32>
        %add3A_949 = arith.addi %add3A_937, %select_n3A_944 : vector<16xi32>
        %get3A_950 = arith.constant 4 : i32
        %get3A_951 = arith.index_cast %get3A_950 : i32 to index
        %get3A_952 = arith.constant 0 : index
        %get3A_953 = tpu.vector_load %arg20[%get3A_951, %get3A_952] {strides = array<i32>} : memref<8x16xi32, #tpu.memory_space<vmem>>, vector<1x16xi32>,
        %get3A_954 = vector.shape_cast %get3A_953 : vector<1x16xi32> to vector<16xi32>
        %eq3A_955 = arith.cmpi eq, %get3A_894, %get3A_954 : vector<16xi32>
        %select_n3A_956 = arith.select %eq3A_955, %broadcast_in_dim3A_27, %broadcast_in_dim3A_2 : vector<16xi1>, vector<16xi32>
        %mul3A_957 = arith.constant 4 : i32
        %mul3A_958 = vector.broadcast %mul3A_957 : i32 to vector<16xi32>
        %mul3A_959 = arith.muli %select_n3A_956, %mul3A_958 : vector<16xi32>
        %add3A_960 = arith.addi %add3A_948, %mul3A_959 : vector<16xi32>
        %add3A_961 = arith.addi %add3A_949, %select_n3A_956 : vector<16xi32>
        %get3A_962 = arith.constant 5 : i32
        %get3A_963 = arith.index_cast %get3A_962 : i32 to index
        %get3A_964 = arith.constant 0 : index
        %get3A_965 = tpu.vector_load %arg20[%get3A_963, %get3A_964] {strides = array<i32>} : memref<8x16xi32, #tpu.memory_space<vmem>>, vector<1x16xi32>,
        %get3A_966 = vector.shape_cast %get3A_965 : vector<1x16xi32> to vector<16xi32>
        %eq3A_967 = arith.cmpi eq, %get3A_894, %get3A_966 : vector<16xi32>
        %select_n3A_968 = arith.select %eq3A_967, %broadcast_in_dim3A_27, %broadcast_in_dim3A_2 : vector<16xi1>, vector<16xi32>
        %mul3A_969 = arith.constant 5 : i32
        %mul3A_970 = vector.broadcast %mul3A_969 : i32 to vector<16xi32>
        %mul3A_971 = arith.muli %select_n3A_968, %mul3A_970 : vector<16xi32>
        %add3A_972 = arith.addi %add3A_960, %mul3A_971 : vector<16xi32>
        %add3A_973 = arith.addi %add3A_961, %select_n3A_968 : vector<16xi32>
        %get3A_974 = arith.constant 6 : i32
        %get3A_975 = arith.index_cast %get3A_974 : i32 to index
        %get3A_976 = arith.constant 0 : index
        %get3A_977 = tpu.vector_load %arg20[%get3A_975, %get3A_976] {strides = array<i32>} : memref<8x16xi32, #tpu.memory_space<vmem>>, vector<1x16xi32>,
        %get3A_978 = vector.shape_cast %get3A_977 : vector<1x16xi32> to vector<16xi32>
        %eq3A_979 = arith.cmpi eq, %get3A_894, %get3A_978 : vector<16xi32>
        %select_n3A_980 = arith.select %eq3A_979, %broadcast_in_dim3A_27, %broadcast_in_dim3A_2 : vector<16xi1>, vector<16xi32>
        %mul3A_981 = arith.constant 6 : i32
        %mul3A_982 = vector.broadcast %mul3A_981 : i32 to vector<16xi32>
        %mul3A_983 = arith.muli %select_n3A_980, %mul3A_982 : vector<16xi32>
        %add3A_984 = arith.addi %add3A_972, %mul3A_983 : vector<16xi32>
        %add3A_985 = arith.addi %add3A_973, %select_n3A_980 : vector<16xi32>
        %get3A_986 = arith.constant 7 : i32
        %get3A_987 = arith.index_cast %get3A_986 : i32 to index
        %get3A_988 = arith.constant 0 : index
        %get3A_989 = tpu.vector_load %arg20[%get3A_987, %get3A_988] {strides = array<i32>} : memref<8x16xi32, #tpu.memory_space<vmem>>, vector<1x16xi32>,
        %get3A_990 = vector.shape_cast %get3A_989 : vector<1x16xi32> to vector<16xi32>
        %eq3A_991 = arith.cmpi eq, %get3A_894, %get3A_990 : vector<16xi32>
        %select_n3A_992 = arith.select %eq3A_991, %broadcast_in_dim3A_27, %broadcast_in_dim3A_2 : vector<16xi1>, vector<16xi32>
        %mul3A_993 = arith.constant 7 : i32
        %mul3A_994 = vector.broadcast %mul3A_993 : i32 to vector<16xi32>
        %mul3A_995 = arith.muli %select_n3A_992, %mul3A_994 : vector<16xi32>
        %add3A_996 = arith.addi %add3A_984, %mul3A_995 : vector<16xi32>
        %add3A_997 = arith.addi %add3A_985, %select_n3A_992 : vector<16xi32>
        %mul3A_998 = arith.constant 10000 : i32
        %mul3A_999 = vector.broadcast %mul3A_998 : i32 to vector<16xi32>
        %mul3A_1000 = arith.muli %add3A_996, %mul3A_999 : vector<16xi32>
        %add3A_1001 = arith.addi %mul3A_1000, %get3A_897 : vector<16xi32>
        %swap3A_1002 = arith.constant 96 : index
        %swap3A_1003 = tpu.vector_load %arg12[%swap3A_1002] {strides = array<i32>} : memref<128xi32, #tpu.memory_space<vmem>>, vector<16xi32>,
        %swap3A_1004 = vector.shape_cast %swap3A_1003 : vector<16xi32> to vector<16xi32>
        %swap3A_1005 = vector.shape_cast %add3A_1001 : vector<16xi32> to vector<16xi32>
        tpu.vector_store %arg12[%swap3A_1002], %swap3A_1005 {strides = array<i32>} : memref<128xi32, #tpu.memory_space<vmem>>, vector<16xi32>,
        %swap3A_1006 = arith.constant 96 : index
        %swap3A_1007 = tpu.vector_load %arg18[%swap3A_1006] {strides = array<i32>} : memref<128xi32, #tpu.memory_space<vmem>>, vector<16xi32>,
        %swap3A_1008 = vector.shape_cast %swap3A_1007 : vector<16xi32> to vector<16xi32>
        %swap3A_1009 = vector.shape_cast %add3A_997 : vector<16xi32> to vector<16xi32>
        tpu.vector_store %arg18[%swap3A_1006], %swap3A_1009 {strides = array<i32>} : memref<128xi32, #tpu.memory_space<vmem>>, vector<16xi32>,
        %mul3A_1010 = arith.constant 128 : i32
        %mul3A_1011 = arith.muli %scan3A_154, %mul3A_1010 : i32
        %add3A_1012 = arith.constant 112 : i32
        %add3A_1013 = arith.addi %mul3A_1011, %add3A_1012 : i32
        %get3A_1014 = arith.index_cast %add3A_1013 : i32 to index
        %get3A_1015 = tpu.vector_load %arg10[%get3A_1014] {strides = array<i32>} : memref<10000xi32, #tpu.memory_space<vmem>>, vector<16xi32>,
        %get3A_1016 = vector.shape_cast %get3A_1015 : vector<16xi32> to vector<16xi32>
        %get3A_1017 = arith.index_cast %add3A_1013 : i32 to index
        %get3A_1018 = tpu.vector_load %arg11[%get3A_1017] {strides = array<i32>} : memref<10000xi32, #tpu.memory_space<vmem>>, vector<16xi32>,
        %get3A_1019 = vector.shape_cast %get3A_1018 : vector<16xi32> to vector<16xi32>
        %broadcast_in_dim3A_1020 = arith.constant 0 : i32
        %broadcast_in_dim3A_1021 = vector.broadcast %broadcast_in_dim3A_1020 : i32 to vector<16xi32>
        %broadcast_in_dim3A_1022 = arith.constant 0 : i32
        %broadcast_in_dim3A_1023 = vector.broadcast %broadcast_in_dim3A_1022 : i32 to vector<16xi32>
        %get3A_1024 = arith.constant 0 : i32
        %get3A_1025 = arith.index_cast %get3A_1024 : i32 to index
        %get3A_1026 = arith.constant 0 : index
        %get3A_1027 = tpu.vector_load %arg20[%get3A_1025, %get3A_1026] {strides = array<i32>} : memref<8x16xi32, #tpu.memory_space<vmem>>, vector<1x16xi32>,
        %get3A_1028 = vector.shape_cast %get3A_1027 : vector<1x16xi32> to vector<16xi32>
        %eq3A_1029 = arith.cmpi eq, %get3A_1016, %get3A_1028 : vector<16xi32>
        %select_n3A_1030 = arith.select %eq3A_1029, %broadcast_in_dim3A_27, %broadcast_in_dim3A_2 : vector<16xi1>, vector<16xi32>
        %mul3A_1031 = arith.constant 0 : i32
        %mul3A_1032 = vector.broadcast %mul3A_1031 : i32 to vector<16xi32>
        %mul3A_1033 = arith.muli %select_n3A_1030, %mul3A_1032 : vector<16xi32>
        %add3A_1034 = arith.addi %broadcast_in_dim3A_1021, %mul3A_1033 : vector<16xi32>
        %add3A_1035 = arith.addi %broadcast_in_dim3A_1023, %select_n3A_1030 : vector<16xi32>
        %get3A_1036 = arith.constant 1 : i32
        %get3A_1037 = arith.index_cast %get3A_1036 : i32 to index
        %get3A_1038 = arith.constant 0 : index
        %get3A_1039 = tpu.vector_load %arg20[%get3A_1037, %get3A_1038] {strides = array<i32>} : memref<8x16xi32, #tpu.memory_space<vmem>>, vector<1x16xi32>,
        %get3A_1040 = vector.shape_cast %get3A_1039 : vector<1x16xi32> to vector<16xi32>
        %eq3A_1041 = arith.cmpi eq, %get3A_1016, %get3A_1040 : vector<16xi32>
        %select_n3A_1042 = arith.select %eq3A_1041, %broadcast_in_dim3A_27, %broadcast_in_dim3A_2 : vector<16xi1>, vector<16xi32>
        %mul3A_1043 = arith.constant 1 : i32
        %mul3A_1044 = vector.broadcast %mul3A_1043 : i32 to vector<16xi32>
        %mul3A_1045 = arith.muli %select_n3A_1042, %mul3A_1044 : vector<16xi32>
        %add3A_1046 = arith.addi %add3A_1034, %mul3A_1045 : vector<16xi32>
        %add3A_1047 = arith.addi %add3A_1035, %select_n3A_1042 : vector<16xi32>
        %get3A_1048 = arith.constant 2 : i32
        %get3A_1049 = arith.index_cast %get3A_1048 : i32 to index
        %get3A_1050 = arith.constant 0 : index
        %get3A_1051 = tpu.vector_load %arg20[%get3A_1049, %get3A_1050] {strides = array<i32>} : memref<8x16xi32, #tpu.memory_space<vmem>>, vector<1x16xi32>,
        %get3A_1052 = vector.shape_cast %get3A_1051 : vector<1x16xi32> to vector<16xi32>
        %eq3A_1053 = arith.cmpi eq, %get3A_1016, %get3A_1052 : vector<16xi32>
        %select_n3A_1054 = arith.select %eq3A_1053, %broadcast_in_dim3A_27, %broadcast_in_dim3A_2 : vector<16xi1>, vector<16xi32>
        %mul3A_1055 = arith.constant 2 : i32
        %mul3A_1056 = vector.broadcast %mul3A_1055 : i32 to vector<16xi32>
        %mul3A_1057 = arith.muli %select_n3A_1054, %mul3A_1056 : vector<16xi32>
        %add3A_1058 = arith.addi %add3A_1046, %mul3A_1057 : vector<16xi32>
        %add3A_1059 = arith.addi %add3A_1047, %select_n3A_1054 : vector<16xi32>
        %get3A_1060 = arith.constant 3 : i32
        %get3A_1061 = arith.index_cast %get3A_1060 : i32 to index
        %get3A_1062 = arith.constant 0 : index
        %get3A_1063 = tpu.vector_load %arg20[%get3A_1061, %get3A_1062] {strides = array<i32>} : memref<8x16xi32, #tpu.memory_space<vmem>>, vector<1x16xi32>,
        %get3A_1064 = vector.shape_cast %get3A_1063 : vector<1x16xi32> to vector<16xi32>
        %eq3A_1065 = arith.cmpi eq, %get3A_1016, %get3A_1064 : vector<16xi32>
        %select_n3A_1066 = arith.select %eq3A_1065, %broadcast_in_dim3A_27, %broadcast_in_dim3A_2 : vector<16xi1>, vector<16xi32>
        %mul3A_1067 = arith.constant 3 : i32
        %mul3A_1068 = vector.broadcast %mul3A_1067 : i32 to vector<16xi32>
        %mul3A_1069 = arith.muli %select_n3A_1066, %mul3A_1068 : vector<16xi32>
        %add3A_1070 = arith.addi %add3A_1058, %mul3A_1069 : vector<16xi32>
        %add3A_1071 = arith.addi %add3A_1059, %select_n3A_1066 : vector<16xi32>
        %get3A_1072 = arith.constant 4 : i32
        %get3A_1073 = arith.index_cast %get3A_1072 : i32 to index
        %get3A_1074 = arith.constant 0 : index
        %get3A_1075 = tpu.vector_load %arg20[%get3A_1073, %get3A_1074] {strides = array<i32>} : memref<8x16xi32, #tpu.memory_space<vmem>>, vector<1x16xi32>,
        %get3A_1076 = vector.shape_cast %get3A_1075 : vector<1x16xi32> to vector<16xi32>
        %eq3A_1077 = arith.cmpi eq, %get3A_1016, %get3A_1076 : vector<16xi32>
        %select_n3A_1078 = arith.select %eq3A_1077, %broadcast_in_dim3A_27, %broadcast_in_dim3A_2 : vector<16xi1>, vector<16xi32>
        %mul3A_1079 = arith.constant 4 : i32
        %mul3A_1080 = vector.broadcast %mul3A_1079 : i32 to vector<16xi32>
        %mul3A_1081 = arith.muli %select_n3A_1078, %mul3A_1080 : vector<16xi32>
        %add3A_1082 = arith.addi %add3A_1070, %mul3A_1081 : vector<16xi32>
        %add3A_1083 = arith.addi %add3A_1071, %select_n3A_1078 : vector<16xi32>
        %get3A_1084 = arith.constant 5 : i32
        %get3A_1085 = arith.index_cast %get3A_1084 : i32 to index
        %get3A_1086 = arith.constant 0 : index
        %get3A_1087 = tpu.vector_load %arg20[%get3A_1085, %get3A_1086] {strides = array<i32>} : memref<8x16xi32, #tpu.memory_space<vmem>>, vector<1x16xi32>,
        %get3A_1088 = vector.shape_cast %get3A_1087 : vector<1x16xi32> to vector<16xi32>
        %eq3A_1089 = arith.cmpi eq, %get3A_1016, %get3A_1088 : vector<16xi32>
        %select_n3A_1090 = arith.select %eq3A_1089, %broadcast_in_dim3A_27, %broadcast_in_dim3A_2 : vector<16xi1>, vector<16xi32>
        %mul3A_1091 = arith.constant 5 : i32
        %mul3A_1092 = vector.broadcast %mul3A_1091 : i32 to vector<16xi32>
        %mul3A_1093 = arith.muli %select_n3A_1090, %mul3A_1092 : vector<16xi32>
        %add3A_1094 = arith.addi %add3A_1082, %mul3A_1093 : vector<16xi32>
        %add3A_1095 = arith.addi %add3A_1083, %select_n3A_1090 : vector<16xi32>
        %get3A_1096 = arith.constant 6 : i32
        %get3A_1097 = arith.index_cast %get3A_1096 : i32 to index
        %get3A_1098 = arith.constant 0 : index
        %get3A_1099 = tpu.vector_load %arg20[%get3A_1097, %get3A_1098] {strides = array<i32>} : memref<8x16xi32, #tpu.memory_space<vmem>>, vector<1x16xi32>,
        %get3A_1100 = vector.shape_cast %get3A_1099 : vector<1x16xi32> to vector<16xi32>
        %eq3A_1101 = arith.cmpi eq, %get3A_1016, %get3A_1100 : vector<16xi32>
        %select_n3A_1102 = arith.select %eq3A_1101, %broadcast_in_dim3A_27, %broadcast_in_dim3A_2 : vector<16xi1>, vector<16xi32>
        %mul3A_1103 = arith.constant 6 : i32
        %mul3A_1104 = vector.broadcast %mul3A_1103 : i32 to vector<16xi32>
        %mul3A_1105 = arith.muli %select_n3A_1102, %mul3A_1104 : vector<16xi32>
        %add3A_1106 = arith.addi %add3A_1094, %mul3A_1105 : vector<16xi32>
        %add3A_1107 = arith.addi %add3A_1095, %select_n3A_1102 : vector<16xi32>
        %get3A_1108 = arith.constant 7 : i32
        %get3A_1109 = arith.index_cast %get3A_1108 : i32 to index
        %get3A_1110 = arith.constant 0 : index
        %get3A_1111 = tpu.vector_load %arg20[%get3A_1109, %get3A_1110] {strides = array<i32>} : memref<8x16xi32, #tpu.memory_space<vmem>>, vector<1x16xi32>,
        %get3A_1112 = vector.shape_cast %get3A_1111 : vector<1x16xi32> to vector<16xi32>
        %eq3A_1113 = arith.cmpi eq, %get3A_1016, %get3A_1112 : vector<16xi32>
        %select_n3A_1114 = arith.select %eq3A_1113, %broadcast_in_dim3A_27, %broadcast_in_dim3A_2 : vector<16xi1>, vector<16xi32>
        %mul3A_1115 = arith.constant 7 : i32
        %mul3A_1116 = vector.broadcast %mul3A_1115 : i32 to vector<16xi32>
        %mul3A_1117 = arith.muli %select_n3A_1114, %mul3A_1116 : vector<16xi32>
        %add3A_1118 = arith.addi %add3A_1106, %mul3A_1117 : vector<16xi32>
        %add3A_1119 = arith.addi %add3A_1107, %select_n3A_1114 : vector<16xi32>
        %mul3A_1120 = arith.constant 10000 : i32
        %mul3A_1121 = vector.broadcast %mul3A_1120 : i32 to vector<16xi32>
        %mul3A_1122 = arith.muli %add3A_1118, %mul3A_1121 : vector<16xi32>
        %add3A_1123 = arith.addi %mul3A_1122, %get3A_1019 : vector<16xi32>
        %swap3A_1124 = arith.constant 112 : index
        %swap3A_1125 = tpu.vector_load %arg12[%swap3A_1124] {strides = array<i32>} : memref<128xi32, #tpu.memory_space<vmem>>, vector<16xi32>,
        %swap3A_1126 = vector.shape_cast %swap3A_1125 : vector<16xi32> to vector<16xi32>
        %swap3A_1127 = vector.shape_cast %add3A_1123 : vector<16xi32> to vector<16xi32>
        tpu.vector_store %arg12[%swap3A_1124], %swap3A_1127 {strides = array<i32>} : memref<128xi32, #tpu.memory_space<vmem>>, vector<16xi32>,
        %swap3A_1128 = arith.constant 112 : index
        %swap3A_1129 = tpu.vector_load %arg18[%swap3A_1128] {strides = array<i32>} : memref<128xi32, #tpu.memory_space<vmem>>, vector<16xi32>,
        %swap3A_1130 = vector.shape_cast %swap3A_1129 : vector<16xi32> to vector<16xi32>
        %swap3A_1131 = vector.shape_cast %add3A_1119 : vector<16xi32> to vector<16xi32>
        tpu.vector_store %arg18[%swap3A_1128], %swap3A_1131 {strides = array<i32>} : memref<128xi32, #tpu.memory_space<vmem>>, vector<16xi32>,
        "tpu.region"() ({
          %run_scoped3A = tpu.sem_alloc : memref<!tpu.dma_semaphore, #tpu.memory_space<semaphore_mem>>
          %dma_start3A = arith.constant 0 : i32
          %dma_start3A_1133 = tpu.memref_slice %arg9[%dma_start3A] : memref<81920xi32, #tpu.memory_space<vmem_shared>> -> memref<81920xi32, #tpu.memory_space<vmem_shared>>
          tpu.enqueue_indirect_dma source(%arg18 : memref<128xi32, #tpu.memory_space<vmem>>) target(%dma_start3A_1133 : memref<81920xi32, #tpu.memory_space<vmem_shared>>) offsets(%arg12 : memref<128xi32, #tpu.memory_space<vmem>>) semaphore(%run_scoped3A : memref<!tpu.dma_semaphore, #tpu.memory_space<semaphore_mem>>) {add = true}
          %dma_wait3A = arith.constant 0 : i32
          %dma_wait3A_1134 = tpu.memref_slice %arg9[%dma_wait3A] : memref<81920xi32, #tpu.memory_space<vmem_shared>> -> memref<81920xi32, #tpu.memory_space<vmem_shared>>
          tpu.wait_indirect_dma semaphore(%run_scoped3A : memref<!tpu.dma_semaphore, #tpu.memory_space<semaphore_mem>>) src(%arg18 : memref<128xi32, #tpu.memory_space<vmem>>) dst(%dma_wait3A_1134 : memref<81920xi32, #tpu.memory_space<vmem_shared>>)
          tpu.yield
        }) : () -> ()
        %scan3A_1132 = arith.constant 0 : i32
        scf.yield %scan3A_1132 : i32
      }
      %scan3A_34 = arith.constant 78 : i32
      %get3A = arith.constant 9984 : index
      %get3A_35 = tpu.vector_load %arg10[%get3A] {strides = array<i32>} : memref<10000xi32, #tpu.memory_space<vmem>>, vector<16xi32>,
      %get3A_36 = vector.shape_cast %get3A_35 : vector<16xi32> to vector<16xi32>
      %get3A_37 = arith.constant 9984 : index
      %get3A_38 = tpu.vector_load %arg11[%get3A_37] {strides = array<i32>} : memref<10000xi32, #tpu.memory_space<vmem>>, vector<16xi32>,
      %get3A_39 = vector.shape_cast %get3A_38 : vector<16xi32> to vector<16xi32>
      %broadcast_in_dim3A_40 = arith.constant 0 : i32
      %broadcast_in_dim3A_41 = vector.broadcast %broadcast_in_dim3A_40 : i32 to vector<16xi32>
      %broadcast_in_dim3A_42 = arith.constant 0 : i32
      %broadcast_in_dim3A_43 = vector.broadcast %broadcast_in_dim3A_42 : i32 to vector<16xi32>
      %get3A_44 = arith.constant 0 : i32
      %get3A_45 = arith.index_cast %get3A_44 : i32 to index
      %get3A_46 = arith.constant 0 : index
      %get3A_47 = tpu.vector_load %arg20[%get3A_45, %get3A_46] {strides = array<i32>} : memref<8x16xi32, #tpu.memory_space<vmem>>, vector<1x16xi32>,
      %get3A_48 = vector.shape_cast %get3A_47 : vector<1x16xi32> to vector<16xi32>
      %eq3A_49 = arith.cmpi eq, %get3A_36, %get3A_48 : vector<16xi32>
      %select_n3A = arith.select %eq3A_49, %broadcast_in_dim3A_27, %broadcast_in_dim3A_2 : vector<16xi1>, vector<16xi32>
      %mul3A_50 = arith.constant 0 : i32
      %mul3A_51 = vector.broadcast %mul3A_50 : i32 to vector<16xi32>
      %mul3A_52 = arith.muli %select_n3A, %mul3A_51 : vector<16xi32>
      %add3A = arith.addi %broadcast_in_dim3A_41, %mul3A_52 : vector<16xi32>
      %add3A_53 = arith.addi %broadcast_in_dim3A_43, %select_n3A : vector<16xi32>
      %get3A_54 = arith.constant 1 : i32
      %get3A_55 = arith.index_cast %get3A_54 : i32 to index
      %get3A_56 = arith.constant 0 : index
      %get3A_57 = tpu.vector_load %arg20[%get3A_55, %get3A_56] {strides = array<i32>} : memref<8x16xi32, #tpu.memory_space<vmem>>, vector<1x16xi32>,
      %get3A_58 = vector.shape_cast %get3A_57 : vector<1x16xi32> to vector<16xi32>
      %eq3A_59 = arith.cmpi eq, %get3A_36, %get3A_58 : vector<16xi32>
      %select_n3A_60 = arith.select %eq3A_59, %broadcast_in_dim3A_27, %broadcast_in_dim3A_2 : vector<16xi1>, vector<16xi32>
      %mul3A_61 = arith.constant 1 : i32
      %mul3A_62 = vector.broadcast %mul3A_61 : i32 to vector<16xi32>
      %mul3A_63 = arith.muli %select_n3A_60, %mul3A_62 : vector<16xi32>
      %add3A_64 = arith.addi %add3A, %mul3A_63 : vector<16xi32>
      %add3A_65 = arith.addi %add3A_53, %select_n3A_60 : vector<16xi32>
      %get3A_66 = arith.constant 2 : i32
      %get3A_67 = arith.index_cast %get3A_66 : i32 to index
      %get3A_68 = arith.constant 0 : index
      %get3A_69 = tpu.vector_load %arg20[%get3A_67, %get3A_68] {strides = array<i32>} : memref<8x16xi32, #tpu.memory_space<vmem>>, vector<1x16xi32>,
      %get3A_70 = vector.shape_cast %get3A_69 : vector<1x16xi32> to vector<16xi32>
      %eq3A_71 = arith.cmpi eq, %get3A_36, %get3A_70 : vector<16xi32>
      %select_n3A_72 = arith.select %eq3A_71, %broadcast_in_dim3A_27, %broadcast_in_dim3A_2 : vector<16xi1>, vector<16xi32>
      %mul3A_73 = arith.constant 2 : i32
      %mul3A_74 = vector.broadcast %mul3A_73 : i32 to vector<16xi32>
      %mul3A_75 = arith.muli %select_n3A_72, %mul3A_74 : vector<16xi32>
      %add3A_76 = arith.addi %add3A_64, %mul3A_75 : vector<16xi32>
      %add3A_77 = arith.addi %add3A_65, %select_n3A_72 : vector<16xi32>
      %get3A_78 = arith.constant 3 : i32
      %get3A_79 = arith.index_cast %get3A_78 : i32 to index
      %get3A_80 = arith.constant 0 : index
      %get3A_81 = tpu.vector_load %arg20[%get3A_79, %get3A_80] {strides = array<i32>} : memref<8x16xi32, #tpu.memory_space<vmem>>, vector<1x16xi32>,
      %get3A_82 = vector.shape_cast %get3A_81 : vector<1x16xi32> to vector<16xi32>
      %eq3A_83 = arith.cmpi eq, %get3A_36, %get3A_82 : vector<16xi32>
      %select_n3A_84 = arith.select %eq3A_83, %broadcast_in_dim3A_27, %broadcast_in_dim3A_2 : vector<16xi1>, vector<16xi32>
      %mul3A_85 = arith.constant 3 : i32
      %mul3A_86 = vector.broadcast %mul3A_85 : i32 to vector<16xi32>
      %mul3A_87 = arith.muli %select_n3A_84, %mul3A_86 : vector<16xi32>
      %add3A_88 = arith.addi %add3A_76, %mul3A_87 : vector<16xi32>
      %add3A_89 = arith.addi %add3A_77, %select_n3A_84 : vector<16xi32>
      %get3A_90 = arith.constant 4 : i32
      %get3A_91 = arith.index_cast %get3A_90 : i32 to index
      %get3A_92 = arith.constant 0 : index
      %get3A_93 = tpu.vector_load %arg20[%get3A_91, %get3A_92] {strides = array<i32>} : memref<8x16xi32, #tpu.memory_space<vmem>>, vector<1x16xi32>,
      %get3A_94 = vector.shape_cast %get3A_93 : vector<1x16xi32> to vector<16xi32>
      %eq3A_95 = arith.cmpi eq, %get3A_36, %get3A_94 : vector<16xi32>
      %select_n3A_96 = arith.select %eq3A_95, %broadcast_in_dim3A_27, %broadcast_in_dim3A_2 : vector<16xi1>, vector<16xi32>
      %mul3A_97 = arith.constant 4 : i32
      %mul3A_98 = vector.broadcast %mul3A_97 : i32 to vector<16xi32>
      %mul3A_99 = arith.muli %select_n3A_96, %mul3A_98 : vector<16xi32>
      %add3A_100 = arith.addi %add3A_88, %mul3A_99 : vector<16xi32>
      %add3A_101 = arith.addi %add3A_89, %select_n3A_96 : vector<16xi32>
      %get3A_102 = arith.constant 5 : i32
      %get3A_103 = arith.index_cast %get3A_102 : i32 to index
      %get3A_104 = arith.constant 0 : index
      %get3A_105 = tpu.vector_load %arg20[%get3A_103, %get3A_104] {strides = array<i32>} : memref<8x16xi32, #tpu.memory_space<vmem>>, vector<1x16xi32>,
      %get3A_106 = vector.shape_cast %get3A_105 : vector<1x16xi32> to vector<16xi32>
      %eq3A_107 = arith.cmpi eq, %get3A_36, %get3A_106 : vector<16xi32>
      %select_n3A_108 = arith.select %eq3A_107, %broadcast_in_dim3A_27, %broadcast_in_dim3A_2 : vector<16xi1>, vector<16xi32>
      %mul3A_109 = arith.constant 5 : i32
      %mul3A_110 = vector.broadcast %mul3A_109 : i32 to vector<16xi32>
      %mul3A_111 = arith.muli %select_n3A_108, %mul3A_110 : vector<16xi32>
      %add3A_112 = arith.addi %add3A_100, %mul3A_111 : vector<16xi32>
      %add3A_113 = arith.addi %add3A_101, %select_n3A_108 : vector<16xi32>
      %get3A_114 = arith.constant 6 : i32
      %get3A_115 = arith.index_cast %get3A_114 : i32 to index
      %get3A_116 = arith.constant 0 : index
      %get3A_117 = tpu.vector_load %arg20[%get3A_115, %get3A_116] {strides = array<i32>} : memref<8x16xi32, #tpu.memory_space<vmem>>, vector<1x16xi32>,
      %get3A_118 = vector.shape_cast %get3A_117 : vector<1x16xi32> to vector<16xi32>
      %eq3A_119 = arith.cmpi eq, %get3A_36, %get3A_118 : vector<16xi32>
      %select_n3A_120 = arith.select %eq3A_119, %broadcast_in_dim3A_27, %broadcast_in_dim3A_2 : vector<16xi1>, vector<16xi32>
      %mul3A_121 = arith.constant 6 : i32
      %mul3A_122 = vector.broadcast %mul3A_121 : i32 to vector<16xi32>
      %mul3A_123 = arith.muli %select_n3A_120, %mul3A_122 : vector<16xi32>
      %add3A_124 = arith.addi %add3A_112, %mul3A_123 : vector<16xi32>
      %add3A_125 = arith.addi %add3A_113, %select_n3A_120 : vector<16xi32>
      %get3A_126 = arith.constant 7 : i32
      %get3A_127 = arith.index_cast %get3A_126 : i32 to index
      %get3A_128 = arith.constant 0 : index
      %get3A_129 = tpu.vector_load %arg20[%get3A_127, %get3A_128] {strides = array<i32>} : memref<8x16xi32, #tpu.memory_space<vmem>>, vector<1x16xi32>,
      %get3A_130 = vector.shape_cast %get3A_129 : vector<1x16xi32> to vector<16xi32>
      %eq3A_131 = arith.cmpi eq, %get3A_36, %get3A_130 : vector<16xi32>
      %select_n3A_132 = arith.select %eq3A_131, %broadcast_in_dim3A_27, %broadcast_in_dim3A_2 : vector<16xi1>, vector<16xi32>
      %mul3A_133 = arith.constant 7 : i32
      %mul3A_134 = vector.broadcast %mul3A_133 : i32 to vector<16xi32>
      %mul3A_135 = arith.muli %select_n3A_132, %mul3A_134 : vector<16xi32>
      %add3A_136 = arith.addi %add3A_124, %mul3A_135 : vector<16xi32>
      %add3A_137 = arith.addi %add3A_125, %select_n3A_132 : vector<16xi32>
      %mul3A_138 = arith.constant 10000 : i32
      %mul3A_139 = vector.broadcast %mul3A_138 : i32 to vector<16xi32>
      %mul3A_140 = arith.muli %add3A_136, %mul3A_139 : vector<16xi32>
      %add3A_141 = arith.addi %mul3A_140, %get3A_39 : vector<16xi32>
      %swap3A = arith.constant 0 : index
      %swap3A_142 = tpu.vector_load %arg15[%swap3A] {strides = array<i32>} : memref<16xi32, #tpu.memory_space<vmem>>, vector<16xi32>,
      %swap3A_143 = vector.shape_cast %swap3A_142 : vector<16xi32> to vector<16xi32>
      %swap3A_144 = vector.shape_cast %add3A_141 : vector<16xi32> to vector<16xi32>
      tpu.vector_store %arg15[%swap3A], %swap3A_144 {strides = array<i32>} : memref<16xi32, #tpu.memory_space<vmem>>, vector<16xi32>,
      %swap3A_145 = arith.constant 0 : index
      %swap3A_146 = tpu.vector_load %arg19[%swap3A_145] {strides = array<i32>} : memref<16xi32, #tpu.memory_space<vmem>>, vector<16xi32>,
      %swap3A_147 = vector.shape_cast %swap3A_146 : vector<16xi32> to vector<16xi32>
      %swap3A_148 = vector.shape_cast %add3A_137 : vector<16xi32> to vector<16xi32>
      tpu.vector_store %arg19[%swap3A_145], %swap3A_148 {strides = array<i32>} : memref<16xi32, #tpu.memory_space<vmem>>, vector<16xi32>,
      "tpu.region"() ({
        %run_scoped3A = tpu.sem_alloc : memref<!tpu.dma_semaphore, #tpu.memory_space<semaphore_mem>>
        %dma_start3A = arith.constant 0 : i32
        %dma_start3A_154 = tpu.memref_slice %arg9[%dma_start3A] : memref<81920xi32, #tpu.memory_space<vmem_shared>> -> memref<81920xi32, #tpu.memory_space<vmem_shared>>
        tpu.enqueue_indirect_dma source(%arg19 : memref<16xi32, #tpu.memory_space<vmem>>) target(%dma_start3A_154 : memref<81920xi32, #tpu.memory_space<vmem_shared>>) offsets(%arg15 : memref<16xi32, #tpu.memory_space<vmem>>) semaphore(%run_scoped3A : memref<!tpu.dma_semaphore, #tpu.memory_space<semaphore_mem>>) {add = true}
        %dma_wait3A = arith.constant 0 : i32
        %dma_wait3A_155 = tpu.memref_slice %arg9[%dma_wait3A] : memref<81920xi32, #tpu.memory_space<vmem_shared>> -> memref<81920xi32, #tpu.memory_space<vmem_shared>>
        tpu.wait_indirect_dma semaphore(%run_scoped3A : memref<!tpu.dma_semaphore, #tpu.memory_space<semaphore_mem>>) src(%arg19 : memref<16xi32, #tpu.memory_space<vmem>>) dst(%dma_wait3A_155 : memref<81920xi32, #tpu.memory_space<vmem_shared>>)
        tpu.yield
      }) : () -> ()
      %barrier3A_149 = arith.constant 0 : index
      tpu.barrier barrier_id(%barrier3A_149)
      %mul3A_150 = arith.constant 5120 : i32
      %mul3A_151 = arith.muli %arg1, %mul3A_150 : i32
      %mul3A_152 = arith.constant 5120 : i32
      %mul3A_153 = arith.muli %arg1, %mul3A_152 : i32
      "tpu.region"() ({
        %run_scoped3A = tpu.sem_alloc : memref<!tpu.dma_semaphore, #tpu.memory_space<semaphore_mem>>
        %dma_start3A = tpu.memref_slice %arg7[%mul3A_153] : memref<81920xi32, #tpu.memory_space<hbm>> -> memref<5120xi32, #tpu.memory_space<hbm>>
        %dma_start3A_154 = tpu.memref_slice %arg9[%mul3A_151] : memref<81920xi32, #tpu.memory_space<vmem_shared>> -> memref<5120xi32, #tpu.memory_space<vmem_shared>>
        tpu.enqueue_dma source(%dma_start3A_154 : memref<5120xi32, #tpu.memory_space<vmem_shared>>) target(%dma_start3A : memref<5120xi32, #tpu.memory_space<hbm>>) target_semaphore(%run_scoped3A : memref<!tpu.dma_semaphore, #tpu.memory_space<semaphore_mem>>)
        %dma_wait3A = tpu.memref_slice %arg7[%mul3A_153] : memref<81920xi32, #tpu.memory_space<hbm>> -> memref<5120xi32, #tpu.memory_space<hbm>>
        %dma_wait3A_155 = tpu.memref_slice %arg9[%mul3A_151] : memref<81920xi32, #tpu.memory_space<vmem_shared>> -> memref<5120xi32, #tpu.memory_space<vmem_shared>>
        tpu.wait_dma2 semaphore(%run_scoped3A : memref<!tpu.dma_semaphore, #tpu.memory_space<semaphore_mem>>) src(%dma_wait3A_155 : memref<5120xi32, #tpu.memory_space<vmem_shared>>) dst(%dma_wait3A : memref<5120xi32, #tpu.memory_space<hbm>>)
        tpu.yield
      }) : () -> ()
    } else {
    }
    return
  }
}

module attributes {stable_mosaic.version = 14 : i64} {
  func.func @_mm_bias_body(%arg0: i32, %arg1: memref<2000x128xf32, #tpu.memory_space<vmem>>, %arg2: memref<128x128xf32, #tpu.memory_space<vmem>>, %arg3: memref<1x128xf32, #tpu.memory_space<vmem>>, %arg4: memref<2000x128xf32, #tpu.memory_space<vmem>>) attributes {dimension_semantics = [#tpu.dimension_semantics<arbitrary>], iteration_bounds = array<i64: 5>, scalar_prefetch = 0 : i64, scratch_operands = 0 : i64, tpu.core_type = #tpu.core_type<tc>, window_params = [{transform_indices = @transform_0, window_bounds = array<i64: 2000, 128>}, {pipeline_mode = #tpu.pipeline_mode<synchronous>, transform_indices = @transform_1, window_bounds = array<i64: 128, 128>}, {pipeline_mode = #tpu.pipeline_mode<synchronous>, transform_indices = @transform_2, window_bounds = array<i64: 1, 128>}, {transform_indices = @transform_3, window_bounds = array<i64: 2000, 128>}]} {
    %get3A = arith.constant 0 : index
    %get3A_0 = arith.constant 0 : index
    %get3A_1 = vector.load %arg1[%get3A, %get3A_0] : memref<2000x128xf32, #tpu.memory_space<vmem>>, vector<2000x128xf32>
    %get3A_2 = arith.constant 0 : index
    %get3A_3 = arith.constant 0 : index
    %get3A_4 = vector.load %arg2[%get3A_2, %get3A_3] : memref<128x128xf32, #tpu.memory_space<vmem>>, vector<128x128xf32>
    %dot_general3A = arith.constant dense<0.000000e+00> : vector<2000x128xf32>
    %dot_general3A_5 = tpu.matmul %get3A_1, %get3A_4, %dot_general3A {dimension_numbers = #tpu.dot_dimension_numbers<[1], [0], [0], [1], [0, 0, 1, 1], [], []>, transpose_lhs_hint = false} : vector<2000x128xf32>, vector<128x128xf32>, vector<2000x128xf32> -> vector<2000x128xf32>
    %get3A_6 = arith.constant 0 : index
    %get3A_7 = arith.constant 0 : index
    %get3A_8 = vector.load %arg3[%get3A_6, %get3A_7] : memref<1x128xf32, #tpu.memory_space<vmem>>, vector<1x128xf32>
    %add3A = vector.broadcast %get3A_8 : vector<1x128xf32> to vector<2000x128xf32>
    %add3A_9 = arith.addf %dot_general3A_5, %add3A : vector<2000x128xf32>
    %swap3A = arith.constant 0 : index
    %swap3A_10 = arith.constant 0 : index
    %swap3A_11 = vector.load %arg4[%swap3A, %swap3A_10] : memref<2000x128xf32, #tpu.memory_space<vmem>>, vector<2000x128xf32>
    tpu.vector_store %arg4[%swap3A, %swap3A_10], %add3A_9 {strides = array<i32>} : memref<2000x128xf32, #tpu.memory_space<vmem>>, vector<2000x128xf32>,
    return
  }
  func.func @transform_0(%arg0: i32) -> (i32, i32) {
    %c0_i32 = arith.constant 0 : i32
    %c0_i32_0 = arith.constant 0 : i32
    return %arg0, %c0_i32 : i32, i32
  }
  func.func @transform_1(%arg0: i32) -> (i32, i32) {
    %c0_i32 = arith.constant 0 : i32
    %c0_i32_0 = arith.constant 0 : i32
    %c0_i32_1 = arith.constant 0 : i32
    return %c0_i32, %c0_i32_0 : i32, i32
  }
  func.func @transform_2(%arg0: i32) -> (i32, i32) {
    %c0_i32 = arith.constant 0 : i32
    %c0_i32_0 = arith.constant 0 : i32
    %c0_i32_1 = arith.constant 0 : i32
    return %c0_i32, %c0_i32_0 : i32, i32
  }
  func.func @transform_3(%arg0: i32) -> (i32, i32) {
    %c0_i32 = arith.constant 0 : i32
    %c0_i32_0 = arith.constant 0 : i32
    return %arg0, %c0_i32 : i32, i32
  }
}

module attributes {stable_mosaic.version = 14 : i64} {
  func.func @_fused_c_body(%arg0: i32, %arg1: memref<2000x128xf32, #tpu.memory_space<vmem>>, %arg2: memref<2000x128xf32, #tpu.memory_space<vmem>>, %arg3: memref<128x128xf32, #tpu.memory_space<vmem>>, %arg4: memref<128x128xf32, #tpu.memory_space<vmem>>, %arg5: memref<1x128xf32, #tpu.memory_space<vmem>>, %arg6: memref<128x128xf32, #tpu.memory_space<vmem>>, %arg7: memref<1x128xf32, #tpu.memory_space<vmem>>, %arg8: memref<2000x128xf32, #tpu.memory_space<vmem>>) attributes {dimension_semantics = [#tpu.dimension_semantics<arbitrary>], iteration_bounds = array<i64: 5>, scalar_prefetch = 0 : i64, scratch_operands = 0 : i64, tpu.core_type = #tpu.core_type<tc>, window_params = [{transform_indices = @transform_0, window_bounds = array<i64: 2000, 128>}, {transform_indices = @transform_1, window_bounds = array<i64: 2000, 128>}, {pipeline_mode = #tpu.pipeline_mode<synchronous>, transform_indices = @transform_2, window_bounds = array<i64: 128, 128>}, {pipeline_mode = #tpu.pipeline_mode<synchronous>, transform_indices = @transform_3, window_bounds = array<i64: 128, 128>}, {pipeline_mode = #tpu.pipeline_mode<synchronous>, transform_indices = @transform_4, window_bounds = array<i64: 1, 128>}, {pipeline_mode = #tpu.pipeline_mode<synchronous>, transform_indices = @transform_5, window_bounds = array<i64: 128, 128>}, {pipeline_mode = #tpu.pipeline_mode<synchronous>, transform_indices = @transform_6, window_bounds = array<i64: 1, 128>}, {transform_indices = @transform_7, window_bounds = array<i64: 2000, 128>}]} {
    %get3A = arith.constant 0 : index
    %get3A_0 = arith.constant 0 : index
    %get3A_1 = vector.load %arg1[%get3A, %get3A_0] : memref<2000x128xf32, #tpu.memory_space<vmem>>, vector<2000x128xf32>
    %get3A_2 = arith.constant 0 : index
    %get3A_3 = arith.constant 0 : index
    %get3A_4 = vector.load %arg3[%get3A_2, %get3A_3] : memref<128x128xf32, #tpu.memory_space<vmem>>, vector<128x128xf32>
    %dot_general3A = arith.constant dense<0.000000e+00> : vector<2000x128xf32>
    %dot_general3A_5 = tpu.matmul %get3A_1, %get3A_4, %dot_general3A {dimension_numbers = #tpu.dot_dimension_numbers<[1], [0], [0], [1], [0, 0, 1, 1], [], []>, transpose_lhs_hint = false} : vector<2000x128xf32>, vector<128x128xf32>, vector<2000x128xf32> -> vector<2000x128xf32>
    %get3A_6 = arith.constant 0 : index
    %get3A_7 = arith.constant 0 : index
    %get3A_8 = vector.load %arg2[%get3A_6, %get3A_7] : memref<2000x128xf32, #tpu.memory_space<vmem>>, vector<2000x128xf32>
    %get3A_9 = arith.constant 0 : index
    %get3A_10 = arith.constant 0 : index
    %get3A_11 = vector.load %arg4[%get3A_9, %get3A_10] : memref<128x128xf32, #tpu.memory_space<vmem>>, vector<128x128xf32>
    %dot_general3A_12 = arith.constant dense<0.000000e+00> : vector<2000x128xf32>
    %dot_general3A_13 = tpu.matmul %get3A_8, %get3A_11, %dot_general3A_12 {dimension_numbers = #tpu.dot_dimension_numbers<[1], [0], [0], [1], [0, 0, 1, 1], [], []>, transpose_lhs_hint = false} : vector<2000x128xf32>, vector<128x128xf32>, vector<2000x128xf32> -> vector<2000x128xf32>
    %add3A = arith.addf %dot_general3A_5, %dot_general3A_13 : vector<2000x128xf32>
    %get3A_14 = arith.constant 0 : index
    %get3A_15 = arith.constant 0 : index
    %get3A_16 = vector.load %arg5[%get3A_14, %get3A_15] : memref<1x128xf32, #tpu.memory_space<vmem>>, vector<1x128xf32>
    %add3A_17 = vector.broadcast %get3A_16 : vector<1x128xf32> to vector<2000x128xf32>
    %add3A_18 = arith.addf %add3A, %add3A_17 : vector<2000x128xf32>
    %get3A_19 = arith.constant 0 : index
    %get3A_20 = arith.constant 0 : index
    %get3A_21 = vector.load %arg6[%get3A_19, %get3A_20] : memref<128x128xf32, #tpu.memory_space<vmem>>, vector<128x128xf32>
    %dot_general3A_22 = arith.constant dense<0.000000e+00> : vector<2000x128xf32>
    %dot_general3A_23 = tpu.matmul %add3A_18, %get3A_21, %dot_general3A_22 {dimension_numbers = #tpu.dot_dimension_numbers<[1], [0], [0], [1], [0, 0, 1, 1], [], []>, transpose_lhs_hint = false} : vector<2000x128xf32>, vector<128x128xf32>, vector<2000x128xf32> -> vector<2000x128xf32>
    %get3A_24 = arith.constant 0 : index
    %get3A_25 = arith.constant 0 : index
    %get3A_26 = vector.load %arg7[%get3A_24, %get3A_25] : memref<1x128xf32, #tpu.memory_space<vmem>>, vector<1x128xf32>
    %add3A_27 = vector.broadcast %get3A_26 : vector<1x128xf32> to vector<2000x128xf32>
    %add3A_28 = arith.addf %dot_general3A_23, %add3A_27 : vector<2000x128xf32>
    %swap3A = arith.constant 0 : index
    %swap3A_29 = arith.constant 0 : index
    %swap3A_30 = vector.load %arg8[%swap3A, %swap3A_29] : memref<2000x128xf32, #tpu.memory_space<vmem>>, vector<2000x128xf32>
    tpu.vector_store %arg8[%swap3A, %swap3A_29], %add3A_28 {strides = array<i32>} : memref<2000x128xf32, #tpu.memory_space<vmem>>, vector<2000x128xf32>,
    return
  }
  func.func @transform_0(%arg0: i32) -> (i32, i32) {
    %c0_i32 = arith.constant 0 : i32
    %c0_i32_0 = arith.constant 0 : i32
    return %arg0, %c0_i32 : i32, i32
  }
  func.func @transform_1(%arg0: i32) -> (i32, i32) {
    %c0_i32 = arith.constant 0 : i32
    %c0_i32_0 = arith.constant 0 : i32
    return %arg0, %c0_i32 : i32, i32
  }
  func.func @transform_2(%arg0: i32) -> (i32, i32) {
    %c0_i32 = arith.constant 0 : i32
    %c0_i32_0 = arith.constant 0 : i32
    %c0_i32_1 = arith.constant 0 : i32
    return %c0_i32, %c0_i32_0 : i32, i32
  }
  func.func @transform_3(%arg0: i32) -> (i32, i32) {
    %c0_i32 = arith.constant 0 : i32
    %c0_i32_0 = arith.constant 0 : i32
    %c0_i32_1 = arith.constant 0 : i32
    return %c0_i32, %c0_i32_0 : i32, i32
  }
  func.func @transform_4(%arg0: i32) -> (i32, i32) {
    %c0_i32 = arith.constant 0 : i32
    %c0_i32_0 = arith.constant 0 : i32
    %c0_i32_1 = arith.constant 0 : i32
    return %c0_i32, %c0_i32_0 : i32, i32
  }
  func.func @transform_5(%arg0: i32) -> (i32, i32) {
    %c0_i32 = arith.constant 0 : i32
    %c0_i32_0 = arith.constant 0 : i32
    %c0_i32_1 = arith.constant 0 : i32
    return %c0_i32, %c0_i32_0 : i32, i32
  }
  func.func @transform_6(%arg0: i32) -> (i32, i32) {
    %c0_i32 = arith.constant 0 : i32
    %c0_i32_0 = arith.constant 0 : i32
    %c0_i32_1 = arith.constant 0 : i32
    return %c0_i32, %c0_i32_0 : i32, i32
  }
  func.func @transform_7(%arg0: i32) -> (i32, i32) {
    %c0_i32 = arith.constant 0 : i32
    %c0_i32_0 = arith.constant 0 : i32
    return %arg0, %c0_i32 : i32, i32
  }
}

module attributes {stable_mosaic.version = 14 : i64} {
  func.func @_final_body(%arg0: memref<80x128xf32, #tpu.memory_space<vmem>>, %arg1: memref<8x128xf32, #tpu.memory_space<vmem>>, %arg2: memref<8x128xf32, #tpu.memory_space<vmem>>, %arg3: memref<8x128xf32, #tpu.memory_space<vmem>>, %arg4: memref<8x128xf32, #tpu.memory_space<vmem>>, %arg5: memref<8x128xf32, #tpu.memory_space<vmem>>, %arg6: memref<128x128xf32, #tpu.memory_space<vmem>>, %arg7: memref<1x128xf32, #tpu.memory_space<vmem>>, %arg8: memref<128x128xf32, #tpu.memory_space<vmem>>, %arg9: memref<128x128xf32, #tpu.memory_space<vmem>>, %arg10: memref<1x128xf32, #tpu.memory_space<vmem>>, %arg11: memref<128x128xf32, #tpu.memory_space<vmem>>, %arg12: memref<1x128xf32, #tpu.memory_space<vmem>>, %arg13: memref<128x128xf32, #tpu.memory_space<vmem>>, %arg14: memref<1x128xf32, #tpu.memory_space<vmem>>, %arg15: memref<128x128xf32, #tpu.memory_space<vmem>>, %arg16: memref<128x128xf32, #tpu.memory_space<vmem>>, %arg17: memref<1x128xf32, #tpu.memory_space<vmem>>, %arg18: memref<8x128xf32, #tpu.memory_space<vmem>>) attributes {dimension_semantics = [], scalar_prefetch = 0 : i64, scratch_operands = 0 : i64, tpu.core_type = #tpu.core_type<tc>} {
    %get3A = arith.constant 0 : index
    %get3A_0 = arith.constant 0 : index
    %get3A_1 = vector.load %arg0[%get3A, %get3A_0] : memref<80x128xf32, #tpu.memory_space<vmem>>, vector<80x128xf32>
    %slice3A = vector.extract_strided_slice %get3A_1 {offsets = [0, 0], sizes = [8, 128], strides = [1, 1]} : vector<80x128xf32> to vector<8x128xf32>
    %slice3A_2 = vector.extract_strided_slice %get3A_1 {offsets = [16, 0], sizes = [8, 128], strides = [1, 1]} : vector<80x128xf32> to vector<8x128xf32>
    %slice3A_3 = vector.extract_strided_slice %get3A_1 {offsets = [32, 0], sizes = [8, 128], strides = [1, 1]} : vector<80x128xf32> to vector<8x128xf32>
    %slice3A_4 = vector.extract_strided_slice %get3A_1 {offsets = [48, 0], sizes = [8, 128], strides = [1, 1]} : vector<80x128xf32> to vector<8x128xf32>
    %slice3A_5 = vector.extract_strided_slice %get3A_1 {offsets = [64, 0], sizes = [8, 128], strides = [1, 1]} : vector<80x128xf32> to vector<8x128xf32>
    %get3A_6 = arith.constant 0 : index
    %get3A_7 = arith.constant 0 : index
    %get3A_8 = vector.load %arg1[%get3A_6, %get3A_7] : memref<8x128xf32, #tpu.memory_space<vmem>>, vector<8x128xf32>
    %get3A_9 = arith.constant 0 : index
    %get3A_10 = arith.constant 0 : index
    %get3A_11 = vector.load %arg2[%get3A_9, %get3A_10] : memref<8x128xf32, #tpu.memory_space<vmem>>, vector<8x128xf32>
    %get3A_12 = arith.constant 0 : index
    %get3A_13 = arith.constant 0 : index
    %get3A_14 = vector.load %arg3[%get3A_12, %get3A_13] : memref<8x128xf32, #tpu.memory_space<vmem>>, vector<8x128xf32>
    %get3A_15 = arith.constant 0 : index
    %get3A_16 = arith.constant 0 : index
    %get3A_17 = vector.load %arg4[%get3A_15, %get3A_16] : memref<8x128xf32, #tpu.memory_space<vmem>>, vector<8x128xf32>
    %get3A_18 = arith.constant 0 : index
    %get3A_19 = arith.constant 0 : index
    %get3A_20 = vector.load %arg5[%get3A_18, %get3A_19] : memref<8x128xf32, #tpu.memory_space<vmem>>, vector<8x128xf32>
    %get3A_21 = arith.constant 0 : index
    %get3A_22 = arith.constant 0 : index
    %get3A_23 = vector.load %arg6[%get3A_21, %get3A_22] : memref<128x128xf32, #tpu.memory_space<vmem>>, vector<128x128xf32>
    %dot_general3A = arith.constant dense<0.000000e+00> : vector<8x128xf32>
    %dot_general3A_24 = tpu.matmul %slice3A, %get3A_23, %dot_general3A {dimension_numbers = #tpu.dot_dimension_numbers<[1], [0], [0], [1], [0, 0, 1, 1], [], []>, transpose_lhs_hint = false} : vector<8x128xf32>, vector<128x128xf32>, vector<8x128xf32> -> vector<8x128xf32>
    %get3A_25 = arith.constant 0 : index
    %get3A_26 = arith.constant 0 : index
    %get3A_27 = vector.load %arg7[%get3A_25, %get3A_26] : memref<1x128xf32, #tpu.memory_space<vmem>>, vector<1x128xf32>
    %add3A = vector.broadcast %get3A_27 : vector<1x128xf32> to vector<8x128xf32>
    %add3A_28 = arith.addf %dot_general3A_24, %add3A : vector<8x128xf32>
    %sub3A = arith.subf %add3A_28, %slice3A_2 : vector<8x128xf32>
    %get3A_29 = arith.constant 0 : index
    %get3A_30 = arith.constant 0 : index
    %get3A_31 = vector.load %arg8[%get3A_29, %get3A_30] : memref<128x128xf32, #tpu.memory_space<vmem>>, vector<128x128xf32>
    %dot_general3A_32 = arith.constant dense<0.000000e+00> : vector<8x128xf32>
    %dot_general3A_33 = tpu.matmul %sub3A, %get3A_31, %dot_general3A_32 {dimension_numbers = #tpu.dot_dimension_numbers<[1], [0], [0], [1], [0, 0, 1, 1], [], []>, transpose_lhs_hint = false} : vector<8x128xf32>, vector<128x128xf32>, vector<8x128xf32> -> vector<8x128xf32>
    %get3A_34 = arith.constant 0 : index
    %get3A_35 = arith.constant 0 : index
    %get3A_36 = vector.load %arg9[%get3A_34, %get3A_35] : memref<128x128xf32, #tpu.memory_space<vmem>>, vector<128x128xf32>
    %dot_general3A_37 = arith.constant dense<0.000000e+00> : vector<8x128xf32>
    %dot_general3A_38 = tpu.matmul %sub3A, %get3A_36, %dot_general3A_37 {dimension_numbers = #tpu.dot_dimension_numbers<[1], [0], [0], [1], [0, 0, 1, 1], [], []>, transpose_lhs_hint = false} : vector<8x128xf32>, vector<128x128xf32>, vector<8x128xf32> -> vector<8x128xf32>
    %get3A_39 = arith.constant 0 : index
    %get3A_40 = arith.constant 0 : index
    %get3A_41 = vector.load %arg8[%get3A_39, %get3A_40] : memref<128x128xf32, #tpu.memory_space<vmem>>, vector<128x128xf32>
    %dot_general3A_42 = arith.constant dense<0.000000e+00> : vector<8x128xf32>
    %dot_general3A_43 = tpu.matmul %slice3A_2, %get3A_41, %dot_general3A_42 {dimension_numbers = #tpu.dot_dimension_numbers<[1], [0], [0], [1], [0, 0, 1, 1], [], []>, transpose_lhs_hint = false} : vector<8x128xf32>, vector<128x128xf32>, vector<8x128xf32> -> vector<8x128xf32>
    %get3A_44 = arith.constant 0 : index
    %get3A_45 = arith.constant 0 : index
    %get3A_46 = vector.load %arg9[%get3A_44, %get3A_45] : memref<128x128xf32, #tpu.memory_space<vmem>>, vector<128x128xf32>
    %dot_general3A_47 = arith.constant dense<0.000000e+00> : vector<8x128xf32>
    %dot_general3A_48 = tpu.matmul %slice3A_3, %get3A_46, %dot_general3A_47 {dimension_numbers = #tpu.dot_dimension_numbers<[1], [0], [0], [1], [0, 0, 1, 1], [], []>, transpose_lhs_hint = false} : vector<8x128xf32>, vector<128x128xf32>, vector<8x128xf32> -> vector<8x128xf32>
    %add3A_49 = arith.addf %dot_general3A_43, %dot_general3A_48 : vector<8x128xf32>
    %get3A_50 = arith.constant 0 : index
    %get3A_51 = arith.constant 0 : index
    %get3A_52 = vector.load %arg10[%get3A_50, %get3A_51] : memref<1x128xf32, #tpu.memory_space<vmem>>, vector<1x128xf32>
    %add3A_53 = vector.broadcast %get3A_52 : vector<1x128xf32> to vector<8x128xf32>
    %add3A_54 = arith.addf %add3A_49, %add3A_53 : vector<8x128xf32>
    %add3A_55 = arith.addf %add3A_54, %dot_general3A_33 : vector<8x128xf32>
    %mul3A = arith.mulf %get3A_14, %dot_general3A_38 : vector<8x128xf32>
    %add3A_56 = arith.addf %add3A_55, %mul3A : vector<8x128xf32>
    %get3A_57 = arith.constant 0 : index
    %get3A_58 = arith.constant 0 : index
    %get3A_59 = vector.load %arg13[%get3A_57, %get3A_58] : memref<128x128xf32, #tpu.memory_space<vmem>>, vector<128x128xf32>
    %dot_general3A_60 = arith.constant dense<0.000000e+00> : vector<8x128xf32>
    %dot_general3A_61 = tpu.matmul %add3A_56, %get3A_59, %dot_general3A_60 {dimension_numbers = #tpu.dot_dimension_numbers<[1], [0], [0], [1], [0, 0, 1, 1], [], []>, transpose_lhs_hint = false} : vector<8x128xf32>, vector<128x128xf32>, vector<8x128xf32> -> vector<8x128xf32>
    %get3A_62 = arith.constant 0 : index
    %get3A_63 = arith.constant 0 : index
    %get3A_64 = vector.load %arg14[%get3A_62, %get3A_63] : memref<1x128xf32, #tpu.memory_space<vmem>>, vector<1x128xf32>
    %add3A_65 = vector.broadcast %get3A_64 : vector<1x128xf32> to vector<8x128xf32>
    %add3A_66 = arith.addf %dot_general3A_61, %add3A_65 : vector<8x128xf32>
    %sub3A_67 = arith.subf %add3A_66, %slice3A_4 : vector<8x128xf32>
    %get3A_68 = arith.constant 0 : index
    %get3A_69 = arith.constant 0 : index
    %get3A_70 = vector.load %arg11[%get3A_68, %get3A_69] : memref<128x128xf32, #tpu.memory_space<vmem>>, vector<128x128xf32>
    %dot_general3A_71 = arith.constant dense<0.000000e+00> : vector<8x128xf32>
    %dot_general3A_72 = tpu.matmul %dot_general3A_38, %get3A_70, %dot_general3A_71 {dimension_numbers = #tpu.dot_dimension_numbers<[1], [0], [0], [1], [0, 0, 1, 1], [], []>, transpose_lhs_hint = false} : vector<8x128xf32>, vector<128x128xf32>, vector<8x128xf32> -> vector<8x128xf32>
    %mul3A_73 = arith.mulf %get3A_20, %sub3A_67 : vector<8x128xf32>
    %sub3A_74 = arith.constant 1.000000e+00 : f32
    %sub3A_75 = vector.broadcast %sub3A_74 : f32 to vector<8x128xf32>
    %sub3A_76 = arith.subf %sub3A_75, %get3A_20 : vector<8x128xf32>
    %mul3A_77 = arith.mulf %get3A_11, %dot_general3A_72 : vector<8x128xf32>
    %mul3A_78 = arith.mulf %sub3A_76, %mul3A_77 : vector<8x128xf32>
    %add3A_79 = arith.addf %mul3A_73, %mul3A_78 : vector<8x128xf32>
    %mul3A_80 = arith.mulf %get3A_11, %get3A_14 : vector<8x128xf32>
    %sub3A_81 = arith.subf %get3A_17, %mul3A_80 : vector<8x128xf32>
    %mul3A_82 = arith.mulf %sub3A_81, %dot_general3A_72 : vector<8x128xf32>
    %mul3A_83 = arith.mulf %get3A_11, %sub3A_67 : vector<8x128xf32>
    %add3A_84 = arith.addf %mul3A_82, %mul3A_83 : vector<8x128xf32>
    %add3A_85 = arith.addf %slice3A_5, %add3A_79 : vector<8x128xf32>
    %get3A_86 = arith.constant 0 : index
    %get3A_87 = arith.constant 0 : index
    %get3A_88 = vector.load %arg15[%get3A_86, %get3A_87] : memref<128x128xf32, #tpu.memory_space<vmem>>, vector<128x128xf32>
    %dot_general3A_89 = arith.constant dense<0.000000e+00> : vector<8x128xf32>
    %dot_general3A_90 = tpu.matmul %add3A_85, %get3A_88, %dot_general3A_89 {dimension_numbers = #tpu.dot_dimension_numbers<[1], [0], [0], [1], [0, 0, 1, 1], [], []>, transpose_lhs_hint = false} : vector<8x128xf32>, vector<128x128xf32>, vector<8x128xf32> -> vector<8x128xf32>
    %add3A_91 = arith.addf %get3A_8, %add3A_84 : vector<8x128xf32>
    %get3A_92 = arith.constant 0 : index
    %get3A_93 = arith.constant 0 : index
    %get3A_94 = vector.load %arg16[%get3A_92, %get3A_93] : memref<128x128xf32, #tpu.memory_space<vmem>>, vector<128x128xf32>
    %dot_general3A_95 = arith.constant dense<0.000000e+00> : vector<8x128xf32>
    %dot_general3A_96 = tpu.matmul %add3A_91, %get3A_94, %dot_general3A_95 {dimension_numbers = #tpu.dot_dimension_numbers<[1], [0], [0], [1], [0, 0, 1, 1], [], []>, transpose_lhs_hint = false} : vector<8x128xf32>, vector<128x128xf32>, vector<8x128xf32> -> vector<8x128xf32>
    %add3A_97 = arith.addf %dot_general3A_90, %dot_general3A_96 : vector<8x128xf32>
    %get3A_98 = arith.constant 0 : index
    %get3A_99 = arith.constant 0 : index
    %get3A_100 = vector.load %arg17[%get3A_98, %get3A_99] : memref<1x128xf32, #tpu.memory_space<vmem>>, vector<1x128xf32>
    %add3A_101 = vector.broadcast %get3A_100 : vector<1x128xf32> to vector<8x128xf32>
    %add3A_102 = arith.addf %add3A_97, %add3A_101 : vector<8x128xf32>
    %swap3A = arith.constant 0 : index
    %swap3A_103 = arith.constant 0 : index
    %swap3A_104 = vector.load %arg18[%swap3A, %swap3A_103] : memref<8x128xf32, #tpu.memory_space<vmem>>, vector<8x128xf32>
    tpu.vector_store %arg18[%swap3A, %swap3A_103], %add3A_102 {strides = array<i32>} : memref<8x128xf32, #tpu.memory_space<vmem>>, vector<8x128xf32>,
    return
  }
}

</mosaic_0001>

<sc_bundles>
// kernel: sc_agg1.3.cloned.1.call-start
scs
__scs_entry_jumppad:
0x0: {  	(pc) =	sbr.rel $0x88, $3  }
0x1: {  	(tag) =	ssettag $0x0;
	lr =	simm.s32 $0x1  }
0x2: {  	[smem:$0x3F90] =	sst lr;
	_ =	strace $0xD0000000  }
0x3: {  	_ = 	snop  }
0x4: {  	_ = 	snop  }
0x5: {  	_ = 	snop  }
0x6: {  	_ = 	snop  }
0x7: {  	_ = 	snop  }
__scs_overlays_trampoline_lowered:
0x8: {  	[smem:$0x3F9F] =	sst s0  }
0x9: {  	[smem:$0x3FA0] =	sst s1  }
0xa: {  	[smem:$0x3FA1] =	sst s2  }
0xb: {  	[smem:$0x3FA2] =	sst s3  }
0xc: {  	[smem:$0x3FA3] =	sst s4  }
0xd: {  	[smem:$0x3FA4] =	sst s5  }
0xe: {  	[smem:$0x3FA5] =	sst s6  }
0xf: {  	[smem:$0x3FA6] =	sst s7  }
0x10: {  	[smem:$0x3FA7] =	sst s8  }
0x11: {  	[smem:$0x3FA8] =	sst s9;
	s0 =	simm.s32 @!p0 $0x0  }
0x12: {  	s1 =	sld [smem:$0x3F8E];
	s0 =	simm.s32 @p0 $0x1  }
0x13: {  	[smem:$0x3FA9] =	sst s0;
	s0 =	simm.s32 @!p1 $0x0  }
0x14: {  	s2 =	sld [smem:$0x3F8D];
	s0 =	simm.s32 @p1 $0x1  }
0x15: {  	[smem:$0x3FAA] =	sst s0;
	s0 =	simm.s32 @!p2 $0x0  }
0x16: {  	s3 =	sld [smem:$0x3FDB];
	s0 =	simm.s32 @p2 $0x1  }
0x17: {  	s4 =	simm.s32 $0x1BF5;
	[smem:$0x3FAC] =	sst s0  }
0x18: {  	s0 =	sld [smem:$0x3F8F];
	_ =	swait.ge [sflag:s4], $0x0  }
0x19: {  	s7 =	sld [smem:$0x3F90]  }
0x1a: {  	s8 =	sadd.s32 $0xFFFFE003, lr  }
0x1b: {  	s9 =	sadd.s32 $0xFFFFFEF7, lr;
	s5 =	simm.s32 $0xFFFFFFFF;
	p2 =	slt.u32 s8, $0xFFFFF086  }
0x1c: {  	p1 =	slt.u32 s9, $0xF7A;
	s5 =	simm.s32 @!p2 $0x0  }
0x1d: {  	s5 =	simm.s32 @p1 $0x1;
	p0 =	seq.s32 s7, s2  }
0x1e: {  	s7 =	smul.u32 @!p0 $0xF7A, s2;
	p2 =	seq.s32 @!p0 s5, $0x0  }
0x1f: {  	s9 =	smul.u32 $0xF7A, s1;
	s8 =	simm.s32 @!p0 $0x1BF5;
	p2 =	por !p2, p0  }
0x20: {  	[sflag:s8] =	ssyncset.s32 @!p0 $0xFFFFF086;
	s6 =	sadd.s32 @!p0 s3, s7;
	s7 =	simm.s32 @!p0 $0x108  }
0x21: {  	s3 =	sadd.s32 s3, s9;
	s6 =	sadd.s32 @!p0 $0x88, s6;
	s7 =	simm.s32 @p2 $0x1082  }
0x22: {  	[simem:s7], [sflag:s8] =	dma.local @!p0 [hbm:s6], $0xF7A  }
0x23: {  	s9 =	sor.u32 $0xD0000000, s2;
	s6 =	simm.s32 $0x108;
	_ =	swait.ge @!p0 [sflag:s8], $0x0  }
0x24: {  	s3 =	sadd.s32 $0x88, s3;
	s6 =	simm.s32 @!p1 $0x1082;
	[sflag:s4] =	ssyncset.s32 $0xFFFFF086  }
0x25: {  	[simem:s6], [sflag:s4] =	dma.local [hbm:s3], $0xF7A  }
0x26: {  	[smem:$0x3F90] =	sst s1;
	(tag) =	ssettag s2;
	_ =	strace s9  }
0x27: {  	s1 =	sld [smem:$0x3FA0]  }
0x28: {  	s2 =	sld [smem:$0x3FA1]  }
0x29: {  	s4 =	sld [smem:$0x3FA3]  }
0x2a: {  	p0 =	seq.s32 s5, $0x0;
	s5 =	sld [smem:$0x3FA4]  }
0x2b: {  	s6 =	sld [smem:$0x3FA5]  }
0x2c: {  	s7 =	sld [smem:$0x3FA6]  }
0x2d: {  	s3 =	simm.s32 $0x108;
	s8 =	sld [smem:$0x3FA7]  }
0x2e: {  	s3 =	simm.s32 @!p0 $0x1082;
	s9 =	sld [smem:$0x3FA8]  }
0x2f: {  	lr =	sadd.s32 s0, s3;
	s0 =	sld [smem:$0x3F9F]  }
0x30: {  	s3 =	sld [smem:$0x3FA2]  }
0x31: {  	[smem:$0x3FAB] =	sst s10  }
0x32: {  	s10 =	sld [smem:$0x3FA9];
	_ =	sdelay $0x3  }
0x33: {  	p0 =	seq.s32 s10, $0x1;
	s10 =	sld [smem:$0x3FAB];
	_ =	sdelay $0x3  }
0x34: {  	[smem:$0x3FAB] =	sst s10  }
0x35: {  	s10 =	sld [smem:$0x3FAA];
	_ =	sdelay $0x3  }
0x36: {  	p1 =	seq.s32 s10, $0x1;
	s10 =	sld [smem:$0x3FAB];
	_ =	sdelay $0x3  }
0x37: {  	[smem:$0x3FAB] =	sst s10  }
0x38: {  	s10 =	sld [smem:$0x3FAC]  }
0x39: {  	_ = 	snop;
	(pc) =	sbr.ind lr, $3  }
0x3a: {  	_ = 	snop  }
0x3b: {  	_ = 	snop  }
0x3c: {  	p2 =	seq.s32 s10, $0x1;
	s10 =	sld [smem:$0x3FAB]  }
0x3d: {  	_ =	shalt  }
0x3e: {  	_ =	shalt  }
0x3f: {  	_ =	shalt  }
0x40: {  	_ =	shalt  }
0x41: {  	_ =	shalt  }
0x42: {  	_ =	shalt  }
0x43: {  	_ =	shalt  }
0x44: {  	_ =	shalt  }
0x45: {  	_ =	shalt  }
0x46: {  	_ =	shalt  }
0x47: {  	_ =	shalt  }
0x48: {  	_ =	shalt  }
0x49: {  	_ =	shalt  }
0x4a: {  	_ =	shalt  }
0x4b: {  	_ =	shalt  }
0x4c: {  	_ =	shalt  }
0x4d: {  	_ =	shalt  }
0x4e: {  	_ =	shalt  }
0x4f: {  	_ =	shalt  }
0x50: {  	_ =	shalt  }
0x51: {  	_ =	shalt  }
0x52: {  	_ =	shalt  }
0x53: {  	_ =	shalt  }
0x54: {  	_ =	shalt  }
0x55: {  	_ =	shalt  }
0x56: {  	_ =	shalt  }
0x57: {  	_ =	shalt  }
0x58: {  	_ =	shalt  }
0x59: {  	_ =	shalt  }
0x5a: {  	_ =	shalt  }
0x5b: {  	_ =	shalt  }
0x5c: {  	_ =	shalt  }
0x5d: {  	_ =	shalt  }
0x5e: {  	_ =	shalt  }
0x5f: {  	_ =	shalt  }
0x60: {  	_ =	shalt  }
0x61: {  	_ =	shalt  }
0x62: {  	_ =	shalt  }
0x63: {  	_ =	shalt  }
0x64: {  	_ =	shalt  }
0x65: {  	_ =	shalt  }
0x66: {  	_ =	shalt  }
0x67: {  	_ =	shalt  }
0x68: {  	_ =	shalt  }
0x69: {  	_ =	shalt  }
0x6a: {  	_ =	shalt  }
0x6b: {  	_ =	shalt  }
0x6c: {  	_ =	shalt  }
0x6d: {  	_ =	shalt  }
0x6e: {  	_ =	shalt  }
0x6f: {  	_ =	shalt  }
0x70: {  	_ =	shalt  }
0x71: {  	_ =	shalt  }
0x72: {  	_ =	shalt  }
0x73: {  	_ =	shalt  }
0x74: {  	_ =	shalt  }
0x75: {  	_ =	shalt  }
0x76: {  	_ =	shalt  }
0x77: {  	_ =	shalt  }
0x78: {  	_ =	shalt  }
0x79: {  	_ =	shalt  }
0x7a: {  	_ =	shalt  }
0x7b: {  	_ =	shalt  }
0x7c: {  	_ =	shalt  }
0x7d: {  	_ =	shalt  }
0x7e: {  	_ =	shalt  }
0x7f: {  	_ =	shalt  }
0x80: {  	_ =	shalt  }
0x81: {  	_ =	shalt  }
0x82: {  	_ =	shalt  }
0x83: {  	_ =	shalt  }
0x84: {  	_ =	shalt  }
0x85: {  	_ =	shalt  }
0x86: {  	_ =	shalt  }
0x87: {  	_ =	shalt  }
.Lfunc_end0:
.L_simem_size_0:
called_computation.1_lowered:
.L_overlay_start_0:
0x88: {  	s2 =	sld [smem:$0x3FD9]  }
0x89: {  	s3 =	sld [smem:$0x3FFE];
	_ =	sdelay $0x1  }
0x8a: {  	s1 =	srdreg.scid  }
0x8b: {  	s0 =	sand.u32 $0x1, s1  }
0x8c: {  	s17 =	sshll.u32 s0, $0xA;
	s2 =	sadd.s32 s3, s2  }
0x8d: {  	s2 =	sadd.s32 s2, s17  }
0x8e: {  	[smem:$0x3FB7] =	sst s2  }
0x8f: {  	_ = 	snop  }
0x90: {  	(tm) =	ssettm $0x1  }
0x91: {  	s18 =	sld [smem:$0x3FFB];
	_ =	sdelay $0x3  }
0x92: {  	_ =	strace s18  }
0x93: {  	s2 =	sld [smem:$0x3FFC];
	_ =	sdelay $0x3  }
0x94: {  	_ =	strace s2  }
0x95: {  	s2 =	sld [smem:$0x3FFD];
	_ =	sdelay $0x3  }
0x96: {  	_ =	strace s2  }
0x97: {  	_ =	strace $0x8FFFFFFF  }
0x98: {  	s19 =	sld [smem:$0x3FDB];
	_ =	sdelay $0x1  }
0x99: {  	s20 =	simm.s32 $_scs_section_size  }
0x9a: {  	s4 =	simm.s32 $_size__tile_overlayer_lowered;
	s5 =	simm.s32 $_tile_overlayer_lowered  }
0x9b: {  	s6 =	simm.s32 $0x1BFF;
	s21 =	sshll.u32 s5, $0x1;
	s3 =	sadd.s32 s20, s19  }
0x9c: {  	s22 =	simm.s32 $0x0;
	s4 =	sshll.u32 s4, $0x1;
	s5 =	sadd.s32 s21, s3  }
0x9d: {  	[timem:s22], [sflag:s6] =	dma.local [hbm:s5], s4  }
0x9e: {  	_ =	swait.ge [sflag:s6], s4  }
0x9f: {  	s4 =	ssub.s32 $0x0, s4;
	[sflag:s6] =	ssyncset.done $0x0  }
0xa0: {  	[sflag:s6] =	ssyncadd.s32 s4;
	_ =	sdelay $0x1  }
0xa1: {  	s23 =	simm.s32 $0x1B8B  }
0xa2: {  	_ =	swait.ge [sflag:s23], $0x1  }
0xa3: {  	[sflag:s23] =	ssyncset.done $0x0  }
0xa4: {  	[sflag:s23] =	ssyncadd.s32 $0xFFFFFFFF  }
0xa5: {  	s4 =	sld [smem:$0x0]  }
0xa6: {  	s5 =	sand.u32 $0xFFFFFFFE, s1  }
0xa7: {  	p0 =	sne.s32 s1, s5  }
0xa8: {  	s5 =	sshll.u32 @p0 s5, $0xE  }
0xa9: {  	s5 =	sadd.s32 @p0 $0x11B8D, s5;
	s6 =	sshll.u32 @p0 s4, $0x11  }
0xaa: {  	s5 =	sor.u32 @p0 s6, s5  }
0xab: {  	[sflag:s5] =	ssyncadd.remote.s32 @p0 $0x1;
	_ =	sdelay $0x1  }
0xac: {  	s5 =	simm.s32 @p0 $0x1B8D  }
0xad: {  	_ =	swait.eq @p0 [sflag:s5], $0x1  }
0xae: {  	[sflag:s5] =	ssyncadd.s32 @p0 $0xFFFFFFFF  }
0xaf: {  	s6 =	sshll.u32 @!p0 s1, $0xE  }
0xb0: {  	s6 =	sor.u32 @!p0 $0x4000, s6;
	s5 =	simm.s32 @!p0 $0x1B8D  }
0xb1: {  	s4 =	sshll.u32 @!p0 s4, $0x11;
	s6 =	sadd.s32 @!p0 $0x11B8D, s6;
	_ =	swait.eq @!p0 [sflag:s5], $0x1  }
0xb2: {  	s4 =	sor.u32 @!p0 s4, s6;
	[sflag:s5] =	ssyncadd.s32 @!p0 $0xFFFFFFFF  }
0xb3: {  	s25 =	simm.s32 $0x1B8E;
	s24 =	sld [smem:$0x3FFE];
	[sflag:s4] =	ssyncadd.remote.s32 @!p0 $0x1  }
0xb4: {  	s26 =	simm.s32 $execute0_lowered;
	[smem:$0x3FD2] =	sst s25  }
0xb5: {  	s5 =	sshll.u32 s26, $0x1;
	_ =	strace $0x8000004C;
	[dreg:$0x1] =	wrdreg $0xFFFFFFFF  }
0xb6: {  	s28 =	simm.s32 $_size_execute0_lowered;
	s3 =	sadd.s32 s3, s5;
	[dreg:$0x0] =	wrdreg $0x0  }
0xb7: {  	s5 =	sshll.u32 s28, $0x1;
	[dreg:$0x2] =	wrdreg s3  }
0xb8: {  	[dreg:$0x3] =	wrdreg s5  }
0xb9: {  	[dreg:$0x4] =	wrdreg $0xC0  }
0xba: {  	_ =	task [dreg:s22], $0x5FFFF  }
0xbb: {  	[dreg:$0x1] =	wrdreg $0xFFFFFFFF  }
0xbc: {  	[dreg:$0x0] =	wrdreg $0x60  }
0xbd: {  	[dreg:$0x2] =	wrdreg s24  }
0xbe: {  	[dreg:$0x3] =	wrdreg $0x0  }
0xbf: {  	[dreg:$0x4] =	wrdreg $0x9  }
0xc0: {  	_ =	task.clear_ibuf [dreg:s22], $0x5FFFF;
	_ =	strace $0x9000004C  }
0xc1: {  	s29 =	simm.s32 $0x9;
	_ =	strace $0x8000004E  }
0xc2: {  	_ =	swait.ge [sflag:s29], $0x1  }
0xc3: {  	[sflag:s29] =	ssyncadd.s32 $0xFFFFFFFF  }
0xc4: {  	_ =	strace $0x9000004E  }
0xc5: {  	_ =	sfence  }
0xc6: {  	s30 =	sld [smem:$0x0];
	_ =	sdelay $0x2  }
0xc7: {  	s31 =	sshll.u32 s1, $0xD;
	s1 =	sshrl.u32 s1, $0x2  }
0xc8: {  	s4 =	sand.u32 $0x4000, s31;
	s1 =	sadd.s32 s1, s30  }
0xc9: {  	s0 =	sor.u32 s4, s0;
	s1 =	sshll.u32 s1, $0x11  }
0xca: {  	s0 =	sor.u32 s1, s0  }
0xcb: {  	s0 =	sadd.s32 $0x8F2B, s0  }
0xcc: {  	[sflag:s0] =	ssyncadd.remote.s32 $0x1  }
0xcd: {  	_ =	sfence.sel $0xFFFF  }
0xce: {  	[dreg:$0x0] =	wrdreg $0xFFFFFFFF;
	(pc) =	sbr.abs _section_cstart, $3  }
0xcf: {  	[dreg:$0x1] =	wrdreg $0xFFFFFFFF  }
0xd0: {  	_ =	task.clear_ibuf [dreg:s22], $0x2FFFF;
	_ =	strace $0x9FFFFFFF  }
0xd1: {  	(tm) =	ssettm $0x7FFFFFFF  }
tec
execute0_lowered:
.L_overlay_start_1:
0x0: {  	(tag) =	ssettag $0x1  }
0x1: {  	s1 =	srdreg.scid  }
0x2: {  	s1 =	sand.u32 $0x1, s1  }
0x3: {  	p0 =	seq.s32 s1, $0x1  }
.Ltmp0:
0x4: {  	_ = 	snop;
	(pc) =	sbr.rel @p0 .LBB2_6-.Ltmp0, $4  }
0x5: {  	s4 =	rddreg [dreg:$0x0]  }
0x6: {  	s2 =	rddreg [dreg:$0x1];
	s3 =	simm.s32 $0x0  }
0x7: {  	[smem:$0x7FF] =	sst s3  }
0x8: {  	s0 =	rddreg [dreg:$0x2];
	_ =	strace $0x8000004D;
	s1 =	stileid.u32  }
0x9: {  	s3 =	smul.u32 $0x4E2, s1  }
0xa: {  	s5 =	smul.u32 $0x4F000, s1  }
0xb: {  	s6 =	smul.u32 $0x2700, s1  }
0xc: {  	s7 =	sadd.s32 $0x5CE00, s4;
	s9 =	smul.u32 $0x4E000, s1;
	s21 =	simm.s32 $0x200  }
0xd: {  	s5 =	sshrl.u32 s5, $0x2;
	s3 =	sadd.s32 s3, s4;
	s6 =	sadd.s32 s6, s4  }
0xe: {  	s31 =	sshrl.u32 s9, $0x2;
	s4 =	sadd.s32 $0xAB800, s4;
	s9 =	simm.s32 $0x0  }
0xf: {  	s8 =	sadd.s32 s5, s2;
	s11 =	sadd.s32 $0x7000, s3;
	s10 =	sadd.s32 $0x2000, s3  }
0x10: {  	s5 =	sadd.s32 s31, s2;
	s6 =	sadd.s32 $0x84800, s6;
	s3 =	sadd.s32 $0x138000, s2  }
0x11: {  	s12 =	sadd.s32 $0x12000, s8;
	s20 =	sadd.s32 $0x2000, s8;
	s19 =	sadd.s32 $0x4000, s8  }
0x12: {  	s18 =	sadd.s32 $0x6000, s8;
	s17 =	sadd.s32 $0x8000, s8;
	s16 =	sadd.s32 $0xA000, s8  }
0x13: {  	v0 =	vimm.f32 $0.0e+00;
	s15 =	sadd.s32 $0xC000, s8;
	s14 =	sadd.s32 $0xE000, s8;
	s13 =	sadd.s32 $0x10000, s8  }
.LBB2_2:
0x14: {  	p0 =	sne.s32 s21, $0x7E00;
	[tilespmem:s9+$0x18C70] =	vst v0  }
0x15: {  	[tilespmem:s9+$0x18C00] =	vst v0  }
0x16: {  	[tilespmem:s9+$0x18C10] =	vst v0  }
.Ltmp1:
0x17: {  	[tilespmem:s9+$0x18C20] =	vst v0;
	(pc) =	sbr.rel @p0 .LBB2_2-.Ltmp1, $4  }
0x18: {  	[tilespmem:s9+$0x18C30] =	vst v0  }
0x19: {  	[tilespmem:s9+$0x18C40] =	vst v0  }
0x1a: {  	[tilespmem:s9+$0x18C50] =	vst v0  }
0x1b: {  	[tilespmem:s9+$0x18C60] =	vst v0;
	s9 =	sshra.s32 s21, $0x2;
	s21 =	sadd.s32 $0x200, s21  }
0x1c: {  	[tilespmem:s9+$0x18C70] =	vst v0  }
0x1d: {  	[tilespmem:s9+$0x18C00] =	vst v0  }
0x1e: {  	[tilespmem:s9+$0x18C10] =	vst v0  }
0x1f: {  	[tilespmem:s9+$0x18C20] =	vst v0  }
0x20: {  	[tilespmem:s9+$0x18C30] =	vst v0  }
0x21: {  	[tilespmem:s9+$0x18C40] =	vst v0  }
0x22: {  	[tilespmem:s9+$0x18C50] =	vst v0  }
0x23: {  	[tilespmem:s9+$0x18C60] =	vst v0;
	s9 =	simm.s32 $0x18C00  }
0x24: {  	[spmem:s8] =	stream.linear.scatter [tilespmem:s9], [sflag:$0x1], $0x2000, $0x38;
	[tilespmem:$0x1B500] =	vst v63  }
0x25: {  	s8 =	simm.s32 $0x1  }
0x26: {  	_ =	swait.ge [sflag:s8], $0x2000  }
0x27: {  	[sflag:s8] =	ssyncset.done $0x0  }
0x28: {  	[sflag:s8] =	ssyncadd.s32 $0xFFFFE000  }
0x29: {  	[spmem:s20] =	stream.linear.scatter [tilespmem:s9], [sflag:$0x1], $0x2000, $0x38;
	[tilespmem:$0x1B500] =	vst v63  }
0x2a: {  	_ =	swait.ge [sflag:s8], $0x2000  }
0x2b: {  	[sflag:s8] =	ssyncset.done $0x0  }
0x2c: {  	[sflag:s8] =	ssyncadd.s32 $0xFFFFE000  }
0x2d: {  	[spmem:s19] =	stream.linear.scatter [tilespmem:s9], [sflag:$0x1], $0x2000, $0x38;
	[tilespmem:$0x1B500] =	vst v63  }
0x2e: {  	_ =	swait.ge [sflag:s8], $0x2000  }
0x2f: {  	[sflag:s8] =	ssyncset.done $0x0  }
0x30: {  	[sflag:s8] =	ssyncadd.s32 $0xFFFFE000  }
0x31: {  	[spmem:s18] =	stream.linear.scatter [tilespmem:s9], [sflag:$0x1], $0x2000, $0x38;
	[tilespmem:$0x1B500] =	vst v63  }
0x32: {  	_ =	swait.ge [sflag:s8], $0x2000  }
0x33: {  	[sflag:s8] =	ssyncset.done $0x0  }
0x34: {  	[sflag:s8] =	ssyncadd.s32 $0xFFFFE000  }
0x35: {  	[spmem:s17] =	stream.linear.scatter [tilespmem:s9], [sflag:$0x1], $0x2000, $0x38;
	[tilespmem:$0x1B500] =	vst v63  }
0x36: {  	_ =	swait.ge [sflag:s8], $0x2000  }
0x37: {  	[sflag:s8] =	ssyncset.done $0x0  }
0x38: {  	[sflag:s8] =	ssyncadd.s32 $0xFFFFE000  }
0x39: {  	[spmem:s16] =	stream.linear.scatter [tilespmem:s9], [sflag:$0x1], $0x2000, $0x38;
	[tilespmem:$0x1B500] =	vst v63  }
0x3a: {  	_ =	swait.ge [sflag:s8], $0x2000  }
0x3b: {  	[sflag:s8] =	ssyncset.done $0x0  }
0x3c: {  	[sflag:s8] =	ssyncadd.s32 $0xFFFFE000  }
0x3d: {  	[spmem:s15] =	stream.linear.scatter [tilespmem:s9], [sflag:$0x1], $0x2000, $0x38;
	[tilespmem:$0x1B500] =	vst v63  }
0x3e: {  	_ =	swait.ge [sflag:s8], $0x2000  }
0x3f: {  	[sflag:s8] =	ssyncset.done $0x0  }
0x40: {  	[sflag:s8] =	ssyncadd.s32 $0xFFFFE000  }
0x41: {  	[spmem:s14] =	stream.linear.scatter [tilespmem:s9], [sflag:$0x1], $0x2000, $0x38;
	[tilespmem:$0x1B500] =	vst v63  }
0x42: {  	_ =	swait.ge [sflag:s8], $0x2000  }
0x43: {  	[sflag:s8] =	ssyncset.done $0x0  }
0x44: {  	[sflag:s8] =	ssyncadd.s32 $0xFFFFE000  }
0x45: {  	[spmem:s13] =	stream.linear.scatter [tilespmem:s9], [sflag:$0x1], $0x2000, $0x38;
	[tilespmem:$0x1B500] =	vst v63  }
0x46: {  	_ =	swait.ge [sflag:s8], $0x2000  }
0x47: {  	[sflag:s8] =	ssyncset.done $0x0  }
0x48: {  	[sflag:s8] =	ssyncadd.s32 $0xFFFFE000  }
0x49: {  	[spmem:s12] =	stream.linear.scatter [tilespmem:s9], [sflag:$0x1], $0x1C00, $0x38;
	[tilespmem:$0x1B500] =	vst v63  }
0x4a: {  	_ =	swait.ge [sflag:s8], $0x1C00  }
0x4b: {  	[sflag:s8] =	ssyncset.done $0x0  }
0x4c: {  	s28 =	simm.s32 $0x0;
	s29 =	simm.s32 $0x13C00;
	[sflag:s8] =	ssyncadd.s32 $0xFFFFE400  }
0x4d: {  	[tilespmem:s29], [sflag:$0x1] =	stream.linear.gather [hbm4b:s11+s28], $0x2710, $0x38;
	[tilespmem:$0x1B500] =	vst v63  }
0x4e: {  	_ =	swait.ge [sflag:s8], $0x2710  }
0x4f: {  	[sflag:s8] =	ssyncset.done $0x0  }
0x50: {  	s30 =	simm.s32 $0x16380;
	[sflag:s8] =	ssyncadd.s32 $0xFFFFD8F0  }
0x51: {  	[tilespmem:s30], [sflag:$0x1] =	stream.linear.gather [hbm4b:s10+s28], $0x2710, $0x38;
	[tilespmem:$0x1B500] =	vst v63  }
0x52: {  	_ =	swait.ge [sflag:s8], $0x2710  }
0x53: {  	[sflag:s8] =	ssyncset.done $0x0  }
0x54: {  	[sflag:s8] =	ssyncadd.s32 $0xFFFFD8F0  }
0x55: {  	s31 =	simm.s32 $0x0;
	[bflag:$0x0] =	sbarrier.arrive $0xFFFF  }
0x56: {  	v63 =	vld [tilespmem:s31+$0x13C00];
	_ =	sdelay $0x4  }
0x57: {  	[tilespmem:$0x18B80] =	vst v63  }
0x58: {  	v0 =	vld [tilespmem:s31+$0x16380];
	_ =	sdelay $0x4  }
0x59: {  	[tilespmem:$0x18B00] =	vst v0  }
0x5a: {  	v0 =	vld [tilespmem:s31+$0x13C10];
	_ =	sdelay $0x4  }
0x5b: {  	[tilespmem:$0x18B90] =	vst v0  }
0x5c: {  	v0 =	vld [tilespmem:s31+$0x16390];
	_ =	sdelay $0x4  }
0x5d: {  	[tilespmem:$0x18B10] =	vst v0  }
0x5e: {  	v0 =	vld [tilespmem:s31+$0x13C20];
	_ =	sdelay $0x4  }
0x5f: {  	[tilespmem:$0x18BA0] =	vst v0  }
0x60: {  	v0 =	vld [tilespmem:s31+$0x163A0];
	_ =	sdelay $0x4  }
0x61: {  	[tilespmem:$0x18B20] =	vst v0  }
0x62: {  	v0 =	vld [tilespmem:s31+$0x13C30];
	_ =	sdelay $0x4  }
0x63: {  	[tilespmem:$0x18BB0] =	vst v0  }
0x64: {  	v0 =	vld [tilespmem:s31+$0x163B0];
	_ =	sdelay $0x4  }
0x65: {  	s11 =	simm.s32 $0x18B80;
	s10 =	simm.s32 $0x40;
	[tilespmem:$0x18B30] =	vst v0  }
0x66: {  	[tilespmem:s9], [sflag:$0x1] =	stream.indirect.gather [hbm4b:s7+s10], $0x80, s11, s10, $0xb8;
	[tilespmem:$0x1B500] =	vst v63  }
0x67: {  	_ =	swait.ge [sflag:s8], $0x2000  }
0x68: {  	[sflag:s8] =	ssyncset.done $0x0  }
0x69: {  	s12 =	simm.s32 $0x18B00;
	[sflag:s8] =	ssyncadd.s32 $0xFFFFE000  }
0x6a: {  	[spmem:s2] =	stream.indirect.scatter.add.f32 [tilespmem:s9], [sflag:$0x1], $0x80, s12, s10, $0xb8;
	[tilespmem:$0x1B500] =	vst v63  }
0x6b: {  	_ =	swait.ge [sflag:s8], $0x2000  }
0x6c: {  	s15 =	simm.s32 $0x200;
	s13 =	simm.s32 $0x100;
	[sflag:s8] =	ssyncset.done $0x0  }
.LBB2_4:
0x6d: {  	s16 =	sshra.s32 s13, $0x2  }
0x6e: {  	[sflag:s8] =	ssyncadd.s32 $0xFFFFE000;
	s13 =	smov.u32 s15;
	s14 =	sadd.s32 $0x100, s15  }
0x6f: {  	p0 =	sne.s32 s15, $0x9B00;
	v0 =	vld [tilespmem:s16+$0x13C00];
	_ =	sdelay $0x4  }
0x70: {  	[tilespmem:$0x18B80] =	vst v0  }
0x71: {  	v0 =	vld [tilespmem:s16+$0x16380];
	_ =	sdelay $0x4  }
0x72: {  	[tilespmem:$0x18B00] =	vst v0  }
0x73: {  	v0 =	vld [tilespmem:s16+$0x13C10];
	_ =	sdelay $0x4  }
0x74: {  	[tilespmem:$0x18B90] =	vst v0  }
0x75: {  	v0 =	vld [tilespmem:s16+$0x16390];
	_ =	sdelay $0x4  }
0x76: {  	[tilespmem:$0x18B10] =	vst v0  }
0x77: {  	v0 =	vld [tilespmem:s16+$0x13C20];
	_ =	sdelay $0x4  }
0x78: {  	[tilespmem:$0x18BA0] =	vst v0  }
0x79: {  	v0 =	vld [tilespmem:s16+$0x163A0];
	_ =	sdelay $0x4  }
0x7a: {  	[tilespmem:$0x18B20] =	vst v0  }
0x7b: {  	v0 =	vld [tilespmem:s16+$0x13C30];
	_ =	sdelay $0x4  }
0x7c: {  	[tilespmem:$0x18BB0] =	vst v0  }
0x7d: {  	v0 =	vld [tilespmem:s16+$0x163B0];
	_ =	sdelay $0x4  }
0x7e: {  	[tilespmem:$0x18B30] =	vst v0  }
0x7f: {  	[tilespmem:s9], [sflag:$0x1] =	stream.indirect.gather [hbm4b:s7+s10], $0x80, s11, s10, $0xb8;
	[tilespmem:$0x1B500] =	vst v63  }
0x80: {  	_ =	swait.ge [sflag:s8], $0x2000  }
.Ltmp2:
0x81: {  	[sflag:s8] =	ssyncset.done $0x0;
	(pc) =	sbr.rel @p0 .LBB2_4-.Ltmp2, $4  }
0x82: {  	[sflag:s8] =	ssyncadd.s32 $0xFFFFE000  }
0x83: {  	[spmem:s2] =	stream.indirect.scatter.add.f32 [tilespmem:s9], [sflag:$0x1], $0x80, s12, s10, $0xb8;
	[tilespmem:$0x1B500] =	vst v63  }
0x84: {  	_ =	swait.ge [sflag:s8], $0x2000  }
0x85: {  	s15 =	smov.u32 s14;
	[sflag:s8] =	ssyncset.done $0x0  }
0x86: {  	s13 =	sshra.s32 s13, $0x2;
	[sflag:s8] =	ssyncadd.s32 $0xFFFFE000  }
0x87: {  	v0 =	vld [tilespmem:s13+$0x13C00];
	_ =	sdelay $0x4  }
0x88: {  	[tilespmem:$0x18B80] =	vst v0  }
0x89: {  	v0 =	vld [tilespmem:s13+$0x16380];
	_ =	sdelay $0x4  }
0x8a: {  	[tilespmem:$0x18B00] =	vst v0  }
0x8b: {  	v0 =	vld [tilespmem:s13+$0x13C10];
	_ =	sdelay $0x4  }
0x8c: {  	[tilespmem:$0x18B90] =	vst v0  }
0x8d: {  	v0 =	vld [tilespmem:s13+$0x16390];
	_ =	sdelay $0x4  }
0x8e: {  	[tilespmem:$0x18B10] =	vst v0  }
0x8f: {  	v0 =	vld [tilespmem:s13+$0x13C20];
	_ =	sdelay $0x4  }
0x90: {  	[tilespmem:$0x18BA0] =	vst v0  }
0x91: {  	v0 =	vld [tilespmem:s13+$0x163A0];
	_ =	sdelay $0x4  }
0x92: {  	[tilespmem:$0x18B20] =	vst v0  }
0x93: {  	v0 =	vld [tilespmem:s13+$0x13C30];
	_ =	sdelay $0x4  }
0x94: {  	[tilespmem:$0x18BB0] =	vst v0  }
0x95: {  	v0 =	vld [tilespmem:s13+$0x163B0];
	_ =	sdelay $0x4  }
0x96: {  	[tilespmem:$0x18B30] =	vst v0  }
0x97: {  	[tilespmem:s9], [sflag:$0x1] =	stream.indirect.gather [hbm4b:s7+s10], $0x80, s11, s10, $0xb8;
	[tilespmem:$0x1B500] =	vst v63  }
0x98: {  	_ =	swait.ge [sflag:s8], $0x2000  }
0x99: {  	[sflag:s8] =	ssyncset.done $0x0  }
0x9a: {  	[sflag:s8] =	ssyncadd.s32 $0xFFFFE000  }
0x9b: {  	[spmem:s2] =	stream.indirect.scatter.add.f32 [tilespmem:s9], [sflag:$0x1], $0x80, s12, s10, $0xb8;
	[tilespmem:$0x1B500] =	vst v63  }
0x9c: {  	_ =	swait.ge [sflag:s8], $0x2000  }
0x9d: {  	[sflag:s8] =	ssyncset.done $0x0  }
0x9e: {  	[sflag:s8] =	ssyncadd.s32 $0xFFFFE000  }
0x9f: {  	v63 =	vld [tilespmem:$0x16300]  }
0xa0: {  	v1 =	vld [tilespmem:$0x18A80];
	_ =	sdelay $0x3  }
0xa1: {  	s25 =	simm.s32 $0x10;
	[tilespmem:$0x1AC80] =	vst v63  }
0xa2: {  	s26 =	simm.s32 $0x1AC80;
	s28 =	simm.s32 $0x1AD00;
	s29 =	simm.s32 $0x1;
	[tilespmem:$0x1AC00] =	vst v1  }
0xa3: {  	[tilespmem:s28], [sflag:$0x1] =	stream.indirect.gather [hbm4b:s7+s25], $0x80, s26, s25, $0xb8;
	[tilespmem:$0x1B500] =	vst v63  }
0xa4: {  	_ =	swait.ge [sflag:s29], $0x800  }
0xa5: {  	[sflag:s29] =	ssyncset.done $0x0  }
0xa6: {  	s30 =	simm.s32 $0x1AC00;
	[sflag:s29] =	ssyncadd.s32 $0xFFFFF800  }
0xa7: {  	[spmem:s2] =	stream.indirect.scatter.add.f32 [tilespmem:s28], [sflag:$0x1], $0x80, s30, s25, $0xb8;
	[tilespmem:$0x1B500] =	vst v63  }
0xa8: {  	_ =	swait.ge [sflag:s29], $0x800  }
0xa9: {  	[sflag:s29] =	ssyncset.done $0x0  }
0xaa: {  	s31 =	sshll.u32 s1, $0x6;
	[sflag:s29] =	ssyncadd.s32 $0xFFFFF800  }
0xab: {  	s5 =	sshrl.u32 s5, $0x3;
	s2 =	sor.u32 $0x1C01, s31;
	[bflag:$0x0] =	sbarrier.arrive $0xFFFF  }
0xac: {  	[hbm:s6], [sflag:s2] =	dma.local [spmem:s5], $0x2700  }
0xad: {  	_ =	swait.ge [sflag:s29], $0x2700  }
0xae: {  	p0 =	sne.s32 s1, $0xF;
	[sflag:s29] =	ssyncset.done $0x0  }
0xaf: {  	s3 =	sshrl.u32 @!p0 s3, $0x3;
	[sflag:s29] =	ssyncadd.s32 $0xFFFFD900  }
0xb0: {  	[hbm:s4], [sflag:s2] =	dma.local @!p0 [spmem:s3], $0x100  }
0xb1: {  	s2 =	simm.s32 @!p0 $0x1  }
0xb2: {  	_ =	swait.ge @!p0 [sflag:s2], $0x100  }
0xb3: {  	[sflag:s2] =	ssyncset.done @!p0 $0x0  }
0xb4: {  	[sflag:s2] =	ssyncadd.s32 @!p0 $0xFFFFFF00  }
.LBB2_6:
0xb5: {  	_ =	sfence.sel $0x180000  }
0xb6: {  	[bflag:$0x0] =	sbarrier.arrive $0xFFFF  }
0xb7: {  	p0 =	sne.s32 s1, $0x0;
	_ =	strace $0x9000004D  }
0xb8: {  	s0 =	sadd.s32 @!p0 $0x100000, s0;
	[bflag:$0x2] =	sbarrier.arrive $0xFFFF  }
0xb9: {  	[sflag:s0] =	ssyncadd.tile.s32 @!p0 $0x1;
	_ =	shalt  }
.Lfunc_end2:
_tile_overlayer_lowered:
.L_overlay_start_2:
0xba: {  	(tag) =	ssettag $0x2  }
0xbb: {  	s0 =	rddreg [dreg:$0x0];
	s2 =	stileid.u32  }
0xbc: {  	s1 =	rddreg [dreg:$0x1];
	p0 =	sne.s32 s2, $0x0  }
0xbd: {  	s3 =	rddreg [dreg:$0x2];
	[bflag:$0x3] =	sbarrier.arrive $0xFFFF;
	s2 =	simm.s32 @!p0 $0x1C01  }
0xbe: {  	[timem:s3], [sflag:s2] =	dma.local @!p0 [hbm:s0], s1  }
0xbf: {  	s0 =	simm.s32 @!p0 $0x1  }
0xc0: {  	_ =	swait.ge @!p0 [sflag:s0], s1  }
0xc1: {  	s1 =	ssub.s32 @!p0 $0x0, s1;
	[sflag:s0] =	ssyncset.done @!p0 $0x0  }
0xc2: {  	[sflag:s0] =	ssyncadd.s32 @!p0 s1  }
0xc3: {  	[bflag:$0x3] =	sbarrier.arrive $0xFFFF  }
0xc4: {  	_ =	shalt  }

// kernel: sc_agg_cnt.3.cloned.1.call-start
scs
__scs_entry_jumppad:
0x0: {  	(pc) =	sbr.rel $0x88, $3  }
0x1: {  	(tag) =	ssettag $0x0;
	lr =	simm.s32 $0x1  }
0x2: {  	[smem:$0x3F90] =	sst lr;
	_ =	strace $0xD0000000  }
0x3: {  	_ = 	snop  }
0x4: {  	_ = 	snop  }
0x5: {  	_ = 	snop  }
0x6: {  	_ = 	snop  }
0x7: {  	_ = 	snop  }
__scs_overlays_trampoline_lowered:
0x8: {  	[smem:$0x3F9F] =	sst s0  }
0x9: {  	[smem:$0x3FA0] =	sst s1  }
0xa: {  	[smem:$0x3FA1] =	sst s2  }
0xb: {  	[smem:$0x3FA2] =	sst s3  }
0xc: {  	[smem:$0x3FA3] =	sst s4  }
0xd: {  	[smem:$0x3FA4] =	sst s5  }
0xe: {  	[smem:$0x3FA5] =	sst s6  }
0xf: {  	[smem:$0x3FA6] =	sst s7  }
0x10: {  	[smem:$0x3FA7] =	sst s8  }
0x11: {  	[smem:$0x3FA8] =	sst s9;
	s0 =	simm.s32 @!p0 $0x0  }
0x12: {  	s1 =	sld [smem:$0x3F8E];
	s0 =	simm.s32 @p0 $0x1  }
0x13: {  	[smem:$0x3FA9] =	sst s0;
	s0 =	simm.s32 @!p1 $0x0  }
0x14: {  	s2 =	sld [smem:$0x3F8D];
	s0 =	simm.s32 @p1 $0x1  }
0x15: {  	[smem:$0x3FAA] =	sst s0;
	s0 =	simm.s32 @!p2 $0x0  }
0x16: {  	s3 =	sld [smem:$0x3FDB];
	s0 =	simm.s32 @p2 $0x1  }
0x17: {  	s4 =	simm.s32 $0x1BF5;
	[smem:$0x3FAC] =	sst s0  }
0x18: {  	s0 =	sld [smem:$0x3F8F];
	_ =	swait.ge [sflag:s4], $0x0  }
0x19: {  	s7 =	sld [smem:$0x3F90]  }
0x1a: {  	s8 =	sadd.s32 $0xFFFFE003, lr  }
0x1b: {  	s9 =	sadd.s32 $0xFFFFFEF7, lr;
	s5 =	simm.s32 $0xFFFFFFFF;
	p2 =	slt.u32 s8, $0xFFFFF086  }
0x1c: {  	p1 =	slt.u32 s9, $0xF7A;
	s5 =	simm.s32 @!p2 $0x0  }
0x1d: {  	s5 =	simm.s32 @p1 $0x1;
	p0 =	seq.s32 s7, s2  }
0x1e: {  	s7 =	smul.u32 @!p0 $0xF7A, s2;
	p2 =	seq.s32 @!p0 s5, $0x0  }
0x1f: {  	s9 =	smul.u32 $0xF7A, s1;
	s8 =	simm.s32 @!p0 $0x1BF5;
	p2 =	por !p2, p0  }
0x20: {  	[sflag:s8] =	ssyncset.s32 @!p0 $0xFFFFF086;
	s6 =	sadd.s32 @!p0 s3, s7;
	s7 =	simm.s32 @!p0 $0x108  }
0x21: {  	s3 =	sadd.s32 s3, s9;
	s6 =	sadd.s32 @!p0 $0x88, s6;
	s7 =	simm.s32 @p2 $0x1082  }
0x22: {  	[simem:s7], [sflag:s8] =	dma.local @!p0 [hbm:s6], $0xF7A  }
0x23: {  	s9 =	sor.u32 $0xD0000000, s2;
	s6 =	simm.s32 $0x108;
	_ =	swait.ge @!p0 [sflag:s8], $0x0  }
0x24: {  	s3 =	sadd.s32 $0x88, s3;
	s6 =	simm.s32 @!p1 $0x1082;
	[sflag:s4] =	ssyncset.s32 $0xFFFFF086  }
0x25: {  	[simem:s6], [sflag:s4] =	dma.local [hbm:s3], $0xF7A  }
0x26: {  	[smem:$0x3F90] =	sst s1;
	(tag) =	ssettag s2;
	_ =	strace s9  }
0x27: {  	s1 =	sld [smem:$0x3FA0]  }
0x28: {  	s2 =	sld [smem:$0x3FA1]  }
0x29: {  	s4 =	sld [smem:$0x3FA3]  }
0x2a: {  	p0 =	seq.s32 s5, $0x0;
	s5 =	sld [smem:$0x3FA4]  }
0x2b: {  	s6 =	sld [smem:$0x3FA5]  }
0x2c: {  	s7 =	sld [smem:$0x3FA6]  }
0x2d: {  	s3 =	simm.s32 $0x108;
	s8 =	sld [smem:$0x3FA7]  }
0x2e: {  	s3 =	simm.s32 @!p0 $0x1082;
	s9 =	sld [smem:$0x3FA8]  }
0x2f: {  	lr =	sadd.s32 s0, s3;
	s0 =	sld [smem:$0x3F9F]  }
0x30: {  	s3 =	sld [smem:$0x3FA2]  }
0x31: {  	[smem:$0x3FAB] =	sst s10  }
0x32: {  	s10 =	sld [smem:$0x3FA9];
	_ =	sdelay $0x3  }
0x33: {  	p0 =	seq.s32 s10, $0x1;
	s10 =	sld [smem:$0x3FAB];
	_ =	sdelay $0x3  }
0x34: {  	[smem:$0x3FAB] =	sst s10  }
0x35: {  	s10 =	sld [smem:$0x3FAA];
	_ =	sdelay $0x3  }
0x36: {  	p1 =	seq.s32 s10, $0x1;
	s10 =	sld [smem:$0x3FAB];
	_ =	sdelay $0x3  }
0x37: {  	[smem:$0x3FAB] =	sst s10  }
0x38: {  	s10 =	sld [smem:$0x3FAC]  }
0x39: {  	_ = 	snop;
	(pc) =	sbr.ind lr, $3  }
0x3a: {  	_ = 	snop  }
0x3b: {  	_ = 	snop  }
0x3c: {  	p2 =	seq.s32 s10, $0x1;
	s10 =	sld [smem:$0x3FAB]  }
0x3d: {  	_ =	shalt  }
0x3e: {  	_ =	shalt  }
0x3f: {  	_ =	shalt  }
0x40: {  	_ =	shalt  }
0x41: {  	_ =	shalt  }
0x42: {  	_ =	shalt  }
0x43: {  	_ =	shalt  }
0x44: {  	_ =	shalt  }
0x45: {  	_ =	shalt  }
0x46: {  	_ =	shalt  }
0x47: {  	_ =	shalt  }
0x48: {  	_ =	shalt  }
0x49: {  	_ =	shalt  }
0x4a: {  	_ =	shalt  }
0x4b: {  	_ =	shalt  }
0x4c: {  	_ =	shalt  }
0x4d: {  	_ =	shalt  }
0x4e: {  	_ =	shalt  }
0x4f: {  	_ =	shalt  }
0x50: {  	_ =	shalt  }
0x51: {  	_ =	shalt  }
0x52: {  	_ =	shalt  }
0x53: {  	_ =	shalt  }
0x54: {  	_ =	shalt  }
0x55: {  	_ =	shalt  }
0x56: {  	_ =	shalt  }
0x57: {  	_ =	shalt  }
0x58: {  	_ =	shalt  }
0x59: {  	_ =	shalt  }
0x5a: {  	_ =	shalt  }
0x5b: {  	_ =	shalt  }
0x5c: {  	_ =	shalt  }
0x5d: {  	_ =	shalt  }
0x5e: {  	_ =	shalt  }
0x5f: {  	_ =	shalt  }
0x60: {  	_ =	shalt  }
0x61: {  	_ =	shalt  }
0x62: {  	_ =	shalt  }
0x63: {  	_ =	shalt  }
0x64: {  	_ =	shalt  }
0x65: {  	_ =	shalt  }
0x66: {  	_ =	shalt  }
0x67: {  	_ =	shalt  }
0x68: {  	_ =	shalt  }
0x69: {  	_ =	shalt  }
0x6a: {  	_ =	shalt  }
0x6b: {  	_ =	shalt  }
0x6c: {  	_ =	shalt  }
0x6d: {  	_ =	shalt  }
0x6e: {  	_ =	shalt  }
0x6f: {  	_ =	shalt  }
0x70: {  	_ =	shalt  }
0x71: {  	_ =	shalt  }
0x72: {  	_ =	shalt  }
0x73: {  	_ =	shalt  }
0x74: {  	_ =	shalt  }
0x75: {  	_ =	shalt  }
0x76: {  	_ =	shalt  }
0x77: {  	_ =	shalt  }
0x78: {  	_ =	shalt  }
0x79: {  	_ =	shalt  }
0x7a: {  	_ =	shalt  }
0x7b: {  	_ =	shalt  }
0x7c: {  	_ =	shalt  }
0x7d: {  	_ =	shalt  }
0x7e: {  	_ =	shalt  }
0x7f: {  	_ =	shalt  }
0x80: {  	_ =	shalt  }
0x81: {  	_ =	shalt  }
0x82: {  	_ =	shalt  }
0x83: {  	_ =	shalt  }
0x84: {  	_ =	shalt  }
0x85: {  	_ =	shalt  }
0x86: {  	_ =	shalt  }
0x87: {  	_ =	shalt  }
.Lfunc_end0:
.L_simem_size_0:
called_computation_lowered:
.L_overlay_start_0:
0x88: {  	s2 =	sld [smem:$0x3FD9]  }
0x89: {  	s3 =	sld [smem:$0x3FFE];
	_ =	sdelay $0x1  }
0x8a: {  	s1 =	srdreg.scid  }
0x8b: {  	s0 =	sand.u32 $0x1, s1  }
0x8c: {  	s17 =	sshll.u32 s0, $0xA;
	s2 =	sadd.s32 s3, s2  }
0x8d: {  	s2 =	sadd.s32 s2, s17  }
0x8e: {  	[smem:$0x3FB7] =	sst s2  }
0x8f: {  	_ = 	snop  }
0x90: {  	s2 =	sld [smem:$0x3FD0];
	(tm) =	ssettm $0x1  }
0x91: {  	s18 =	sld [smem:$0x3FFB];
	_ =	sdelay $0x3  }
0x92: {  	_ =	strace s18  }
0x93: {  	s3 =	sld [smem:$0x3FFC];
	_ =	sdelay $0x3  }
0x94: {  	_ =	strace s3  }
0x95: {  	s3 =	sld [smem:$0x3FFD];
	_ =	sdelay $0x3  }
0x96: {  	_ =	strace s3  }
0x97: {  	_ =	strace $0x8FFFFFFF  }
0x98: {  	s19 =	sld [smem:$0x3FDB];
	_ =	sdelay $0x1  }
0x99: {  	s4 =	simm.s32 $_scs_section_size  }
0x9a: {  	s5 =	simm.s32 $_size__tile_overlayer_lowered;
	s6 =	simm.s32 $_tile_overlayer_lowered  }
0x9b: {  	s22 =	simm.s32 $0x1BFF;
	s21 =	sshll.u32 s6, $0x1;
	s3 =	sadd.s32 s4, s19  }
0x9c: {  	s7 =	simm.s32 $0x0;
	s20 =	sshll.u32 s5, $0x1;
	s5 =	sadd.s32 s21, s3  }
0x9d: {  	[timem:s7], [sflag:s22] =	dma.local [hbm:s5], s20  }
0x9e: {  	_ =	swait.ge [sflag:s22], s20  }
0x9f: {  	s4 =	ssub.s32 $0x0, s20;
	[sflag:s22] =	ssyncset.done $0x0  }
0xa0: {  	[sflag:s22] =	ssyncadd.s32 s4;
	_ =	sdelay $0x1  }
0xa1: {  	s23 =	simm.s32 $0x1B8B  }
0xa2: {  	_ =	swait.ge [sflag:s23], $0x1  }
0xa3: {  	[sflag:s23] =	ssyncset.done $0x0  }
0xa4: {  	s25 =	simm.s32 $0x1B8E;
	s24 =	sld [smem:$0x3FFE];
	[sflag:s23] =	ssyncadd.s32 $0xFFFFFFFF  }
0xa5: {  	s26 =	simm.s32 $execute0_lowered;
	[smem:$0x3FD2] =	sst s25  }
0xa6: {  	s5 =	sshll.u32 s26, $0x1;
	_ =	strace $0x80000046;
	[dreg:$0x1] =	wrdreg $0xFFFFFFFF  }
0xa7: {  	s28 =	simm.s32 $_size_execute0_lowered;
	s3 =	sadd.s32 s3, s5;
	[dreg:$0x0] =	wrdreg $0x0  }
0xa8: {  	s5 =	sshll.u32 s28, $0x1;
	[dreg:$0x2] =	wrdreg s3  }
0xa9: {  	[dreg:$0x3] =	wrdreg s5  }
0xaa: {  	[dreg:$0x4] =	wrdreg $0xC0  }
0xab: {  	_ =	task [dreg:s7], $0x5FFFF  }
0xac: {  	[dreg:$0x1] =	wrdreg $0xFFFFFFFF  }
0xad: {  	[dreg:$0x0] =	wrdreg $0x60  }
0xae: {  	[dreg:$0x2] =	wrdreg s24  }
0xaf: {  	[dreg:$0x3] =	wrdreg s2  }
0xb0: {  	[dreg:$0x4] =	wrdreg $0x0  }
0xb1: {  	[dreg:$0x5] =	wrdreg $0x13C000  }
0xb2: {  	[dreg:$0x6] =	wrdreg $0x9  }
0xb3: {  	_ =	task.clear_ibuf [dreg:s7], $0x7FFFF;
	_ =	strace $0x90000046  }
0xb4: {  	s29 =	simm.s32 $0x9;
	_ =	strace $0x80000048  }
0xb5: {  	_ =	swait.ge [sflag:s29], $0x1  }
0xb6: {  	[sflag:s29] =	ssyncadd.s32 $0xFFFFFFFF  }
0xb7: {  	_ =	strace $0x90000048  }
0xb8: {  	_ =	sfence  }
0xb9: {  	s30 =	sld [smem:$0x0];
	_ =	sdelay $0x2  }
0xba: {  	s31 =	sshll.u32 s1, $0xD;
	s1 =	sshrl.u32 s1, $0x2  }
0xbb: {  	s3 =	sand.u32 $0x4000, s31;
	s1 =	sadd.s32 s1, s30  }
0xbc: {  	s0 =	sor.u32 s3, s0;
	s1 =	sshll.u32 s1, $0x11  }
0xbd: {  	s0 =	sor.u32 s1, s0  }
0xbe: {  	s0 =	sadd.s32 $0x8F2B, s0  }
0xbf: {  	[sflag:s0] =	ssyncadd.remote.s32 $0x1  }
0xc0: {  	_ =	sfence.sel $0xFFFF  }
0xc1: {  	[dreg:$0x0] =	wrdreg $0xFFFFFFFF;
	(pc) =	sbr.abs _section_cstart, $3  }
0xc2: {  	[dreg:$0x1] =	wrdreg $0xFFFFFFFF  }
0xc3: {  	_ =	task.clear_ibuf [dreg:s7], $0x2FFFF;
	_ =	strace $0x9FFFFFFF  }
0xc4: {  	(tm) =	ssettm $0x7FFFFFFF  }
0xc5: {  	_ =	shalt  }
tec
execute0_lowered:
.L_overlay_start_1:
0x0: {  	(tag) =	ssettag $0x1  }
0x1: {  	s2 =	stileid.u32  }
0x2: {  	s0 =	rddreg [dreg:$0x0];
	s24 =	smul.u32 $0x4E2, s2  }
0x3: {  	s3 =	rddreg [dreg:$0x2];
	s5 =	smul.u32 $0x1400, s2  }
0x4: {  	s4 =	rddreg [dreg:$0x3];
	s7 =	smul.u32 $0x2700, s2  }
0x5: {  	s1 =	simm.s32 $0x0;
	s8 =	srdreg.scid;
	s10 =	smul.u32 $0x4F000, s2  }
0x6: {  	[smem:$0x7FF] =	sst s1;
	s6 =	sadd.s32 $0xC000, s0;
	s13 =	smul.u32 $0x4E000, s2  }
0x7: {  	s8 =	sand.u32 $0x1, s8;
	s15 =	smul.u32 $0x5000, s2;
	p1 =	sne.s32 s2, $0xF  }
0x8: {  	_ =	strace $0x80000047;
	s25 =	ssub.s32 $0x2, s8;
	p0 =	seq.s32 s8, $0x1  }
0x9: {  	s8 =	sadd.s32 $0x138000, s3;
	s1 =	sadd.s32 s24, s0;
	s9 =	sshrl.u32 s5, $0x3  }
0xa: {  	s11 =	sadd.s32 s7, s0;
	s26 =	sshrl.u32 s25, $0x1;
	s10 =	sshrl.u32 s10, $0x2  }
0xb: {  	s13 =	sshrl.u32 s13, $0x2;
	s18 =	sshrl.u32 s15, $0x2;
	s20 =	sadd.s32 s5, s4  }
0xc: {  	s5 =	simm.s32 $0x19F00;
	s12 =	sadd.s32 s9, s0;
	s14 =	ssub.s32 s25, s26  }
0xd: {  	s7 =	sadd.s32 s10, s3;
	s9 =	sadd.s32 $0x7000, s1;
	s16 =	sadd.s32 s13, s3  }
0xe: {  	s17 =	sadd.s32 $0x33200, s11;
	s0 =	sadd.s32 $0x5A200, s0;
	s13 =	sadd.s32 s18, s4  }
0xf: {  	s11 =	simm.s32 $0x1E900;
	s18 =	simm.s32 $0x0;
	[dreg:$0x6] =	wrdreg s17  }
0x10: {  	s10 =	sadd.s32 $0x12000, s7;
	[dreg:$0x7] =	wrdreg s0;
	s19 =	sadd.s32 $0x5A400, s12  }
0x11: {  	s15 =	smax.u32 s14, $0x1;
	s21 =	sadd.s32 $0x2000, s7;
	[dreg:$0x5] =	wrdreg s10  }
0x12: {  	s22 =	sadd.s32 $0x4000, s7;
	s23 =	sadd.s32 $0x6000, s7;
	[dreg:$0x8] =	wrdreg s19  }
0x13: {  	s24 =	sadd.s32 $0x8000, s7;
	s25 =	sadd.s32 $0xA000, s7;
	[dreg:$0x9] =	wrdreg s21  }
0x14: {  	s26 =	sadd.s32 $0xC000, s7;
	s28 =	sadd.s32 $0x400, s13;
	[dreg:$0xa] =	wrdreg s22  }
0x15: {  	s29 =	sadd.s32 $0x800, s13;
	s30 =	sadd.s32 $0xC00, s13;
	[dreg:$0xb] =	wrdreg s23  }
0x16: {  	s31 =	sadd.s32 $0x1000, s13;
	s0 =	simm.s32 $0x15000;
	[dreg:$0xc] =	wrdreg s24  }
.Ltmp0:
0x17: {  	s12 =	simm.s32 $0x10;
	[dreg:$0xd] =	wrdreg s25;
	(pc) =	sbr.rel .LBB2_1-.Ltmp0, $4  }
0x18: {  	s14 =	simm.s32 $0x1A000;
	s10 =	sadd.s32 $0x2000, s1;
	[dreg:$0xe] =	wrdreg s26  }
0x19: {  	s22 =	sadd.s32 $0xE000, s7;
	s23 =	sshrl.u32 s20, $0x3;
	s24 =	sshrl.u32 s16, $0x3  }
0x1a: {  	s25 =	sshrl.u32 @!p1 s8, $0x3;
	s26 =	sadd.s32 $0x10000, s7;
	s1 =	simm.s32 $0x1  }
0x1b: {  	v0 =	vimm.s32 $0x0;
	v1 =	vimm.f32 $0.0e+00;
	s21 =	simm.s32 $0x17780;
	s8 =	simm.s32 $0x80;
	s16 =	simm.s32 $0x19F80  }
.LBB2_6:
0x1c: {  	s17 =	sshra.s32 s17, $0x2;
	[sflag:s1] =	ssyncadd.s32 $0xFFFFC000  }
0x1d: {  	v2 =	vld [tilespmem:s17+$0x15000];
	_ =	sdelay $0x4  }
0x1e: {  	[tilespmem:$0x19F80] =	vst v2  }
0x1f: {  	v2 =	vld [tilespmem:s17+$0x17780];
	_ =	sdelay $0x4  }
0x20: {  	[tilespmem:$0x19F00] =	vst v2  }
0x21: {  	v2 =	vld [tilespmem:s17+$0x15010];
	_ =	sdelay $0x4  }
0x22: {  	[tilespmem:$0x19F90] =	vst v2  }
0x23: {  	v2 =	vld [tilespmem:s17+$0x17790];
	_ =	sdelay $0x4  }
0x24: {  	[tilespmem:$0x19F10] =	vst v2  }
0x25: {  	v2 =	vld [tilespmem:s17+$0x15020];
	_ =	sdelay $0x4  }
0x26: {  	[tilespmem:$0x19FA0] =	vst v2  }
0x27: {  	v2 =	vld [tilespmem:s17+$0x177A0];
	_ =	sdelay $0x4  }
0x28: {  	[tilespmem:$0x19F20] =	vst v2  }
0x29: {  	v2 =	vld [tilespmem:s17+$0x15030];
	_ =	sdelay $0x4  }
0x2a: {  	[tilespmem:$0x19FB0] =	vst v2  }
0x2b: {  	v2 =	vld [tilespmem:s17+$0x177B0];
	_ =	sdelay $0x4  }
0x2c: {  	[tilespmem:$0x19F30] =	vst v2  }
0x2d: {  	v2 =	vld [tilespmem:s17+$0x15040];
	_ =	sdelay $0x4  }
0x2e: {  	[tilespmem:$0x19FC0] =	vst v2  }
0x2f: {  	v2 =	vld [tilespmem:s17+$0x177C0];
	_ =	sdelay $0x4  }
0x30: {  	[tilespmem:$0x19F40] =	vst v2  }
0x31: {  	v2 =	vld [tilespmem:s17+$0x15050];
	_ =	sdelay $0x4  }
0x32: {  	[tilespmem:$0x19FD0] =	vst v2  }
0x33: {  	v2 =	vld [tilespmem:s17+$0x177D0];
	_ =	sdelay $0x4  }
0x34: {  	[tilespmem:$0x19F50] =	vst v2  }
0x35: {  	v2 =	vld [tilespmem:s17+$0x15060];
	_ =	sdelay $0x4  }
0x36: {  	[tilespmem:$0x19FE0] =	vst v2  }
0x37: {  	v2 =	vld [tilespmem:s17+$0x177E0];
	_ =	sdelay $0x4  }
0x38: {  	[tilespmem:$0x19F60] =	vst v2  }
0x39: {  	v2 =	vld [tilespmem:s17+$0x15070];
	_ =	sdelay $0x4  }
0x3a: {  	[tilespmem:$0x19FF0] =	vst v2  }
0x3b: {  	v2 =	vld [tilespmem:s17+$0x177F0];
	_ =	sdelay $0x4  }
0x3c: {  	[tilespmem:$0x19F70] =	vst v2  }
0x3d: {  	[tilespmem:s14], [sflag:$0x1] =	stream.indirect.gather [hbm4b:s6+s8], $0x80, s16, s8, $0xb8;
	[tilespmem:$0x1EE00] =	vst v63  }
0x3e: {  	_ =	swait.ge [sflag:s1], $0x4000  }
0x3f: {  	[sflag:s1] =	ssyncset.done $0x0  }
0x40: {  	[sflag:s1] =	ssyncadd.s32 $0xFFFFC000  }
0x41: {  	[spmem:s3] =	stream.indirect.scatter.add.f32 [tilespmem:s14], [sflag:$0x1], $0x80, s5, s8, $0xb8;
	[tilespmem:$0x1EE00] =	vst v63  }
0x42: {  	_ =	swait.ge [sflag:s1], $0x4000  }
0x43: {  	[sflag:s1] =	ssyncset.done $0x0  }
0x44: {  	[sflag:s1] =	ssyncadd.s32 $0xFFFFC000  }
0x45: {  	v2 =	vld [tilespmem:$0x17700]  }
0x46: {  	v3 =	vld [tilespmem:$0x19E80];
	_ =	sdelay $0x3  }
0x47: {  	[tilespmem:$0x1E080] =	vst v2  }
0x48: {  	s20 =	simm.s32 $0x1E080;
	s19 =	simm.s32 $0x1E100;
	[tilespmem:$0x1E000] =	vst v3  }
0x49: {  	[tilespmem:s19], [sflag:$0x1] =	stream.indirect.gather [hbm4b:s6+s12], $0x80, s20, s12, $0xb8;
	[tilespmem:$0x1EE00] =	vst v63  }
0x4a: {  	_ =	swait.ge [sflag:s1], $0x800  }
0x4b: {  	[sflag:s1] =	ssyncset.done $0x0  }
0x4c: {  	s21 =	simm.s32 $0x1E000;
	[sflag:s1] =	ssyncadd.s32 $0xFFFFF800  }
0x4d: {  	[spmem:s3] =	stream.indirect.scatter.add.f32 [tilespmem:s19], [sflag:$0x1], $0x80, s21, s12, $0xb8;
	[tilespmem:$0x1EE00] =	vst v63  }
0x4e: {  	_ =	swait.ge [sflag:s1], $0x800  }
0x4f: {  	[sflag:s1] =	ssyncset.done $0x0  }
0x50: {  	[sflag:s1] =	ssyncadd.s32 $0xFFFFF800  }
0x51: {  	s20 =	sshll.u32 s2, $0x6;
	[bflag:$0x0] =	sbarrier.arrive $0xFFFF  }
0x52: {  	s17 =	sor.u32 $0x1C01, s20;
	s21 =	rddreg [dreg:$0x6]  }
0x53: {  	[hbm:s21], [sflag:s17] =	dma.local [spmem:s24], $0x2700  }
0x54: {  	_ =	swait.ge [sflag:s1], $0x2700  }
0x55: {  	[sflag:s1] =	ssyncset.done $0x0  }
0x56: {  	s19 =	rddreg [dreg:$0x7];
	[sflag:s1] =	ssyncadd.s32 $0xFFFFD900  }
0x57: {  	[hbm:s19], [sflag:s17] =	dma.local @!p1 [spmem:s25], $0x100  }
0x58: {  	s17 =	simm.s32 @!p1 $0x1  }
0x59: {  	_ =	swait.ge @!p1 [sflag:s17], $0x100  }
0x5a: {  	[sflag:s17] =	ssyncset.done @!p1 $0x0  }
0x5b: {  	s21 =	simm.s32 $0x17780;
	[sflag:s17] =	ssyncadd.s32 @!p1 $0xFFFFFF00  }
.LBB2_12:
0x5c: {  	s18 =	sadd.s32 $0x1, s18  }
0x5d: {  	p2 =	sne.s32 s18, s15  }
.Ltmp1:
0x5e: {  	_ = 	snop;
	(pc) =	sbr.rel @!p2 .LBB2_13-.Ltmp1, $1  }
0x5f: {  	_ =	sdelay $0x3  }
.LBB2_1:
.Ltmp2:
0x60: {  	(pc) =	sbr.rel @!p0 .LBB2_2-.Ltmp2, $1  }
0x61: {  	_ =	sdelay $0x3  }
0x62: {  	s17 =	simm.s32 $0x0;
	s19 =	rddreg [dreg:$0x1];
	s20 =	simm.s32 $0x1EA00  }
0x63: {  	[tilespmem:s20], [sflag:$0x1] =	stream.linear.gather [hbm4b:s19+s17], $0x400, $0x38;
	[tilespmem:$0x1EE00] =	vst v63  }
0x64: {  	_ =	swait.ge [sflag:s1], $0x400  }
0x65: {  	[sflag:s1] =	ssyncset.done $0x0  }
0x66: {  	s17 =	simm.s32 $0x40;
	s19 =	simm.s32 $0x0;
	[sflag:s1] =	ssyncadd.s32 $0xFFFFFC00  }
.LBB2_8:
0x67: {  	p2 =	sne.s32 s17, $0xFC0;
	[tilespmem:s19+$0x15000] =	vst v0;
	s19 =	smov.u32 s17;
	s17 =	sadd.s32 $0x40, s17  }
.Ltmp3:
0x68: {  	(pc) =	sbr.rel @p2 .LBB2_8-.Ltmp3, $2  }
0x69: {  	_ =	sdelay $0x2  }
0x6a: {  	s19 =	sshra.s32 s19, $0x2  }
0x6b: {  	[tilespmem:s19+$0x15000] =	vst v0  }
0x6c: {  	[spmem:s13] =	stream.linear.scatter [tilespmem:s0], [sflag:$0x1], $0x400, $0x38;
	[tilespmem:$0x1EE00] =	vst v63  }
0x6d: {  	_ =	swait.ge [sflag:s1], $0x400  }
0x6e: {  	[sflag:s1] =	ssyncset.done $0x0  }
0x6f: {  	[sflag:s1] =	ssyncadd.s32 $0xFFFFFC00  }
0x70: {  	[spmem:s28] =	stream.linear.scatter [tilespmem:s0], [sflag:$0x1], $0x400, $0x38;
	[tilespmem:$0x1EE00] =	vst v63  }
0x71: {  	_ =	swait.ge [sflag:s1], $0x400  }
0x72: {  	[sflag:s1] =	ssyncset.done $0x0  }
0x73: {  	[sflag:s1] =	ssyncadd.s32 $0xFFFFFC00  }
0x74: {  	[spmem:s29] =	stream.linear.scatter [tilespmem:s0], [sflag:$0x1], $0x400, $0x38;
	[tilespmem:$0x1EE00] =	vst v63  }
0x75: {  	_ =	swait.ge [sflag:s1], $0x400  }
0x76: {  	[sflag:s1] =	ssyncset.done $0x0  }
0x77: {  	[sflag:s1] =	ssyncadd.s32 $0xFFFFFC00  }
0x78: {  	[spmem:s30] =	stream.linear.scatter [tilespmem:s0], [sflag:$0x1], $0x400, $0x38;
	[tilespmem:$0x1EE00] =	vst v63  }
0x79: {  	_ =	swait.ge [sflag:s1], $0x400  }
0x7a: {  	[sflag:s1] =	ssyncset.done $0x0  }
0x7b: {  	[sflag:s1] =	ssyncadd.s32 $0xFFFFFC00  }
0x7c: {  	[spmem:s31] =	stream.linear.scatter [tilespmem:s0], [sflag:$0x1], $0x400, $0x38;
	[tilespmem:$0x1EE00] =	vst v63  }
0x7d: {  	_ =	swait.ge [sflag:s1], $0x400  }
0x7e: {  	[sflag:s1] =	ssyncset.done $0x0  }
0x7f: {  	s19 =	simm.s32 $0x0;
	[sflag:s1] =	ssyncadd.s32 $0xFFFFFC00  }
0x80: {  	[tilespmem:s0], [sflag:$0x1] =	stream.linear.gather [hbm4b:s9+s19], $0x2710, $0x38;
	[tilespmem:$0x1EE00] =	vst v63  }
0x81: {  	_ =	swait.ge [sflag:s1], $0x2710  }
0x82: {  	[sflag:s1] =	ssyncset.done $0x0  }
0x83: {  	[sflag:s1] =	ssyncadd.s32 $0xFFFFD8F0  }
0x84: {  	[tilespmem:s21], [sflag:$0x1] =	stream.linear.gather [hbm4b:s10+s19], $0x2710, $0x38;
	[tilespmem:$0x1EE00] =	vst v63  }
0x85: {  	_ =	swait.ge [sflag:s1], $0x2710  }
0x86: {  	[sflag:s1] =	ssyncset.done $0x0  }
0x87: {  	[sflag:s1] =	ssyncadd.s32 $0xFFFFD8F0  }
0x88: {  	[bflag:$0x0] =	sbarrier.arrive $0xFFFF  }
.LBB2_10:
0x89: {  	v3 =	vld [tilespmem:$0x1EA00]  }
0x8a: {  	v4 =	vld [tilespmem:$0x1EA80]  }
0x8b: {  	v5 =	vld [tilespmem:$0x1EB00]  }
0x8c: {  	v6 =	vld [tilespmem:$0x1EB80]  }
0x8d: {  	s17 =	sshra.s32 s19, $0x2;
	v7 =	vld [tilespmem:$0x1EC00]  }
0x8e: {  	v2 =	vld [tilespmem:s17+$0x15000]  }
0x8f: {  	v19 =	vld [tilespmem:$0x1ED00]  }
0x90: {  	v21 =	vld [tilespmem:$0x1ED80];
	_ =	sdelay $0x2  }
0x91: {  	vm0 =	veq.s32 v2, v3;
	vm10 =	veq.s32 v2, v4  }
0x92: {  	v3 =	vld [tilespmem:$0x1EC80];
	vm1 =	veq.s32 v2, v5;
	vm11 =	veq.s32 v2, v6;
	vm12 =	veq.s32 v2, v7  }
0x93: {  	vm2 =	veq.s32 v2, v19;
	vm3 =	veq.s32 v2, v21;
	v8 =	vsel vm0, $0x1, v0  }
0x94: {  	v20 =	vsel vm10, $0x1, v0;
	v9 =	vsel vm1, $0x2, v0;
	v22 =	vsel vm11, $0x3, v0  }
0x95: {  	v23 =	vsel vm1, $0x1, v0;
	v24 =	vsel vm11, $0x1, v0;
	v27 =	vsel vm2, $0x6, v0  }
0x96: {  	v28 =	vsel vm3, $0x7, v0;
	v8 =	vadd.s32 v8, v20;
	v5 =	vor.u32 v20, v9  }
0x97: {  	v5 =	vadd.s32 v22, v5;
	vm13 =	veq.s32 v2, v3;
	v3 =	vsel vm12, $0x4, v0  }
0x98: {  	v2 =	vadd.s32 v23, v8;
	v3 =	vadd.s32 v3, v5;
	v25 =	vsel vm13, $0x5, v0  }
0x99: {  	v26 =	vld [tilespmem:s17+$0x17780];
	v29 =	vsel vm12, $0x1, v0;
	v2 =	vadd.s32 v24, v2;
	v3 =	vadd.s32 v25, v3  }
0x9a: {  	v30 =	vsel vm13, $0x1, v0;
	v2 =	vadd.s32 v29, v2;
	v3 =	vadd.s32 v27, v3  }
0x9b: {  	v33 =	vld [tilespmem:$0x1EA80];
	v31 =	vsel vm2, $0x1, v0;
	v2 =	vadd.s32 v30, v2;
	v3 =	vadd.s32 v28, v3  }
0x9c: {  	v34 =	vld [tilespmem:$0x1EB00];
	v32 =	vsel vm3, $0x1, v0;
	v2 =	vadd.s32 v31, v2;
	v3 =	vmul.u32 $0x2710, v3  }
0x9d: {  	v35 =	vld [tilespmem:$0x1EB80];
	v2 =	vadd.s32 v32, v2  }
0x9e: {  	v36 =	vld [tilespmem:$0x1EC00];
	[tilespmem:$0x1E900] =	vst v2;
	v3 =	vadd.s32 v26, v3  }
0x9f: {  	[tilespmem:$0x19F00] =	vst v3;
	v3 =	vld [tilespmem:$0x1EA00]  }
0xa0: {  	v2 =	vld [tilespmem:s17+$0x15010]  }
0xa1: {  	v38 =	vld [tilespmem:$0x1ED00]  }
0xa2: {  	v41 =	vld [tilespmem:$0x1ED80];
	_ =	sdelay $0x2  }
0xa3: {  	vm14 =	veq.s32 v2, v3;
	vm15 =	veq.s32 v2, v33  }
0xa4: {  	v3 =	vld [tilespmem:$0x1EC80];
	vm4 =	veq.s32 v2, v34;
	vm5 =	veq.s32 v2, v35;
	vm6 =	veq.s32 v2, v36  }
0xa5: {  	vm8 =	veq.s32 v2, v38;
	vm9 =	veq.s32 v2, v41;
	v37 =	vsel vm14, $0x1, v0  }
0xa6: {  	v39 =	vsel vm15, $0x1, v0;
	v40 =	vsel vm4, $0x2, v0;
	v42 =	vsel vm5, $0x3, v0  }
0xa7: {  	v43 =	vsel vm4, $0x1, v0;
	v44 =	vsel vm5, $0x1, v0;
	v47 =	vsel vm8, $0x6, v0  }
0xa8: {  	v48 =	vsel vm9, $0x7, v0;
	v8 =	vadd.s32 v37, v39;
	v5 =	vor.u32 v39, v40  }
0xa9: {  	v5 =	vadd.s32 v42, v5;
	vm7 =	veq.s32 v2, v3;
	v3 =	vsel vm6, $0x4, v0  }
0xaa: {  	v2 =	vadd.s32 v43, v8;
	v3 =	vadd.s32 v3, v5;
	v45 =	vsel vm7, $0x5, v0  }
0xab: {  	v46 =	vld [tilespmem:s17+$0x17790];
	v49 =	vsel vm6, $0x1, v0;
	v2 =	vadd.s32 v44, v2;
	v3 =	vadd.s32 v45, v3  }
0xac: {  	v50 =	vsel vm7, $0x1, v0;
	v2 =	vadd.s32 v49, v2;
	v3 =	vadd.s32 v47, v3  }
0xad: {  	v53 =	vld [tilespmem:$0x1EA80];
	v51 =	vsel vm8, $0x1, v0;
	v2 =	vadd.s32 v50, v2;
	v3 =	vadd.s32 v48, v3  }
0xae: {  	v54 =	vld [tilespmem:$0x1EB00];
	v52 =	vsel vm9, $0x1, v0;
	v2 =	vadd.s32 v51, v2;
	v3 =	vmul.u32 $0x2710, v3  }
0xaf: {  	v55 =	vld [tilespmem:$0x1EB80];
	v2 =	vadd.s32 v52, v2  }
0xb0: {  	v56 =	vld [tilespmem:$0x1EC00];
	[tilespmem:$0x1E910] =	vst v2;
	v3 =	vadd.s32 v46, v3  }
0xb1: {  	[tilespmem:$0x19F10] =	vst v3;
	v3 =	vld [tilespmem:$0x1EA00]  }
0xb2: {  	v2 =	vld [tilespmem:s17+$0x15020]  }
0xb3: {  	v58 =	vld [tilespmem:$0x1ED00]  }
0xb4: {  	v61 =	vld [tilespmem:$0x1ED80];
	_ =	sdelay $0x2  }
0xb5: {  	vm10 =	veq.s32 v2, v3;
	vm11 =	veq.s32 v2, v53  }
0xb6: {  	v3 =	vld [tilespmem:$0x1EC80];
	vm12 =	veq.s32 v2, v54;
	vm13 =	veq.s32 v2, v55;
	vm14 =	veq.s32 v2, v56  }
0xb7: {  	vm6 =	veq.s32 v2, v58;
	vm7 =	veq.s32 v2, v61;
	v57 =	vsel vm10, $0x1, v0  }
0xb8: {  	v59 =	vsel vm11, $0x1, v0;
	v60 =	vsel vm12, $0x2, v0;
	v62 =	vsel vm13, $0x3, v0  }
0xb9: {  	v63 =	vsel vm12, $0x1, v0;
	v10 =	vsel vm13, $0x1, v0;
	v13 =	vsel vm6, $0x6, v0  }
0xba: {  	v14 =	vsel vm7, $0x7, v0;
	v8 =	vadd.s32 v57, v59;
	v5 =	vor.u32 v59, v60  }
0xbb: {  	v5 =	vadd.s32 v62, v5;
	vm15 =	veq.s32 v2, v3;
	v3 =	vsel vm14, $0x4, v0  }
0xbc: {  	v2 =	vadd.s32 v63, v8;
	v3 =	vadd.s32 v3, v5;
	v11 =	vsel vm15, $0x5, v0  }
0xbd: {  	v12 =	vld [tilespmem:s17+$0x177A0];
	v15 =	vsel vm14, $0x1, v0;
	v2 =	vadd.s32 v10, v2;
	v3 =	vadd.s32 v11, v3  }
0xbe: {  	v16 =	vsel vm15, $0x1, v0;
	v2 =	vadd.s32 v15, v2;
	v3 =	vadd.s32 v13, v3  }
0xbf: {  	v19 =	vld [tilespmem:$0x1EA80];
	v17 =	vsel vm6, $0x1, v0;
	v2 =	vadd.s32 v16, v2;
	v3 =	vadd.s32 v14, v3  }
0xc0: {  	v21 =	vld [tilespmem:$0x1EB80];
	v18 =	vsel vm7, $0x1, v0;
	v2 =	vadd.s32 v17, v2;
	v3 =	vmul.u32 $0x2710, v3  }
0xc1: {  	v20 =	vld [tilespmem:$0x1EB00];
	v2 =	vadd.s32 v18, v2  }
0xc2: {  	v22 =	vld [tilespmem:$0x1EC00];
	[tilespmem:$0x1E920] =	vst v2;
	v3 =	vadd.s32 v12, v3  }
0xc3: {  	[tilespmem:$0x19F20] =	vst v3;
	v3 =	vld [tilespmem:$0x1EA00]  }
0xc4: {  	v2 =	vld [tilespmem:s17+$0x15030]  }
0xc5: {  	v24 =	vld [tilespmem:$0x1ED00]  }
0xc6: {  	v27 =	vld [tilespmem:$0x1ED80];
	_ =	sdelay $0x2  }
0xc7: {  	vm8 =	veq.s32 v2, v3;
	vm9 =	veq.s32 v2, v19  }
0xc8: {  	v3 =	vld [tilespmem:$0x1EC80];
	vm10 =	veq.s32 v2, v20;
	vm11 =	veq.s32 v2, v21;
	vm12 =	veq.s32 v2, v22  }
0xc9: {  	vm14 =	veq.s32 v2, v24;
	vm15 =	veq.s32 v2, v27;
	v23 =	vsel vm8, $0x1, v0  }
0xca: {  	v25 =	vsel vm9, $0x1, v0;
	v26 =	vsel vm10, $0x2, v0;
	v28 =	vsel vm11, $0x3, v0  }
0xcb: {  	v29 =	vsel vm10, $0x1, v0;
	v30 =	vsel vm11, $0x1, v0;
	v33 =	vsel vm14, $0x6, v0  }
0xcc: {  	v34 =	vsel vm15, $0x7, v0;
	v8 =	vadd.s32 v23, v25;
	v5 =	vor.u32 v25, v26  }
0xcd: {  	v5 =	vadd.s32 v28, v5;
	vm13 =	veq.s32 v2, v3;
	v3 =	vsel vm12, $0x4, v0  }
0xce: {  	v2 =	vadd.s32 v29, v8;
	v3 =	vadd.s32 v3, v5;
	v31 =	vsel vm13, $0x5, v0  }
0xcf: {  	v32 =	vld [tilespmem:s17+$0x177B0];
	v35 =	vsel vm12, $0x1, v0;
	v2 =	vadd.s32 v30, v2;
	v3 =	vadd.s32 v31, v3  }
0xd0: {  	v36 =	vsel vm13, $0x1, v0;
	v2 =	vadd.s32 v35, v2;
	v3 =	vadd.s32 v33, v3  }
0xd1: {  	v41 =	vld [tilespmem:$0x1EB80];
	v37 =	vsel vm14, $0x1, v0;
	v2 =	vadd.s32 v36, v2;
	v3 =	vadd.s32 v34, v3  }
0xd2: {  	v39 =	vld [tilespmem:$0x1EA80];
	v38 =	vsel vm15, $0x1, v0;
	v2 =	vadd.s32 v37, v2;
	v3 =	vmul.u32 $0x2710, v3  }
0xd3: {  	v40 =	vld [tilespmem:$0x1EB00];
	v2 =	vadd.s32 v38, v2  }
0xd4: {  	v42 =	vld [tilespmem:$0x1EC00];
	[tilespmem:$0x1E930] =	vst v2;
	v3 =	vadd.s32 v32, v3  }
0xd5: {  	[tilespmem:$0x19F30] =	vst v3;
	v3 =	vld [tilespmem:$0x1EA00]  }
0xd6: {  	v2 =	vld [tilespmem:s17+$0x15040]  }
0xd7: {  	v44 =	vld [tilespmem:$0x1ED00]  }
0xd8: {  	v47 =	vld [tilespmem:$0x1ED80];
	_ =	sdelay $0x2  }
0xd9: {  	vm6 =	veq.s32 v2, v3;
	vm7 =	veq.s32 v2, v39  }
0xda: {  	v3 =	vld [tilespmem:$0x1EC80];
	vm8 =	veq.s32 v2, v40;
	vm9 =	veq.s32 v2, v41;
	vm10 =	veq.s32 v2, v42  }
0xdb: {  	vm12 =	veq.s32 v2, v44;
	vm13 =	veq.s32 v2, v47;
	v43 =	vsel vm6, $0x1, v0  }
0xdc: {  	v45 =	vsel vm7, $0x1, v0;
	v46 =	vsel vm8, $0x2, v0;
	v48 =	vsel vm9, $0x3, v0  }
0xdd: {  	v49 =	vsel vm8, $0x1, v0;
	v50 =	vsel vm9, $0x1, v0;
	v53 =	vsel vm12, $0x6, v0  }
0xde: {  	v54 =	vsel vm13, $0x7, v0;
	v8 =	vadd.s32 v43, v45;
	v5 =	vor.u32 v45, v46  }
0xdf: {  	v5 =	vadd.s32 v48, v5;
	vm11 =	veq.s32 v2, v3;
	v3 =	vsel vm10, $0x4, v0  }
0xe0: {  	v2 =	vadd.s32 v49, v8;
	v3 =	vadd.s32 v3, v5;
	v51 =	vsel vm11, $0x5, v0  }
0xe1: {  	v52 =	vld [tilespmem:s17+$0x177C0];
	v55 =	vsel vm10, $0x1, v0;
	v2 =	vadd.s32 v50, v2;
	v3 =	vadd.s32 v51, v3  }
0xe2: {  	v56 =	vsel vm11, $0x1, v0;
	v2 =	vadd.s32 v55, v2;
	v3 =	vadd.s32 v53, v3  }
0xe3: {  	v61 =	vld [tilespmem:$0x1EB80];
	v57 =	vsel vm12, $0x1, v0;
	v2 =	vadd.s32 v56, v2;
	v3 =	vadd.s32 v54, v3  }
0xe4: {  	v59 =	vld [tilespmem:$0x1EA80];
	v58 =	vsel vm13, $0x1, v0;
	v2 =	vadd.s32 v57, v2;
	v3 =	vmul.u32 $0x2710, v3  }
0xe5: {  	v60 =	vld [tilespmem:$0x1EB00];
	v2 =	vadd.s32 v58, v2  }
0xe6: {  	v62 =	vld [tilespmem:$0x1EC00];
	[tilespmem:$0x1E940] =	vst v2;
	v3 =	vadd.s32 v52, v3  }
0xe7: {  	[tilespmem:$0x19F40] =	vst v3;
	v3 =	vld [tilespmem:$0x1EA00]  }
0xe8: {  	v2 =	vld [tilespmem:s17+$0x15050]  }
0xe9: {  	v15 =	vld [tilespmem:$0x1ED80]  }
0xea: {  	v12 =	vld [tilespmem:$0x1ED00];
	_ =	sdelay $0x2  }
0xeb: {  	vm14 =	veq.s32 v2, v3;
	vm15 =	veq.s32 v2, v59  }
0xec: {  	v3 =	vld [tilespmem:$0x1EC80];
	vm4 =	veq.s32 v2, v60;
	vm5 =	veq.s32 v2, v61;
	vm6 =	veq.s32 v2, v62  }
0xed: {  	vm8 =	veq.s32 v2, v12;
	vm9 =	veq.s32 v2, v15;
	v63 =	vsel vm14, $0x1, v0  }
0xee: {  	v13 =	vsel vm15, $0x1, v0;
	v14 =	vsel vm4, $0x2, v0;
	v16 =	vsel vm5, $0x3, v0  }
0xef: {  	v17 =	vsel vm4, $0x1, v0;
	v18 =	vsel vm5, $0x1, v0;
	v21 =	vsel vm8, $0x6, v0  }
0xf0: {  	v22 =	vsel vm9, $0x7, v0;
	v8 =	vadd.s32 v63, v13;
	v5 =	vor.u32 v13, v14  }
0xf1: {  	v5 =	vadd.s32 v16, v5;
	vm7 =	veq.s32 v2, v3;
	v3 =	vsel vm6, $0x4, v0  }
0xf2: {  	v2 =	vadd.s32 v17, v8;
	v3 =	vadd.s32 v3, v5;
	v19 =	vsel vm7, $0x5, v0  }
0xf3: {  	v20 =	vld [tilespmem:s17+$0x177D0];
	v23 =	vsel vm6, $0x1, v0;
	v2 =	vadd.s32 v18, v2;
	v3 =	vadd.s32 v19, v3  }
0xf4: {  	v24 =	vsel vm7, $0x1, v0;
	v2 =	vadd.s32 v23, v2;
	v3 =	vadd.s32 v21, v3  }
0xf5: {  	v27 =	vld [tilespmem:$0x1EA80];
	v25 =	vsel vm8, $0x1, v0;
	v2 =	vadd.s32 v24, v2;
	v3 =	vadd.s32 v22, v3  }
0xf6: {  	v28 =	vld [tilespmem:$0x1EB00];
	v26 =	vsel vm9, $0x1, v0;
	v2 =	vadd.s32 v25, v2;
	v3 =	vmul.u32 $0x2710, v3  }
0xf7: {  	v29 =	vld [tilespmem:$0x1EB80];
	v2 =	vadd.s32 v26, v2  }
0xf8: {  	v30 =	vld [tilespmem:$0x1EC00];
	[tilespmem:$0x1E950] =	vst v2;
	v3 =	vadd.s32 v20, v3  }
0xf9: {  	[tilespmem:$0x19F50] =	vst v3;
	v3 =	vld [tilespmem:$0x1EA00]  }
0xfa: {  	v2 =	vld [tilespmem:s17+$0x15060]  }
0xfb: {  	v35 =	vld [tilespmem:$0x1ED80]  }
0xfc: {  	v32 =	vld [tilespmem:$0x1ED00];
	_ =	sdelay $0x2  }
0xfd: {  	vm10 =	veq.s32 v2, v3;
	vm11 =	veq.s32 v2, v27  }
0xfe: {  	v3 =	vld [tilespmem:$0x1EC80];
	vm12 =	veq.s32 v2, v28;
	vm13 =	veq.s32 v2, v29;
	vm14 =	veq.s32 v2, v30  }
0xff: {  	vm6 =	veq.s32 v2, v32;
	vm7 =	veq.s32 v2, v35;
	v31 =	vsel vm10, $0x1, v0  }
0x100: {  	v33 =	vsel vm11, $0x1, v0;
	v34 =	vsel vm12, $0x2, v0;
	v36 =	vsel vm13, $0x3, v0  }
0x101: {  	v37 =	vsel vm12, $0x1, v0;
	v38 =	vsel vm13, $0x1, v0;
	v41 =	vsel vm6, $0x6, v0  }
0x102: {  	v42 =	vsel vm7, $0x7, v0;
	v8 =	vadd.s32 v31, v33;
	v5 =	vor.u32 v33, v34  }
0x103: {  	v5 =	vadd.s32 v36, v5;
	vm15 =	veq.s32 v2, v3;
	v3 =	vsel vm14, $0x4, v0  }
0x104: {  	v2 =	vadd.s32 v37, v8;
	v3 =	vadd.s32 v3, v5;
	v39 =	vsel vm15, $0x5, v0  }
0x105: {  	v40 =	vld [tilespmem:s17+$0x177E0];
	v43 =	vsel vm14, $0x1, v0;
	v2 =	vadd.s32 v38, v2;
	v3 =	vadd.s32 v39, v3  }
0x106: {  	v44 =	vsel vm15, $0x1, v0;
	v2 =	vadd.s32 v43, v2;
	v3 =	vadd.s32 v41, v3  }
0x107: {  	v47 =	vld [tilespmem:$0x1EB00];
	v45 =	vsel vm6, $0x1, v0;
	v2 =	vadd.s32 v44, v2;
	v3 =	vadd.s32 v42, v3  }
0x108: {  	v48 =	vld [tilespmem:$0x1EB80];
	v46 =	vsel vm7, $0x1, v0;
	v2 =	vadd.s32 v45, v2;
	v3 =	vmul.u32 $0x2710, v3  }
0x109: {  	v49 =	vld [tilespmem:$0x1EA00];
	v2 =	vadd.s32 v46, v2  }
0x10a: {  	v50 =	vld [tilespmem:$0x1EC00];
	[tilespmem:$0x1E960] =	vst v2;
	v3 =	vadd.s32 v40, v3  }
0x10b: {  	[tilespmem:$0x19F60] =	vst v3;
	v3 =	vld [tilespmem:$0x1EA80]  }
0x10c: {  	v2 =	vld [tilespmem:s17+$0x15070]  }
0x10d: {  	v51 =	vld [tilespmem:$0x1EC80]  }
0x10e: {  	v54 =	vld [tilespmem:$0x1ED80];
	_ =	sdelay $0x2  }
0x10f: {  	vm8 =	veq.s32 v2, v3;
	v3 =	vld [tilespmem:$0x1ED00]  }
0x110: {  	vm9 =	veq.s32 v2, v47;
	vm10 =	veq.s32 v2, v48;
	vm11 =	veq.s32 v2, v49  }
0x111: {  	vm12 =	veq.s32 v2, v50;
	vm13 =	veq.s32 v2, v51;
	vm15 =	veq.s32 v2, v54  }
0x112: {  	v52 =	vsel vm8, $0x1, v0;
	v53 =	vsel vm9, $0x2, v0;
	v56 =	vsel vm10, $0x3, v0  }
0x113: {  	v57 =	vsel vm11, $0x1, v0;
	v58 =	vsel vm9, $0x1, v0;
	v55 =	vor.u32 v52, v53  }
0x114: {  	v6 =	vadd.s32 v56, v55;
	vm14 =	veq.s32 v2, v3;
	v3 =	vsel vm12, $0x4, v0  }
0x115: {  	v59 =	vsel vm10, $0x1, v0;
	v2 =	vadd.s32 v3, v6;
	v3 =	vsel vm13, $0x5, v0  }
0x116: {  	v60 =	vld [tilespmem:s17+$0x177F0];
	v4 =	vadd.s32 v57, v52;
	v2 =	vadd.s32 v3, v2;
	v3 =	vsel vm14, $0x6, v0  }
0x117: {  	v4 =	vadd.s32 v58, v4;
	v2 =	vadd.s32 v3, v2;
	v3 =	vsel vm15, $0x7, v0  }
0x118: {  	v61 =	vsel vm12, $0x1, v0;
	v4 =	vadd.s32 v59, v4;
	v2 =	vadd.s32 v3, v2  }
0x119: {  	v4 =	vadd.s32 v61, v4;
	v3 =	vsel vm13, $0x1, v0;
	v2 =	vmul.u32 $0x2710, v2  }
0x11a: {  	v62 =	vsel vm14, $0x1, v0;
	v3 =	vadd.s32 v3, v4  }
0x11b: {  	v63 =	vsel vm15, $0x1, v0;
	v3 =	vadd.s32 v62, v3;
	v2 =	vadd.s32 v60, v2  }
0x11c: {  	p2 =	sne.s32 s19, $0x9A00;
	v3 =	vadd.s32 v63, v3;
	[tilespmem:$0x19F70] =	vst v2  }
.Ltmp4:
0x11d: {  	[tilespmem:$0x1E970] =	vst v3;
	(pc) =	sbr.rel @p2 .LBB2_10-.Ltmp4, $4  }
0x11e: {  	[spmem:s4] =	stream.indirect.scatter.add.s32 [tilespmem:s11], [sflag:$0x1], $0x1, s5, s8, $0xb8;
	[tilespmem:$0x1EE00] =	vst v63  }
0x11f: {  	_ =	swait.ge [sflag:s1], $0x80  }
0x120: {  	[sflag:s1] =	ssyncset.done $0x0  }
0x121: {  	s19 =	sadd.s32 $0x200, s19;
	[sflag:s1] =	ssyncadd.s32 $0xFFFFFF80  }
0x122: {  	v2 =	vld [tilespmem:$0x17700]  }
0x123: {  	v3 =	vld [tilespmem:$0x1EA80]  }
0x124: {  	v4 =	vld [tilespmem:$0x1EB00]  }
0x125: {  	v5 =	vld [tilespmem:$0x1EB80]  }
0x126: {  	v6 =	vld [tilespmem:$0x1EA00]  }
0x127: {  	v7 =	vld [tilespmem:$0x1EC00]  }
0x128: {  	v8 =	vld [tilespmem:$0x1EC80]  }
0x129: {  	v54 =	vld [tilespmem:$0x1ED80];
	_ =	sdelay $0x2  }
0x12a: {  	vm0 =	veq.s32 v2, v3;
	v3 =	vld [tilespmem:$0x1ED00]  }
0x12b: {  	vm1 =	veq.s32 v2, v4;
	vm12 =	veq.s32 v2, v5;
	vm2 =	veq.s32 v2, v6  }
0x12c: {  	vm13 =	veq.s32 v2, v7;
	vm14 =	veq.s32 v2, v8;
	vm3 =	veq.s32 v2, v54  }
0x12d: {  	v53 =	vsel vm0, $0x1, v0;
	v9 =	vsel vm1, $0x2, v0;
	v56 =	vsel vm12, $0x3, v0  }
0x12e: {  	v57 =	vsel vm2, $0x1, v0;
	v58 =	vsel vm1, $0x1, v0;
	v55 =	vor.u32 v53, v9  }
0x12f: {  	v6 =	vadd.s32 v56, v55;
	vm15 =	veq.s32 v2, v3;
	v3 =	vsel vm13, $0x4, v0  }
0x130: {  	v59 =	vsel vm12, $0x1, v0;
	v2 =	vadd.s32 v3, v6;
	v3 =	vsel vm14, $0x5, v0  }
0x131: {  	v60 =	vld [tilespmem:$0x19E80];
	v4 =	vadd.s32 v57, v53;
	v2 =	vadd.s32 v3, v2;
	v3 =	vsel vm15, $0x6, v0  }
0x132: {  	v4 =	vadd.s32 v58, v4;
	v2 =	vadd.s32 v3, v2;
	v3 =	vsel vm3, $0x7, v0  }
0x133: {  	v61 =	vsel vm13, $0x1, v0;
	v4 =	vadd.s32 v59, v4;
	v2 =	vadd.s32 v3, v2  }
0x134: {  	v4 =	vadd.s32 v61, v4;
	v3 =	vsel vm14, $0x1, v0;
	v2 =	vmul.u32 $0x2710, v2  }
0x135: {  	v62 =	vsel vm15, $0x1, v0;
	v3 =	vadd.s32 v3, v4  }
0x136: {  	v63 =	vsel vm3, $0x1, v0;
	v3 =	vadd.s32 v62, v3;
	v2 =	vadd.s32 v60, v2  }
0x137: {  	v3 =	vadd.s32 v63, v3;
	[tilespmem:$0x1E000] =	vst v2  }
0x138: {  	s17 =	simm.s32 $0x1E000;
	s19 =	simm.s32 $0x1E980;
	[tilespmem:$0x1E980] =	vst v3  }
0x139: {  	[spmem:s4] =	stream.indirect.scatter.add.s32 [tilespmem:s19], [sflag:$0x1], $0x1, s17, s12, $0xb8;
	[tilespmem:$0x1EE00] =	vst v63  }
0x13a: {  	_ =	swait.ge [sflag:s1], $0x10  }
0x13b: {  	[sflag:s1] =	ssyncset.done $0x0  }
0x13c: {  	[sflag:s1] =	ssyncadd.s32 $0xFFFFFFF0  }
0x13d: {  	s19 =	sshll.u32 s2, $0x6;
	[bflag:$0x0] =	sbarrier.arrive $0xFFFF  }
.Ltmp5:
0x13e: {  	s17 =	sor.u32 $0x1C01, s19;
	s20 =	rddreg [dreg:$0x8];
	(pc) =	sbr.rel .LBB2_12-.Ltmp5, $4  }
0x13f: {  	[hbm:s20], [sflag:s17] =	dma.local [spmem:s23], $0x280  }
0x140: {  	_ =	swait.ge [sflag:s1], $0x280  }
0x141: {  	[sflag:s1] =	ssyncset.done $0x0  }
0x142: {  	[sflag:s1] =	ssyncadd.s32 $0xFFFFFD80  }
.LBB2_2:
0x143: {  	s19 =	simm.s32 $0x0  }
0x144: {  	s17 =	sshra.s32 s19, $0x2;
	s19 =	sadd.s32 $0x200, s19  }
.LBB2_3:
0x145: {  	p2 =	seq.s32 s19, $0xFE00;
	[tilespmem:s17+$0x1A070] =	vst v1  }
0x146: {  	[tilespmem:s17+$0x1A000] =	vst v1  }
0x147: {  	[tilespmem:s17+$0x1A010] =	vst v1  }
.Ltmp6:
0x148: {  	[tilespmem:s17+$0x1A020] =	vst v1;
	(pc) =	sbr.rel @!p2 .LBB2_3-.Ltmp6, $4  }
0x149: {  	[tilespmem:s17+$0x1A030] =	vst v1  }
0x14a: {  	[tilespmem:s17+$0x1A040] =	vst v1  }
0x14b: {  	[tilespmem:s17+$0x1A050] =	vst v1  }
0x14c: {  	[tilespmem:s17+$0x1A060] =	vst v1;
	s17 =	sshra.s32 s19, $0x2;
	s19 =	sadd.s32 $0x200, s19  }
0x14d: {  	[tilespmem:s17+$0x1A070] =	vst v1  }
0x14e: {  	[tilespmem:s17+$0x1A000] =	vst v1  }
0x14f: {  	[tilespmem:s17+$0x1A010] =	vst v1  }
0x150: {  	[tilespmem:s17+$0x1A020] =	vst v1  }
0x151: {  	[tilespmem:s17+$0x1A030] =	vst v1  }
0x152: {  	[tilespmem:s17+$0x1A040] =	vst v1  }
0x153: {  	[tilespmem:s17+$0x1A050] =	vst v1  }
0x154: {  	[tilespmem:s17+$0x1A060] =	vst v1  }
0x155: {  	[spmem:s7] =	stream.linear.scatter [tilespmem:s14], [sflag:$0x1], $0x2000, $0x38;
	[tilespmem:$0x1EE00] =	vst v63  }
0x156: {  	_ =	swait.ge [sflag:s1], $0x2000  }
0x157: {  	[sflag:s1] =	ssyncset.done $0x0  }
0x158: {  	s19 =	rddreg [dreg:$0x9];
	[sflag:s1] =	ssyncadd.s32 $0xFFFFE000  }
0x159: {  	[spmem:s19] =	stream.linear.scatter [tilespmem:s14], [sflag:$0x1], $0x2000, $0x38;
	[tilespmem:$0x1EE00] =	vst v63  }
0x15a: {  	_ =	swait.ge [sflag:s1], $0x2000  }
0x15b: {  	[sflag:s1] =	ssyncset.done $0x0  }
0x15c: {  	s20 =	rddreg [dreg:$0xa];
	[sflag:s1] =	ssyncadd.s32 $0xFFFFE000  }
0x15d: {  	[spmem:s20] =	stream.linear.scatter [tilespmem:s14], [sflag:$0x1], $0x2000, $0x38;
	[tilespmem:$0x1EE00] =	vst v63  }
0x15e: {  	_ =	swait.ge [sflag:s1], $0x2000  }
0x15f: {  	[sflag:s1] =	ssyncset.done $0x0  }
0x160: {  	s19 =	rddreg [dreg:$0xb];
	[sflag:s1] =	ssyncadd.s32 $0xFFFFE000  }
0x161: {  	[spmem:s19] =	stream.linear.scatter [tilespmem:s14], [sflag:$0x1], $0x2000, $0x38;
	[tilespmem:$0x1EE00] =	vst v63  }
0x162: {  	_ =	swait.ge [sflag:s1], $0x2000  }
0x163: {  	[sflag:s1] =	ssyncset.done $0x0  }
0x164: {  	s20 =	rddreg [dreg:$0xc];
	[sflag:s1] =	ssyncadd.s32 $0xFFFFE000  }
0x165: {  	[spmem:s20] =	stream.linear.scatter [tilespmem:s14], [sflag:$0x1], $0x2000, $0x38;
	[tilespmem:$0x1EE00] =	vst v63  }
0x166: {  	_ =	swait.ge [sflag:s1], $0x2000  }
0x167: {  	[sflag:s1] =	ssyncset.done $0x0  }
0x168: {  	s19 =	rddreg [dreg:$0xd];
	[sflag:s1] =	ssyncadd.s32 $0xFFFFE000  }
0x169: {  	[spmem:s19] =	stream.linear.scatter [tilespmem:s14], [sflag:$0x1], $0x2000, $0x38;
	[tilespmem:$0x1EE00] =	vst v63  }
0x16a: {  	_ =	swait.ge [sflag:s1], $0x2000  }
0x16b: {  	[sflag:s1] =	ssyncset.done $0x0  }
0x16c: {  	s20 =	rddreg [dreg:$0xe];
	[sflag:s1] =	ssyncadd.s32 $0xFFFFE000  }
0x16d: {  	[spmem:s20] =	stream.linear.scatter [tilespmem:s14], [sflag:$0x1], $0x2000, $0x38;
	[tilespmem:$0x1EE00] =	vst v63  }
0x16e: {  	_ =	swait.ge [sflag:s1], $0x2000  }
0x16f: {  	[sflag:s1] =	ssyncset.done $0x0  }
0x170: {  	[sflag:s1] =	ssyncadd.s32 $0xFFFFE000  }
0x171: {  	[spmem:s22] =	stream.linear.scatter [tilespmem:s14], [sflag:$0x1], $0x2000, $0x38;
	[tilespmem:$0x1EE00] =	vst v63  }
0x172: {  	_ =	swait.ge [sflag:s1], $0x2000  }
0x173: {  	[sflag:s1] =	ssyncset.done $0x0  }
0x174: {  	[sflag:s1] =	ssyncadd.s32 $0xFFFFE000  }
0x175: {  	[spmem:s26] =	stream.linear.scatter [tilespmem:s14], [sflag:$0x1], $0x2000, $0x38;
	[tilespmem:$0x1EE00] =	vst v63  }
0x176: {  	_ =	swait.ge [sflag:s1], $0x2000  }
0x177: {  	[sflag:s1] =	ssyncset.done $0x0  }
0x178: {  	s19 =	rddreg [dreg:$0x5];
	[sflag:s1] =	ssyncadd.s32 $0xFFFFE000  }
0x179: {  	[spmem:s19] =	stream.linear.scatter [tilespmem:s14], [sflag:$0x1], $0x1C00, $0x38;
	[tilespmem:$0x1EE00] =	vst v63  }
0x17a: {  	_ =	swait.ge [sflag:s1], $0x1C00  }
0x17b: {  	[sflag:s1] =	ssyncset.done $0x0  }
0x17c: {  	s20 =	simm.s32 $0x0;
	[sflag:s1] =	ssyncadd.s32 $0xFFFFE400  }
0x17d: {  	[tilespmem:s0], [sflag:$0x1] =	stream.linear.gather [hbm4b:s9+s20], $0x2710, $0x38;
	[tilespmem:$0x1EE00] =	vst v63  }
0x17e: {  	_ =	swait.ge [sflag:s1], $0x2710  }
0x17f: {  	[sflag:s1] =	ssyncset.done $0x0  }
0x180: {  	[sflag:s1] =	ssyncadd.s32 $0xFFFFD8F0  }
0x181: {  	[tilespmem:s21], [sflag:$0x1] =	stream.linear.gather [hbm4b:s10+s20], $0x2710, $0x38;
	[tilespmem:$0x1EE00] =	vst v63  }
0x182: {  	_ =	swait.ge [sflag:s1], $0x2710  }
0x183: {  	[sflag:s1] =	ssyncset.done $0x0  }
0x184: {  	[sflag:s1] =	ssyncadd.s32 $0xFFFFD8F0  }
0x185: {  	s21 =	simm.s32 $0x0;
	[bflag:$0x0] =	sbarrier.arrive $0xFFFF  }
0x186: {  	v2 =	vld [tilespmem:s21+$0x15000];
	_ =	sdelay $0x4  }
0x187: {  	[tilespmem:$0x19F80] =	vst v2  }
0x188: {  	v2 =	vld [tilespmem:s21+$0x17780];
	_ =	sdelay $0x4  }
0x189: {  	[tilespmem:$0x19F00] =	vst v2  }
0x18a: {  	v2 =	vld [tilespmem:s21+$0x15010];
	_ =	sdelay $0x4  }
0x18b: {  	[tilespmem:$0x19F90] =	vst v2  }
0x18c: {  	v2 =	vld [tilespmem:s21+$0x17790];
	_ =	sdelay $0x4  }
0x18d: {  	[tilespmem:$0x19F10] =	vst v2  }
0x18e: {  	v2 =	vld [tilespmem:s21+$0x15020];
	_ =	sdelay $0x4  }
0x18f: {  	[tilespmem:$0x19FA0] =	vst v2  }
0x190: {  	v2 =	vld [tilespmem:s21+$0x177A0];
	_ =	sdelay $0x4  }
0x191: {  	[tilespmem:$0x19F20] =	vst v2  }
0x192: {  	v2 =	vld [tilespmem:s21+$0x15030];
	_ =	sdelay $0x4  }
0x193: {  	[tilespmem:$0x19FB0] =	vst v2  }
0x194: {  	v2 =	vld [tilespmem:s21+$0x177B0];
	_ =	sdelay $0x4  }
0x195: {  	[tilespmem:$0x19F30] =	vst v2  }
0x196: {  	v2 =	vld [tilespmem:s21+$0x15040];
	_ =	sdelay $0x4  }
0x197: {  	[tilespmem:$0x19FC0] =	vst v2  }
0x198: {  	v2 =	vld [tilespmem:s21+$0x177C0];
	_ =	sdelay $0x4  }
0x199: {  	[tilespmem:$0x19F40] =	vst v2  }
0x19a: {  	v2 =	vld [tilespmem:s21+$0x15050];
	_ =	sdelay $0x4  }
0x19b: {  	[tilespmem:$0x19FD0] =	vst v2  }
0x19c: {  	v2 =	vld [tilespmem:s21+$0x177D0];
	_ =	sdelay $0x4  }
0x19d: {  	[tilespmem:$0x19F50] =	vst v2  }
0x19e: {  	v2 =	vld [tilespmem:s21+$0x15060];
	_ =	sdelay $0x4  }
0x19f: {  	[tilespmem:$0x19FE0] =	vst v2  }
0x1a0: {  	v2 =	vld [tilespmem:s21+$0x177E0];
	_ =	sdelay $0x4  }
0x1a1: {  	[tilespmem:$0x19F60] =	vst v2  }
0x1a2: {  	v2 =	vld [tilespmem:s21+$0x15070];
	_ =	sdelay $0x4  }
0x1a3: {  	[tilespmem:$0x19FF0] =	vst v2  }
0x1a4: {  	v2 =	vld [tilespmem:s21+$0x177F0];
	_ =	sdelay $0x4  }
0x1a5: {  	[tilespmem:$0x19F70] =	vst v2  }
0x1a6: {  	[tilespmem:s14], [sflag:$0x1] =	stream.indirect.gather [hbm4b:s6+s8], $0x80, s16, s8, $0xb8;
	[tilespmem:$0x1EE00] =	vst v63  }
0x1a7: {  	_ =	swait.ge [sflag:s1], $0x4000  }
0x1a8: {  	[sflag:s1] =	ssyncset.done $0x0  }
0x1a9: {  	[sflag:s1] =	ssyncadd.s32 $0xFFFFC000  }
0x1aa: {  	[spmem:s3] =	stream.indirect.scatter.add.f32 [tilespmem:s14], [sflag:$0x1], $0x80, s5, s8, $0xb8;
	[tilespmem:$0x1EE00] =	vst v63  }
0x1ab: {  	_ =	swait.ge [sflag:s1], $0x4000  }
0x1ac: {  	s17 =	simm.s32 $0x200;
	s19 =	simm.s32 $0x400;
	[sflag:s1] =	ssyncset.done $0x0  }
.LBB2_5:
0x1ad: {  	s20 =	sshra.s32 s17, $0x2  }
0x1ae: {  	[sflag:s1] =	ssyncadd.s32 $0xFFFFC000;
	s17 =	smov.u32 s19;
	s21 =	sadd.s32 $0x200, s19  }
0x1af: {  	p2 =	sne.s32 s19, $0x9A00;
	v2 =	vld [tilespmem:s20+$0x15000];
	_ =	sdelay $0x4  }
0x1b0: {  	[tilespmem:$0x19F80] =	vst v2  }
0x1b1: {  	v2 =	vld [tilespmem:s20+$0x17780];
	_ =	sdelay $0x4  }
0x1b2: {  	[tilespmem:$0x19F00] =	vst v2  }
0x1b3: {  	v2 =	vld [tilespmem:s20+$0x15010];
	_ =	sdelay $0x4  }
0x1b4: {  	[tilespmem:$0x19F90] =	vst v2  }
0x1b5: {  	v2 =	vld [tilespmem:s20+$0x17790];
	_ =	sdelay $0x4  }
0x1b6: {  	[tilespmem:$0x19F10] =	vst v2  }
0x1b7: {  	v2 =	vld [tilespmem:s20+$0x15020];
	_ =	sdelay $0x4  }
0x1b8: {  	[tilespmem:$0x19FA0] =	vst v2  }
0x1b9: {  	v2 =	vld [tilespmem:s20+$0x177A0];
	_ =	sdelay $0x4  }
0x1ba: {  	[tilespmem:$0x19F20] =	vst v2  }
0x1bb: {  	v2 =	vld [tilespmem:s20+$0x15030];
	_ =	sdelay $0x4  }
0x1bc: {  	[tilespmem:$0x19FB0] =	vst v2  }
0x1bd: {  	v2 =	vld [tilespmem:s20+$0x177B0];
	_ =	sdelay $0x4  }
0x1be: {  	[tilespmem:$0x19F30] =	vst v2  }
0x1bf: {  	v2 =	vld [tilespmem:s20+$0x15040];
	_ =	sdelay $0x4  }
0x1c0: {  	[tilespmem:$0x19FC0] =	vst v2  }
0x1c1: {  	v2 =	vld [tilespmem:s20+$0x177C0];
	_ =	sdelay $0x4  }
0x1c2: {  	[tilespmem:$0x19F40] =	vst v2  }
0x1c3: {  	v2 =	vld [tilespmem:s20+$0x15050];
	_ =	sdelay $0x4  }
0x1c4: {  	[tilespmem:$0x19FD0] =	vst v2  }
0x1c5: {  	v2 =	vld [tilespmem:s20+$0x177D0];
	_ =	sdelay $0x4  }
0x1c6: {  	[tilespmem:$0x19F50] =	vst v2  }
0x1c7: {  	v2 =	vld [tilespmem:s20+$0x15060];
	_ =	sdelay $0x4  }
0x1c8: {  	[tilespmem:$0x19FE0] =	vst v2  }
0x1c9: {  	v2 =	vld [tilespmem:s20+$0x177E0];
	_ =	sdelay $0x4  }
0x1ca: {  	[tilespmem:$0x19F60] =	vst v2  }
0x1cb: {  	v2 =	vld [tilespmem:s20+$0x15070];
	_ =	sdelay $0x4  }
0x1cc: {  	[tilespmem:$0x19FF0] =	vst v2  }
0x1cd: {  	v2 =	vld [tilespmem:s20+$0x177F0];
	_ =	sdelay $0x4  }
0x1ce: {  	[tilespmem:$0x19F70] =	vst v2  }
0x1cf: {  	[tilespmem:s14], [sflag:$0x1] =	stream.indirect.gather [hbm4b:s6+s8], $0x80, s16, s8, $0xb8;
	[tilespmem:$0x1EE00] =	vst v63  }
0x1d0: {  	_ =	swait.ge [sflag:s1], $0x4000  }
.Ltmp7:
0x1d1: {  	[sflag:s1] =	ssyncset.done $0x0;
	(pc) =	sbr.rel @p2 .LBB2_5-.Ltmp7, $4  }
0x1d2: {  	[sflag:s1] =	ssyncadd.s32 $0xFFFFC000  }
0x1d3: {  	[spmem:s3] =	stream.indirect.scatter.add.f32 [tilespmem:s14], [sflag:$0x1], $0x80, s5, s8, $0xb8;
	[tilespmem:$0x1EE00] =	vst v63  }
0x1d4: {  	_ =	swait.ge [sflag:s1], $0x4000  }
0x1d5: {  	s19 =	smov.u32 s21;
	[sflag:s1] =	ssyncset.done $0x0  }
.Ltmp8:
0x1d6: {  	_ = 	snop;
	(pc) =	sbr.rel .LBB2_6-.Ltmp8, $1  }
0x1d7: {  	_ =	sdelay $0x3  }
.LBB2_13:
0x1d8: {  	_ =	sfence.sel $0x180000  }
0x1d9: {  	[bflag:$0x0] =	sbarrier.arrive $0xFFFF  }
0x1da: {  	_ =	strace $0x90000047  }
0x1db: {  	[bflag:$0x2] =	sbarrier.arrive $0xFFFF  }
0x1dc: {  	p0 =	sne.s32 s2, $0x0;
	s0 =	rddreg [dreg:$0x4]  }
0x1dd: {  	s0 =	sadd.s32 @!p0 $0x100000, s0  }
0x1de: {  	[sflag:s0] =	ssyncadd.tile.s32 @!p0 $0x1;
	_ =	shalt  }
.Lfunc_end2:
_tile_overlayer_lowered:
.L_overlay_start_2:
0x1df: {  	(tag) =	ssettag $0x2  }
0x1e0: {  	s0 =	rddreg [dreg:$0x0];
	s2 =	stileid.u32  }
0x1e1: {  	s1 =	rddreg [dreg:$0x1];
	p0 =	sne.s32 s2, $0x0  }
0x1e2: {  	s3 =	rddreg [dreg:$0x2];
	[bflag:$0x3] =	sbarrier.arrive $0xFFFF;
	s2 =	simm.s32 @!p0 $0x1C01  }
0x1e3: {  	[timem:s3], [sflag:s2] =	dma.local @!p0 [hbm:s0], s1  }
0x1e4: {  	s0 =	simm.s32 @!p0 $0x1  }
0x1e5: {  	_ =	swait.ge @!p0 [sflag:s0], s1  }
0x1e6: {  	s1 =	ssub.s32 @!p0 $0x0, s1;
	[sflag:s0] =	ssyncset.done @!p0 $0x0  }
0x1e7: {  	[sflag:s0] =	ssyncadd.s32 @!p0 s1  }
0x1e8: {  	[bflag:$0x3] =	sbarrier.arrive $0xFFFF  }
0x1e9: {  	_ =	shalt  }

// kernel: sc_beta_gather.3.cloned.1.call-start
scs
__scs_entry_jumppad:
0x0: {  	(pc) =	sbr.rel $0x88, $3  }
0x1: {  	(tag) =	ssettag $0x0;
	lr =	simm.s32 $0x1  }
0x2: {  	[smem:$0x3F90] =	sst lr;
	_ =	strace $0xD0000000  }
0x3: {  	_ = 	snop  }
0x4: {  	_ = 	snop  }
0x5: {  	_ = 	snop  }
0x6: {  	_ = 	snop  }
0x7: {  	_ = 	snop  }
__scs_overlays_trampoline_lowered:
0x8: {  	[smem:$0x3F9F] =	sst s0  }
0x9: {  	[smem:$0x3FA0] =	sst s1  }
0xa: {  	[smem:$0x3FA1] =	sst s2  }
0xb: {  	[smem:$0x3FA2] =	sst s3  }
0xc: {  	[smem:$0x3FA3] =	sst s4  }
0xd: {  	[smem:$0x3FA4] =	sst s5  }
0xe: {  	[smem:$0x3FA5] =	sst s6  }
0xf: {  	[smem:$0x3FA6] =	sst s7  }
0x10: {  	[smem:$0x3FA7] =	sst s8  }
0x11: {  	[smem:$0x3FA8] =	sst s9;
	s0 =	simm.s32 @!p0 $0x0  }
0x12: {  	s1 =	sld [smem:$0x3F8E];
	s0 =	simm.s32 @p0 $0x1  }
0x13: {  	[smem:$0x3FA9] =	sst s0;
	s0 =	simm.s32 @!p1 $0x0  }
0x14: {  	s2 =	sld [smem:$0x3F8D];
	s0 =	simm.s32 @p1 $0x1  }
0x15: {  	[smem:$0x3FAA] =	sst s0;
	s0 =	simm.s32 @!p2 $0x0  }
0x16: {  	s3 =	sld [smem:$0x3FDB];
	s0 =	simm.s32 @p2 $0x1  }
0x17: {  	s4 =	simm.s32 $0x1BF5;
	[smem:$0x3FAC] =	sst s0  }
0x18: {  	s0 =	sld [smem:$0x3F8F];
	_ =	swait.ge [sflag:s4], $0x0  }
0x19: {  	s7 =	sld [smem:$0x3F90]  }
0x1a: {  	s8 =	sadd.s32 $0xFFFFE003, lr  }
0x1b: {  	s9 =	sadd.s32 $0xFFFFFEF7, lr;
	s5 =	simm.s32 $0xFFFFFFFF;
	p2 =	slt.u32 s8, $0xFFFFF086  }
0x1c: {  	p1 =	slt.u32 s9, $0xF7A;
	s5 =	simm.s32 @!p2 $0x0  }
0x1d: {  	s5 =	simm.s32 @p1 $0x1;
	p0 =	seq.s32 s7, s2  }
0x1e: {  	s7 =	smul.u32 @!p0 $0xF7A, s2;
	p2 =	seq.s32 @!p0 s5, $0x0  }
0x1f: {  	s9 =	smul.u32 $0xF7A, s1;
	s8 =	simm.s32 @!p0 $0x1BF5;
	p2 =	por !p2, p0  }
0x20: {  	[sflag:s8] =	ssyncset.s32 @!p0 $0xFFFFF086;
	s6 =	sadd.s32 @!p0 s3, s7;
	s7 =	simm.s32 @!p0 $0x108  }
0x21: {  	s3 =	sadd.s32 s3, s9;
	s6 =	sadd.s32 @!p0 $0x88, s6;
	s7 =	simm.s32 @p2 $0x1082  }
0x22: {  	[simem:s7], [sflag:s8] =	dma.local @!p0 [hbm:s6], $0xF7A  }
0x23: {  	s9 =	sor.u32 $0xD0000000, s2;
	s6 =	simm.s32 $0x108;
	_ =	swait.ge @!p0 [sflag:s8], $0x0  }
0x24: {  	s3 =	sadd.s32 $0x88, s3;
	s6 =	simm.s32 @!p1 $0x1082;
	[sflag:s4] =	ssyncset.s32 $0xFFFFF086  }
0x25: {  	[simem:s6], [sflag:s4] =	dma.local [hbm:s3], $0xF7A  }
0x26: {  	[smem:$0x3F90] =	sst s1;
	(tag) =	ssettag s2;
	_ =	strace s9  }
0x27: {  	s1 =	sld [smem:$0x3FA0]  }
0x28: {  	s2 =	sld [smem:$0x3FA1]  }
0x29: {  	s4 =	sld [smem:$0x3FA3]  }
0x2a: {  	p0 =	seq.s32 s5, $0x0;
	s5 =	sld [smem:$0x3FA4]  }
0x2b: {  	s6 =	sld [smem:$0x3FA5]  }
0x2c: {  	s7 =	sld [smem:$0x3FA6]  }
0x2d: {  	s3 =	simm.s32 $0x108;
	s8 =	sld [smem:$0x3FA7]  }
0x2e: {  	s3 =	simm.s32 @!p0 $0x1082;
	s9 =	sld [smem:$0x3FA8]  }
0x2f: {  	lr =	sadd.s32 s0, s3;
	s0 =	sld [smem:$0x3F9F]  }
0x30: {  	s3 =	sld [smem:$0x3FA2]  }
0x31: {  	[smem:$0x3FAB] =	sst s10  }
0x32: {  	s10 =	sld [smem:$0x3FA9];
	_ =	sdelay $0x3  }
0x33: {  	p0 =	seq.s32 s10, $0x1;
	s10 =	sld [smem:$0x3FAB];
	_ =	sdelay $0x3  }
0x34: {  	[smem:$0x3FAB] =	sst s10  }
0x35: {  	s10 =	sld [smem:$0x3FAA];
	_ =	sdelay $0x3  }
0x36: {  	p1 =	seq.s32 s10, $0x1;
	s10 =	sld [smem:$0x3FAB];
	_ =	sdelay $0x3  }
0x37: {  	[smem:$0x3FAB] =	sst s10  }
0x38: {  	s10 =	sld [smem:$0x3FAC]  }
0x39: {  	_ = 	snop;
	(pc) =	sbr.ind lr, $3  }
0x3a: {  	_ = 	snop  }
0x3b: {  	_ = 	snop  }
0x3c: {  	p2 =	seq.s32 s10, $0x1;
	s10 =	sld [smem:$0x3FAB]  }
0x3d: {  	_ =	shalt  }
0x3e: {  	_ =	shalt  }
0x3f: {  	_ =	shalt  }
0x40: {  	_ =	shalt  }
0x41: {  	_ =	shalt  }
0x42: {  	_ =	shalt  }
0x43: {  	_ =	shalt  }
0x44: {  	_ =	shalt  }
0x45: {  	_ =	shalt  }
0x46: {  	_ =	shalt  }
0x47: {  	_ =	shalt  }
0x48: {  	_ =	shalt  }
0x49: {  	_ =	shalt  }
0x4a: {  	_ =	shalt  }
0x4b: {  	_ =	shalt  }
0x4c: {  	_ =	shalt  }
0x4d: {  	_ =	shalt  }
0x4e: {  	_ =	shalt  }
0x4f: {  	_ =	shalt  }
0x50: {  	_ =	shalt  }
0x51: {  	_ =	shalt  }
0x52: {  	_ =	shalt  }
0x53: {  	_ =	shalt  }
0x54: {  	_ =	shalt  }
0x55: {  	_ =	shalt  }
0x56: {  	_ =	shalt  }
0x57: {  	_ =	shalt  }
0x58: {  	_ =	shalt  }
0x59: {  	_ =	shalt  }
0x5a: {  	_ =	shalt  }
0x5b: {  	_ =	shalt  }
0x5c: {  	_ =	shalt  }
0x5d: {  	_ =	shalt  }
0x5e: {  	_ =	shalt  }
0x5f: {  	_ =	shalt  }
0x60: {  	_ =	shalt  }
0x61: {  	_ =	shalt  }
0x62: {  	_ =	shalt  }
0x63: {  	_ =	shalt  }
0x64: {  	_ =	shalt  }
0x65: {  	_ =	shalt  }
0x66: {  	_ =	shalt  }
0x67: {  	_ =	shalt  }
0x68: {  	_ =	shalt  }
0x69: {  	_ =	shalt  }
0x6a: {  	_ =	shalt  }
0x6b: {  	_ =	shalt  }
0x6c: {  	_ =	shalt  }
0x6d: {  	_ =	shalt  }
0x6e: {  	_ =	shalt  }
0x6f: {  	_ =	shalt  }
0x70: {  	_ =	shalt  }
0x71: {  	_ =	shalt  }
0x72: {  	_ =	shalt  }
0x73: {  	_ =	shalt  }
0x74: {  	_ =	shalt  }
0x75: {  	_ =	shalt  }
0x76: {  	_ =	shalt  }
0x77: {  	_ =	shalt  }
0x78: {  	_ =	shalt  }
0x79: {  	_ =	shalt  }
0x7a: {  	_ =	shalt  }
0x7b: {  	_ =	shalt  }
0x7c: {  	_ =	shalt  }
0x7d: {  	_ =	shalt  }
0x7e: {  	_ =	shalt  }
0x7f: {  	_ =	shalt  }
0x80: {  	_ =	shalt  }
0x81: {  	_ =	shalt  }
0x82: {  	_ =	shalt  }
0x83: {  	_ =	shalt  }
0x84: {  	_ =	shalt  }
0x85: {  	_ =	shalt  }
0x86: {  	_ =	shalt  }
0x87: {  	_ =	shalt  }
.Lfunc_end0:
.L_simem_size_0:
called_computation.2_lowered:
.L_overlay_start_0:
0x88: {  	s2 =	sld [smem:$0x3FD9]  }
0x89: {  	s3 =	sld [smem:$0x3FFE];
	_ =	sdelay $0x1  }
0x8a: {  	s1 =	srdreg.scid  }
0x8b: {  	s0 =	sand.u32 $0x1, s1  }
0x8c: {  	s17 =	sshll.u32 s0, $0xA;
	s2 =	sadd.s32 s3, s2  }
0x8d: {  	s2 =	sadd.s32 s2, s17  }
0x8e: {  	[smem:$0x3FB7] =	sst s2  }
0x8f: {  	_ = 	snop  }
0x90: {  	s2 =	sld [smem:$0x3FC9]  }
0x91: {  	s18 =	sld [smem:$0x3FD0];
	(tm) =	ssettm $0x1  }
0x92: {  	s4 =	sld [smem:$0x3FFB];
	_ =	sdelay $0x3  }
0x93: {  	_ =	strace s4  }
0x94: {  	s4 =	sld [smem:$0x3FFC];
	_ =	sdelay $0x3  }
0x95: {  	_ =	strace s4  }
0x96: {  	s4 =	sld [smem:$0x3FFD];
	_ =	sdelay $0x3  }
0x97: {  	_ =	strace s4  }
0x98: {  	_ =	strace $0x8FFFFFFF  }
0x99: {  	s19 =	sld [smem:$0x3FDB];
	_ =	sdelay $0x1  }
0x9a: {  	s5 =	simm.s32 $_scs_section_size  }
0x9b: {  	s6 =	simm.s32 $_size__tile_overlayer_lowered;
	s7 =	simm.s32 $_tile_overlayer_lowered  }
0x9c: {  	s22 =	simm.s32 $0x1BFF;
	s21 =	sshll.u32 s7, $0x1;
	s4 =	sadd.s32 s5, s19  }
0x9d: {  	s8 =	simm.s32 $0x0;
	s20 =	sshll.u32 s6, $0x1;
	s6 =	sadd.s32 s21, s4  }
0x9e: {  	[timem:s8], [sflag:s22] =	dma.local [hbm:s6], s20  }
0x9f: {  	_ =	swait.ge [sflag:s22], s20  }
0xa0: {  	s5 =	ssub.s32 $0x0, s20;
	[sflag:s22] =	ssyncset.done $0x0  }
0xa1: {  	[sflag:s22] =	ssyncadd.s32 s5;
	_ =	sdelay $0x1  }
0xa2: {  	s23 =	simm.s32 $0x1B8B  }
0xa3: {  	_ =	swait.ge [sflag:s23], $0x1  }
0xa4: {  	[sflag:s23] =	ssyncset.done $0x0  }
0xa5: {  	s25 =	simm.s32 $0x1B8E;
	s24 =	sld [smem:$0x3FFE];
	[sflag:s23] =	ssyncadd.s32 $0xFFFFFFFF  }
0xa6: {  	s26 =	simm.s32 $execute0_lowered;
	[smem:$0x3FD2] =	sst s25  }
0xa7: {  	s6 =	sshll.u32 s26, $0x1;
	_ =	strace $0x80000049;
	[dreg:$0x1] =	wrdreg $0xFFFFFFFF  }
0xa8: {  	s28 =	simm.s32 $_size_execute0_lowered;
	s4 =	sadd.s32 s4, s6;
	[dreg:$0x0] =	wrdreg $0x0  }
0xa9: {  	s6 =	sshll.u32 s28, $0x1;
	[dreg:$0x2] =	wrdreg s4  }
0xaa: {  	[dreg:$0x3] =	wrdreg s6  }
0xab: {  	[dreg:$0x4] =	wrdreg $0xC0  }
0xac: {  	_ =	task [dreg:s8], $0x5FFFF  }
0xad: {  	[dreg:$0x1] =	wrdreg $0xFFFFFFFF  }
0xae: {  	[dreg:$0x0] =	wrdreg $0x60  }
0xaf: {  	[dreg:$0x2] =	wrdreg s24  }
0xb0: {  	[dreg:$0x3] =	wrdreg s2  }
0xb1: {  	[dreg:$0x4] =	wrdreg s18  }
0xb2: {  	[dreg:$0x5] =	wrdreg $0x0  }
0xb3: {  	[dreg:$0x6] =	wrdreg $0xA  }
0xb4: {  	_ =	task.clear_ibuf [dreg:s8], $0x7FFFF;
	_ =	strace $0x90000049  }
0xb5: {  	s29 =	simm.s32 $0xA;
	_ =	strace $0x8000004B  }
0xb6: {  	_ =	swait.ge [sflag:s29], $0x1  }
0xb7: {  	[sflag:s29] =	ssyncadd.s32 $0xFFFFFFFF  }
0xb8: {  	_ =	strace $0x9000004B  }
0xb9: {  	_ =	sfence  }
0xba: {  	s30 =	sld [smem:$0x0];
	_ =	sdelay $0x2  }
0xbb: {  	s31 =	sshll.u32 s1, $0xD;
	s1 =	sshrl.u32 s1, $0x2  }
0xbc: {  	s3 =	sand.u32 $0x4000, s31;
	s1 =	sadd.s32 s1, s30  }
0xbd: {  	s0 =	sor.u32 s3, s0;
	s1 =	sshll.u32 s1, $0x11  }
0xbe: {  	s0 =	sor.u32 s1, s0  }
0xbf: {  	s0 =	sadd.s32 $0x8F2B, s0  }
0xc0: {  	[sflag:s0] =	ssyncadd.remote.s32 $0x1  }
0xc1: {  	_ =	sfence.sel $0xFFFF  }
0xc2: {  	[dreg:$0x0] =	wrdreg $0xFFFFFFFF;
	(pc) =	sbr.abs _section_cstart, $3  }
0xc3: {  	[dreg:$0x1] =	wrdreg $0xFFFFFFFF  }
0xc4: {  	_ =	task.clear_ibuf [dreg:s8], $0x2FFFF;
	_ =	strace $0x9FFFFFFF  }
0xc5: {  	(tm) =	ssettm $0x7FFFFFFF  }
tec
execute0_lowered:
.L_overlay_start_1:
0x0: {  	(tag) =	ssettag $0x1  }
0x1: {  	s0 =	rddreg [dreg:$0x0]  }
0x2: {  	s17 =	rddreg [dreg:$0x2]  }
0x3: {  	s1 =	srdreg.scid;
	s3 =	rddreg [dreg:$0x3]  }
0x4: {  	s2 =	stileid.u32;
	s4 =	simm.s32 $0x0;
	s20 =	simm.s32 $0x16910  }
0x5: {  	s21 =	simm.s32 $0x1;
	s22 =	simm.s32 $0x10;
	s23 =	simm.s32 $0x17910  }
0x6: {  	s24 =	simm.s32 $0x16110;
	s25 =	simm.s32 $0x1C01;
	s26 =	simm.s32 $0x18990  }
0x7: {  	s28 =	simm.s32 $0x18190;
	s29 =	simm.s32 $0x18A10;
	s30 =	simm.s32 $0x0  }
0x8: {  	s1 =	sand.u32 $0x1, s1;
	[smem:$0x7FF] =	sst s4;
	s6 =	sadd.s32 $0x5A400, s0  }
0x9: {  	s8 =	sadd.s32 $0x33200, s0;
	s9 =	sadd.s32 $0x5CC00, s0;
	p1 =	seq.s32 s2, $0x1  }
0xa: {  	s14 =	sadd.s32 $0x84400, s0;
	s15 =	sadd.s32 $0x84500, s0;
	s16 =	sadd.s32 $0x84600, s0  }
0xb: {  	s17 =	sadd.s32 $0x2, s17;
	s5 =	sshll.u32 s1, $0x4;
	_ =	strace $0x8000004A  }
0xc: {  	s10 =	sshll.u32 s1, $0x7;
	s11 =	ssub.s32 $0x2, s1;
	p0 =	seq.s32 s1, $0x1  }
0xd: {  	s5 =	sor.u32 s2, s5;
	s18 =	sadd.s32 s10, s0;
	s13 =	sshrl.u32 s11, $0x1  }
.Ltmp0:
0xe: {  	s10 =	sadd.s32 $0x84200, s0;
	p0 =	por !p1, !p0;
	(pc) =	sbr.rel .LBB2_1-.Ltmp0, $4  }
0xf: {  	v0 =	vlaneseq.u32;
	p1 =	sne.s32 s2, $0x0;
	s7 =	smul.u32 $0x271, s5;
	s5 =	sadd.s32 $0x5CE00, s0  }
0x10: {  	v2 =	vmul.u32 $0xFFFFFFFF, v0;
	s31 =	ssub.s32 s11, s13;
	p0 =	por !p0, !p0;
	s13 =	sadd.s32 $0x84300, s0  }
0x11: {  	s18 =	sadd.s32 $0x84000, s18;
	s19 =	smax.u32 s31, $0x1;
	s12 =	sadd.s32 s7, s0  }
0x12: {  	v1 =	vimm.s32 $0x0;
	v2 =	vadd.s32 $0x1388, v2;
	s7 =	sadd.s32 $0xC000, s0;
	s11 =	sadd.s32 $0x7000, s12;
	s12 =	sadd.s32 $0x2000, s12  }
.LBB2_4:
0x13: {  	s0 =	sshrl.u32 s3, $0x3  }
0x14: {  	[hbm:s18], [sflag:s25] =	dma.local [spmem:s0], $0x80  }
0x15: {  	_ =	swait.ge [sflag:s21], $0x80  }
0x16: {  	[sflag:s21] =	ssyncset.done $0x0  }
0x17: {  	[sflag:s21] =	ssyncadd.s32 $0xFFFFFF80  }
.LBB2_7:
0x18: {  	s30 =	sadd.s32 $0x1, s30  }
0x19: {  	p2 =	sne.s32 s30, s19  }
.Ltmp1:
0x1a: {  	_ = 	snop;
	(pc) =	sbr.rel @!p2 .LBB2_8-.Ltmp1, $1  }
0x1b: {  	_ =	sdelay $0x3  }
.LBB2_1:
0x1c: {  	[tilespmem:s20], [sflag:$0x1] =	stream.linear.gather [hbm4b:s9+s4], $0x1000, $0x38;
	[tilespmem:$0x18A90] =	vst v63  }
0x1d: {  	_ =	swait.ge [sflag:s21], $0x1000  }
0x1e: {  	[sflag:s21] =	ssyncset.done $0x0  }
0x1f: {  	[sflag:s21] =	ssyncadd.s32 $0xFFFFF000  }
0x20: {  	[tilespmem:$0x16110] =	vst v1  }
0x21: {  	[tilespmem:$0x17990] =	vst v1  }
0x22: {  	[tilespmem:$0x16190] =	vst v1  }
0x23: {  	[tilespmem:$0x17A10] =	vst v1  }
0x24: {  	[tilespmem:$0x16210] =	vst v1  }
0x25: {  	[tilespmem:$0x17A90] =	vst v1  }
0x26: {  	[tilespmem:$0x16290] =	vst v1  }
0x27: {  	[tilespmem:$0x17B10] =	vst v1  }
0x28: {  	[tilespmem:$0x16310] =	vst v1  }
0x29: {  	[tilespmem:$0x17B90] =	vst v1  }
0x2a: {  	[tilespmem:$0x16390] =	vst v1  }
0x2b: {  	[tilespmem:$0x17C10] =	vst v1  }
0x2c: {  	[tilespmem:$0x16410] =	vst v1  }
0x2d: {  	[tilespmem:$0x17C90] =	vst v1  }
0x2e: {  	[tilespmem:$0x16490] =	vst v1  }
0x2f: {  	[tilespmem:$0x17D10] =	vst v1  }
0x30: {  	[tilespmem:$0x16510] =	vst v1  }
0x31: {  	[tilespmem:$0x17D90] =	vst v1  }
0x32: {  	[tilespmem:$0x16590] =	vst v1  }
0x33: {  	[tilespmem:$0x17E10] =	vst v1  }
0x34: {  	[tilespmem:$0x16610] =	vst v1  }
0x35: {  	[tilespmem:$0x17E90] =	vst v1  }
0x36: {  	[tilespmem:$0x16690] =	vst v1  }
0x37: {  	[tilespmem:$0x17F10] =	vst v1  }
0x38: {  	[tilespmem:$0x16710] =	vst v1  }
0x39: {  	[tilespmem:$0x17F90] =	vst v1  }
0x3a: {  	[tilespmem:$0x16790] =	vst v1  }
0x3b: {  	[tilespmem:$0x18010] =	vst v1  }
0x3c: {  	[tilespmem:$0x16810] =	vst v1  }
0x3d: {  	[tilespmem:$0x18090] =	vst v1  }
0x3e: {  	[tilespmem:$0x16890] =	vst v1  }
0x3f: {  	[tilespmem:$0x18110] =	vst v1  }
0x40: {  	s0 =	simm.s32 @!p1 $0x17990;
	[tilespmem:$0x17910] =	vst v0  }
0x41: {  	[spmem:s3] =	stream.linear.scatter @!p1 [tilespmem:s0], [sflag:$0x1], $0x800, $0x38;
	[tilespmem:$0x18A90] =	vst v63  }
0x42: {  	s0 =	simm.s32 @!p1 $0x1  }
0x43: {  	_ =	swait.ge @!p1 [sflag:s0], $0x800  }
0x44: {  	[sflag:s0] =	ssyncset.done @!p1 $0x0  }
0x45: {  	[sflag:s0] =	ssyncadd.s32 @!p1 $0xFFFFF800  }
0x46: {  	[tilespmem:s22], [sflag:$0x1] =	stream.linear.gather [hbm4b:s6+s4], $0x13900, $0x38;
	[tilespmem:$0x18A90] =	vst v63  }
0x47: {  	_ =	swait.ge [sflag:s21], $0x13900  }
0x48: {  	[sflag:s21] =	ssyncset.done $0x0  }
0x49: {  	s1 =	simm.s32 $0x13910;
	[sflag:s21] =	ssyncadd.s32 $0xFFFEC700  }
0x4a: {  	[tilespmem:s1], [sflag:$0x1] =	stream.linear.gather [hbm4b:s11+s4], $0x1388, $0x38;
	[tilespmem:$0x18A90] =	vst v63  }
0x4b: {  	_ =	swait.ge [sflag:s21], $0x1388  }
0x4c: {  	[sflag:s21] =	ssyncset.done $0x0  }
0x4d: {  	s31 =	simm.s32 $0x14D10;
	[sflag:s21] =	ssyncadd.s32 $0xFFFFEC78  }
0x4e: {  	[tilespmem:s31], [sflag:$0x1] =	stream.linear.gather [hbm4b:s12+s4], $0x1388, $0x38;
	[tilespmem:$0x18A90] =	vst v63  }
0x4f: {  	_ =	swait.ge [sflag:s21], $0x1388  }
0x50: {  	[sflag:s21] =	ssyncset.done $0x0  }
0x51: {  	[sflag:s21] =	ssyncadd.s32 $0xFFFFEC78  }
0x52: {  	[bflag:$0x0] =	sbarrier.arrive $0xFFFF  }
0x53: {  	v16 =	vld [tilespmem:$0x16910]  }
0x54: {  	v13 =	vld [tilespmem:$0x16990]  }
0x55: {  	v11 =	vld [tilespmem:$0x16A10]  }
0x56: {  	v9 =	vld [tilespmem:$0x16A90]  }
0x57: {  	v7 =	vld [tilespmem:$0x16B10]  }
0x58: {  	v5 =	vld [tilespmem:$0x16B90]  }
0x59: {  	v4 =	vld [tilespmem:$0x16C10]  }
0x5a: {  	v3 =	vld [tilespmem:$0x16C90]  }
0x5b: {  	v19 =	vld [tilespmem:$0x16D10]  }
0x5c: {  	v18 =	vld [tilespmem:$0x16D90]  }
0x5d: {  	v17 =	vld [tilespmem:$0x16E10]  }
0x5e: {  	v15 =	vld [tilespmem:$0x16E90]  }
0x5f: {  	v12 =	vld [tilespmem:$0x16F10]  }
0x60: {  	v10 =	vld [tilespmem:$0x16F90]  }
0x61: {  	v8 =	vld [tilespmem:$0x17010]  }
0x62: {  	v6 =	vld [tilespmem:$0x17090]  }
0x63: {  	s2 =	simm.s32 $0x0;
	s0 =	simm.s32 $0x10;
	v14 =	vld [tilespmem:s1+$0x0]  }
.LBB2_2:
0x64: {  	p2 =	sne.s32 s0, $0x1380;
	v20 =	vld [tilespmem:s31+$0x0];
	_ =	sdelay $0x2  }
0x65: {  	v21 =	vmov s2;
	s2 =	smov.u32 s0  }
0x66: {  	vm0 =	vlt.u32 v21, v2;
	v21 =	vadd.s32 v19, v14  }
0x67: {  	v21 =	vnsel vm0, $0x0, v21;
	_ =	sdelay $0x4  }
0x68: {  	v21 =	vld.idx.msk [tilespmem:v21+s22+$0x0], $0xffff;
	_ =	sdelay $0x1  }
0x69: {  	v22 =	vld [tilespmem:$0x16110]  }
0x6a: {  	v23 =	vadd.s32 v18, v14  }
0x6b: {  	vm1 =	veq.s32 v20, v16;
	v23 =	vnsel vm0, $0x0, v23  }
0x6c: {  	vm1 =	vmand vm0, vm1  }
0x6d: {  	v21 =	vnsel vm1, $0x0, v21  }
0x6e: {  	v21 =	vadd.s32 v22, v21  }
0x6f: {  	[tilespmem:$0x16110] =	vst v21  }
0x70: {  	v21 =	vld.idx.msk [tilespmem:v23+s22+$0x0], $0xffff;
	_ =	sdelay $0x1  }
0x71: {  	v22 =	vld [tilespmem:$0x16190]  }
0x72: {  	v23 =	vadd.s32 v17, v14  }
0x73: {  	vm1 =	veq.s32 v20, v13;
	v23 =	vnsel vm0, $0x0, v23  }
0x74: {  	vm1 =	vmand vm0, vm1  }
0x75: {  	v21 =	vnsel vm1, $0x0, v21  }
0x76: {  	v21 =	vadd.s32 v21, v22  }
0x77: {  	[tilespmem:$0x16190] =	vst v21  }
0x78: {  	v21 =	vld.idx.msk [tilespmem:v23+s22+$0x0], $0xffff;
	_ =	sdelay $0x1  }
0x79: {  	v22 =	vld [tilespmem:$0x16210]  }
0x7a: {  	v23 =	vadd.s32 v15, v14  }
0x7b: {  	vm1 =	veq.s32 v20, v11;
	v23 =	vnsel vm0, $0x0, v23  }
0x7c: {  	vm1 =	vmand vm0, vm1  }
0x7d: {  	v21 =	vnsel vm1, $0x0, v21  }
0x7e: {  	v21 =	vadd.s32 v21, v22  }
0x7f: {  	[tilespmem:$0x16210] =	vst v21  }
0x80: {  	v21 =	vld.idx.msk [tilespmem:v23+s22+$0x0], $0xffff;
	_ =	sdelay $0x1  }
0x81: {  	v22 =	vld [tilespmem:$0x16290]  }
0x82: {  	v23 =	vadd.s32 v12, v14  }
0x83: {  	vm1 =	veq.s32 v20, v9;
	v23 =	vnsel vm0, $0x0, v23  }
0x84: {  	vm1 =	vmand vm0, vm1  }
0x85: {  	v21 =	vnsel vm1, $0x0, v21  }
0x86: {  	v21 =	vadd.s32 v21, v22  }
0x87: {  	[tilespmem:$0x16290] =	vst v21  }
0x88: {  	v21 =	vld.idx.msk [tilespmem:v23+s22+$0x0], $0xffff;
	_ =	sdelay $0x1  }
0x89: {  	v22 =	vld [tilespmem:$0x16310]  }
0x8a: {  	v23 =	vadd.s32 v10, v14  }
0x8b: {  	vm1 =	veq.s32 v20, v7;
	v23 =	vnsel vm0, $0x0, v23  }
0x8c: {  	vm1 =	vmand vm0, vm1  }
0x8d: {  	v21 =	vnsel vm1, $0x0, v21  }
0x8e: {  	v21 =	vadd.s32 v21, v22  }
0x8f: {  	[tilespmem:$0x16310] =	vst v21  }
0x90: {  	v21 =	vld.idx.msk [tilespmem:v23+s22+$0x0], $0xffff;
	_ =	sdelay $0x1  }
0x91: {  	v22 =	vld [tilespmem:$0x16390]  }
0x92: {  	v23 =	vadd.s32 v8, v14  }
0x93: {  	vm1 =	veq.s32 v20, v5;
	v23 =	vnsel vm0, $0x0, v23  }
0x94: {  	vm1 =	vmand vm0, vm1  }
0x95: {  	v21 =	vnsel vm1, $0x0, v21  }
0x96: {  	v21 =	vadd.s32 v21, v22  }
0x97: {  	[tilespmem:$0x16390] =	vst v21  }
0x98: {  	v21 =	vld.idx.msk [tilespmem:v23+s22+$0x0], $0xffff;
	_ =	sdelay $0x1  }
0x99: {  	v22 =	vld [tilespmem:$0x16410]  }
0x9a: {  	v14 =	vadd.s32 v6, v14  }
0x9b: {  	v14 =	vnsel vm0, $0x0, v14;
	vm1 =	veq.s32 v20, v4  }
0x9c: {  	vm1 =	vmand vm0, vm1  }
0x9d: {  	v21 =	vnsel vm1, $0x0, v21  }
0x9e: {  	v21 =	vadd.s32 v21, v22  }
0x9f: {  	[tilespmem:$0x16410] =	vst v21  }
0xa0: {  	v14 =	vld.idx.msk [tilespmem:v14+s22+$0x0], $0xffff;
	_ =	sdelay $0x1  }
0xa1: {  	v21 =	vld [tilespmem:$0x16490];
	_ =	sdelay $0x1  }
0xa2: {  	vm1 =	veq.s32 v20, v3  }
.Ltmp2:
0xa3: {  	vm0 =	vmand vm0, vm1;
	(pc) =	sbr.rel @p2 .LBB2_2-.Ltmp2, $4  }
0xa4: {  	v14 =	vnsel vm0, $0x0, v14  }
0xa5: {  	v14 =	vadd.s32 v14, v21  }
0xa6: {  	s1 =	sadd.s32 $0x10, s1;
	[tilespmem:$0x16490] =	vst v14  }
0xa7: {  	s0 =	sadd.s32 $0x10, s0;
	s31 =	sadd.s32 $0x10, s31;
	v14 =	vld [tilespmem:s1+$0x0]  }
0xa8: {  	_ =	sdelay $0x2  }
0xa9: {  	v20 =	vmov s2  }
0xaa: {  	vm0 =	vlt.u32 v20, v2;
	v19 =	vadd.s32 v19, v14  }
0xab: {  	v19 =	vnsel vm0, $0x0, v19;
	_ =	sdelay $0x2  }
0xac: {  	v48 =	vld [tilespmem:s31+$0x0];
	_ =	sdelay $0x1  }
0xad: {  	v19 =	vld.idx.msk [tilespmem:v19+s22+$0x0], $0xffff  }
0xae: {  	v21 =	vld [tilespmem:$0x16110]  }
0xaf: {  	v18 =	vadd.s32 v18, v14  }
0xb0: {  	vm1 =	veq.s32 v48, v16;
	v49 =	vnsel vm0, $0x0, v18  }
0xb1: {  	vm1 =	vmand vm0, vm1  }
0xb2: {  	v50 =	vnsel vm1, $0x0, v19  }
0xb3: {  	v18 =	vadd.s32 v21, v50  }
0xb4: {  	[tilespmem:$0x16110] =	vst v18  }
0xb5: {  	v16 =	vld.idx.msk [tilespmem:v49+s22+$0x0], $0xffff  }
0xb6: {  	v51 =	vld [tilespmem:$0x16190]  }
0xb7: {  	v17 =	vadd.s32 v17, v14  }
0xb8: {  	vm9 =	veq.s32 v48, v13;
	v52 =	vnsel vm0, $0x0, v17  }
0xb9: {  	vm1 =	vmand vm0, vm9  }
0xba: {  	v16 =	vnsel vm1, $0x0, v16  }
0xbb: {  	v16 =	vadd.s32 v16, v51  }
0xbc: {  	[tilespmem:$0x16190] =	vst v16  }
0xbd: {  	v13 =	vld.idx.msk [tilespmem:v52+s22+$0x0], $0xffff  }
0xbe: {  	v53 =	vld [tilespmem:$0x16210]  }
0xbf: {  	v15 =	vadd.s32 v15, v14  }
0xc0: {  	vm10 =	veq.s32 v48, v11;
	v54 =	vnsel vm0, $0x0, v15  }
0xc1: {  	vm1 =	vmand vm0, vm10  }
0xc2: {  	v13 =	vnsel vm1, $0x0, v13  }
0xc3: {  	v13 =	vadd.s32 v13, v53  }
0xc4: {  	[tilespmem:$0x16210] =	vst v13  }
0xc5: {  	v11 =	vld.idx.msk [tilespmem:v54+s22+$0x0], $0xffff  }
0xc6: {  	v55 =	vld [tilespmem:$0x16290]  }
0xc7: {  	v12 =	vadd.s32 v12, v14  }
0xc8: {  	vm11 =	veq.s32 v48, v9;
	v56 =	vnsel vm0, $0x0, v12  }
0xc9: {  	vm1 =	vmand vm0, vm11  }
0xca: {  	v11 =	vnsel vm1, $0x0, v11  }
0xcb: {  	v11 =	vadd.s32 v11, v55  }
0xcc: {  	[tilespmem:$0x16290] =	vst v11  }
0xcd: {  	v9 =	vld.idx.msk [tilespmem:v56+s22+$0x0], $0xffff  }
0xce: {  	v57 =	vld [tilespmem:$0x16310]  }
0xcf: {  	v10 =	vadd.s32 v10, v14  }
0xd0: {  	vm12 =	veq.s32 v48, v7;
	v58 =	vnsel vm0, $0x0, v10  }
0xd1: {  	vm1 =	vmand vm0, vm12  }
0xd2: {  	v9 =	vnsel vm1, $0x0, v9  }
0xd3: {  	v9 =	vadd.s32 v9, v57  }
0xd4: {  	[tilespmem:$0x16310] =	vst v9  }
0xd5: {  	v7 =	vld.idx.msk [tilespmem:v58+s22+$0x0], $0xffff  }
0xd6: {  	v59 =	vld [tilespmem:$0x16390]  }
0xd7: {  	v8 =	vadd.s32 v8, v14  }
0xd8: {  	vm13 =	veq.s32 v48, v5;
	v60 =	vnsel vm0, $0x0, v8  }
0xd9: {  	vm1 =	vmand vm0, vm13  }
0xda: {  	v7 =	vnsel vm1, $0x0, v7  }
0xdb: {  	v7 =	vadd.s32 v7, v59  }
0xdc: {  	[tilespmem:$0x16390] =	vst v7  }
0xdd: {  	v5 =	vld.idx.msk [tilespmem:v60+s22+$0x0], $0xffff  }
0xde: {  	v61 =	vld [tilespmem:$0x16410]  }
0xdf: {  	v6 =	vadd.s32 v6, v14  }
0xe0: {  	vm14 =	veq.s32 v48, v4;
	v62 =	vnsel vm0, $0x0, v6  }
0xe1: {  	vm1 =	vmand vm0, vm14  }
0xe2: {  	v5 =	vnsel vm1, $0x0, v5  }
0xe3: {  	v5 =	vadd.s32 v5, v61  }
0xe4: {  	[tilespmem:$0x16410] =	vst v5  }
0xe5: {  	v4 =	vld.idx.msk [tilespmem:v62+s22+$0x0], $0xffff  }
0xe6: {  	v63 =	vld [tilespmem:$0x16490];
	_ =	sdelay $0x1  }
0xe7: {  	vm15 =	veq.s32 v48, v3  }
0xe8: {  	vm0 =	vmand vm0, vm15  }
0xe9: {  	v3 =	vnsel vm0, $0x0, v4  }
0xea: {  	v3 =	vadd.s32 v3, v63  }
0xeb: {  	[tilespmem:$0x16490] =	vst v3  }
0xec: {  	[spmem:s3] =	stream.indirect.scatter.add.s32 [tilespmem:s24], [sflag:$0x1], $0x10, s23, s22, $0xb8;
	[tilespmem:$0x18A90] =	vst v63  }
.Ltmp3:
0xed: {  	_ =	swait.ge [sflag:s21], $0x100;
	(pc) =	sbr.rel @!p1 .LBB2_4-.Ltmp3, $3  }
0xee: {  	[sflag:s21] =	ssyncset.done $0x0  }
0xef: {  	[sflag:s21] =	ssyncadd.s32 $0xFFFFFF00  }
0xf0: {  	[bflag:$0x0] =	sbarrier.arrive $0xFFFF;
	_ =	sdelay $0x1  }
.Ltmp4:
0xf1: {  	(pc) =	sbr.rel @!p0 .LBB2_7-.Ltmp4, $1  }
0xf2: {  	_ =	sdelay $0x3  }
0xf3: {  	v3 =	vld [tilespmem:$0x17510];
	_ =	sdelay $0x4  }
0xf4: {  	s0 =	rddreg [dreg:$0x1];
	[tilespmem:$0x18990] =	vst v3  }
0xf5: {  	[tilespmem:s28], [sflag:$0x1] =	stream.indirect.gather [hbm4b:s0+s22], $0x80, s26, s22, $0xb8;
	[tilespmem:$0x18A90] =	vst v63  }
0xf6: {  	_ =	swait.ge [sflag:s21], $0x800  }
0xf7: {  	[sflag:s21] =	ssyncset.done $0x0  }
0xf8: {  	[sflag:s21] =	ssyncadd.s32 $0xFFFFF800  }
0xf9: {  	[hbm4b:s10+s4] =	stream.linear.scatter [tilespmem:s28], [sflag:$0x1], $0x800, $0x38;
	[tilespmem:$0x18A90] =	vst v63  }
0xfa: {  	_ =	swait.ge [sflag:s21], $0x800  }
0xfb: {  	[sflag:s21] =	ssyncset.done $0x0  }
0xfc: {  	[sflag:s21] =	ssyncadd.s32 $0xFFFFF800  }
0xfd: {  	[tilespmem:s28], [sflag:$0x1] =	stream.indirect.gather [hbm4b:s7+s22], $0x80, s26, s22, $0xb8;
	[tilespmem:$0x18A90] =	vst v63  }
0xfe: {  	_ =	swait.ge [sflag:s21], $0x800  }
0xff: {  	[sflag:s21] =	ssyncset.done $0x0  }
0x100: {  	[sflag:s21] =	ssyncadd.s32 $0xFFFFF800  }
0x101: {  	[hbm4b:s13+s4] =	stream.linear.scatter [tilespmem:s28], [sflag:$0x1], $0x800, $0x38;
	[tilespmem:$0x18A90] =	vst v63  }
0x102: {  	_ =	swait.ge [sflag:s21], $0x800  }
0x103: {  	[sflag:s21] =	ssyncset.done $0x0  }
0x104: {  	[sflag:s21] =	ssyncadd.s32 $0xFFFFF800  }
0x105: {  	[tilespmem:s28], [sflag:$0x1] =	stream.indirect.gather [hbm4b:s8+s22], $0x80, s26, s22, $0xb8;
	[tilespmem:$0x18A90] =	vst v63  }
0x106: {  	_ =	swait.ge [sflag:s21], $0x800  }
0x107: {  	[sflag:s21] =	ssyncset.done $0x0  }
0x108: {  	[sflag:s21] =	ssyncadd.s32 $0xFFFFF800  }
0x109: {  	[hbm4b:s14+s4] =	stream.linear.scatter [tilespmem:s28], [sflag:$0x1], $0x800, $0x38;
	[tilespmem:$0x18A90] =	vst v63  }
0x10a: {  	_ =	swait.ge [sflag:s21], $0x800  }
0x10b: {  	[sflag:s21] =	ssyncset.done $0x0  }
0x10c: {  	[sflag:s21] =	ssyncadd.s32 $0xFFFFF800  }
0x10d: {  	[tilespmem:s28], [sflag:$0x1] =	stream.indirect.gather [hbm4b:s5+s22], $0x80, s26, s22, $0xb8;
	[tilespmem:$0x18A90] =	vst v63  }
0x10e: {  	_ =	swait.ge [sflag:s21], $0x800  }
0x10f: {  	[sflag:s21] =	ssyncset.done $0x0  }
0x110: {  	[sflag:s21] =	ssyncadd.s32 $0xFFFFF800  }
0x111: {  	[hbm4b:s15+s4] =	stream.linear.scatter [tilespmem:s28], [sflag:$0x1], $0x800, $0x38;
	[tilespmem:$0x18A90] =	vst v63  }
0x112: {  	_ =	swait.ge [sflag:s21], $0x800  }
0x113: {  	[sflag:s21] =	ssyncset.done $0x0  }
0x114: {  	[sflag:s21] =	ssyncadd.s32 $0xFFFFF800  }
0x115: {  	v3 =	vld [tilespmem:$0x17590];
	_ =	sdelay $0x4  }
0x116: {  	[tilespmem:$0x18990] =	vst v3  }
0x117: {  	[tilespmem:s28], [sflag:$0x1] =	stream.indirect.gather [hbm4b:s5+s22], $0x80, s26, s22, $0xb8;
	[tilespmem:$0x18A90] =	vst v63  }
0x118: {  	_ =	swait.ge [sflag:s21], $0x800  }
0x119: {  	[sflag:s21] =	ssyncset.done $0x0  }
0x11a: {  	[sflag:s21] =	ssyncadd.s32 $0xFFFFF800  }
0x11b: {  	[hbm4b:s16+s4] =	stream.linear.scatter [tilespmem:s28], [sflag:$0x1], $0x800, $0x38;
	[tilespmem:$0x18A90] =	vst v63  }
0x11c: {  	_ =	swait.ge [sflag:s21], $0x800  }
0x11d: {  	[sflag:s21] =	ssyncset.done $0x0  }
0x11e: {  	[sflag:s21] =	ssyncadd.s32 $0xFFFFF800  }
0x11f: {  	v3 =	vld [tilespmem:$0x17610];
	_ =	sdelay $0x4  }
0x120: {  	[tilespmem:$0x18990] =	vst v3  }
0x121: {  	[tilespmem:s29], [sflag:$0x1] =	stream.indirect.gather [hbm4b:s6+s22], $0x1, s26, s22, $0xb8;
	[tilespmem:$0x18A90] =	vst v63  }
0x122: {  	_ =	swait.ge [sflag:s21], $0x10  }
0x123: {  	[sflag:s21] =	ssyncset.done $0x0  }
0x124: {  	[sflag:s21] =	ssyncadd.s32 $0xFFFFFFF0  }
0x125: {  	s31 =	rddreg [dreg:$0x2]  }
0x126: {  	[hbm4b:s31+s4] =	stream.linear.scatter [tilespmem:s29], [sflag:$0x1], $0x10, $0x38;
	[tilespmem:$0x18A90] =	vst v63  }
0x127: {  	_ =	swait.ge [sflag:s21], $0x10  }
0x128: {  	[sflag:s21] =	ssyncset.done $0x0  }
0x129: {  	[sflag:s21] =	ssyncadd.s32 $0xFFFFFFF0  }
0x12a: {  	v3 =	vld [tilespmem:$0x17690];
	_ =	sdelay $0x4  }
0x12b: {  	[tilespmem:$0x18990] =	vst v3  }
0x12c: {  	[tilespmem:s29], [sflag:$0x1] =	stream.indirect.gather [hbm4b:s6+s22], $0x1, s26, s22, $0xb8;
	[tilespmem:$0x18A90] =	vst v63  }
0x12d: {  	_ =	swait.ge [sflag:s21], $0x10  }
0x12e: {  	[sflag:s21] =	ssyncset.done $0x0  }
.Ltmp5:
0x12f: {  	[sflag:s21] =	ssyncadd.s32 $0xFFFFFFF0;
	(pc) =	sbr.rel .LBB2_7-.Ltmp5, $4  }
0x130: {  	[hbm4b:s17+s4] =	stream.linear.scatter [tilespmem:s29], [sflag:$0x1], $0x10, $0x38;
	[tilespmem:$0x18A90] =	vst v63  }
0x131: {  	_ =	swait.ge [sflag:s21], $0x10  }
0x132: {  	[sflag:s21] =	ssyncset.done $0x0  }
0x133: {  	[sflag:s21] =	ssyncadd.s32 $0xFFFFFFF0  }
.LBB2_8:
0x134: {  	_ =	sfence.sel $0x180000  }
0x135: {  	[bflag:$0x0] =	sbarrier.arrive $0xFFFF  }
0x136: {  	_ =	strace $0x9000004A  }
0x137: {  	[bflag:$0x2] =	sbarrier.arrive $0xFFFF  }
0x138: {  	s0 =	rddreg [dreg:$0x4]  }
0x139: {  	s0 =	sadd.s32 @!p1 $0x100000, s0  }
0x13a: {  	[sflag:s0] =	ssyncadd.tile.s32 @!p1 $0x1;
	_ =	shalt  }
.Lfunc_end2:
_tile_overlayer_lowered:
.L_overlay_start_2:
0x13b: {  	(tag) =	ssettag $0x2  }
0x13c: {  	s0 =	rddreg [dreg:$0x0];
	s2 =	stileid.u32  }
0x13d: {  	s1 =	rddreg [dreg:$0x1];
	p0 =	sne.s32 s2, $0x0  }
0x13e: {  	s3 =	rddreg [dreg:$0x2];
	[bflag:$0x3] =	sbarrier.arrive $0xFFFF;
	s2 =	simm.s32 @!p0 $0x1C01  }
0x13f: {  	[timem:s3], [sflag:s2] =	dma.local @!p0 [hbm:s0], s1  }
0x140: {  	s0 =	simm.s32 @!p0 $0x1  }
0x141: {  	_ =	swait.ge @!p0 [sflag:s0], s1  }
0x142: {  	s1 =	ssub.s32 @!p0 $0x0, s1;
	[sflag:s0] =	ssyncset.done @!p0 $0x0  }
0x143: {  	[sflag:s0] =	ssyncadd.s32 @!p0 s1  }
0x144: {  	[bflag:$0x3] =	sbarrier.arrive $0xFFFF  }
0x145: {  	_ =	shalt  }

</sc_bundles>
